<compile_context>
chip_gen: v7x
topology: tpu7x:2x2x1
jax: 0.10.2.dev20260603
libtpu: 0.0.44.dev20260713+nightly
codegen_flags: <defaults>
</compile_context>

<pallas_src>
import functools

import jax
import jax.numpy as jnp
import numpy as np
from jax import lax
from jax.experimental import pallas as pl
from jax.experimental.pallas import tpu as pltpu
from jax.experimental.pallas import tpu_sc as plsc

P_DROP = 0.1
BN_EPS = 1e-5
NUM_GRAPHS = 200
G_PAD = 256
KC = 32



def _drop_body(x_ref, dmt_ref, out_ref):
    xb = x_ref[...]
    dmt = dmt_ref[...]
    for r in range(dmt.shape[1]):
        keep = dmt[:, r][:, None] >= P_DROP
        out_ref[r, :, :] = jnp.where(keep, xb, 0.0)


def _build_xr(x, drop_mask):
    N, F = x.shape
    R = drop_mask.shape[0]
    NB = 1000
    grid = N // NB
    return pl.pallas_call(
        _drop_body,
        grid=(grid,),
        in_specs=[
            pl.BlockSpec((NB, F), lambda i: (i, 0)),
            pl.BlockSpec((NB, R), lambda i: (i, 0)),
        ],
        out_specs=pl.BlockSpec((R, NB, F), lambda i: (0, i, 0)),
        out_shape=jax.ShapeDtypeStruct((R, N, F), jnp.float32),
    )(x, drop_mask.T)



def _mlp_body(z_ref, w1_ref, b1_ref, w2_ref, b2_ref, o_ref):
    z = z_ref[...]
    y = jnp.dot(z, w1_ref[...], preferred_element_type=jnp.float32) + b1_ref[...]
    y = jnp.maximum(y, 0.0)
    o = jnp.dot(y, w2_ref[...], preferred_element_type=jnp.float32) + b2_ref[...]
    o_ref[...] = jnp.maximum(o, 0.0)


def _mlp(z, w1, b1, w2, b2):
    RN, F = z.shape
    BLK = 2000
    grid = RN // BLK
    return pl.pallas_call(
        _mlp_body,
        grid=(grid,),
        in_specs=[
            pl.BlockSpec((BLK, F), lambda i: (i, 0)),
            pl.BlockSpec((F, F), lambda i: (0, 0)),
            pl.BlockSpec((1, F), lambda i: (0, 0)),
            pl.BlockSpec((F, F), lambda i: (0, 0)),
            pl.BlockSpec((1, F), lambda i: (0, 0)),
        ],
        out_specs=pl.BlockSpec((BLK, F), lambda i: (i, 0)),
        out_shape=jax.ShapeDtypeStruct((RN, F), jnp.float32),
    )(z, w1, b1, w2, b2)



def _make_sc_agg(RN, N, F, K, NS, NC, RPC):
    mesh = plsc.VectorSubcoreMesh(core_axis_name="c", subcore_axis_name="s")
    chunk = (N // NS) // 8 * 8
    rem = N - NS * chunk
    npad = N + 8
    nch = K // KC

    @functools.partial(
        pl.kernel,
        mesh=mesh,
        out_type=jax.ShapeDtypeStruct((RN, F), jnp.float32),
        scratch_types=[
            pltpu.VMEM_SHARED((npad, F), jnp.float32),
            pltpu.VMEM((2 * KC, 128), jnp.int32),
            pltpu.VMEM((128, F), jnp.float32),
            pltpu.VMEM((128, F), jnp.float32),
            pltpu.SemaphoreType.DMA,
            pltpu.SemaphoreType.DMA,
        ],
    )
    def agg(h_hbm, idx_hbm, z_hbm, shared, idx_v, rows0, rows1,
            sem0, sem1):
        c = lax.axis_index("c")
        s = lax.axis_index("s")
        for p in range(RPC):
            r = c * RPC + p
            base = r * N + s * chunk
            pltpu.sync_copy(h_hbm.at[pl.ds(base, chunk)],
                            shared.at[pl.ds(s * chunk, chunk)])
            if rem:
                @pl.when(s == NS - 1)
                def _init_tail():
                    pltpu.sync_copy(h_hbm.at[pl.ds(r * N + NS * chunk, rem)],
                                    shared.at[pl.ds(NS * chunk, rem)])
            plsc.subcore_barrier()

            def chunk_body(q, carry):
                pltpu.sync_copy(idx_hbm.at[(r * NS + s) * (K // KC) + q], idx_v)
                pltpu.async_copy(h_hbm.at[idx_v.at[0]], rows0, sem0)
                pltpu.async_copy(h_hbm.at[idx_v.at[1]], rows1, sem1)

                def body(jj, c2):
                    j0 = 2 * jj
                    j1 = j0 + 1
                    pltpu.make_async_copy(
                        h_hbm.at[idx_v.at[j0]], rows0, sem0).wait()
                    pltpu.sync_copy(rows0, shared.at[idx_v.at[KC + j0]], add=True)

                    @pl.when(j0 + 2 < KC)
                    def _fire0():
                        pltpu.async_copy(
                            h_hbm.at[idx_v.at[j0 + 2]], rows0, sem0)

                    pltpu.make_async_copy(
                        h_hbm.at[idx_v.at[j1]], rows1, sem1).wait()
                    pltpu.sync_copy(rows1, shared.at[idx_v.at[KC + j1]], add=True)

                    @pl.when(j1 + 2 < KC)
                    def _fire1():
                        pltpu.async_copy(
                            h_hbm.at[idx_v.at[j1 + 2]], rows1, sem1)

                    return c2

                lax.fori_loop(0, KC // 2, body, 0)
                return carry

            lax.fori_loop(0, nch, chunk_body, 0)
            plsc.subcore_barrier()
            pltpu.sync_copy(shared.at[pl.ds(s * chunk, chunk)],
                            z_hbm.at[pl.ds(base, chunk)])
            if rem:
                @pl.when(s == NS - 1)
                def _out_tail():
                    pltpu.sync_copy(shared.at[pl.ds(NS * chunk, rem)],
                                    z_hbm.at[pl.ds(r * N + NS * chunk, rem)])
            plsc.subcore_barrier()

    return agg



def _readout_body(t0, t1, t2, t3, t4, wr_ref, oh_ref, bsum_ref, acc_ref):
    j = pl.program_id(0)
    u = None
    for i, t in enumerate((t0, t1, t2, t3, t4)):
        m = jnp.sum(t[...], axis=0) * 0.25
        contrib = jnp.dot(m, wr_ref[i, :, :], preferred_element_type=jnp.float32)
        u = contrib if u is None else u + contrib
    pool = lax.dot_general(oh_ref[...], u, (((0,), (0,)), ((), ())),
                           preferred_element_type=jnp.float32)

    @pl.when(j == 0)
    def _init():
        acc_ref[...] = pool

    @pl.when(j > 0)
    def _acc():
        acc_ref[...] += pool

    @pl.when(j == pl.num_programs(0) - 1)
    def _bias():
        acc_ref[...] += bsum_ref[...]


def _readout(ts, wr, oh, bsum):
    R, N, F = ts[0].shape
    NB = 1000
    grid = N // NB
    t_spec = pl.BlockSpec((R, NB, F), lambda j: (0, j, 0))
    acc = pl.pallas_call(
        _readout_body,
        grid=(grid,),
        in_specs=[t_spec] * 5 + [
            pl.BlockSpec((5, F, F), lambda j: (0, 0, 0)),
            pl.BlockSpec((NB, G_PAD), lambda j: (j, 0)),
            pl.BlockSpec((1, F), lambda j: (0, 0)),
        ],
        out_specs=pl.BlockSpec((G_PAD, F), lambda j: (0, 0)),
        out_shape=jax.ShapeDtypeStruct((G_PAD, F), jnp.float32),
    )(*ts, wr, oh, bsum)
    return acc[:NUM_GRAPHS]



def kernel(x, edge_index, batch, drop_mask, params):
    N, F = x.shape
    R = drop_mask.shape[0]
    E = edge_index.shape[1]

    info = plsc.get_sparse_core_info()
    NC, NS = info.num_cores, info.num_subcores
    RPC = R // NC

    per_sub = -(-E // NS)
    K = -(-per_sub // 128)
    K = -(-K // KC) * KC
    nch = K // KC
    e_pad = NS * K * 128
    pad = e_pad - E
    srcp = jnp.concatenate([edge_index[0],
                            jnp.zeros((pad,), jnp.int32)]).reshape(NS, nch, KC, 128)
    dstp = jnp.concatenate(
        [edge_index[1], jnp.full((pad,), N, jnp.int32)]
    ).reshape(NS, nch, KC, 128)
    offs = (jnp.arange(R, dtype=jnp.int32) * N)[:, None, None, None, None]
    src_runs = jnp.broadcast_to(srcp[None] + offs, (R, NS, nch, KC, 128))
    dst_runs = jnp.broadcast_to(dstp[None], (R, NS, nch, KC, 128))
    idx_runs = jnp.concatenate([src_runs, dst_runs], axis=3).reshape(
        R * NS * nch, 2 * KC, 128)

    inv = np.float32(1.0 / np.sqrt(1.0 + BN_EPS))
    lw = []
    for i in range(4):
        cv = params['convs'][i]
        s1 = cv['bn_g'] * inv
        s2 = params['bns_g'][i] * inv
        lw.append((cv['w1'].T * s1[None, :],
                   (cv['b1'] * s1 + cv['bn_b'])[None, :],
                   cv['w2'].T * s2[None, :],
                   (cv['b2'] * s2 + params['bns_b'][i])[None, :]))

    wr = jnp.stack([params['fcs'][i]['w'].T for i in range(5)])
    bsum = sum(params['fcs'][i]['b'] for i in range(5))[None, :]
    oh = jax.nn.one_hot(batch, G_PAD, dtype=jnp.float32)

    xr = _build_xr(x, drop_mask)
    h = xr.reshape(R * N, F)
    sc_agg = _make_sc_agg(R * N, N, F, K, NS, NC, RPC)
    outs = [xr]
    for i in range(4):
        z = sc_agg(h, idx_runs)
        h = _mlp(z, *lw[i])
        outs.append(h.reshape(R, N, F))

    return _readout(outs, wr, oh, bsum)

# --- scband reference (transcript-rebuilt; emitter-appended) ---
"""Pipeline reference for scband-drop-gin-ogb-10101763080478 (READ-ONLY COPY).

The authoritative reference and input builder live on the scoring server;
editing this copy changes nothing except your own understanding.
"""

import jax, jax.numpy as jnp
import numpy as np

NUM_RUNS = 4
P_DROP = 0.1
NUM_FEATURES = 128
DIM = 128
OUTPUT = 128
N_NODES = 10000
N_EDGES = 320000
NUM_GRAPHS = 200
BN_EPS = 1e-5


def _lin(k, out_d, in_d):
    w = jax.random.normal(k, (out_d, in_d), dtype=jnp.float32) * (1.0 / np.sqrt(in_d))
    b = jnp.zeros((out_d,), dtype=jnp.float32)
    return w, b


def setup_inputs(seed: int = 0) -> dict:
    key = jax.random.key(seed)
    ks = jax.random.split(key, 32)
    x = jax.random.normal(ks[0], (N_NODES, NUM_FEATURES), dtype=jnp.float32)
    edge_index = jax.random.randint(ks[1], (2, N_EDGES), 0, N_NODES, dtype=jnp.int32)
    # guarantee max node id = N_NODES-1 so the per-run offset (max+1) equals N_NODES
    edge_index = edge_index.at[0, 0].set(N_NODES - 1)
    batch = jnp.sort(jax.random.randint(ks[2], (N_NODES,), 0, NUM_GRAPHS, dtype=jnp.int32))
    batch = batch.at[-1].set(NUM_GRAPHS - 1)
    # deterministic stand-in for torch.bernoulli node-drop mask (drop where < P_DROP)
    drop_mask = jax.random.uniform(ks[3], (NUM_RUNS, N_NODES), dtype=jnp.float32)

    params = {}
    convs = []
    ki = 4
    for i in range(4):
        in_d = NUM_FEATURES if i == 0 else DIM
        w1, b1 = _lin(ks[ki], DIM, in_d); ki += 1
        w2, b2 = _lin(ks[ki], DIM, DIM); ki += 1
        convs.append({'w1': w1, 'b1': b1,
                      'bn_g': jnp.ones((DIM,), jnp.float32), 'bn_b': jnp.zeros((DIM,), jnp.float32),
                      'w2': w2, 'b2': b2})
    params['convs'] = convs
    params['bns_g'] = [jnp.ones((DIM,), jnp.float32) for _ in range(4)]
    params['bns_b'] = [jnp.zeros((DIM,), jnp.float32) for _ in range(4)]
    fcs = []
    for i in range(5):
        in_d = NUM_FEATURES if i == 0 else DIM
        w, b = _lin(ks[ki], OUTPUT, in_d); ki += 1
        fcs.append({'w': w, 'b': b})
    params['fcs'] = fcs
    return {'x': x, 'edge_index': edge_index, 'batch': batch,
            'drop_mask': drop_mask, 'params': params}


def _bn_eval(h, g, b):
    # eval-mode BatchNorm1d with running_mean=0, running_var=1
    return h / jnp.sqrt(1.0 + BN_EPS) * g + b


def _gin_mlp(h, p):
    h = h @ p['w1'].T + p['b1']
    h = _bn_eval(h, p['bn_g'], p['bn_b'])
    h = jax.nn.relu(h)
    h = h @ p['w2'].T + p['b2']
    return h


def reference(x, edge_index, batch, drop_mask, params):
    N = x.shape[0]
    F = x.shape[1]
    drop = drop_mask < P_DROP
    xr = jnp.where(drop[:, :, None], 0.0, jnp.broadcast_to(x[None], (NUM_RUNS, N, F)))
    outs = [xr]
    h = xr.reshape(-1, F)
    offset = jnp.max(edge_index) + 1
    offs = jnp.arange(NUM_RUNS, dtype=edge_index.dtype) * offset
    run_src = (edge_index[0][None, :] + offs[:, None]).reshape(-1)
    run_dst = (edge_index[1][None, :] + offs[:, None]).reshape(-1)
    total = NUM_RUNS * N
    for i in range(4):
        agg = jax.ops.segment_sum(h[run_src], run_dst, num_segments=total)
        h = _gin_mlp(h + agg, params['convs'][i])  # GINConv with eps=0: mlp((1+0)*x + sum_neighbors)
        h = _bn_eval(h, params['bns_g'][i], params['bns_b'][i])
        h = jax.nn.relu(h)
        outs.append(h.reshape(NUM_RUNS, N, -1))
    out = None
    for i, xo in enumerate(outs):
        xm = jnp.mean(xo, axis=0)
        xp = jax.ops.segment_sum(xm, batch, num_segments=NUM_GRAPHS)  # global_add_pool
        xf = xp @ params['fcs'][i]['w'].T + params['fcs'][i]['b']
        # F.dropout in eval mode is identity
        out = xf if out is None else out + xf
    return out

if __name__ == "__main__":
    import jax
    _d = setup_inputs()
    print(jax.jit(kernel)(*tuple(_d.values())))

</pallas_src>

<mosaic_0001>
#map = affine_map<(d0, d1) -> (0, 0)>
#map1 = affine_map<(d0, d1) -> (0, 0, 0)>
module attributes {stable_mosaic.version = 14 : i64} {
  func.func @agg(%arg0: i32, %arg1: i32, %arg2: memref<40000x128xf32, #tpu.memory_space<hbm>>, %arg3: memref<320x64x128xi32, #tpu.memory_space<hbm>>, %arg4: memref<40000x128xf32, #tpu.memory_space<hbm>>, %arg5: memref<10008x128xf32, #tpu.memory_space<vmem_shared>>, %arg6: memref<64x128xi32, #tpu.memory_space<vmem>>, %arg7: memref<128x128xf32, #tpu.memory_space<vmem>>, %arg8: memref<128x128xf32, #tpu.memory_space<vmem>>, %arg9: memref<!tpu.dma_semaphore, #tpu.memory_space<semaphore_mem>>, %arg10: memref<!tpu.dma_semaphore, #tpu.memory_space<semaphore_mem>>) attributes {dimension_semantics = [#tpu.dimension_semantics<core_parallel>, #tpu.dimension_semantics<subcore_parallel>], iteration_bounds = array<i64: 2, 16>, scalar_prefetch = 0 : i64, scratch_operands = 6 : i64, tpu.core_type = #tpu.core_type<sc_vector_subcore>, window_params = [{transform_indices = #map}, {transform_indices = #map1}, {transform_indices = #map}]} {
    %mul3A = arith.constant 2 : i32
    %mul3A_0 = arith.muli %arg0, %mul3A : i32
    %add3A = arith.constant 0 : i32
    %add3A_1 = arith.addi %mul3A_0, %add3A : i32
    %mul3A_2 = arith.constant 10000 : i32
    %mul3A_3 = arith.muli %add3A_1, %mul3A_2 : i32
    %mul3A_4 = arith.constant 624 : i32
    %mul3A_5 = arith.muli %arg1, %mul3A_4 : i32
    %add3A_6 = arith.addi %mul3A_3, %mul3A_5 : i32
    %mul3A_7 = arith.constant 624 : i32
    %mul3A_8 = arith.muli %arg1, %mul3A_7 : i32
    "tpu.region"() ({
      %run_scoped3A = tpu.sem_alloc : memref<!tpu.dma_semaphore, #tpu.memory_space<semaphore_mem>>
      %dma_start3A = arith.constant 0 : i32
      %dma_start3A_57 = tpu.memref_slice %arg5[%mul3A_8, %dma_start3A] : memref<10008x128xf32, #tpu.memory_space<vmem_shared>> -> memref<624x128xf32, #tpu.memory_space<vmem_shared>>
      %dma_start3A_58 = arith.constant 0 : i32
      %dma_start3A_59 = tpu.memref_slice %arg2[%add3A_6, %dma_start3A_58] : memref<40000x128xf32, #tpu.memory_space<hbm>> -> memref<624x128xf32, #tpu.memory_space<hbm>>
      tpu.enqueue_dma source(%dma_start3A_59 : memref<624x128xf32, #tpu.memory_space<hbm>>) target(%dma_start3A_57 : memref<624x128xf32, #tpu.memory_space<vmem_shared>>) target_semaphore(%run_scoped3A : memref<!tpu.dma_semaphore, #tpu.memory_space<semaphore_mem>>)
      %dma_wait3A = arith.constant 0 : i32
      %dma_wait3A_60 = tpu.memref_slice %arg5[%mul3A_8, %dma_wait3A] : memref<10008x128xf32, #tpu.memory_space<vmem_shared>> -> memref<624x128xf32, #tpu.memory_space<vmem_shared>>
      %dma_wait3A_61 = arith.constant 0 : i32
      %dma_wait3A_62 = tpu.memref_slice %arg2[%add3A_6, %dma_wait3A_61] : memref<40000x128xf32, #tpu.memory_space<hbm>> -> memref<624x128xf32, #tpu.memory_space<hbm>>
      tpu.wait_dma2 semaphore(%run_scoped3A : memref<!tpu.dma_semaphore, #tpu.memory_space<semaphore_mem>>) src(%dma_wait3A_62 : memref<624x128xf32, #tpu.memory_space<hbm>>) dst(%dma_wait3A_60 : memref<624x128xf32, #tpu.memory_space<vmem_shared>>)
      tpu.yield
    }) : () -> ()
    %eq3A = arith.constant 15 : i32
    %eq3A_9 = arith.cmpi eq, %arg1, %eq3A : i32
    %convert_element_type3A = arith.extui %eq3A_9 : i1 to i32
    %cond3A = arith.constant 0 : i32
    %cond3A_10 = arith.cmpi ne, %convert_element_type3A, %cond3A : i32
    scf.if %cond3A_10 {
      %mul3A_57 = arith.constant 10000 : i32
      %mul3A_58 = arith.muli %add3A_1, %mul3A_57 : i32
      %add3A_59 = arith.constant 9984 : i32
      %add3A_60 = arith.addi %mul3A_58, %add3A_59 : i32
      "tpu.region"() ({
        %run_scoped3A = tpu.sem_alloc : memref<!tpu.dma_semaphore, #tpu.memory_space<semaphore_mem>>
        %dma_start3A = arith.constant 9984 : i32
        %dma_start3A_61 = arith.constant 0 : i32
        %dma_start3A_62 = tpu.memref_slice %arg5[%dma_start3A, %dma_start3A_61] : memref<10008x128xf32, #tpu.memory_space<vmem_shared>> -> memref<16x128xf32, #tpu.memory_space<vmem_shared>>
        %dma_start3A_63 = arith.constant 0 : i32
        %dma_start3A_64 = tpu.memref_slice %arg2[%add3A_60, %dma_start3A_63] : memref<40000x128xf32, #tpu.memory_space<hbm>> -> memref<16x128xf32, #tpu.memory_space<hbm>>
        tpu.enqueue_dma source(%dma_start3A_64 : memref<16x128xf32, #tpu.memory_space<hbm>>) target(%dma_start3A_62 : memref<16x128xf32, #tpu.memory_space<vmem_shared>>) target_semaphore(%run_scoped3A : memref<!tpu.dma_semaphore, #tpu.memory_space<semaphore_mem>>)
        %dma_wait3A = arith.constant 9984 : i32
        %dma_wait3A_65 = arith.constant 0 : i32
        %dma_wait3A_66 = tpu.memref_slice %arg5[%dma_wait3A, %dma_wait3A_65] : memref<10008x128xf32, #tpu.memory_space<vmem_shared>> -> memref<16x128xf32, #tpu.memory_space<vmem_shared>>
        %dma_wait3A_67 = arith.constant 0 : i32
        %dma_wait3A_68 = tpu.memref_slice %arg2[%add3A_60, %dma_wait3A_67] : memref<40000x128xf32, #tpu.memory_space<hbm>> -> memref<16x128xf32, #tpu.memory_space<hbm>>
        tpu.wait_dma2 semaphore(%run_scoped3A : memref<!tpu.dma_semaphore, #tpu.memory_space<semaphore_mem>>) src(%dma_wait3A_68 : memref<16x128xf32, #tpu.memory_space<hbm>>) dst(%dma_wait3A_66 : memref<16x128xf32, #tpu.memory_space<vmem_shared>>)
        tpu.yield
      }) : () -> ()
    } else {
    }
    %barrier3A = arith.constant 0 : index
    tpu.barrier barrier_id(%barrier3A)
    %scan3A = arith.constant 0 : i32
    %scan3A_11 = arith.constant 0 : i32
    %scan3A_12 = arith.constant 5 : i32
    %scan3A_13 = arith.addi %scan3A_11, %scan3A_12 : i32
    %scan3A_14 = arith.constant 1 : i32
    scf.for %scan3A_57 = %scan3A_11 to %scan3A_13 step %scan3A_14  : i32 {
      %mul3A_58 = arith.constant 16 : i32
      %mul3A_59 = arith.muli %add3A_1, %mul3A_58 : i32
      %add3A_60 = arith.addi %mul3A_59, %arg1 : i32
      %mul3A_61 = arith.constant 5 : i32
      %mul3A_62 = arith.muli %add3A_60, %mul3A_61 : i32
      %add3A_63 = arith.addi %mul3A_62, %scan3A_57 : i32
      "tpu.region"() ({
        %run_scoped3A = tpu.sem_alloc : memref<!tpu.dma_semaphore, #tpu.memory_space<semaphore_mem>>
        %dma_start3A_83 = arith.constant 0 : i32
        %dma_start3A_84 = arith.constant 0 : i32
        %dma_start3A_85 = tpu.memref_slice %arg3[%add3A_63, %dma_start3A_83, %dma_start3A_84] : memref<320x64x128xi32, #tpu.memory_space<hbm>> -> memref<1x64x128xi32, #tpu.memory_space<hbm>>
        %dma_start3A_86 = tpu.memref_squeeze %dma_start3A_85 : memref<1x64x128xi32, #tpu.memory_space<hbm>> -> memref<64x128xi32, #tpu.memory_space<hbm>>
        %dma_start3A_87 = arith.constant 0 : i32
        %dma_start3A_88 = arith.constant 0 : i32
        %dma_start3A_89 = tpu.memref_slice %arg3[%add3A_63, %dma_start3A_87, %dma_start3A_88] : memref<320x64x128xi32, #tpu.memory_space<hbm>> -> memref<1x64x128xi32, #tpu.memory_space<hbm>>
        %dma_start3A_90 = tpu.memref_squeeze %dma_start3A_89 : memref<1x64x128xi32, #tpu.memory_space<hbm>> -> memref<64x128xi32, #tpu.memory_space<hbm>>
        tpu.enqueue_dma source(%dma_start3A_90 : memref<64x128xi32, #tpu.memory_space<hbm>>) target(%arg6 : memref<64x128xi32, #tpu.memory_space<vmem>>) target_semaphore(%run_scoped3A : memref<!tpu.dma_semaphore, #tpu.memory_space<semaphore_mem>>)
        %dma_wait3A = arith.constant 0 : i32
        %dma_wait3A_91 = arith.constant 0 : i32
        %dma_wait3A_92 = tpu.memref_slice %arg3[%add3A_63, %dma_wait3A, %dma_wait3A_91] : memref<320x64x128xi32, #tpu.memory_space<hbm>> -> memref<1x64x128xi32, #tpu.memory_space<hbm>>
        %dma_wait3A_93 = tpu.memref_squeeze %dma_wait3A_92 : memref<1x64x128xi32, #tpu.memory_space<hbm>> -> memref<64x128xi32, #tpu.memory_space<hbm>>
        %dma_wait3A_94 = arith.constant 0 : i32
        %dma_wait3A_95 = arith.constant 0 : i32
        %dma_wait3A_96 = tpu.memref_slice %arg3[%add3A_63, %dma_wait3A_94, %dma_wait3A_95] : memref<320x64x128xi32, #tpu.memory_space<hbm>> -> memref<1x64x128xi32, #tpu.memory_space<hbm>>
        %dma_wait3A_97 = tpu.memref_squeeze %dma_wait3A_96 : memref<1x64x128xi32, #tpu.memory_space<hbm>> -> memref<64x128xi32, #tpu.memory_space<hbm>>
        tpu.wait_dma2 semaphore(%run_scoped3A : memref<!tpu.dma_semaphore, #tpu.memory_space<semaphore_mem>>) src(%dma_wait3A_97 : memref<64x128xi32, #tpu.memory_space<hbm>>) dst(%arg6 : memref<64x128xi32, #tpu.memory_space<vmem>>)
        tpu.yield
      }) : () -> ()
      %dma_start3A = arith.constant 0 : i32
      %dma_start3A_64 = arith.constant 0 : i32
      %dma_start3A_65 = tpu.memref_slice %arg6[%dma_start3A, %dma_start3A_64] : memref<64x128xi32, #tpu.memory_space<vmem>> -> memref<1x128xi32, #tpu.memory_space<vmem>>
      %dma_start3A_66 = tpu.memref_squeeze %dma_start3A_65 : memref<1x128xi32, #tpu.memory_space<vmem>> -> memref<128xi32, #tpu.memory_space<vmem>>
      %dma_start3A_67 = arith.constant 0 : i32
      %dma_start3A_68 = arith.constant 0 : i32
      %dma_start3A_69 = tpu.memref_slice %arg2[%dma_start3A_67, %dma_start3A_68] : memref<40000x128xf32, #tpu.memory_space<hbm>> -> memref<40000x128xf32, #tpu.memory_space<hbm>>
      tpu.enqueue_indirect_dma source(%dma_start3A_69 : memref<40000x128xf32, #tpu.memory_space<hbm>>) target(%arg7 : memref<128x128xf32, #tpu.memory_space<vmem>>) offsets(%dma_start3A_66 : memref<128xi32, #tpu.memory_space<vmem>>) semaphore(%arg9 : memref<!tpu.dma_semaphore, #tpu.memory_space<semaphore_mem>>)
      %dma_start3A_70 = arith.constant 1 : i32
      %dma_start3A_71 = arith.constant 0 : i32
      %dma_start3A_72 = tpu.memref_slice %arg6[%dma_start3A_70, %dma_start3A_71] : memref<64x128xi32, #tpu.memory_space<vmem>> -> memref<1x128xi32, #tpu.memory_space<vmem>>
      %dma_start3A_73 = tpu.memref_squeeze %dma_start3A_72 : memref<1x128xi32, #tpu.memory_space<vmem>> -> memref<128xi32, #tpu.memory_space<vmem>>
      %dma_start3A_74 = arith.constant 0 : i32
      %dma_start3A_75 = arith.constant 0 : i32
      %dma_start3A_76 = tpu.memref_slice %arg2[%dma_start3A_74, %dma_start3A_75] : memref<40000x128xf32, #tpu.memory_space<hbm>> -> memref<40000x128xf32, #tpu.memory_space<hbm>>
      tpu.enqueue_indirect_dma source(%dma_start3A_76 : memref<40000x128xf32, #tpu.memory_space<hbm>>) target(%arg8 : memref<128x128xf32, #tpu.memory_space<vmem>>) offsets(%dma_start3A_73 : memref<128xi32, #tpu.memory_space<vmem>>) semaphore(%arg10 : memref<!tpu.dma_semaphore, #tpu.memory_space<semaphore_mem>>)
      %scan3A_77 = arith.constant 0 : i32
      %scan3A_78 = arith.constant 0 : i32
      %scan3A_79 = arith.constant 16 : i32
      %scan3A_80 = arith.addi %scan3A_78, %scan3A_79 : i32
      %scan3A_81 = arith.constant 1 : i32
      scf.for %scan3A_83 = %scan3A_78 to %scan3A_80 step %scan3A_81  : i32 {
        %mul3A_84 = arith.constant 2 : i32
        %mul3A_85 = arith.muli %mul3A_84, %scan3A_83 : i32
        %add3A_86 = arith.constant 1 : i32
        %add3A_87 = arith.addi %mul3A_85, %add3A_86 : i32
        %dma_wait3A = arith.constant 0 : i32
        %dma_wait3A_88 = tpu.memref_slice %arg6[%mul3A_85, %dma_wait3A] : memref<64x128xi32, #tpu.memory_space<vmem>> -> memref<1x128xi32, #tpu.memory_space<vmem>>
        %dma_wait3A_89 = tpu.memref_squeeze %dma_wait3A_88 : memref<1x128xi32, #tpu.memory_space<vmem>> -> memref<128xi32, #tpu.memory_space<vmem>>
        %dma_wait3A_90 = arith.constant 0 : i32
        %dma_wait3A_91 = arith.constant 0 : i32
        %dma_wait3A_92 = tpu.memref_slice %arg2[%dma_wait3A_90, %dma_wait3A_91] : memref<40000x128xf32, #tpu.memory_space<hbm>> -> memref<40000x128xf32, #tpu.memory_space<hbm>>
        tpu.wait_indirect_dma semaphore(%arg9 : memref<!tpu.dma_semaphore, #tpu.memory_space<semaphore_mem>>) src(%dma_wait3A_92 : memref<40000x128xf32, #tpu.memory_space<hbm>>) dst(%arg7 : memref<128x128xf32, #tpu.memory_space<vmem>>)
        %add3A_93 = arith.constant 32 : i32
        %add3A_94 = arith.addi %add3A_93, %mul3A_85 : i32
        "tpu.region"() ({
          %run_scoped3A = tpu.sem_alloc : memref<!tpu.dma_semaphore, #tpu.memory_space<semaphore_mem>>
          %dma_start3A_116 = arith.constant 0 : i32
          %dma_start3A_117 = tpu.memref_slice %arg6[%add3A_94, %dma_start3A_116] : memref<64x128xi32, #tpu.memory_space<vmem>> -> memref<1x128xi32, #tpu.memory_space<vmem>>
          %dma_start3A_118 = tpu.memref_squeeze %dma_start3A_117 : memref<1x128xi32, #tpu.memory_space<vmem>> -> memref<128xi32, #tpu.memory_space<vmem>>
          %dma_start3A_119 = arith.constant 0 : i32
          %dma_start3A_120 = arith.constant 0 : i32
          %dma_start3A_121 = tpu.memref_slice %arg5[%dma_start3A_119, %dma_start3A_120] : memref<10008x128xf32, #tpu.memory_space<vmem_shared>> -> memref<10008x128xf32, #tpu.memory_space<vmem_shared>>
          tpu.enqueue_indirect_dma source(%arg7 : memref<128x128xf32, #tpu.memory_space<vmem>>) target(%dma_start3A_121 : memref<10008x128xf32, #tpu.memory_space<vmem_shared>>) offsets(%dma_start3A_118 : memref<128xi32, #tpu.memory_space<vmem>>) semaphore(%run_scoped3A : memref<!tpu.dma_semaphore, #tpu.memory_space<semaphore_mem>>) {add = true}
          %dma_wait3A_122 = arith.constant 0 : i32
          %dma_wait3A_123 = tpu.memref_slice %arg6[%add3A_94, %dma_wait3A_122] : memref<64x128xi32, #tpu.memory_space<vmem>> -> memref<1x128xi32, #tpu.memory_space<vmem>>
          %dma_wait3A_124 = tpu.memref_squeeze %dma_wait3A_123 : memref<1x128xi32, #tpu.memory_space<vmem>> -> memref<128xi32, #tpu.memory_space<vmem>>
          %dma_wait3A_125 = arith.constant 0 : i32
          %dma_wait3A_126 = arith.constant 0 : i32
          %dma_wait3A_127 = tpu.memref_slice %arg5[%dma_wait3A_125, %dma_wait3A_126] : memref<10008x128xf32, #tpu.memory_space<vmem_shared>> -> memref<10008x128xf32, #tpu.memory_space<vmem_shared>>
          tpu.wait_indirect_dma semaphore(%run_scoped3A : memref<!tpu.dma_semaphore, #tpu.memory_space<semaphore_mem>>) src(%arg7 : memref<128x128xf32, #tpu.memory_space<vmem>>) dst(%dma_wait3A_127 : memref<10008x128xf32, #tpu.memory_space<vmem_shared>>)
          tpu.yield
        }) : () -> ()
        %add3A_95 = arith.constant 2 : i32
        %add3A_96 = arith.addi %mul3A_85, %add3A_95 : i32
        %lt3A = arith.constant 32 : i32
        %lt3A_97 = arith.cmpi slt, %add3A_96, %lt3A : i32
        %convert_element_type3A_98 = arith.extui %lt3A_97 : i1 to i32
        %cond3A_99 = arith.constant 0 : i32
        %cond3A_100 = arith.cmpi ne, %convert_element_type3A_98, %cond3A_99 : i32
        scf.if %cond3A_100 {
          %add3A_116 = arith.constant 2 : i32
          %add3A_117 = arith.addi %mul3A_85, %add3A_116 : i32
          %dma_start3A_118 = arith.constant 0 : i32
          %dma_start3A_119 = tpu.memref_slice %arg6[%add3A_117, %dma_start3A_118] : memref<64x128xi32, #tpu.memory_space<vmem>> -> memref<1x128xi32, #tpu.memory_space<vmem>>
          %dma_start3A_120 = tpu.memref_squeeze %dma_start3A_119 : memref<1x128xi32, #tpu.memory_space<vmem>> -> memref<128xi32, #tpu.memory_space<vmem>>
          %dma_start3A_121 = arith.constant 0 : i32
          %dma_start3A_122 = arith.constant 0 : i32
          %dma_start3A_123 = tpu.memref_slice %arg2[%dma_start3A_121, %dma_start3A_122] : memref<40000x128xf32, #tpu.memory_space<hbm>> -> memref<40000x128xf32, #tpu.memory_space<hbm>>
          tpu.enqueue_indirect_dma source(%dma_start3A_123 : memref<40000x128xf32, #tpu.memory_space<hbm>>) target(%arg7 : memref<128x128xf32, #tpu.memory_space<vmem>>) offsets(%dma_start3A_120 : memref<128xi32, #tpu.memory_space<vmem>>) semaphore(%arg9 : memref<!tpu.dma_semaphore, #tpu.memory_space<semaphore_mem>>)
        } else {
        }
        %dma_wait3A_101 = arith.constant 0 : i32
        %dma_wait3A_102 = tpu.memref_slice %arg6[%add3A_87, %dma_wait3A_101] : memref<64x128xi32, #tpu.memory_space<vmem>> -> memref<1x128xi32, #tpu.memory_space<vmem>>
        %dma_wait3A_103 = tpu.memref_squeeze %dma_wait3A_102 : memref<1x128xi32, #tpu.memory_space<vmem>> -> memref<128xi32, #tpu.memory_space<vmem>>
        %dma_wait3A_104 = arith.constant 0 : i32
        %dma_wait3A_105 = arith.constant 0 : i32
        %dma_wait3A_106 = tpu.memref_slice %arg2[%dma_wait3A_104, %dma_wait3A_105] : memref<40000x128xf32, #tpu.memory_space<hbm>> -> memref<40000x128xf32, #tpu.memory_space<hbm>>
        tpu.wait_indirect_dma semaphore(%arg10 : memref<!tpu.dma_semaphore, #tpu.memory_space<semaphore_mem>>) src(%dma_wait3A_106 : memref<40000x128xf32, #tpu.memory_space<hbm>>) dst(%arg8 : memref<128x128xf32, #tpu.memory_space<vmem>>)
        %add3A_107 = arith.constant 32 : i32
        %add3A_108 = arith.addi %add3A_107, %add3A_87 : i32
        "tpu.region"() ({
          %run_scoped3A = tpu.sem_alloc : memref<!tpu.dma_semaphore, #tpu.memory_space<semaphore_mem>>
          %dma_start3A_116 = arith.constant 0 : i32
          %dma_start3A_117 = tpu.memref_slice %arg6[%add3A_108, %dma_start3A_116] : memref<64x128xi32, #tpu.memory_space<vmem>> -> memref<1x128xi32, #tpu.memory_space<vmem>>
          %dma_start3A_118 = tpu.memref_squeeze %dma_start3A_117 : memref<1x128xi32, #tpu.memory_space<vmem>> -> memref<128xi32, #tpu.memory_space<vmem>>
          %dma_start3A_119 = arith.constant 0 : i32
          %dma_start3A_120 = arith.constant 0 : i32
          %dma_start3A_121 = tpu.memref_slice %arg5[%dma_start3A_119, %dma_start3A_120] : memref<10008x128xf32, #tpu.memory_space<vmem_shared>> -> memref<10008x128xf32, #tpu.memory_space<vmem_shared>>
          tpu.enqueue_indirect_dma source(%arg8 : memref<128x128xf32, #tpu.memory_space<vmem>>) target(%dma_start3A_121 : memref<10008x128xf32, #tpu.memory_space<vmem_shared>>) offsets(%dma_start3A_118 : memref<128xi32, #tpu.memory_space<vmem>>) semaphore(%run_scoped3A : memref<!tpu.dma_semaphore, #tpu.memory_space<semaphore_mem>>) {add = true}
          %dma_wait3A_122 = arith.constant 0 : i32
          %dma_wait3A_123 = tpu.memref_slice %arg6[%add3A_108, %dma_wait3A_122] : memref<64x128xi32, #tpu.memory_space<vmem>> -> memref<1x128xi32, #tpu.memory_space<vmem>>
          %dma_wait3A_124 = tpu.memref_squeeze %dma_wait3A_123 : memref<1x128xi32, #tpu.memory_space<vmem>> -> memref<128xi32, #tpu.memory_space<vmem>>
          %dma_wait3A_125 = arith.constant 0 : i32
          %dma_wait3A_126 = arith.constant 0 : i32
          %dma_wait3A_127 = tpu.memref_slice %arg5[%dma_wait3A_125, %dma_wait3A_126] : memref<10008x128xf32, #tpu.memory_space<vmem_shared>> -> memref<10008x128xf32, #tpu.memory_space<vmem_shared>>
          tpu.wait_indirect_dma semaphore(%run_scoped3A : memref<!tpu.dma_semaphore, #tpu.memory_space<semaphore_mem>>) src(%arg8 : memref<128x128xf32, #tpu.memory_space<vmem>>) dst(%dma_wait3A_127 : memref<10008x128xf32, #tpu.memory_space<vmem_shared>>)
          tpu.yield
        }) : () -> ()
        %add3A_109 = arith.constant 2 : i32
        %add3A_110 = arith.addi %add3A_87, %add3A_109 : i32
        %lt3A_111 = arith.constant 32 : i32
        %lt3A_112 = arith.cmpi slt, %add3A_110, %lt3A_111 : i32
        %convert_element_type3A_113 = arith.extui %lt3A_112 : i1 to i32
        %cond3A_114 = arith.constant 0 : i32
        %cond3A_115 = arith.cmpi ne, %convert_element_type3A_113, %cond3A_114 : i32
        scf.if %cond3A_115 {
          %add3A_116 = arith.constant 2 : i32
          %add3A_117 = arith.addi %add3A_87, %add3A_116 : i32
          %dma_start3A_118 = arith.constant 0 : i32
          %dma_start3A_119 = tpu.memref_slice %arg6[%add3A_117, %dma_start3A_118] : memref<64x128xi32, #tpu.memory_space<vmem>> -> memref<1x128xi32, #tpu.memory_space<vmem>>
          %dma_start3A_120 = tpu.memref_squeeze %dma_start3A_119 : memref<1x128xi32, #tpu.memory_space<vmem>> -> memref<128xi32, #tpu.memory_space<vmem>>
          %dma_start3A_121 = arith.constant 0 : i32
          %dma_start3A_122 = arith.constant 0 : i32
          %dma_start3A_123 = tpu.memref_slice %arg2[%dma_start3A_121, %dma_start3A_122] : memref<40000x128xf32, #tpu.memory_space<hbm>> -> memref<40000x128xf32, #tpu.memory_space<hbm>>
          tpu.enqueue_indirect_dma source(%dma_start3A_123 : memref<40000x128xf32, #tpu.memory_space<hbm>>) target(%arg8 : memref<128x128xf32, #tpu.memory_space<vmem>>) offsets(%dma_start3A_120 : memref<128xi32, #tpu.memory_space<vmem>>) semaphore(%arg10 : memref<!tpu.dma_semaphore, #tpu.memory_space<semaphore_mem>>)
        } else {
        }
      }
      %scan3A_82 = arith.constant 16 : i32
    }
    %scan3A_15 = arith.constant 5 : i32
    %barrier3A_16 = arith.constant 0 : index
    tpu.barrier barrier_id(%barrier3A_16)
    %mul3A_17 = arith.constant 624 : i32
    %mul3A_18 = arith.muli %arg1, %mul3A_17 : i32
    "tpu.region"() ({
      %run_scoped3A = tpu.sem_alloc : memref<!tpu.dma_semaphore, #tpu.memory_space<semaphore_mem>>
      %dma_start3A = arith.constant 0 : i32
      %dma_start3A_57 = tpu.memref_slice %arg4[%add3A_6, %dma_start3A] : memref<40000x128xf32, #tpu.memory_space<hbm>> -> memref<624x128xf32, #tpu.memory_space<hbm>>
      %dma_start3A_58 = arith.constant 0 : i32
      %dma_start3A_59 = tpu.memref_slice %arg5[%mul3A_18, %dma_start3A_58] : memref<10008x128xf32, #tpu.memory_space<vmem_shared>> -> memref<624x128xf32, #tpu.memory_space<vmem_shared>>
      tpu.enqueue_dma source(%dma_start3A_59 : memref<624x128xf32, #tpu.memory_space<vmem_shared>>) target(%dma_start3A_57 : memref<624x128xf32, #tpu.memory_space<hbm>>) target_semaphore(%run_scoped3A : memref<!tpu.dma_semaphore, #tpu.memory_space<semaphore_mem>>)
      %dma_wait3A = arith.constant 0 : i32
      %dma_wait3A_60 = tpu.memref_slice %arg4[%add3A_6, %dma_wait3A] : memref<40000x128xf32, #tpu.memory_space<hbm>> -> memref<624x128xf32, #tpu.memory_space<hbm>>
      %dma_wait3A_61 = arith.constant 0 : i32
      %dma_wait3A_62 = tpu.memref_slice %arg5[%mul3A_18, %dma_wait3A_61] : memref<10008x128xf32, #tpu.memory_space<vmem_shared>> -> memref<624x128xf32, #tpu.memory_space<vmem_shared>>
      tpu.wait_dma2 semaphore(%run_scoped3A : memref<!tpu.dma_semaphore, #tpu.memory_space<semaphore_mem>>) src(%dma_wait3A_62 : memref<624x128xf32, #tpu.memory_space<vmem_shared>>) dst(%dma_wait3A_60 : memref<624x128xf32, #tpu.memory_space<hbm>>)
      tpu.yield
    }) : () -> ()
    %eq3A_19 = arith.constant 15 : i32
    %eq3A_20 = arith.cmpi eq, %arg1, %eq3A_19 : i32
    %convert_element_type3A_21 = arith.extui %eq3A_20 : i1 to i32
    %cond3A_22 = arith.constant 0 : i32
    %cond3A_23 = arith.cmpi ne, %convert_element_type3A_21, %cond3A_22 : i32
    scf.if %cond3A_23 {
      %mul3A_57 = arith.constant 10000 : i32
      %mul3A_58 = arith.muli %add3A_1, %mul3A_57 : i32
      %add3A_59 = arith.constant 9984 : i32
      %add3A_60 = arith.addi %mul3A_58, %add3A_59 : i32
      "tpu.region"() ({
        %run_scoped3A = tpu.sem_alloc : memref<!tpu.dma_semaphore, #tpu.memory_space<semaphore_mem>>
        %dma_start3A = arith.constant 0 : i32
        %dma_start3A_61 = tpu.memref_slice %arg4[%add3A_60, %dma_start3A] : memref<40000x128xf32, #tpu.memory_space<hbm>> -> memref<16x128xf32, #tpu.memory_space<hbm>>
        %dma_start3A_62 = arith.constant 9984 : i32
        %dma_start3A_63 = arith.constant 0 : i32
        %dma_start3A_64 = tpu.memref_slice %arg5[%dma_start3A_62, %dma_start3A_63] : memref<10008x128xf32, #tpu.memory_space<vmem_shared>> -> memref<16x128xf32, #tpu.memory_space<vmem_shared>>
        tpu.enqueue_dma source(%dma_start3A_64 : memref<16x128xf32, #tpu.memory_space<vmem_shared>>) target(%dma_start3A_61 : memref<16x128xf32, #tpu.memory_space<hbm>>) target_semaphore(%run_scoped3A : memref<!tpu.dma_semaphore, #tpu.memory_space<semaphore_mem>>)
        %dma_wait3A = arith.constant 0 : i32
        %dma_wait3A_65 = tpu.memref_slice %arg4[%add3A_60, %dma_wait3A] : memref<40000x128xf32, #tpu.memory_space<hbm>> -> memref<16x128xf32, #tpu.memory_space<hbm>>
        %dma_wait3A_66 = arith.constant 9984 : i32
        %dma_wait3A_67 = arith.constant 0 : i32
        %dma_wait3A_68 = tpu.memref_slice %arg5[%dma_wait3A_66, %dma_wait3A_67] : memref<10008x128xf32, #tpu.memory_space<vmem_shared>> -> memref<16x128xf32, #tpu.memory_space<vmem_shared>>
        tpu.wait_dma2 semaphore(%run_scoped3A : memref<!tpu.dma_semaphore, #tpu.memory_space<semaphore_mem>>) src(%dma_wait3A_68 : memref<16x128xf32, #tpu.memory_space<vmem_shared>>) dst(%dma_wait3A_65 : memref<16x128xf32, #tpu.memory_space<hbm>>)
        tpu.yield
      }) : () -> ()
    } else {
    }
    %barrier3A_24 = arith.constant 0 : index
    tpu.barrier barrier_id(%barrier3A_24)
    %mul3A_25 = arith.constant 2 : i32
    %mul3A_26 = arith.muli %arg0, %mul3A_25 : i32
    %add3A_27 = arith.constant 1 : i32
    %add3A_28 = arith.addi %mul3A_26, %add3A_27 : i32
    %mul3A_29 = arith.constant 10000 : i32
    %mul3A_30 = arith.muli %add3A_28, %mul3A_29 : i32
    %mul3A_31 = arith.constant 624 : i32
    %mul3A_32 = arith.muli %arg1, %mul3A_31 : i32
    %add3A_33 = arith.addi %mul3A_30, %mul3A_32 : i32
    %mul3A_34 = arith.constant 624 : i32
    %mul3A_35 = arith.muli %arg1, %mul3A_34 : i32
    "tpu.region"() ({
      %run_scoped3A = tpu.sem_alloc : memref<!tpu.dma_semaphore, #tpu.memory_space<semaphore_mem>>
      %dma_start3A = arith.constant 0 : i32
      %dma_start3A_57 = tpu.memref_slice %arg5[%mul3A_35, %dma_start3A] : memref<10008x128xf32, #tpu.memory_space<vmem_shared>> -> memref<624x128xf32, #tpu.memory_space<vmem_shared>>
      %dma_start3A_58 = arith.constant 0 : i32
      %dma_start3A_59 = tpu.memref_slice %arg2[%add3A_33, %dma_start3A_58] : memref<40000x128xf32, #tpu.memory_space<hbm>> -> memref<624x128xf32, #tpu.memory_space<hbm>>
      tpu.enqueue_dma source(%dma_start3A_59 : memref<624x128xf32, #tpu.memory_space<hbm>>) target(%dma_start3A_57 : memref<624x128xf32, #tpu.memory_space<vmem_shared>>) target_semaphore(%run_scoped3A : memref<!tpu.dma_semaphore, #tpu.memory_space<semaphore_mem>>)
      %dma_wait3A = arith.constant 0 : i32
      %dma_wait3A_60 = tpu.memref_slice %arg5[%mul3A_35, %dma_wait3A] : memref<10008x128xf32, #tpu.memory_space<vmem_shared>> -> memref<624x128xf32, #tpu.memory_space<vmem_shared>>
      %dma_wait3A_61 = arith.constant 0 : i32
      %dma_wait3A_62 = tpu.memref_slice %arg2[%add3A_33, %dma_wait3A_61] : memref<40000x128xf32, #tpu.memory_space<hbm>> -> memref<624x128xf32, #tpu.memory_space<hbm>>
      tpu.wait_dma2 semaphore(%run_scoped3A : memref<!tpu.dma_semaphore, #tpu.memory_space<semaphore_mem>>) src(%dma_wait3A_62 : memref<624x128xf32, #tpu.memory_space<hbm>>) dst(%dma_wait3A_60 : memref<624x128xf32, #tpu.memory_space<vmem_shared>>)
      tpu.yield
    }) : () -> ()
    %eq3A_36 = arith.constant 15 : i32
    %eq3A_37 = arith.cmpi eq, %arg1, %eq3A_36 : i32
    %convert_element_type3A_38 = arith.extui %eq3A_37 : i1 to i32
    %cond3A_39 = arith.constant 0 : i32
    %cond3A_40 = arith.cmpi ne, %convert_element_type3A_38, %cond3A_39 : i32
    scf.if %cond3A_40 {
      %mul3A_57 = arith.constant 10000 : i32
      %mul3A_58 = arith.muli %add3A_28, %mul3A_57 : i32
      %add3A_59 = arith.constant 9984 : i32
      %add3A_60 = arith.addi %mul3A_58, %add3A_59 : i32
      "tpu.region"() ({
        %run_scoped3A = tpu.sem_alloc : memref<!tpu.dma_semaphore, #tpu.memory_space<semaphore_mem>>
        %dma_start3A = arith.constant 9984 : i32
        %dma_start3A_61 = arith.constant 0 : i32
        %dma_start3A_62 = tpu.memref_slice %arg5[%dma_start3A, %dma_start3A_61] : memref<10008x128xf32, #tpu.memory_space<vmem_shared>> -> memref<16x128xf32, #tpu.memory_space<vmem_shared>>
        %dma_start3A_63 = arith.constant 0 : i32
        %dma_start3A_64 = tpu.memref_slice %arg2[%add3A_60, %dma_start3A_63] : memref<40000x128xf32, #tpu.memory_space<hbm>> -> memref<16x128xf32, #tpu.memory_space<hbm>>
        tpu.enqueue_dma source(%dma_start3A_64 : memref<16x128xf32, #tpu.memory_space<hbm>>) target(%dma_start3A_62 : memref<16x128xf32, #tpu.memory_space<vmem_shared>>) target_semaphore(%run_scoped3A : memref<!tpu.dma_semaphore, #tpu.memory_space<semaphore_mem>>)
        %dma_wait3A = arith.constant 9984 : i32
        %dma_wait3A_65 = arith.constant 0 : i32
        %dma_wait3A_66 = tpu.memref_slice %arg5[%dma_wait3A, %dma_wait3A_65] : memref<10008x128xf32, #tpu.memory_space<vmem_shared>> -> memref<16x128xf32, #tpu.memory_space<vmem_shared>>
        %dma_wait3A_67 = arith.constant 0 : i32
        %dma_wait3A_68 = tpu.memref_slice %arg2[%add3A_60, %dma_wait3A_67] : memref<40000x128xf32, #tpu.memory_space<hbm>> -> memref<16x128xf32, #tpu.memory_space<hbm>>
        tpu.wait_dma2 semaphore(%run_scoped3A : memref<!tpu.dma_semaphore, #tpu.memory_space<semaphore_mem>>) src(%dma_wait3A_68 : memref<16x128xf32, #tpu.memory_space<hbm>>) dst(%dma_wait3A_66 : memref<16x128xf32, #tpu.memory_space<vmem_shared>>)
        tpu.yield
      }) : () -> ()
    } else {
    }
    %barrier3A_41 = arith.constant 0 : index
    tpu.barrier barrier_id(%barrier3A_41)
    %scan3A_42 = arith.constant 0 : i32
    %scan3A_43 = arith.constant 0 : i32
    %scan3A_44 = arith.constant 5 : i32
    %scan3A_45 = arith.addi %scan3A_43, %scan3A_44 : i32
    %scan3A_46 = arith.constant 1 : i32
    scf.for %scan3A_57 = %scan3A_43 to %scan3A_45 step %scan3A_46  : i32 {
      %mul3A_58 = arith.constant 16 : i32
      %mul3A_59 = arith.muli %add3A_28, %mul3A_58 : i32
      %add3A_60 = arith.addi %mul3A_59, %arg1 : i32
      %mul3A_61 = arith.constant 5 : i32
      %mul3A_62 = arith.muli %add3A_60, %mul3A_61 : i32
      %add3A_63 = arith.addi %mul3A_62, %scan3A_57 : i32
      "tpu.region"() ({
        %run_scoped3A = tpu.sem_alloc : memref<!tpu.dma_semaphore, #tpu.memory_space<semaphore_mem>>
        %dma_start3A_83 = arith.constant 0 : i32
        %dma_start3A_84 = arith.constant 0 : i32
        %dma_start3A_85 = tpu.memref_slice %arg3[%add3A_63, %dma_start3A_83, %dma_start3A_84] : memref<320x64x128xi32, #tpu.memory_space<hbm>> -> memref<1x64x128xi32, #tpu.memory_space<hbm>>
        %dma_start3A_86 = tpu.memref_squeeze %dma_start3A_85 : memref<1x64x128xi32, #tpu.memory_space<hbm>> -> memref<64x128xi32, #tpu.memory_space<hbm>>
        %dma_start3A_87 = arith.constant 0 : i32
        %dma_start3A_88 = arith.constant 0 : i32
        %dma_start3A_89 = tpu.memref_slice %arg3[%add3A_63, %dma_start3A_87, %dma_start3A_88] : memref<320x64x128xi32, #tpu.memory_space<hbm>> -> memref<1x64x128xi32, #tpu.memory_space<hbm>>
        %dma_start3A_90 = tpu.memref_squeeze %dma_start3A_89 : memref<1x64x128xi32, #tpu.memory_space<hbm>> -> memref<64x128xi32, #tpu.memory_space<hbm>>
        tpu.enqueue_dma source(%dma_start3A_90 : memref<64x128xi32, #tpu.memory_space<hbm>>) target(%arg6 : memref<64x128xi32, #tpu.memory_space<vmem>>) target_semaphore(%run_scoped3A : memref<!tpu.dma_semaphore, #tpu.memory_space<semaphore_mem>>)
        %dma_wait3A = arith.constant 0 : i32
        %dma_wait3A_91 = arith.constant 0 : i32
        %dma_wait3A_92 = tpu.memref_slice %arg3[%add3A_63, %dma_wait3A, %dma_wait3A_91] : memref<320x64x128xi32, #tpu.memory_space<hbm>> -> memref<1x64x128xi32, #tpu.memory_space<hbm>>
        %dma_wait3A_93 = tpu.memref_squeeze %dma_wait3A_92 : memref<1x64x128xi32, #tpu.memory_space<hbm>> -> memref<64x128xi32, #tpu.memory_space<hbm>>
        %dma_wait3A_94 = arith.constant 0 : i32
        %dma_wait3A_95 = arith.constant 0 : i32
        %dma_wait3A_96 = tpu.memref_slice %arg3[%add3A_63, %dma_wait3A_94, %dma_wait3A_95] : memref<320x64x128xi32, #tpu.memory_space<hbm>> -> memref<1x64x128xi32, #tpu.memory_space<hbm>>
        %dma_wait3A_97 = tpu.memref_squeeze %dma_wait3A_96 : memref<1x64x128xi32, #tpu.memory_space<hbm>> -> memref<64x128xi32, #tpu.memory_space<hbm>>
        tpu.wait_dma2 semaphore(%run_scoped3A : memref<!tpu.dma_semaphore, #tpu.memory_space<semaphore_mem>>) src(%dma_wait3A_97 : memref<64x128xi32, #tpu.memory_space<hbm>>) dst(%arg6 : memref<64x128xi32, #tpu.memory_space<vmem>>)
        tpu.yield
      }) : () -> ()
      %dma_start3A = arith.constant 0 : i32
      %dma_start3A_64 = arith.constant 0 : i32
      %dma_start3A_65 = tpu.memref_slice %arg6[%dma_start3A, %dma_start3A_64] : memref<64x128xi32, #tpu.memory_space<vmem>> -> memref<1x128xi32, #tpu.memory_space<vmem>>
      %dma_start3A_66 = tpu.memref_squeeze %dma_start3A_65 : memref<1x128xi32, #tpu.memory_space<vmem>> -> memref<128xi32, #tpu.memory_space<vmem>>
      %dma_start3A_67 = arith.constant 0 : i32
      %dma_start3A_68 = arith.constant 0 : i32
      %dma_start3A_69 = tpu.memref_slice %arg2[%dma_start3A_67, %dma_start3A_68] : memref<40000x128xf32, #tpu.memory_space<hbm>> -> memref<40000x128xf32, #tpu.memory_space<hbm>>
      tpu.enqueue_indirect_dma source(%dma_start3A_69 : memref<40000x128xf32, #tpu.memory_space<hbm>>) target(%arg7 : memref<128x128xf32, #tpu.memory_space<vmem>>) offsets(%dma_start3A_66 : memref<128xi32, #tpu.memory_space<vmem>>) semaphore(%arg9 : memref<!tpu.dma_semaphore, #tpu.memory_space<semaphore_mem>>)
      %dma_start3A_70 = arith.constant 1 : i32
      %dma_start3A_71 = arith.constant 0 : i32
      %dma_start3A_72 = tpu.memref_slice %arg6[%dma_start3A_70, %dma_start3A_71] : memref<64x128xi32, #tpu.memory_space<vmem>> -> memref<1x128xi32, #tpu.memory_space<vmem>>
      %dma_start3A_73 = tpu.memref_squeeze %dma_start3A_72 : memref<1x128xi32, #tpu.memory_space<vmem>> -> memref<128xi32, #tpu.memory_space<vmem>>
      %dma_start3A_74 = arith.constant 0 : i32
      %dma_start3A_75 = arith.constant 0 : i32
      %dma_start3A_76 = tpu.memref_slice %arg2[%dma_start3A_74, %dma_start3A_75] : memref<40000x128xf32, #tpu.memory_space<hbm>> -> memref<40000x128xf32, #tpu.memory_space<hbm>>
      tpu.enqueue_indirect_dma source(%dma_start3A_76 : memref<40000x128xf32, #tpu.memory_space<hbm>>) target(%arg8 : memref<128x128xf32, #tpu.memory_space<vmem>>) offsets(%dma_start3A_73 : memref<128xi32, #tpu.memory_space<vmem>>) semaphore(%arg10 : memref<!tpu.dma_semaphore, #tpu.memory_space<semaphore_mem>>)
      %scan3A_77 = arith.constant 0 : i32
      %scan3A_78 = arith.constant 0 : i32
      %scan3A_79 = arith.constant 16 : i32
      %scan3A_80 = arith.addi %scan3A_78, %scan3A_79 : i32
      %scan3A_81 = arith.constant 1 : i32
      scf.for %scan3A_83 = %scan3A_78 to %scan3A_80 step %scan3A_81  : i32 {
        %mul3A_84 = arith.constant 2 : i32
        %mul3A_85 = arith.muli %mul3A_84, %scan3A_83 : i32
        %add3A_86 = arith.constant 1 : i32
        %add3A_87 = arith.addi %mul3A_85, %add3A_86 : i32
        %dma_wait3A = arith.constant 0 : i32
        %dma_wait3A_88 = tpu.memref_slice %arg6[%mul3A_85, %dma_wait3A] : memref<64x128xi32, #tpu.memory_space<vmem>> -> memref<1x128xi32, #tpu.memory_space<vmem>>
        %dma_wait3A_89 = tpu.memref_squeeze %dma_wait3A_88 : memref<1x128xi32, #tpu.memory_space<vmem>> -> memref<128xi32, #tpu.memory_space<vmem>>
        %dma_wait3A_90 = arith.constant 0 : i32
        %dma_wait3A_91 = arith.constant 0 : i32
        %dma_wait3A_92 = tpu.memref_slice %arg2[%dma_wait3A_90, %dma_wait3A_91] : memref<40000x128xf32, #tpu.memory_space<hbm>> -> memref<40000x128xf32, #tpu.memory_space<hbm>>
        tpu.wait_indirect_dma semaphore(%arg9 : memref<!tpu.dma_semaphore, #tpu.memory_space<semaphore_mem>>) src(%dma_wait3A_92 : memref<40000x128xf32, #tpu.memory_space<hbm>>) dst(%arg7 : memref<128x128xf32, #tpu.memory_space<vmem>>)
        %add3A_93 = arith.constant 32 : i32
        %add3A_94 = arith.addi %add3A_93, %mul3A_85 : i32
        "tpu.region"() ({
          %run_scoped3A = tpu.sem_alloc : memref<!tpu.dma_semaphore, #tpu.memory_space<semaphore_mem>>
          %dma_start3A_116 = arith.constant 0 : i32
          %dma_start3A_117 = tpu.memref_slice %arg6[%add3A_94, %dma_start3A_116] : memref<64x128xi32, #tpu.memory_space<vmem>> -> memref<1x128xi32, #tpu.memory_space<vmem>>
          %dma_start3A_118 = tpu.memref_squeeze %dma_start3A_117 : memref<1x128xi32, #tpu.memory_space<vmem>> -> memref<128xi32, #tpu.memory_space<vmem>>
          %dma_start3A_119 = arith.constant 0 : i32
          %dma_start3A_120 = arith.constant 0 : i32
          %dma_start3A_121 = tpu.memref_slice %arg5[%dma_start3A_119, %dma_start3A_120] : memref<10008x128xf32, #tpu.memory_space<vmem_shared>> -> memref<10008x128xf32, #tpu.memory_space<vmem_shared>>
          tpu.enqueue_indirect_dma source(%arg7 : memref<128x128xf32, #tpu.memory_space<vmem>>) target(%dma_start3A_121 : memref<10008x128xf32, #tpu.memory_space<vmem_shared>>) offsets(%dma_start3A_118 : memref<128xi32, #tpu.memory_space<vmem>>) semaphore(%run_scoped3A : memref<!tpu.dma_semaphore, #tpu.memory_space<semaphore_mem>>) {add = true}
          %dma_wait3A_122 = arith.constant 0 : i32
          %dma_wait3A_123 = tpu.memref_slice %arg6[%add3A_94, %dma_wait3A_122] : memref<64x128xi32, #tpu.memory_space<vmem>> -> memref<1x128xi32, #tpu.memory_space<vmem>>
          %dma_wait3A_124 = tpu.memref_squeeze %dma_wait3A_123 : memref<1x128xi32, #tpu.memory_space<vmem>> -> memref<128xi32, #tpu.memory_space<vmem>>
          %dma_wait3A_125 = arith.constant 0 : i32
          %dma_wait3A_126 = arith.constant 0 : i32
          %dma_wait3A_127 = tpu.memref_slice %arg5[%dma_wait3A_125, %dma_wait3A_126] : memref<10008x128xf32, #tpu.memory_space<vmem_shared>> -> memref<10008x128xf32, #tpu.memory_space<vmem_shared>>
          tpu.wait_indirect_dma semaphore(%run_scoped3A : memref<!tpu.dma_semaphore, #tpu.memory_space<semaphore_mem>>) src(%arg7 : memref<128x128xf32, #tpu.memory_space<vmem>>) dst(%dma_wait3A_127 : memref<10008x128xf32, #tpu.memory_space<vmem_shared>>)
          tpu.yield
        }) : () -> ()
        %add3A_95 = arith.constant 2 : i32
        %add3A_96 = arith.addi %mul3A_85, %add3A_95 : i32
        %lt3A = arith.constant 32 : i32
        %lt3A_97 = arith.cmpi slt, %add3A_96, %lt3A : i32
        %convert_element_type3A_98 = arith.extui %lt3A_97 : i1 to i32
        %cond3A_99 = arith.constant 0 : i32
        %cond3A_100 = arith.cmpi ne, %convert_element_type3A_98, %cond3A_99 : i32
        scf.if %cond3A_100 {
          %add3A_116 = arith.constant 2 : i32
          %add3A_117 = arith.addi %mul3A_85, %add3A_116 : i32
          %dma_start3A_118 = arith.constant 0 : i32
          %dma_start3A_119 = tpu.memref_slice %arg6[%add3A_117, %dma_start3A_118] : memref<64x128xi32, #tpu.memory_space<vmem>> -> memref<1x128xi32, #tpu.memory_space<vmem>>
          %dma_start3A_120 = tpu.memref_squeeze %dma_start3A_119 : memref<1x128xi32, #tpu.memory_space<vmem>> -> memref<128xi32, #tpu.memory_space<vmem>>
          %dma_start3A_121 = arith.constant 0 : i32
          %dma_start3A_122 = arith.constant 0 : i32
          %dma_start3A_123 = tpu.memref_slice %arg2[%dma_start3A_121, %dma_start3A_122] : memref<40000x128xf32, #tpu.memory_space<hbm>> -> memref<40000x128xf32, #tpu.memory_space<hbm>>
          tpu.enqueue_indirect_dma source(%dma_start3A_123 : memref<40000x128xf32, #tpu.memory_space<hbm>>) target(%arg7 : memref<128x128xf32, #tpu.memory_space<vmem>>) offsets(%dma_start3A_120 : memref<128xi32, #tpu.memory_space<vmem>>) semaphore(%arg9 : memref<!tpu.dma_semaphore, #tpu.memory_space<semaphore_mem>>)
        } else {
        }
        %dma_wait3A_101 = arith.constant 0 : i32
        %dma_wait3A_102 = tpu.memref_slice %arg6[%add3A_87, %dma_wait3A_101] : memref<64x128xi32, #tpu.memory_space<vmem>> -> memref<1x128xi32, #tpu.memory_space<vmem>>
        %dma_wait3A_103 = tpu.memref_squeeze %dma_wait3A_102 : memref<1x128xi32, #tpu.memory_space<vmem>> -> memref<128xi32, #tpu.memory_space<vmem>>
        %dma_wait3A_104 = arith.constant 0 : i32
        %dma_wait3A_105 = arith.constant 0 : i32
        %dma_wait3A_106 = tpu.memref_slice %arg2[%dma_wait3A_104, %dma_wait3A_105] : memref<40000x128xf32, #tpu.memory_space<hbm>> -> memref<40000x128xf32, #tpu.memory_space<hbm>>
        tpu.wait_indirect_dma semaphore(%arg10 : memref<!tpu.dma_semaphore, #tpu.memory_space<semaphore_mem>>) src(%dma_wait3A_106 : memref<40000x128xf32, #tpu.memory_space<hbm>>) dst(%arg8 : memref<128x128xf32, #tpu.memory_space<vmem>>)
        %add3A_107 = arith.constant 32 : i32
        %add3A_108 = arith.addi %add3A_107, %add3A_87 : i32
        "tpu.region"() ({
          %run_scoped3A = tpu.sem_alloc : memref<!tpu.dma_semaphore, #tpu.memory_space<semaphore_mem>>
          %dma_start3A_116 = arith.constant 0 : i32
          %dma_start3A_117 = tpu.memref_slice %arg6[%add3A_108, %dma_start3A_116] : memref<64x128xi32, #tpu.memory_space<vmem>> -> memref<1x128xi32, #tpu.memory_space<vmem>>
          %dma_start3A_118 = tpu.memref_squeeze %dma_start3A_117 : memref<1x128xi32, #tpu.memory_space<vmem>> -> memref<128xi32, #tpu.memory_space<vmem>>
          %dma_start3A_119 = arith.constant 0 : i32
          %dma_start3A_120 = arith.constant 0 : i32
          %dma_start3A_121 = tpu.memref_slice %arg5[%dma_start3A_119, %dma_start3A_120] : memref<10008x128xf32, #tpu.memory_space<vmem_shared>> -> memref<10008x128xf32, #tpu.memory_space<vmem_shared>>
          tpu.enqueue_indirect_dma source(%arg8 : memref<128x128xf32, #tpu.memory_space<vmem>>) target(%dma_start3A_121 : memref<10008x128xf32, #tpu.memory_space<vmem_shared>>) offsets(%dma_start3A_118 : memref<128xi32, #tpu.memory_space<vmem>>) semaphore(%run_scoped3A : memref<!tpu.dma_semaphore, #tpu.memory_space<semaphore_mem>>) {add = true}
          %dma_wait3A_122 = arith.constant 0 : i32
          %dma_wait3A_123 = tpu.memref_slice %arg6[%add3A_108, %dma_wait3A_122] : memref<64x128xi32, #tpu.memory_space<vmem>> -> memref<1x128xi32, #tpu.memory_space<vmem>>
          %dma_wait3A_124 = tpu.memref_squeeze %dma_wait3A_123 : memref<1x128xi32, #tpu.memory_space<vmem>> -> memref<128xi32, #tpu.memory_space<vmem>>
          %dma_wait3A_125 = arith.constant 0 : i32
          %dma_wait3A_126 = arith.constant 0 : i32
          %dma_wait3A_127 = tpu.memref_slice %arg5[%dma_wait3A_125, %dma_wait3A_126] : memref<10008x128xf32, #tpu.memory_space<vmem_shared>> -> memref<10008x128xf32, #tpu.memory_space<vmem_shared>>
          tpu.wait_indirect_dma semaphore(%run_scoped3A : memref<!tpu.dma_semaphore, #tpu.memory_space<semaphore_mem>>) src(%arg8 : memref<128x128xf32, #tpu.memory_space<vmem>>) dst(%dma_wait3A_127 : memref<10008x128xf32, #tpu.memory_space<vmem_shared>>)
          tpu.yield
        }) : () -> ()
        %add3A_109 = arith.constant 2 : i32
        %add3A_110 = arith.addi %add3A_87, %add3A_109 : i32
        %lt3A_111 = arith.constant 32 : i32
        %lt3A_112 = arith.cmpi slt, %add3A_110, %lt3A_111 : i32
        %convert_element_type3A_113 = arith.extui %lt3A_112 : i1 to i32
        %cond3A_114 = arith.constant 0 : i32
        %cond3A_115 = arith.cmpi ne, %convert_element_type3A_113, %cond3A_114 : i32
        scf.if %cond3A_115 {
          %add3A_116 = arith.constant 2 : i32
          %add3A_117 = arith.addi %add3A_87, %add3A_116 : i32
          %dma_start3A_118 = arith.constant 0 : i32
          %dma_start3A_119 = tpu.memref_slice %arg6[%add3A_117, %dma_start3A_118] : memref<64x128xi32, #tpu.memory_space<vmem>> -> memref<1x128xi32, #tpu.memory_space<vmem>>
          %dma_start3A_120 = tpu.memref_squeeze %dma_start3A_119 : memref<1x128xi32, #tpu.memory_space<vmem>> -> memref<128xi32, #tpu.memory_space<vmem>>
          %dma_start3A_121 = arith.constant 0 : i32
          %dma_start3A_122 = arith.constant 0 : i32
          %dma_start3A_123 = tpu.memref_slice %arg2[%dma_start3A_121, %dma_start3A_122] : memref<40000x128xf32, #tpu.memory_space<hbm>> -> memref<40000x128xf32, #tpu.memory_space<hbm>>
          tpu.enqueue_indirect_dma source(%dma_start3A_123 : memref<40000x128xf32, #tpu.memory_space<hbm>>) target(%arg8 : memref<128x128xf32, #tpu.memory_space<vmem>>) offsets(%dma_start3A_120 : memref<128xi32, #tpu.memory_space<vmem>>) semaphore(%arg10 : memref<!tpu.dma_semaphore, #tpu.memory_space<semaphore_mem>>)
        } else {
        }
      }
      %scan3A_82 = arith.constant 16 : i32
    }
    %scan3A_47 = arith.constant 5 : i32
    %barrier3A_48 = arith.constant 0 : index
    tpu.barrier barrier_id(%barrier3A_48)
    %mul3A_49 = arith.constant 624 : i32
    %mul3A_50 = arith.muli %arg1, %mul3A_49 : i32
    "tpu.region"() ({
      %run_scoped3A = tpu.sem_alloc : memref<!tpu.dma_semaphore, #tpu.memory_space<semaphore_mem>>
      %dma_start3A = arith.constant 0 : i32
      %dma_start3A_57 = tpu.memref_slice %arg4[%add3A_33, %dma_start3A] : memref<40000x128xf32, #tpu.memory_space<hbm>> -> memref<624x128xf32, #tpu.memory_space<hbm>>
      %dma_start3A_58 = arith.constant 0 : i32
      %dma_start3A_59 = tpu.memref_slice %arg5[%mul3A_50, %dma_start3A_58] : memref<10008x128xf32, #tpu.memory_space<vmem_shared>> -> memref<624x128xf32, #tpu.memory_space<vmem_shared>>
      tpu.enqueue_dma source(%dma_start3A_59 : memref<624x128xf32, #tpu.memory_space<vmem_shared>>) target(%dma_start3A_57 : memref<624x128xf32, #tpu.memory_space<hbm>>) target_semaphore(%run_scoped3A : memref<!tpu.dma_semaphore, #tpu.memory_space<semaphore_mem>>)
      %dma_wait3A = arith.constant 0 : i32
      %dma_wait3A_60 = tpu.memref_slice %arg4[%add3A_33, %dma_wait3A] : memref<40000x128xf32, #tpu.memory_space<hbm>> -> memref<624x128xf32, #tpu.memory_space<hbm>>
      %dma_wait3A_61 = arith.constant 0 : i32
      %dma_wait3A_62 = tpu.memref_slice %arg5[%mul3A_50, %dma_wait3A_61] : memref<10008x128xf32, #tpu.memory_space<vmem_shared>> -> memref<624x128xf32, #tpu.memory_space<vmem_shared>>
      tpu.wait_dma2 semaphore(%run_scoped3A : memref<!tpu.dma_semaphore, #tpu.memory_space<semaphore_mem>>) src(%dma_wait3A_62 : memref<624x128xf32, #tpu.memory_space<vmem_shared>>) dst(%dma_wait3A_60 : memref<624x128xf32, #tpu.memory_space<hbm>>)
      tpu.yield
    }) : () -> ()
    %eq3A_51 = arith.constant 15 : i32
    %eq3A_52 = arith.cmpi eq, %arg1, %eq3A_51 : i32
    %convert_element_type3A_53 = arith.extui %eq3A_52 : i1 to i32
    %cond3A_54 = arith.constant 0 : i32
    %cond3A_55 = arith.cmpi ne, %convert_element_type3A_53, %cond3A_54 : i32
    scf.if %cond3A_55 {
      %mul3A_57 = arith.constant 10000 : i32
      %mul3A_58 = arith.muli %add3A_28, %mul3A_57 : i32
      %add3A_59 = arith.constant 9984 : i32
      %add3A_60 = arith.addi %mul3A_58, %add3A_59 : i32
      "tpu.region"() ({
        %run_scoped3A = tpu.sem_alloc : memref<!tpu.dma_semaphore, #tpu.memory_space<semaphore_mem>>
        %dma_start3A = arith.constant 0 : i32
        %dma_start3A_61 = tpu.memref_slice %arg4[%add3A_60, %dma_start3A] : memref<40000x128xf32, #tpu.memory_space<hbm>> -> memref<16x128xf32, #tpu.memory_space<hbm>>
        %dma_start3A_62 = arith.constant 9984 : i32
        %dma_start3A_63 = arith.constant 0 : i32
        %dma_start3A_64 = tpu.memref_slice %arg5[%dma_start3A_62, %dma_start3A_63] : memref<10008x128xf32, #tpu.memory_space<vmem_shared>> -> memref<16x128xf32, #tpu.memory_space<vmem_shared>>
        tpu.enqueue_dma source(%dma_start3A_64 : memref<16x128xf32, #tpu.memory_space<vmem_shared>>) target(%dma_start3A_61 : memref<16x128xf32, #tpu.memory_space<hbm>>) target_semaphore(%run_scoped3A : memref<!tpu.dma_semaphore, #tpu.memory_space<semaphore_mem>>)
        %dma_wait3A = arith.constant 0 : i32
        %dma_wait3A_65 = tpu.memref_slice %arg4[%add3A_60, %dma_wait3A] : memref<40000x128xf32, #tpu.memory_space<hbm>> -> memref<16x128xf32, #tpu.memory_space<hbm>>
        %dma_wait3A_66 = arith.constant 9984 : i32
        %dma_wait3A_67 = arith.constant 0 : i32
        %dma_wait3A_68 = tpu.memref_slice %arg5[%dma_wait3A_66, %dma_wait3A_67] : memref<10008x128xf32, #tpu.memory_space<vmem_shared>> -> memref<16x128xf32, #tpu.memory_space<vmem_shared>>
        tpu.wait_dma2 semaphore(%run_scoped3A : memref<!tpu.dma_semaphore, #tpu.memory_space<semaphore_mem>>) src(%dma_wait3A_68 : memref<16x128xf32, #tpu.memory_space<vmem_shared>>) dst(%dma_wait3A_65 : memref<16x128xf32, #tpu.memory_space<hbm>>)
        tpu.yield
      }) : () -> ()
    } else {
    }
    %barrier3A_56 = arith.constant 0 : index
    tpu.barrier barrier_id(%barrier3A_56)
    return
  }
}

#map = affine_map<(d0, d1) -> (0, 0)>
#map1 = affine_map<(d0, d1) -> (0, 0, 0)>
module attributes {stable_mosaic.version = 14 : i64} {
  func.func @agg(%arg0: i32, %arg1: i32, %arg2: memref<40000x128xf32, #tpu.memory_space<hbm>>, %arg3: memref<320x64x128xi32, #tpu.memory_space<hbm>>, %arg4: memref<40000x128xf32, #tpu.memory_space<hbm>>, %arg5: memref<10008x128xf32, #tpu.memory_space<vmem_shared>>, %arg6: memref<64x128xi32, #tpu.memory_space<vmem>>, %arg7: memref<128x128xf32, #tpu.memory_space<vmem>>, %arg8: memref<128x128xf32, #tpu.memory_space<vmem>>, %arg9: memref<!tpu.dma_semaphore, #tpu.memory_space<semaphore_mem>>, %arg10: memref<!tpu.dma_semaphore, #tpu.memory_space<semaphore_mem>>) attributes {dimension_semantics = [#tpu.dimension_semantics<core_parallel>, #tpu.dimension_semantics<subcore_parallel>], iteration_bounds = array<i64: 2, 16>, scalar_prefetch = 0 : i64, scratch_operands = 6 : i64, tpu.core_type = #tpu.core_type<sc_vector_subcore>, window_params = [{transform_indices = #map}, {transform_indices = #map1}, {transform_indices = #map}]} {
    %mul3A = arith.constant 2 : i32
    %mul3A_0 = arith.muli %arg0, %mul3A : i32
    %add3A = arith.constant 0 : i32
    %add3A_1 = arith.addi %mul3A_0, %add3A : i32
    %mul3A_2 = arith.constant 10000 : i32
    %mul3A_3 = arith.muli %add3A_1, %mul3A_2 : i32
    %mul3A_4 = arith.constant 624 : i32
    %mul3A_5 = arith.muli %arg1, %mul3A_4 : i32
    %add3A_6 = arith.addi %mul3A_3, %mul3A_5 : i32
    %mul3A_7 = arith.constant 624 : i32
    %mul3A_8 = arith.muli %arg1, %mul3A_7 : i32
    "tpu.region"() ({
      %run_scoped3A = tpu.sem_alloc : memref<!tpu.dma_semaphore, #tpu.memory_space<semaphore_mem>>
      %dma_start3A = arith.constant 0 : i32
      %dma_start3A_57 = tpu.memref_slice %arg5[%mul3A_8, %dma_start3A] : memref<10008x128xf32, #tpu.memory_space<vmem_shared>> -> memref<624x128xf32, #tpu.memory_space<vmem_shared>>
      %dma_start3A_58 = arith.constant 0 : i32
      %dma_start3A_59 = tpu.memref_slice %arg2[%add3A_6, %dma_start3A_58] : memref<40000x128xf32, #tpu.memory_space<hbm>> -> memref<624x128xf32, #tpu.memory_space<hbm>>
      tpu.enqueue_dma source(%dma_start3A_59 : memref<624x128xf32, #tpu.memory_space<hbm>>) target(%dma_start3A_57 : memref<624x128xf32, #tpu.memory_space<vmem_shared>>) target_semaphore(%run_scoped3A : memref<!tpu.dma_semaphore, #tpu.memory_space<semaphore_mem>>)
      %dma_wait3A = arith.constant 0 : i32
      %dma_wait3A_60 = tpu.memref_slice %arg5[%mul3A_8, %dma_wait3A] : memref<10008x128xf32, #tpu.memory_space<vmem_shared>> -> memref<624x128xf32, #tpu.memory_space<vmem_shared>>
      %dma_wait3A_61 = arith.constant 0 : i32
      %dma_wait3A_62 = tpu.memref_slice %arg2[%add3A_6, %dma_wait3A_61] : memref<40000x128xf32, #tpu.memory_space<hbm>> -> memref<624x128xf32, #tpu.memory_space<hbm>>
      tpu.wait_dma2 semaphore(%run_scoped3A : memref<!tpu.dma_semaphore, #tpu.memory_space<semaphore_mem>>) src(%dma_wait3A_62 : memref<624x128xf32, #tpu.memory_space<hbm>>) dst(%dma_wait3A_60 : memref<624x128xf32, #tpu.memory_space<vmem_shared>>)
      tpu.yield
    }) : () -> ()
    %eq3A = arith.constant 15 : i32
    %eq3A_9 = arith.cmpi eq, %arg1, %eq3A : i32
    %convert_element_type3A = arith.extui %eq3A_9 : i1 to i32
    %cond3A = arith.constant 0 : i32
    %cond3A_10 = arith.cmpi ne, %convert_element_type3A, %cond3A : i32
    scf.if %cond3A_10 {
      %mul3A_57 = arith.constant 10000 : i32
      %mul3A_58 = arith.muli %add3A_1, %mul3A_57 : i32
      %add3A_59 = arith.constant 9984 : i32
      %add3A_60 = arith.addi %mul3A_58, %add3A_59 : i32
      "tpu.region"() ({
        %run_scoped3A = tpu.sem_alloc : memref<!tpu.dma_semaphore, #tpu.memory_space<semaphore_mem>>
        %dma_start3A = arith.constant 9984 : i32
        %dma_start3A_61 = arith.constant 0 : i32
        %dma_start3A_62 = tpu.memref_slice %arg5[%dma_start3A, %dma_start3A_61] : memref<10008x128xf32, #tpu.memory_space<vmem_shared>> -> memref<16x128xf32, #tpu.memory_space<vmem_shared>>
        %dma_start3A_63 = arith.constant 0 : i32
        %dma_start3A_64 = tpu.memref_slice %arg2[%add3A_60, %dma_start3A_63] : memref<40000x128xf32, #tpu.memory_space<hbm>> -> memref<16x128xf32, #tpu.memory_space<hbm>>
        tpu.enqueue_dma source(%dma_start3A_64 : memref<16x128xf32, #tpu.memory_space<hbm>>) target(%dma_start3A_62 : memref<16x128xf32, #tpu.memory_space<vmem_shared>>) target_semaphore(%run_scoped3A : memref<!tpu.dma_semaphore, #tpu.memory_space<semaphore_mem>>)
        %dma_wait3A = arith.constant 9984 : i32
        %dma_wait3A_65 = arith.constant 0 : i32
        %dma_wait3A_66 = tpu.memref_slice %arg5[%dma_wait3A, %dma_wait3A_65] : memref<10008x128xf32, #tpu.memory_space<vmem_shared>> -> memref<16x128xf32, #tpu.memory_space<vmem_shared>>
        %dma_wait3A_67 = arith.constant 0 : i32
        %dma_wait3A_68 = tpu.memref_slice %arg2[%add3A_60, %dma_wait3A_67] : memref<40000x128xf32, #tpu.memory_space<hbm>> -> memref<16x128xf32, #tpu.memory_space<hbm>>
        tpu.wait_dma2 semaphore(%run_scoped3A : memref<!tpu.dma_semaphore, #tpu.memory_space<semaphore_mem>>) src(%dma_wait3A_68 : memref<16x128xf32, #tpu.memory_space<hbm>>) dst(%dma_wait3A_66 : memref<16x128xf32, #tpu.memory_space<vmem_shared>>)
        tpu.yield
      }) : () -> ()
    } else {
    }
    %barrier3A = arith.constant 0 : index
    tpu.barrier barrier_id(%barrier3A)
    %scan3A = arith.constant 0 : i32
    %scan3A_11 = arith.constant 0 : i32
    %scan3A_12 = arith.constant 5 : i32
    %scan3A_13 = arith.addi %scan3A_11, %scan3A_12 : i32
    %scan3A_14 = arith.constant 1 : i32
    scf.for %scan3A_57 = %scan3A_11 to %scan3A_13 step %scan3A_14  : i32 {
      %mul3A_58 = arith.constant 16 : i32
      %mul3A_59 = arith.muli %add3A_1, %mul3A_58 : i32
      %add3A_60 = arith.addi %mul3A_59, %arg1 : i32
      %mul3A_61 = arith.constant 5 : i32
      %mul3A_62 = arith.muli %add3A_60, %mul3A_61 : i32
      %add3A_63 = arith.addi %mul3A_62, %scan3A_57 : i32
      "tpu.region"() ({
        %run_scoped3A = tpu.sem_alloc : memref<!tpu.dma_semaphore, #tpu.memory_space<semaphore_mem>>
        %dma_start3A_83 = arith.constant 0 : i32
        %dma_start3A_84 = arith.constant 0 : i32
        %dma_start3A_85 = tpu.memref_slice %arg3[%add3A_63, %dma_start3A_83, %dma_start3A_84] : memref<320x64x128xi32, #tpu.memory_space<hbm>> -> memref<1x64x128xi32, #tpu.memory_space<hbm>>
        %dma_start3A_86 = tpu.memref_squeeze %dma_start3A_85 : memref<1x64x128xi32, #tpu.memory_space<hbm>> -> memref<64x128xi32, #tpu.memory_space<hbm>>
        %dma_start3A_87 = arith.constant 0 : i32
        %dma_start3A_88 = arith.constant 0 : i32
        %dma_start3A_89 = tpu.memref_slice %arg3[%add3A_63, %dma_start3A_87, %dma_start3A_88] : memref<320x64x128xi32, #tpu.memory_space<hbm>> -> memref<1x64x128xi32, #tpu.memory_space<hbm>>
        %dma_start3A_90 = tpu.memref_squeeze %dma_start3A_89 : memref<1x64x128xi32, #tpu.memory_space<hbm>> -> memref<64x128xi32, #tpu.memory_space<hbm>>
        tpu.enqueue_dma source(%dma_start3A_90 : memref<64x128xi32, #tpu.memory_space<hbm>>) target(%arg6 : memref<64x128xi32, #tpu.memory_space<vmem>>) target_semaphore(%run_scoped3A : memref<!tpu.dma_semaphore, #tpu.memory_space<semaphore_mem>>)
        %dma_wait3A = arith.constant 0 : i32
        %dma_wait3A_91 = arith.constant 0 : i32
        %dma_wait3A_92 = tpu.memref_slice %arg3[%add3A_63, %dma_wait3A, %dma_wait3A_91] : memref<320x64x128xi32, #tpu.memory_space<hbm>> -> memref<1x64x128xi32, #tpu.memory_space<hbm>>
        %dma_wait3A_93 = tpu.memref_squeeze %dma_wait3A_92 : memref<1x64x128xi32, #tpu.memory_space<hbm>> -> memref<64x128xi32, #tpu.memory_space<hbm>>
        %dma_wait3A_94 = arith.constant 0 : i32
        %dma_wait3A_95 = arith.constant 0 : i32
        %dma_wait3A_96 = tpu.memref_slice %arg3[%add3A_63, %dma_wait3A_94, %dma_wait3A_95] : memref<320x64x128xi32, #tpu.memory_space<hbm>> -> memref<1x64x128xi32, #tpu.memory_space<hbm>>
        %dma_wait3A_97 = tpu.memref_squeeze %dma_wait3A_96 : memref<1x64x128xi32, #tpu.memory_space<hbm>> -> memref<64x128xi32, #tpu.memory_space<hbm>>
        tpu.wait_dma2 semaphore(%run_scoped3A : memref<!tpu.dma_semaphore, #tpu.memory_space<semaphore_mem>>) src(%dma_wait3A_97 : memref<64x128xi32, #tpu.memory_space<hbm>>) dst(%arg6 : memref<64x128xi32, #tpu.memory_space<vmem>>)
        tpu.yield
      }) : () -> ()
      %dma_start3A = arith.constant 0 : i32
      %dma_start3A_64 = arith.constant 0 : i32
      %dma_start3A_65 = tpu.memref_slice %arg6[%dma_start3A, %dma_start3A_64] : memref<64x128xi32, #tpu.memory_space<vmem>> -> memref<1x128xi32, #tpu.memory_space<vmem>>
      %dma_start3A_66 = tpu.memref_squeeze %dma_start3A_65 : memref<1x128xi32, #tpu.memory_space<vmem>> -> memref<128xi32, #tpu.memory_space<vmem>>
      %dma_start3A_67 = arith.constant 0 : i32
      %dma_start3A_68 = arith.constant 0 : i32
      %dma_start3A_69 = tpu.memref_slice %arg2[%dma_start3A_67, %dma_start3A_68] : memref<40000x128xf32, #tpu.memory_space<hbm>> -> memref<40000x128xf32, #tpu.memory_space<hbm>>
      tpu.enqueue_indirect_dma source(%dma_start3A_69 : memref<40000x128xf32, #tpu.memory_space<hbm>>) target(%arg7 : memref<128x128xf32, #tpu.memory_space<vmem>>) offsets(%dma_start3A_66 : memref<128xi32, #tpu.memory_space<vmem>>) semaphore(%arg9 : memref<!tpu.dma_semaphore, #tpu.memory_space<semaphore_mem>>)
      %dma_start3A_70 = arith.constant 1 : i32
      %dma_start3A_71 = arith.constant 0 : i32
      %dma_start3A_72 = tpu.memref_slice %arg6[%dma_start3A_70, %dma_start3A_71] : memref<64x128xi32, #tpu.memory_space<vmem>> -> memref<1x128xi32, #tpu.memory_space<vmem>>
      %dma_start3A_73 = tpu.memref_squeeze %dma_start3A_72 : memref<1x128xi32, #tpu.memory_space<vmem>> -> memref<128xi32, #tpu.memory_space<vmem>>
      %dma_start3A_74 = arith.constant 0 : i32
      %dma_start3A_75 = arith.constant 0 : i32
      %dma_start3A_76 = tpu.memref_slice %arg2[%dma_start3A_74, %dma_start3A_75] : memref<40000x128xf32, #tpu.memory_space<hbm>> -> memref<40000x128xf32, #tpu.memory_space<hbm>>
      tpu.enqueue_indirect_dma source(%dma_start3A_76 : memref<40000x128xf32, #tpu.memory_space<hbm>>) target(%arg8 : memref<128x128xf32, #tpu.memory_space<vmem>>) offsets(%dma_start3A_73 : memref<128xi32, #tpu.memory_space<vmem>>) semaphore(%arg10 : memref<!tpu.dma_semaphore, #tpu.memory_space<semaphore_mem>>)
      %scan3A_77 = arith.constant 0 : i32
      %scan3A_78 = arith.constant 0 : i32
      %scan3A_79 = arith.constant 16 : i32
      %scan3A_80 = arith.addi %scan3A_78, %scan3A_79 : i32
      %scan3A_81 = arith.constant 1 : i32
      scf.for %scan3A_83 = %scan3A_78 to %scan3A_80 step %scan3A_81  : i32 {
        %mul3A_84 = arith.constant 2 : i32
        %mul3A_85 = arith.muli %mul3A_84, %scan3A_83 : i32
        %add3A_86 = arith.constant 1 : i32
        %add3A_87 = arith.addi %mul3A_85, %add3A_86 : i32
        %dma_wait3A = arith.constant 0 : i32
        %dma_wait3A_88 = tpu.memref_slice %arg6[%mul3A_85, %dma_wait3A] : memref<64x128xi32, #tpu.memory_space<vmem>> -> memref<1x128xi32, #tpu.memory_space<vmem>>
        %dma_wait3A_89 = tpu.memref_squeeze %dma_wait3A_88 : memref<1x128xi32, #tpu.memory_space<vmem>> -> memref<128xi32, #tpu.memory_space<vmem>>
        %dma_wait3A_90 = arith.constant 0 : i32
        %dma_wait3A_91 = arith.constant 0 : i32
        %dma_wait3A_92 = tpu.memref_slice %arg2[%dma_wait3A_90, %dma_wait3A_91] : memref<40000x128xf32, #tpu.memory_space<hbm>> -> memref<40000x128xf32, #tpu.memory_space<hbm>>
        tpu.wait_indirect_dma semaphore(%arg9 : memref<!tpu.dma_semaphore, #tpu.memory_space<semaphore_mem>>) src(%dma_wait3A_92 : memref<40000x128xf32, #tpu.memory_space<hbm>>) dst(%arg7 : memref<128x128xf32, #tpu.memory_space<vmem>>)
        %add3A_93 = arith.constant 32 : i32
        %add3A_94 = arith.addi %add3A_93, %mul3A_85 : i32
        "tpu.region"() ({
          %run_scoped3A = tpu.sem_alloc : memref<!tpu.dma_semaphore, #tpu.memory_space<semaphore_mem>>
          %dma_start3A_116 = arith.constant 0 : i32
          %dma_start3A_117 = tpu.memref_slice %arg6[%add3A_94, %dma_start3A_116] : memref<64x128xi32, #tpu.memory_space<vmem>> -> memref<1x128xi32, #tpu.memory_space<vmem>>
          %dma_start3A_118 = tpu.memref_squeeze %dma_start3A_117 : memref<1x128xi32, #tpu.memory_space<vmem>> -> memref<128xi32, #tpu.memory_space<vmem>>
          %dma_start3A_119 = arith.constant 0 : i32
          %dma_start3A_120 = arith.constant 0 : i32
          %dma_start3A_121 = tpu.memref_slice %arg5[%dma_start3A_119, %dma_start3A_120] : memref<10008x128xf32, #tpu.memory_space<vmem_shared>> -> memref<10008x128xf32, #tpu.memory_space<vmem_shared>>
          tpu.enqueue_indirect_dma source(%arg7 : memref<128x128xf32, #tpu.memory_space<vmem>>) target(%dma_start3A_121 : memref<10008x128xf32, #tpu.memory_space<vmem_shared>>) offsets(%dma_start3A_118 : memref<128xi32, #tpu.memory_space<vmem>>) semaphore(%run_scoped3A : memref<!tpu.dma_semaphore, #tpu.memory_space<semaphore_mem>>) {add = true}
          %dma_wait3A_122 = arith.constant 0 : i32
          %dma_wait3A_123 = tpu.memref_slice %arg6[%add3A_94, %dma_wait3A_122] : memref<64x128xi32, #tpu.memory_space<vmem>> -> memref<1x128xi32, #tpu.memory_space<vmem>>
          %dma_wait3A_124 = tpu.memref_squeeze %dma_wait3A_123 : memref<1x128xi32, #tpu.memory_space<vmem>> -> memref<128xi32, #tpu.memory_space<vmem>>
          %dma_wait3A_125 = arith.constant 0 : i32
          %dma_wait3A_126 = arith.constant 0 : i32
          %dma_wait3A_127 = tpu.memref_slice %arg5[%dma_wait3A_125, %dma_wait3A_126] : memref<10008x128xf32, #tpu.memory_space<vmem_shared>> -> memref<10008x128xf32, #tpu.memory_space<vmem_shared>>
          tpu.wait_indirect_dma semaphore(%run_scoped3A : memref<!tpu.dma_semaphore, #tpu.memory_space<semaphore_mem>>) src(%arg7 : memref<128x128xf32, #tpu.memory_space<vmem>>) dst(%dma_wait3A_127 : memref<10008x128xf32, #tpu.memory_space<vmem_shared>>)
          tpu.yield
        }) : () -> ()
        %add3A_95 = arith.constant 2 : i32
        %add3A_96 = arith.addi %mul3A_85, %add3A_95 : i32
        %lt3A = arith.constant 32 : i32
        %lt3A_97 = arith.cmpi slt, %add3A_96, %lt3A : i32
        %convert_element_type3A_98 = arith.extui %lt3A_97 : i1 to i32
        %cond3A_99 = arith.constant 0 : i32
        %cond3A_100 = arith.cmpi ne, %convert_element_type3A_98, %cond3A_99 : i32
        scf.if %cond3A_100 {
          %add3A_116 = arith.constant 2 : i32
          %add3A_117 = arith.addi %mul3A_85, %add3A_116 : i32
          %dma_start3A_118 = arith.constant 0 : i32
          %dma_start3A_119 = tpu.memref_slice %arg6[%add3A_117, %dma_start3A_118] : memref<64x128xi32, #tpu.memory_space<vmem>> -> memref<1x128xi32, #tpu.memory_space<vmem>>
          %dma_start3A_120 = tpu.memref_squeeze %dma_start3A_119 : memref<1x128xi32, #tpu.memory_space<vmem>> -> memref<128xi32, #tpu.memory_space<vmem>>
          %dma_start3A_121 = arith.constant 0 : i32
          %dma_start3A_122 = arith.constant 0 : i32
          %dma_start3A_123 = tpu.memref_slice %arg2[%dma_start3A_121, %dma_start3A_122] : memref<40000x128xf32, #tpu.memory_space<hbm>> -> memref<40000x128xf32, #tpu.memory_space<hbm>>
          tpu.enqueue_indirect_dma source(%dma_start3A_123 : memref<40000x128xf32, #tpu.memory_space<hbm>>) target(%arg7 : memref<128x128xf32, #tpu.memory_space<vmem>>) offsets(%dma_start3A_120 : memref<128xi32, #tpu.memory_space<vmem>>) semaphore(%arg9 : memref<!tpu.dma_semaphore, #tpu.memory_space<semaphore_mem>>)
        } else {
        }
        %dma_wait3A_101 = arith.constant 0 : i32
        %dma_wait3A_102 = tpu.memref_slice %arg6[%add3A_87, %dma_wait3A_101] : memref<64x128xi32, #tpu.memory_space<vmem>> -> memref<1x128xi32, #tpu.memory_space<vmem>>
        %dma_wait3A_103 = tpu.memref_squeeze %dma_wait3A_102 : memref<1x128xi32, #tpu.memory_space<vmem>> -> memref<128xi32, #tpu.memory_space<vmem>>
        %dma_wait3A_104 = arith.constant 0 : i32
        %dma_wait3A_105 = arith.constant 0 : i32
        %dma_wait3A_106 = tpu.memref_slice %arg2[%dma_wait3A_104, %dma_wait3A_105] : memref<40000x128xf32, #tpu.memory_space<hbm>> -> memref<40000x128xf32, #tpu.memory_space<hbm>>
        tpu.wait_indirect_dma semaphore(%arg10 : memref<!tpu.dma_semaphore, #tpu.memory_space<semaphore_mem>>) src(%dma_wait3A_106 : memref<40000x128xf32, #tpu.memory_space<hbm>>) dst(%arg8 : memref<128x128xf32, #tpu.memory_space<vmem>>)
        %add3A_107 = arith.constant 32 : i32
        %add3A_108 = arith.addi %add3A_107, %add3A_87 : i32
        "tpu.region"() ({
          %run_scoped3A = tpu.sem_alloc : memref<!tpu.dma_semaphore, #tpu.memory_space<semaphore_mem>>
          %dma_start3A_116 = arith.constant 0 : i32
          %dma_start3A_117 = tpu.memref_slice %arg6[%add3A_108, %dma_start3A_116] : memref<64x128xi32, #tpu.memory_space<vmem>> -> memref<1x128xi32, #tpu.memory_space<vmem>>
          %dma_start3A_118 = tpu.memref_squeeze %dma_start3A_117 : memref<1x128xi32, #tpu.memory_space<vmem>> -> memref<128xi32, #tpu.memory_space<vmem>>
          %dma_start3A_119 = arith.constant 0 : i32
          %dma_start3A_120 = arith.constant 0 : i32
          %dma_start3A_121 = tpu.memref_slice %arg5[%dma_start3A_119, %dma_start3A_120] : memref<10008x128xf32, #tpu.memory_space<vmem_shared>> -> memref<10008x128xf32, #tpu.memory_space<vmem_shared>>
          tpu.enqueue_indirect_dma source(%arg8 : memref<128x128xf32, #tpu.memory_space<vmem>>) target(%dma_start3A_121 : memref<10008x128xf32, #tpu.memory_space<vmem_shared>>) offsets(%dma_start3A_118 : memref<128xi32, #tpu.memory_space<vmem>>) semaphore(%run_scoped3A : memref<!tpu.dma_semaphore, #tpu.memory_space<semaphore_mem>>) {add = true}
          %dma_wait3A_122 = arith.constant 0 : i32
          %dma_wait3A_123 = tpu.memref_slice %arg6[%add3A_108, %dma_wait3A_122] : memref<64x128xi32, #tpu.memory_space<vmem>> -> memref<1x128xi32, #tpu.memory_space<vmem>>
          %dma_wait3A_124 = tpu.memref_squeeze %dma_wait3A_123 : memref<1x128xi32, #tpu.memory_space<vmem>> -> memref<128xi32, #tpu.memory_space<vmem>>
          %dma_wait3A_125 = arith.constant 0 : i32
          %dma_wait3A_126 = arith.constant 0 : i32
          %dma_wait3A_127 = tpu.memref_slice %arg5[%dma_wait3A_125, %dma_wait3A_126] : memref<10008x128xf32, #tpu.memory_space<vmem_shared>> -> memref<10008x128xf32, #tpu.memory_space<vmem_shared>>
          tpu.wait_indirect_dma semaphore(%run_scoped3A : memref<!tpu.dma_semaphore, #tpu.memory_space<semaphore_mem>>) src(%arg8 : memref<128x128xf32, #tpu.memory_space<vmem>>) dst(%dma_wait3A_127 : memref<10008x128xf32, #tpu.memory_space<vmem_shared>>)
          tpu.yield
        }) : () -> ()
        %add3A_109 = arith.constant 2 : i32
        %add3A_110 = arith.addi %add3A_87, %add3A_109 : i32
        %lt3A_111 = arith.constant 32 : i32
        %lt3A_112 = arith.cmpi slt, %add3A_110, %lt3A_111 : i32
        %convert_element_type3A_113 = arith.extui %lt3A_112 : i1 to i32
        %cond3A_114 = arith.constant 0 : i32
        %cond3A_115 = arith.cmpi ne, %convert_element_type3A_113, %cond3A_114 : i32
        scf.if %cond3A_115 {
          %add3A_116 = arith.constant 2 : i32
          %add3A_117 = arith.addi %add3A_87, %add3A_116 : i32
          %dma_start3A_118 = arith.constant 0 : i32
          %dma_start3A_119 = tpu.memref_slice %arg6[%add3A_117, %dma_start3A_118] : memref<64x128xi32, #tpu.memory_space<vmem>> -> memref<1x128xi32, #tpu.memory_space<vmem>>
          %dma_start3A_120 = tpu.memref_squeeze %dma_start3A_119 : memref<1x128xi32, #tpu.memory_space<vmem>> -> memref<128xi32, #tpu.memory_space<vmem>>
          %dma_start3A_121 = arith.constant 0 : i32
          %dma_start3A_122 = arith.constant 0 : i32
          %dma_start3A_123 = tpu.memref_slice %arg2[%dma_start3A_121, %dma_start3A_122] : memref<40000x128xf32, #tpu.memory_space<hbm>> -> memref<40000x128xf32, #tpu.memory_space<hbm>>
          tpu.enqueue_indirect_dma source(%dma_start3A_123 : memref<40000x128xf32, #tpu.memory_space<hbm>>) target(%arg8 : memref<128x128xf32, #tpu.memory_space<vmem>>) offsets(%dma_start3A_120 : memref<128xi32, #tpu.memory_space<vmem>>) semaphore(%arg10 : memref<!tpu.dma_semaphore, #tpu.memory_space<semaphore_mem>>)
        } else {
        }
      }
      %scan3A_82 = arith.constant 16 : i32
    }
    %scan3A_15 = arith.constant 5 : i32
    %barrier3A_16 = arith.constant 0 : index
    tpu.barrier barrier_id(%barrier3A_16)
    %mul3A_17 = arith.constant 624 : i32
    %mul3A_18 = arith.muli %arg1, %mul3A_17 : i32
    "tpu.region"() ({
      %run_scoped3A = tpu.sem_alloc : memref<!tpu.dma_semaphore, #tpu.memory_space<semaphore_mem>>
      %dma_start3A = arith.constant 0 : i32
      %dma_start3A_57 = tpu.memref_slice %arg4[%add3A_6, %dma_start3A] : memref<40000x128xf32, #tpu.memory_space<hbm>> -> memref<624x128xf32, #tpu.memory_space<hbm>>
      %dma_start3A_58 = arith.constant 0 : i32
      %dma_start3A_59 = tpu.memref_slice %arg5[%mul3A_18, %dma_start3A_58] : memref<10008x128xf32, #tpu.memory_space<vmem_shared>> -> memref<624x128xf32, #tpu.memory_space<vmem_shared>>
      tpu.enqueue_dma source(%dma_start3A_59 : memref<624x128xf32, #tpu.memory_space<vmem_shared>>) target(%dma_start3A_57 : memref<624x128xf32, #tpu.memory_space<hbm>>) target_semaphore(%run_scoped3A : memref<!tpu.dma_semaphore, #tpu.memory_space<semaphore_mem>>)
      %dma_wait3A = arith.constant 0 : i32
      %dma_wait3A_60 = tpu.memref_slice %arg4[%add3A_6, %dma_wait3A] : memref<40000x128xf32, #tpu.memory_space<hbm>> -> memref<624x128xf32, #tpu.memory_space<hbm>>
      %dma_wait3A_61 = arith.constant 0 : i32
      %dma_wait3A_62 = tpu.memref_slice %arg5[%mul3A_18, %dma_wait3A_61] : memref<10008x128xf32, #tpu.memory_space<vmem_shared>> -> memref<624x128xf32, #tpu.memory_space<vmem_shared>>
      tpu.wait_dma2 semaphore(%run_scoped3A : memref<!tpu.dma_semaphore, #tpu.memory_space<semaphore_mem>>) src(%dma_wait3A_62 : memref<624x128xf32, #tpu.memory_space<vmem_shared>>) dst(%dma_wait3A_60 : memref<624x128xf32, #tpu.memory_space<hbm>>)
      tpu.yield
    }) : () -> ()
    %eq3A_19 = arith.constant 15 : i32
    %eq3A_20 = arith.cmpi eq, %arg1, %eq3A_19 : i32
    %convert_element_type3A_21 = arith.extui %eq3A_20 : i1 to i32
    %cond3A_22 = arith.constant 0 : i32
    %cond3A_23 = arith.cmpi ne, %convert_element_type3A_21, %cond3A_22 : i32
    scf.if %cond3A_23 {
      %mul3A_57 = arith.constant 10000 : i32
      %mul3A_58 = arith.muli %add3A_1, %mul3A_57 : i32
      %add3A_59 = arith.constant 9984 : i32
      %add3A_60 = arith.addi %mul3A_58, %add3A_59 : i32
      "tpu.region"() ({
        %run_scoped3A = tpu.sem_alloc : memref<!tpu.dma_semaphore, #tpu.memory_space<semaphore_mem>>
        %dma_start3A = arith.constant 0 : i32
        %dma_start3A_61 = tpu.memref_slice %arg4[%add3A_60, %dma_start3A] : memref<40000x128xf32, #tpu.memory_space<hbm>> -> memref<16x128xf32, #tpu.memory_space<hbm>>
        %dma_start3A_62 = arith.constant 9984 : i32
        %dma_start3A_63 = arith.constant 0 : i32
        %dma_start3A_64 = tpu.memref_slice %arg5[%dma_start3A_62, %dma_start3A_63] : memref<10008x128xf32, #tpu.memory_space<vmem_shared>> -> memref<16x128xf32, #tpu.memory_space<vmem_shared>>
        tpu.enqueue_dma source(%dma_start3A_64 : memref<16x128xf32, #tpu.memory_space<vmem_shared>>) target(%dma_start3A_61 : memref<16x128xf32, #tpu.memory_space<hbm>>) target_semaphore(%run_scoped3A : memref<!tpu.dma_semaphore, #tpu.memory_space<semaphore_mem>>)
        %dma_wait3A = arith.constant 0 : i32
        %dma_wait3A_65 = tpu.memref_slice %arg4[%add3A_60, %dma_wait3A] : memref<40000x128xf32, #tpu.memory_space<hbm>> -> memref<16x128xf32, #tpu.memory_space<hbm>>
        %dma_wait3A_66 = arith.constant 9984 : i32
        %dma_wait3A_67 = arith.constant 0 : i32
        %dma_wait3A_68 = tpu.memref_slice %arg5[%dma_wait3A_66, %dma_wait3A_67] : memref<10008x128xf32, #tpu.memory_space<vmem_shared>> -> memref<16x128xf32, #tpu.memory_space<vmem_shared>>
        tpu.wait_dma2 semaphore(%run_scoped3A : memref<!tpu.dma_semaphore, #tpu.memory_space<semaphore_mem>>) src(%dma_wait3A_68 : memref<16x128xf32, #tpu.memory_space<vmem_shared>>) dst(%dma_wait3A_65 : memref<16x128xf32, #tpu.memory_space<hbm>>)
        tpu.yield
      }) : () -> ()
    } else {
    }
    %barrier3A_24 = arith.constant 0 : index
    tpu.barrier barrier_id(%barrier3A_24)
    %mul3A_25 = arith.constant 2 : i32
    %mul3A_26 = arith.muli %arg0, %mul3A_25 : i32
    %add3A_27 = arith.constant 1 : i32
    %add3A_28 = arith.addi %mul3A_26, %add3A_27 : i32
    %mul3A_29 = arith.constant 10000 : i32
    %mul3A_30 = arith.muli %add3A_28, %mul3A_29 : i32
    %mul3A_31 = arith.constant 624 : i32
    %mul3A_32 = arith.muli %arg1, %mul3A_31 : i32
    %add3A_33 = arith.addi %mul3A_30, %mul3A_32 : i32
    %mul3A_34 = arith.constant 624 : i32
    %mul3A_35 = arith.muli %arg1, %mul3A_34 : i32
    "tpu.region"() ({
      %run_scoped3A = tpu.sem_alloc : memref<!tpu.dma_semaphore, #tpu.memory_space<semaphore_mem>>
      %dma_start3A = arith.constant 0 : i32
      %dma_start3A_57 = tpu.memref_slice %arg5[%mul3A_35, %dma_start3A] : memref<10008x128xf32, #tpu.memory_space<vmem_shared>> -> memref<624x128xf32, #tpu.memory_space<vmem_shared>>
      %dma_start3A_58 = arith.constant 0 : i32
      %dma_start3A_59 = tpu.memref_slice %arg2[%add3A_33, %dma_start3A_58] : memref<40000x128xf32, #tpu.memory_space<hbm>> -> memref<624x128xf32, #tpu.memory_space<hbm>>
      tpu.enqueue_dma source(%dma_start3A_59 : memref<624x128xf32, #tpu.memory_space<hbm>>) target(%dma_start3A_57 : memref<624x128xf32, #tpu.memory_space<vmem_shared>>) target_semaphore(%run_scoped3A : memref<!tpu.dma_semaphore, #tpu.memory_space<semaphore_mem>>)
      %dma_wait3A = arith.constant 0 : i32
      %dma_wait3A_60 = tpu.memref_slice %arg5[%mul3A_35, %dma_wait3A] : memref<10008x128xf32, #tpu.memory_space<vmem_shared>> -> memref<624x128xf32, #tpu.memory_space<vmem_shared>>
      %dma_wait3A_61 = arith.constant 0 : i32
      %dma_wait3A_62 = tpu.memref_slice %arg2[%add3A_33, %dma_wait3A_61] : memref<40000x128xf32, #tpu.memory_space<hbm>> -> memref<624x128xf32, #tpu.memory_space<hbm>>
      tpu.wait_dma2 semaphore(%run_scoped3A : memref<!tpu.dma_semaphore, #tpu.memory_space<semaphore_mem>>) src(%dma_wait3A_62 : memref<624x128xf32, #tpu.memory_space<hbm>>) dst(%dma_wait3A_60 : memref<624x128xf32, #tpu.memory_space<vmem_shared>>)
      tpu.yield
    }) : () -> ()
    %eq3A_36 = arith.constant 15 : i32
    %eq3A_37 = arith.cmpi eq, %arg1, %eq3A_36 : i32
    %convert_element_type3A_38 = arith.extui %eq3A_37 : i1 to i32
    %cond3A_39 = arith.constant 0 : i32
    %cond3A_40 = arith.cmpi ne, %convert_element_type3A_38, %cond3A_39 : i32
    scf.if %cond3A_40 {
      %mul3A_57 = arith.constant 10000 : i32
      %mul3A_58 = arith.muli %add3A_28, %mul3A_57 : i32
      %add3A_59 = arith.constant 9984 : i32
      %add3A_60 = arith.addi %mul3A_58, %add3A_59 : i32
      "tpu.region"() ({
        %run_scoped3A = tpu.sem_alloc : memref<!tpu.dma_semaphore, #tpu.memory_space<semaphore_mem>>
        %dma_start3A = arith.constant 9984 : i32
        %dma_start3A_61 = arith.constant 0 : i32
        %dma_start3A_62 = tpu.memref_slice %arg5[%dma_start3A, %dma_start3A_61] : memref<10008x128xf32, #tpu.memory_space<vmem_shared>> -> memref<16x128xf32, #tpu.memory_space<vmem_shared>>
        %dma_start3A_63 = arith.constant 0 : i32
        %dma_start3A_64 = tpu.memref_slice %arg2[%add3A_60, %dma_start3A_63] : memref<40000x128xf32, #tpu.memory_space<hbm>> -> memref<16x128xf32, #tpu.memory_space<hbm>>
        tpu.enqueue_dma source(%dma_start3A_64 : memref<16x128xf32, #tpu.memory_space<hbm>>) target(%dma_start3A_62 : memref<16x128xf32, #tpu.memory_space<vmem_shared>>) target_semaphore(%run_scoped3A : memref<!tpu.dma_semaphore, #tpu.memory_space<semaphore_mem>>)
        %dma_wait3A = arith.constant 9984 : i32
        %dma_wait3A_65 = arith.constant 0 : i32
        %dma_wait3A_66 = tpu.memref_slice %arg5[%dma_wait3A, %dma_wait3A_65] : memref<10008x128xf32, #tpu.memory_space<vmem_shared>> -> memref<16x128xf32, #tpu.memory_space<vmem_shared>>
        %dma_wait3A_67 = arith.constant 0 : i32
        %dma_wait3A_68 = tpu.memref_slice %arg2[%add3A_60, %dma_wait3A_67] : memref<40000x128xf32, #tpu.memory_space<hbm>> -> memref<16x128xf32, #tpu.memory_space<hbm>>
        tpu.wait_dma2 semaphore(%run_scoped3A : memref<!tpu.dma_semaphore, #tpu.memory_space<semaphore_mem>>) src(%dma_wait3A_68 : memref<16x128xf32, #tpu.memory_space<hbm>>) dst(%dma_wait3A_66 : memref<16x128xf32, #tpu.memory_space<vmem_shared>>)
        tpu.yield
      }) : () -> ()
    } else {
    }
    %barrier3A_41 = arith.constant 0 : index
    tpu.barrier barrier_id(%barrier3A_41)
    %scan3A_42 = arith.constant 0 : i32
    %scan3A_43 = arith.constant 0 : i32
    %scan3A_44 = arith.constant 5 : i32
    %scan3A_45 = arith.addi %scan3A_43, %scan3A_44 : i32
    %scan3A_46 = arith.constant 1 : i32
    scf.for %scan3A_57 = %scan3A_43 to %scan3A_45 step %scan3A_46  : i32 {
      %mul3A_58 = arith.constant 16 : i32
      %mul3A_59 = arith.muli %add3A_28, %mul3A_58 : i32
      %add3A_60 = arith.addi %mul3A_59, %arg1 : i32
      %mul3A_61 = arith.constant 5 : i32
      %mul3A_62 = arith.muli %add3A_60, %mul3A_61 : i32
      %add3A_63 = arith.addi %mul3A_62, %scan3A_57 : i32
      "tpu.region"() ({
        %run_scoped3A = tpu.sem_alloc : memref<!tpu.dma_semaphore, #tpu.memory_space<semaphore_mem>>
        %dma_start3A_83 = arith.constant 0 : i32
        %dma_start3A_84 = arith.constant 0 : i32
        %dma_start3A_85 = tpu.memref_slice %arg3[%add3A_63, %dma_start3A_83, %dma_start3A_84] : memref<320x64x128xi32, #tpu.memory_space<hbm>> -> memref<1x64x128xi32, #tpu.memory_space<hbm>>
        %dma_start3A_86 = tpu.memref_squeeze %dma_start3A_85 : memref<1x64x128xi32, #tpu.memory_space<hbm>> -> memref<64x128xi32, #tpu.memory_space<hbm>>
        %dma_start3A_87 = arith.constant 0 : i32
        %dma_start3A_88 = arith.constant 0 : i32
        %dma_start3A_89 = tpu.memref_slice %arg3[%add3A_63, %dma_start3A_87, %dma_start3A_88] : memref<320x64x128xi32, #tpu.memory_space<hbm>> -> memref<1x64x128xi32, #tpu.memory_space<hbm>>
        %dma_start3A_90 = tpu.memref_squeeze %dma_start3A_89 : memref<1x64x128xi32, #tpu.memory_space<hbm>> -> memref<64x128xi32, #tpu.memory_space<hbm>>
        tpu.enqueue_dma source(%dma_start3A_90 : memref<64x128xi32, #tpu.memory_space<hbm>>) target(%arg6 : memref<64x128xi32, #tpu.memory_space<vmem>>) target_semaphore(%run_scoped3A : memref<!tpu.dma_semaphore, #tpu.memory_space<semaphore_mem>>)
        %dma_wait3A = arith.constant 0 : i32
        %dma_wait3A_91 = arith.constant 0 : i32
        %dma_wait3A_92 = tpu.memref_slice %arg3[%add3A_63, %dma_wait3A, %dma_wait3A_91] : memref<320x64x128xi32, #tpu.memory_space<hbm>> -> memref<1x64x128xi32, #tpu.memory_space<hbm>>
        %dma_wait3A_93 = tpu.memref_squeeze %dma_wait3A_92 : memref<1x64x128xi32, #tpu.memory_space<hbm>> -> memref<64x128xi32, #tpu.memory_space<hbm>>
        %dma_wait3A_94 = arith.constant 0 : i32
        %dma_wait3A_95 = arith.constant 0 : i32
        %dma_wait3A_96 = tpu.memref_slice %arg3[%add3A_63, %dma_wait3A_94, %dma_wait3A_95] : memref<320x64x128xi32, #tpu.memory_space<hbm>> -> memref<1x64x128xi32, #tpu.memory_space<hbm>>
        %dma_wait3A_97 = tpu.memref_squeeze %dma_wait3A_96 : memref<1x64x128xi32, #tpu.memory_space<hbm>> -> memref<64x128xi32, #tpu.memory_space<hbm>>
        tpu.wait_dma2 semaphore(%run_scoped3A : memref<!tpu.dma_semaphore, #tpu.memory_space<semaphore_mem>>) src(%dma_wait3A_97 : memref<64x128xi32, #tpu.memory_space<hbm>>) dst(%arg6 : memref<64x128xi32, #tpu.memory_space<vmem>>)
        tpu.yield
      }) : () -> ()
      %dma_start3A = arith.constant 0 : i32
      %dma_start3A_64 = arith.constant 0 : i32
      %dma_start3A_65 = tpu.memref_slice %arg6[%dma_start3A, %dma_start3A_64] : memref<64x128xi32, #tpu.memory_space<vmem>> -> memref<1x128xi32, #tpu.memory_space<vmem>>
      %dma_start3A_66 = tpu.memref_squeeze %dma_start3A_65 : memref<1x128xi32, #tpu.memory_space<vmem>> -> memref<128xi32, #tpu.memory_space<vmem>>
      %dma_start3A_67 = arith.constant 0 : i32
      %dma_start3A_68 = arith.constant 0 : i32
      %dma_start3A_69 = tpu.memref_slice %arg2[%dma_start3A_67, %dma_start3A_68] : memref<40000x128xf32, #tpu.memory_space<hbm>> -> memref<40000x128xf32, #tpu.memory_space<hbm>>
      tpu.enqueue_indirect_dma source(%dma_start3A_69 : memref<40000x128xf32, #tpu.memory_space<hbm>>) target(%arg7 : memref<128x128xf32, #tpu.memory_space<vmem>>) offsets(%dma_start3A_66 : memref<128xi32, #tpu.memory_space<vmem>>) semaphore(%arg9 : memref<!tpu.dma_semaphore, #tpu.memory_space<semaphore_mem>>)
      %dma_start3A_70 = arith.constant 1 : i32
      %dma_start3A_71 = arith.constant 0 : i32
      %dma_start3A_72 = tpu.memref_slice %arg6[%dma_start3A_70, %dma_start3A_71] : memref<64x128xi32, #tpu.memory_space<vmem>> -> memref<1x128xi32, #tpu.memory_space<vmem>>
      %dma_start3A_73 = tpu.memref_squeeze %dma_start3A_72 : memref<1x128xi32, #tpu.memory_space<vmem>> -> memref<128xi32, #tpu.memory_space<vmem>>
      %dma_start3A_74 = arith.constant 0 : i32
      %dma_start3A_75 = arith.constant 0 : i32
      %dma_start3A_76 = tpu.memref_slice %arg2[%dma_start3A_74, %dma_start3A_75] : memref<40000x128xf32, #tpu.memory_space<hbm>> -> memref<40000x128xf32, #tpu.memory_space<hbm>>
      tpu.enqueue_indirect_dma source(%dma_start3A_76 : memref<40000x128xf32, #tpu.memory_space<hbm>>) target(%arg8 : memref<128x128xf32, #tpu.memory_space<vmem>>) offsets(%dma_start3A_73 : memref<128xi32, #tpu.memory_space<vmem>>) semaphore(%arg10 : memref<!tpu.dma_semaphore, #tpu.memory_space<semaphore_mem>>)
      %scan3A_77 = arith.constant 0 : i32
      %scan3A_78 = arith.constant 0 : i32
      %scan3A_79 = arith.constant 16 : i32
      %scan3A_80 = arith.addi %scan3A_78, %scan3A_79 : i32
      %scan3A_81 = arith.constant 1 : i32
      scf.for %scan3A_83 = %scan3A_78 to %scan3A_80 step %scan3A_81  : i32 {
        %mul3A_84 = arith.constant 2 : i32
        %mul3A_85 = arith.muli %mul3A_84, %scan3A_83 : i32
        %add3A_86 = arith.constant 1 : i32
        %add3A_87 = arith.addi %mul3A_85, %add3A_86 : i32
        %dma_wait3A = arith.constant 0 : i32
        %dma_wait3A_88 = tpu.memref_slice %arg6[%mul3A_85, %dma_wait3A] : memref<64x128xi32, #tpu.memory_space<vmem>> -> memref<1x128xi32, #tpu.memory_space<vmem>>
        %dma_wait3A_89 = tpu.memref_squeeze %dma_wait3A_88 : memref<1x128xi32, #tpu.memory_space<vmem>> -> memref<128xi32, #tpu.memory_space<vmem>>
        %dma_wait3A_90 = arith.constant 0 : i32
        %dma_wait3A_91 = arith.constant 0 : i32
        %dma_wait3A_92 = tpu.memref_slice %arg2[%dma_wait3A_90, %dma_wait3A_91] : memref<40000x128xf32, #tpu.memory_space<hbm>> -> memref<40000x128xf32, #tpu.memory_space<hbm>>
        tpu.wait_indirect_dma semaphore(%arg9 : memref<!tpu.dma_semaphore, #tpu.memory_space<semaphore_mem>>) src(%dma_wait3A_92 : memref<40000x128xf32, #tpu.memory_space<hbm>>) dst(%arg7 : memref<128x128xf32, #tpu.memory_space<vmem>>)
        %add3A_93 = arith.constant 32 : i32
        %add3A_94 = arith.addi %add3A_93, %mul3A_85 : i32
        "tpu.region"() ({
          %run_scoped3A = tpu.sem_alloc : memref<!tpu.dma_semaphore, #tpu.memory_space<semaphore_mem>>
          %dma_start3A_116 = arith.constant 0 : i32
          %dma_start3A_117 = tpu.memref_slice %arg6[%add3A_94, %dma_start3A_116] : memref<64x128xi32, #tpu.memory_space<vmem>> -> memref<1x128xi32, #tpu.memory_space<vmem>>
          %dma_start3A_118 = tpu.memref_squeeze %dma_start3A_117 : memref<1x128xi32, #tpu.memory_space<vmem>> -> memref<128xi32, #tpu.memory_space<vmem>>
          %dma_start3A_119 = arith.constant 0 : i32
          %dma_start3A_120 = arith.constant 0 : i32
          %dma_start3A_121 = tpu.memref_slice %arg5[%dma_start3A_119, %dma_start3A_120] : memref<10008x128xf32, #tpu.memory_space<vmem_shared>> -> memref<10008x128xf32, #tpu.memory_space<vmem_shared>>
          tpu.enqueue_indirect_dma source(%arg7 : memref<128x128xf32, #tpu.memory_space<vmem>>) target(%dma_start3A_121 : memref<10008x128xf32, #tpu.memory_space<vmem_shared>>) offsets(%dma_start3A_118 : memref<128xi32, #tpu.memory_space<vmem>>) semaphore(%run_scoped3A : memref<!tpu.dma_semaphore, #tpu.memory_space<semaphore_mem>>) {add = true}
          %dma_wait3A_122 = arith.constant 0 : i32
          %dma_wait3A_123 = tpu.memref_slice %arg6[%add3A_94, %dma_wait3A_122] : memref<64x128xi32, #tpu.memory_space<vmem>> -> memref<1x128xi32, #tpu.memory_space<vmem>>
          %dma_wait3A_124 = tpu.memref_squeeze %dma_wait3A_123 : memref<1x128xi32, #tpu.memory_space<vmem>> -> memref<128xi32, #tpu.memory_space<vmem>>
          %dma_wait3A_125 = arith.constant 0 : i32
          %dma_wait3A_126 = arith.constant 0 : i32
          %dma_wait3A_127 = tpu.memref_slice %arg5[%dma_wait3A_125, %dma_wait3A_126] : memref<10008x128xf32, #tpu.memory_space<vmem_shared>> -> memref<10008x128xf32, #tpu.memory_space<vmem_shared>>
          tpu.wait_indirect_dma semaphore(%run_scoped3A : memref<!tpu.dma_semaphore, #tpu.memory_space<semaphore_mem>>) src(%arg7 : memref<128x128xf32, #tpu.memory_space<vmem>>) dst(%dma_wait3A_127 : memref<10008x128xf32, #tpu.memory_space<vmem_shared>>)
          tpu.yield
        }) : () -> ()
        %add3A_95 = arith.constant 2 : i32
        %add3A_96 = arith.addi %mul3A_85, %add3A_95 : i32
        %lt3A = arith.constant 32 : i32
        %lt3A_97 = arith.cmpi slt, %add3A_96, %lt3A : i32
        %convert_element_type3A_98 = arith.extui %lt3A_97 : i1 to i32
        %cond3A_99 = arith.constant 0 : i32
        %cond3A_100 = arith.cmpi ne, %convert_element_type3A_98, %cond3A_99 : i32
        scf.if %cond3A_100 {
          %add3A_116 = arith.constant 2 : i32
          %add3A_117 = arith.addi %mul3A_85, %add3A_116 : i32
          %dma_start3A_118 = arith.constant 0 : i32
          %dma_start3A_119 = tpu.memref_slice %arg6[%add3A_117, %dma_start3A_118] : memref<64x128xi32, #tpu.memory_space<vmem>> -> memref<1x128xi32, #tpu.memory_space<vmem>>
          %dma_start3A_120 = tpu.memref_squeeze %dma_start3A_119 : memref<1x128xi32, #tpu.memory_space<vmem>> -> memref<128xi32, #tpu.memory_space<vmem>>
          %dma_start3A_121 = arith.constant 0 : i32
          %dma_start3A_122 = arith.constant 0 : i32
          %dma_start3A_123 = tpu.memref_slice %arg2[%dma_start3A_121, %dma_start3A_122] : memref<40000x128xf32, #tpu.memory_space<hbm>> -> memref<40000x128xf32, #tpu.memory_space<hbm>>
          tpu.enqueue_indirect_dma source(%dma_start3A_123 : memref<40000x128xf32, #tpu.memory_space<hbm>>) target(%arg7 : memref<128x128xf32, #tpu.memory_space<vmem>>) offsets(%dma_start3A_120 : memref<128xi32, #tpu.memory_space<vmem>>) semaphore(%arg9 : memref<!tpu.dma_semaphore, #tpu.memory_space<semaphore_mem>>)
        } else {
        }
        %dma_wait3A_101 = arith.constant 0 : i32
        %dma_wait3A_102 = tpu.memref_slice %arg6[%add3A_87, %dma_wait3A_101] : memref<64x128xi32, #tpu.memory_space<vmem>> -> memref<1x128xi32, #tpu.memory_space<vmem>>
        %dma_wait3A_103 = tpu.memref_squeeze %dma_wait3A_102 : memref<1x128xi32, #tpu.memory_space<vmem>> -> memref<128xi32, #tpu.memory_space<vmem>>
        %dma_wait3A_104 = arith.constant 0 : i32
        %dma_wait3A_105 = arith.constant 0 : i32
        %dma_wait3A_106 = tpu.memref_slice %arg2[%dma_wait3A_104, %dma_wait3A_105] : memref<40000x128xf32, #tpu.memory_space<hbm>> -> memref<40000x128xf32, #tpu.memory_space<hbm>>
        tpu.wait_indirect_dma semaphore(%arg10 : memref<!tpu.dma_semaphore, #tpu.memory_space<semaphore_mem>>) src(%dma_wait3A_106 : memref<40000x128xf32, #tpu.memory_space<hbm>>) dst(%arg8 : memref<128x128xf32, #tpu.memory_space<vmem>>)
        %add3A_107 = arith.constant 32 : i32
        %add3A_108 = arith.addi %add3A_107, %add3A_87 : i32
        "tpu.region"() ({
          %run_scoped3A = tpu.sem_alloc : memref<!tpu.dma_semaphore, #tpu.memory_space<semaphore_mem>>
          %dma_start3A_116 = arith.constant 0 : i32
          %dma_start3A_117 = tpu.memref_slice %arg6[%add3A_108, %dma_start3A_116] : memref<64x128xi32, #tpu.memory_space<vmem>> -> memref<1x128xi32, #tpu.memory_space<vmem>>
          %dma_start3A_118 = tpu.memref_squeeze %dma_start3A_117 : memref<1x128xi32, #tpu.memory_space<vmem>> -> memref<128xi32, #tpu.memory_space<vmem>>
          %dma_start3A_119 = arith.constant 0 : i32
          %dma_start3A_120 = arith.constant 0 : i32
          %dma_start3A_121 = tpu.memref_slice %arg5[%dma_start3A_119, %dma_start3A_120] : memref<10008x128xf32, #tpu.memory_space<vmem_shared>> -> memref<10008x128xf32, #tpu.memory_space<vmem_shared>>
          tpu.enqueue_indirect_dma source(%arg8 : memref<128x128xf32, #tpu.memory_space<vmem>>) target(%dma_start3A_121 : memref<10008x128xf32, #tpu.memory_space<vmem_shared>>) offsets(%dma_start3A_118 : memref<128xi32, #tpu.memory_space<vmem>>) semaphore(%run_scoped3A : memref<!tpu.dma_semaphore, #tpu.memory_space<semaphore_mem>>) {add = true}
          %dma_wait3A_122 = arith.constant 0 : i32
          %dma_wait3A_123 = tpu.memref_slice %arg6[%add3A_108, %dma_wait3A_122] : memref<64x128xi32, #tpu.memory_space<vmem>> -> memref<1x128xi32, #tpu.memory_space<vmem>>
          %dma_wait3A_124 = tpu.memref_squeeze %dma_wait3A_123 : memref<1x128xi32, #tpu.memory_space<vmem>> -> memref<128xi32, #tpu.memory_space<vmem>>
          %dma_wait3A_125 = arith.constant 0 : i32
          %dma_wait3A_126 = arith.constant 0 : i32
          %dma_wait3A_127 = tpu.memref_slice %arg5[%dma_wait3A_125, %dma_wait3A_126] : memref<10008x128xf32, #tpu.memory_space<vmem_shared>> -> memref<10008x128xf32, #tpu.memory_space<vmem_shared>>
          tpu.wait_indirect_dma semaphore(%run_scoped3A : memref<!tpu.dma_semaphore, #tpu.memory_space<semaphore_mem>>) src(%arg8 : memref<128x128xf32, #tpu.memory_space<vmem>>) dst(%dma_wait3A_127 : memref<10008x128xf32, #tpu.memory_space<vmem_shared>>)
          tpu.yield
        }) : () -> ()
        %add3A_109 = arith.constant 2 : i32
        %add3A_110 = arith.addi %add3A_87, %add3A_109 : i32
        %lt3A_111 = arith.constant 32 : i32
        %lt3A_112 = arith.cmpi slt, %add3A_110, %lt3A_111 : i32
        %convert_element_type3A_113 = arith.extui %lt3A_112 : i1 to i32
        %cond3A_114 = arith.constant 0 : i32
        %cond3A_115 = arith.cmpi ne, %convert_element_type3A_113, %cond3A_114 : i32
        scf.if %cond3A_115 {
          %add3A_116 = arith.constant 2 : i32
          %add3A_117 = arith.addi %add3A_87, %add3A_116 : i32
          %dma_start3A_118 = arith.constant 0 : i32
          %dma_start3A_119 = tpu.memref_slice %arg6[%add3A_117, %dma_start3A_118] : memref<64x128xi32, #tpu.memory_space<vmem>> -> memref<1x128xi32, #tpu.memory_space<vmem>>
          %dma_start3A_120 = tpu.memref_squeeze %dma_start3A_119 : memref<1x128xi32, #tpu.memory_space<vmem>> -> memref<128xi32, #tpu.memory_space<vmem>>
          %dma_start3A_121 = arith.constant 0 : i32
          %dma_start3A_122 = arith.constant 0 : i32
          %dma_start3A_123 = tpu.memref_slice %arg2[%dma_start3A_121, %dma_start3A_122] : memref<40000x128xf32, #tpu.memory_space<hbm>> -> memref<40000x128xf32, #tpu.memory_space<hbm>>
          tpu.enqueue_indirect_dma source(%dma_start3A_123 : memref<40000x128xf32, #tpu.memory_space<hbm>>) target(%arg8 : memref<128x128xf32, #tpu.memory_space<vmem>>) offsets(%dma_start3A_120 : memref<128xi32, #tpu.memory_space<vmem>>) semaphore(%arg10 : memref<!tpu.dma_semaphore, #tpu.memory_space<semaphore_mem>>)
        } else {
        }
      }
      %scan3A_82 = arith.constant 16 : i32
    }
    %scan3A_47 = arith.constant 5 : i32
    %barrier3A_48 = arith.constant 0 : index
    tpu.barrier barrier_id(%barrier3A_48)
    %mul3A_49 = arith.constant 624 : i32
    %mul3A_50 = arith.muli %arg1, %mul3A_49 : i32
    "tpu.region"() ({
      %run_scoped3A = tpu.sem_alloc : memref<!tpu.dma_semaphore, #tpu.memory_space<semaphore_mem>>
      %dma_start3A = arith.constant 0 : i32
      %dma_start3A_57 = tpu.memref_slice %arg4[%add3A_33, %dma_start3A] : memref<40000x128xf32, #tpu.memory_space<hbm>> -> memref<624x128xf32, #tpu.memory_space<hbm>>
      %dma_start3A_58 = arith.constant 0 : i32
      %dma_start3A_59 = tpu.memref_slice %arg5[%mul3A_50, %dma_start3A_58] : memref<10008x128xf32, #tpu.memory_space<vmem_shared>> -> memref<624x128xf32, #tpu.memory_space<vmem_shared>>
      tpu.enqueue_dma source(%dma_start3A_59 : memref<624x128xf32, #tpu.memory_space<vmem_shared>>) target(%dma_start3A_57 : memref<624x128xf32, #tpu.memory_space<hbm>>) target_semaphore(%run_scoped3A : memref<!tpu.dma_semaphore, #tpu.memory_space<semaphore_mem>>)
      %dma_wait3A = arith.constant 0 : i32
      %dma_wait3A_60 = tpu.memref_slice %arg4[%add3A_33, %dma_wait3A] : memref<40000x128xf32, #tpu.memory_space<hbm>> -> memref<624x128xf32, #tpu.memory_space<hbm>>
      %dma_wait3A_61 = arith.constant 0 : i32
      %dma_wait3A_62 = tpu.memref_slice %arg5[%mul3A_50, %dma_wait3A_61] : memref<10008x128xf32, #tpu.memory_space<vmem_shared>> -> memref<624x128xf32, #tpu.memory_space<vmem_shared>>
      tpu.wait_dma2 semaphore(%run_scoped3A : memref<!tpu.dma_semaphore, #tpu.memory_space<semaphore_mem>>) src(%dma_wait3A_62 : memref<624x128xf32, #tpu.memory_space<vmem_shared>>) dst(%dma_wait3A_60 : memref<624x128xf32, #tpu.memory_space<hbm>>)
      tpu.yield
    }) : () -> ()
    %eq3A_51 = arith.constant 15 : i32
    %eq3A_52 = arith.cmpi eq, %arg1, %eq3A_51 : i32
    %convert_element_type3A_53 = arith.extui %eq3A_52 : i1 to i32
    %cond3A_54 = arith.constant 0 : i32
    %cond3A_55 = arith.cmpi ne, %convert_element_type3A_53, %cond3A_54 : i32
    scf.if %cond3A_55 {
      %mul3A_57 = arith.constant 10000 : i32
      %mul3A_58 = arith.muli %add3A_28, %mul3A_57 : i32
      %add3A_59 = arith.constant 9984 : i32
      %add3A_60 = arith.addi %mul3A_58, %add3A_59 : i32
      "tpu.region"() ({
        %run_scoped3A = tpu.sem_alloc : memref<!tpu.dma_semaphore, #tpu.memory_space<semaphore_mem>>
        %dma_start3A = arith.constant 0 : i32
        %dma_start3A_61 = tpu.memref_slice %arg4[%add3A_60, %dma_start3A] : memref<40000x128xf32, #tpu.memory_space<hbm>> -> memref<16x128xf32, #tpu.memory_space<hbm>>
        %dma_start3A_62 = arith.constant 9984 : i32
        %dma_start3A_63 = arith.constant 0 : i32
        %dma_start3A_64 = tpu.memref_slice %arg5[%dma_start3A_62, %dma_start3A_63] : memref<10008x128xf32, #tpu.memory_space<vmem_shared>> -> memref<16x128xf32, #tpu.memory_space<vmem_shared>>
        tpu.enqueue_dma source(%dma_start3A_64 : memref<16x128xf32, #tpu.memory_space<vmem_shared>>) target(%dma_start3A_61 : memref<16x128xf32, #tpu.memory_space<hbm>>) target_semaphore(%run_scoped3A : memref<!tpu.dma_semaphore, #tpu.memory_space<semaphore_mem>>)
        %dma_wait3A = arith.constant 0 : i32
        %dma_wait3A_65 = tpu.memref_slice %arg4[%add3A_60, %dma_wait3A] : memref<40000x128xf32, #tpu.memory_space<hbm>> -> memref<16x128xf32, #tpu.memory_space<hbm>>
        %dma_wait3A_66 = arith.constant 9984 : i32
        %dma_wait3A_67 = arith.constant 0 : i32
        %dma_wait3A_68 = tpu.memref_slice %arg5[%dma_wait3A_66, %dma_wait3A_67] : memref<10008x128xf32, #tpu.memory_space<vmem_shared>> -> memref<16x128xf32, #tpu.memory_space<vmem_shared>>
        tpu.wait_dma2 semaphore(%run_scoped3A : memref<!tpu.dma_semaphore, #tpu.memory_space<semaphore_mem>>) src(%dma_wait3A_68 : memref<16x128xf32, #tpu.memory_space<vmem_shared>>) dst(%dma_wait3A_65 : memref<16x128xf32, #tpu.memory_space<hbm>>)
        tpu.yield
      }) : () -> ()
    } else {
    }
    %barrier3A_56 = arith.constant 0 : index
    tpu.barrier barrier_id(%barrier3A_56)
    return
  }
}

#map = affine_map<(d0, d1) -> (0, 0)>
#map1 = affine_map<(d0, d1) -> (0, 0, 0)>
module attributes {stable_mosaic.version = 14 : i64} {
  func.func @agg(%arg0: i32, %arg1: i32, %arg2: memref<40000x128xf32, #tpu.memory_space<hbm>>, %arg3: memref<320x64x128xi32, #tpu.memory_space<hbm>>, %arg4: memref<40000x128xf32, #tpu.memory_space<hbm>>, %arg5: memref<10008x128xf32, #tpu.memory_space<vmem_shared>>, %arg6: memref<64x128xi32, #tpu.memory_space<vmem>>, %arg7: memref<128x128xf32, #tpu.memory_space<vmem>>, %arg8: memref<128x128xf32, #tpu.memory_space<vmem>>, %arg9: memref<!tpu.dma_semaphore, #tpu.memory_space<semaphore_mem>>, %arg10: memref<!tpu.dma_semaphore, #tpu.memory_space<semaphore_mem>>) attributes {dimension_semantics = [#tpu.dimension_semantics<core_parallel>, #tpu.dimension_semantics<subcore_parallel>], iteration_bounds = array<i64: 2, 16>, scalar_prefetch = 0 : i64, scratch_operands = 6 : i64, tpu.core_type = #tpu.core_type<sc_vector_subcore>, window_params = [{transform_indices = #map}, {transform_indices = #map1}, {transform_indices = #map}]} {
    %mul3A = arith.constant 2 : i32
    %mul3A_0 = arith.muli %arg0, %mul3A : i32
    %add3A = arith.constant 0 : i32
    %add3A_1 = arith.addi %mul3A_0, %add3A : i32
    %mul3A_2 = arith.constant 10000 : i32
    %mul3A_3 = arith.muli %add3A_1, %mul3A_2 : i32
    %mul3A_4 = arith.constant 624 : i32
    %mul3A_5 = arith.muli %arg1, %mul3A_4 : i32
    %add3A_6 = arith.addi %mul3A_3, %mul3A_5 : i32
    %mul3A_7 = arith.constant 624 : i32
    %mul3A_8 = arith.muli %arg1, %mul3A_7 : i32
    "tpu.region"() ({
      %run_scoped3A = tpu.sem_alloc : memref<!tpu.dma_semaphore, #tpu.memory_space<semaphore_mem>>
      %dma_start3A = arith.constant 0 : i32
      %dma_start3A_57 = tpu.memref_slice %arg5[%mul3A_8, %dma_start3A] : memref<10008x128xf32, #tpu.memory_space<vmem_shared>> -> memref<624x128xf32, #tpu.memory_space<vmem_shared>>
      %dma_start3A_58 = arith.constant 0 : i32
      %dma_start3A_59 = tpu.memref_slice %arg2[%add3A_6, %dma_start3A_58] : memref<40000x128xf32, #tpu.memory_space<hbm>> -> memref<624x128xf32, #tpu.memory_space<hbm>>
      tpu.enqueue_dma source(%dma_start3A_59 : memref<624x128xf32, #tpu.memory_space<hbm>>) target(%dma_start3A_57 : memref<624x128xf32, #tpu.memory_space<vmem_shared>>) target_semaphore(%run_scoped3A : memref<!tpu.dma_semaphore, #tpu.memory_space<semaphore_mem>>)
      %dma_wait3A = arith.constant 0 : i32
      %dma_wait3A_60 = tpu.memref_slice %arg5[%mul3A_8, %dma_wait3A] : memref<10008x128xf32, #tpu.memory_space<vmem_shared>> -> memref<624x128xf32, #tpu.memory_space<vmem_shared>>
      %dma_wait3A_61 = arith.constant 0 : i32
      %dma_wait3A_62 = tpu.memref_slice %arg2[%add3A_6, %dma_wait3A_61] : memref<40000x128xf32, #tpu.memory_space<hbm>> -> memref<624x128xf32, #tpu.memory_space<hbm>>
      tpu.wait_dma2 semaphore(%run_scoped3A : memref<!tpu.dma_semaphore, #tpu.memory_space<semaphore_mem>>) src(%dma_wait3A_62 : memref<624x128xf32, #tpu.memory_space<hbm>>) dst(%dma_wait3A_60 : memref<624x128xf32, #tpu.memory_space<vmem_shared>>)
      tpu.yield
    }) : () -> ()
    %eq3A = arith.constant 15 : i32
    %eq3A_9 = arith.cmpi eq, %arg1, %eq3A : i32
    %convert_element_type3A = arith.extui %eq3A_9 : i1 to i32
    %cond3A = arith.constant 0 : i32
    %cond3A_10 = arith.cmpi ne, %convert_element_type3A, %cond3A : i32
    scf.if %cond3A_10 {
      %mul3A_57 = arith.constant 10000 : i32
      %mul3A_58 = arith.muli %add3A_1, %mul3A_57 : i32
      %add3A_59 = arith.constant 9984 : i32
      %add3A_60 = arith.addi %mul3A_58, %add3A_59 : i32
      "tpu.region"() ({
        %run_scoped3A = tpu.sem_alloc : memref<!tpu.dma_semaphore, #tpu.memory_space<semaphore_mem>>
        %dma_start3A = arith.constant 9984 : i32
        %dma_start3A_61 = arith.constant 0 : i32
        %dma_start3A_62 = tpu.memref_slice %arg5[%dma_start3A, %dma_start3A_61] : memref<10008x128xf32, #tpu.memory_space<vmem_shared>> -> memref<16x128xf32, #tpu.memory_space<vmem_shared>>
        %dma_start3A_63 = arith.constant 0 : i32
        %dma_start3A_64 = tpu.memref_slice %arg2[%add3A_60, %dma_start3A_63] : memref<40000x128xf32, #tpu.memory_space<hbm>> -> memref<16x128xf32, #tpu.memory_space<hbm>>
        tpu.enqueue_dma source(%dma_start3A_64 : memref<16x128xf32, #tpu.memory_space<hbm>>) target(%dma_start3A_62 : memref<16x128xf32, #tpu.memory_space<vmem_shared>>) target_semaphore(%run_scoped3A : memref<!tpu.dma_semaphore, #tpu.memory_space<semaphore_mem>>)
        %dma_wait3A = arith.constant 9984 : i32
        %dma_wait3A_65 = arith.constant 0 : i32
        %dma_wait3A_66 = tpu.memref_slice %arg5[%dma_wait3A, %dma_wait3A_65] : memref<10008x128xf32, #tpu.memory_space<vmem_shared>> -> memref<16x128xf32, #tpu.memory_space<vmem_shared>>
        %dma_wait3A_67 = arith.constant 0 : i32
        %dma_wait3A_68 = tpu.memref_slice %arg2[%add3A_60, %dma_wait3A_67] : memref<40000x128xf32, #tpu.memory_space<hbm>> -> memref<16x128xf32, #tpu.memory_space<hbm>>
        tpu.wait_dma2 semaphore(%run_scoped3A : memref<!tpu.dma_semaphore, #tpu.memory_space<semaphore_mem>>) src(%dma_wait3A_68 : memref<16x128xf32, #tpu.memory_space<hbm>>) dst(%dma_wait3A_66 : memref<16x128xf32, #tpu.memory_space<vmem_shared>>)
        tpu.yield
      }) : () -> ()
    } else {
    }
    %barrier3A = arith.constant 0 : index
    tpu.barrier barrier_id(%barrier3A)
    %scan3A = arith.constant 0 : i32
    %scan3A_11 = arith.constant 0 : i32
    %scan3A_12 = arith.constant 5 : i32
    %scan3A_13 = arith.addi %scan3A_11, %scan3A_12 : i32
    %scan3A_14 = arith.constant 1 : i32
    scf.for %scan3A_57 = %scan3A_11 to %scan3A_13 step %scan3A_14  : i32 {
      %mul3A_58 = arith.constant 16 : i32
      %mul3A_59 = arith.muli %add3A_1, %mul3A_58 : i32
      %add3A_60 = arith.addi %mul3A_59, %arg1 : i32
      %mul3A_61 = arith.constant 5 : i32
      %mul3A_62 = arith.muli %add3A_60, %mul3A_61 : i32
      %add3A_63 = arith.addi %mul3A_62, %scan3A_57 : i32
      "tpu.region"() ({
        %run_scoped3A = tpu.sem_alloc : memref<!tpu.dma_semaphore, #tpu.memory_space<semaphore_mem>>
        %dma_start3A_83 = arith.constant 0 : i32
        %dma_start3A_84 = arith.constant 0 : i32
        %dma_start3A_85 = tpu.memref_slice %arg3[%add3A_63, %dma_start3A_83, %dma_start3A_84] : memref<320x64x128xi32, #tpu.memory_space<hbm>> -> memref<1x64x128xi32, #tpu.memory_space<hbm>>
        %dma_start3A_86 = tpu.memref_squeeze %dma_start3A_85 : memref<1x64x128xi32, #tpu.memory_space<hbm>> -> memref<64x128xi32, #tpu.memory_space<hbm>>
        %dma_start3A_87 = arith.constant 0 : i32
        %dma_start3A_88 = arith.constant 0 : i32
        %dma_start3A_89 = tpu.memref_slice %arg3[%add3A_63, %dma_start3A_87, %dma_start3A_88] : memref<320x64x128xi32, #tpu.memory_space<hbm>> -> memref<1x64x128xi32, #tpu.memory_space<hbm>>
        %dma_start3A_90 = tpu.memref_squeeze %dma_start3A_89 : memref<1x64x128xi32, #tpu.memory_space<hbm>> -> memref<64x128xi32, #tpu.memory_space<hbm>>
        tpu.enqueue_dma source(%dma_start3A_90 : memref<64x128xi32, #tpu.memory_space<hbm>>) target(%arg6 : memref<64x128xi32, #tpu.memory_space<vmem>>) target_semaphore(%run_scoped3A : memref<!tpu.dma_semaphore, #tpu.memory_space<semaphore_mem>>)
        %dma_wait3A = arith.constant 0 : i32
        %dma_wait3A_91 = arith.constant 0 : i32
        %dma_wait3A_92 = tpu.memref_slice %arg3[%add3A_63, %dma_wait3A, %dma_wait3A_91] : memref<320x64x128xi32, #tpu.memory_space<hbm>> -> memref<1x64x128xi32, #tpu.memory_space<hbm>>
        %dma_wait3A_93 = tpu.memref_squeeze %dma_wait3A_92 : memref<1x64x128xi32, #tpu.memory_space<hbm>> -> memref<64x128xi32, #tpu.memory_space<hbm>>
        %dma_wait3A_94 = arith.constant 0 : i32
        %dma_wait3A_95 = arith.constant 0 : i32
        %dma_wait3A_96 = tpu.memref_slice %arg3[%add3A_63, %dma_wait3A_94, %dma_wait3A_95] : memref<320x64x128xi32, #tpu.memory_space<hbm>> -> memref<1x64x128xi32, #tpu.memory_space<hbm>>
        %dma_wait3A_97 = tpu.memref_squeeze %dma_wait3A_96 : memref<1x64x128xi32, #tpu.memory_space<hbm>> -> memref<64x128xi32, #tpu.memory_space<hbm>>
        tpu.wait_dma2 semaphore(%run_scoped3A : memref<!tpu.dma_semaphore, #tpu.memory_space<semaphore_mem>>) src(%dma_wait3A_97 : memref<64x128xi32, #tpu.memory_space<hbm>>) dst(%arg6 : memref<64x128xi32, #tpu.memory_space<vmem>>)
        tpu.yield
      }) : () -> ()
      %dma_start3A = arith.constant 0 : i32
      %dma_start3A_64 = arith.constant 0 : i32
      %dma_start3A_65 = tpu.memref_slice %arg6[%dma_start3A, %dma_start3A_64] : memref<64x128xi32, #tpu.memory_space<vmem>> -> memref<1x128xi32, #tpu.memory_space<vmem>>
      %dma_start3A_66 = tpu.memref_squeeze %dma_start3A_65 : memref<1x128xi32, #tpu.memory_space<vmem>> -> memref<128xi32, #tpu.memory_space<vmem>>
      %dma_start3A_67 = arith.constant 0 : i32
      %dma_start3A_68 = arith.constant 0 : i32
      %dma_start3A_69 = tpu.memref_slice %arg2[%dma_start3A_67, %dma_start3A_68] : memref<40000x128xf32, #tpu.memory_space<hbm>> -> memref<40000x128xf32, #tpu.memory_space<hbm>>
      tpu.enqueue_indirect_dma source(%dma_start3A_69 : memref<40000x128xf32, #tpu.memory_space<hbm>>) target(%arg7 : memref<128x128xf32, #tpu.memory_space<vmem>>) offsets(%dma_start3A_66 : memref<128xi32, #tpu.memory_space<vmem>>) semaphore(%arg9 : memref<!tpu.dma_semaphore, #tpu.memory_space<semaphore_mem>>)
      %dma_start3A_70 = arith.constant 1 : i32
      %dma_start3A_71 = arith.constant 0 : i32
      %dma_start3A_72 = tpu.memref_slice %arg6[%dma_start3A_70, %dma_start3A_71] : memref<64x128xi32, #tpu.memory_space<vmem>> -> memref<1x128xi32, #tpu.memory_space<vmem>>
      %dma_start3A_73 = tpu.memref_squeeze %dma_start3A_72 : memref<1x128xi32, #tpu.memory_space<vmem>> -> memref<128xi32, #tpu.memory_space<vmem>>
      %dma_start3A_74 = arith.constant 0 : i32
      %dma_start3A_75 = arith.constant 0 : i32
      %dma_start3A_76 = tpu.memref_slice %arg2[%dma_start3A_74, %dma_start3A_75] : memref<40000x128xf32, #tpu.memory_space<hbm>> -> memref<40000x128xf32, #tpu.memory_space<hbm>>
      tpu.enqueue_indirect_dma source(%dma_start3A_76 : memref<40000x128xf32, #tpu.memory_space<hbm>>) target(%arg8 : memref<128x128xf32, #tpu.memory_space<vmem>>) offsets(%dma_start3A_73 : memref<128xi32, #tpu.memory_space<vmem>>) semaphore(%arg10 : memref<!tpu.dma_semaphore, #tpu.memory_space<semaphore_mem>>)
      %scan3A_77 = arith.constant 0 : i32
      %scan3A_78 = arith.constant 0 : i32
      %scan3A_79 = arith.constant 16 : i32
      %scan3A_80 = arith.addi %scan3A_78, %scan3A_79 : i32
      %scan3A_81 = arith.constant 1 : i32
      scf.for %scan3A_83 = %scan3A_78 to %scan3A_80 step %scan3A_81  : i32 {
        %mul3A_84 = arith.constant 2 : i32
        %mul3A_85 = arith.muli %mul3A_84, %scan3A_83 : i32
        %add3A_86 = arith.constant 1 : i32
        %add3A_87 = arith.addi %mul3A_85, %add3A_86 : i32
        %dma_wait3A = arith.constant 0 : i32
        %dma_wait3A_88 = tpu.memref_slice %arg6[%mul3A_85, %dma_wait3A] : memref<64x128xi32, #tpu.memory_space<vmem>> -> memref<1x128xi32, #tpu.memory_space<vmem>>
        %dma_wait3A_89 = tpu.memref_squeeze %dma_wait3A_88 : memref<1x128xi32, #tpu.memory_space<vmem>> -> memref<128xi32, #tpu.memory_space<vmem>>
        %dma_wait3A_90 = arith.constant 0 : i32
        %dma_wait3A_91 = arith.constant 0 : i32
        %dma_wait3A_92 = tpu.memref_slice %arg2[%dma_wait3A_90, %dma_wait3A_91] : memref<40000x128xf32, #tpu.memory_space<hbm>> -> memref<40000x128xf32, #tpu.memory_space<hbm>>
        tpu.wait_indirect_dma semaphore(%arg9 : memref<!tpu.dma_semaphore, #tpu.memory_space<semaphore_mem>>) src(%dma_wait3A_92 : memref<40000x128xf32, #tpu.memory_space<hbm>>) dst(%arg7 : memref<128x128xf32, #tpu.memory_space<vmem>>)
        %add3A_93 = arith.constant 32 : i32
        %add3A_94 = arith.addi %add3A_93, %mul3A_85 : i32
        "tpu.region"() ({
          %run_scoped3A = tpu.sem_alloc : memref<!tpu.dma_semaphore, #tpu.memory_space<semaphore_mem>>
          %dma_start3A_116 = arith.constant 0 : i32
          %dma_start3A_117 = tpu.memref_slice %arg6[%add3A_94, %dma_start3A_116] : memref<64x128xi32, #tpu.memory_space<vmem>> -> memref<1x128xi32, #tpu.memory_space<vmem>>
          %dma_start3A_118 = tpu.memref_squeeze %dma_start3A_117 : memref<1x128xi32, #tpu.memory_space<vmem>> -> memref<128xi32, #tpu.memory_space<vmem>>
          %dma_start3A_119 = arith.constant 0 : i32
          %dma_start3A_120 = arith.constant 0 : i32
          %dma_start3A_121 = tpu.memref_slice %arg5[%dma_start3A_119, %dma_start3A_120] : memref<10008x128xf32, #tpu.memory_space<vmem_shared>> -> memref<10008x128xf32, #tpu.memory_space<vmem_shared>>
          tpu.enqueue_indirect_dma source(%arg7 : memref<128x128xf32, #tpu.memory_space<vmem>>) target(%dma_start3A_121 : memref<10008x128xf32, #tpu.memory_space<vmem_shared>>) offsets(%dma_start3A_118 : memref<128xi32, #tpu.memory_space<vmem>>) semaphore(%run_scoped3A : memref<!tpu.dma_semaphore, #tpu.memory_space<semaphore_mem>>) {add = true}
          %dma_wait3A_122 = arith.constant 0 : i32
          %dma_wait3A_123 = tpu.memref_slice %arg6[%add3A_94, %dma_wait3A_122] : memref<64x128xi32, #tpu.memory_space<vmem>> -> memref<1x128xi32, #tpu.memory_space<vmem>>
          %dma_wait3A_124 = tpu.memref_squeeze %dma_wait3A_123 : memref<1x128xi32, #tpu.memory_space<vmem>> -> memref<128xi32, #tpu.memory_space<vmem>>
          %dma_wait3A_125 = arith.constant 0 : i32
          %dma_wait3A_126 = arith.constant 0 : i32
          %dma_wait3A_127 = tpu.memref_slice %arg5[%dma_wait3A_125, %dma_wait3A_126] : memref<10008x128xf32, #tpu.memory_space<vmem_shared>> -> memref<10008x128xf32, #tpu.memory_space<vmem_shared>>
          tpu.wait_indirect_dma semaphore(%run_scoped3A : memref<!tpu.dma_semaphore, #tpu.memory_space<semaphore_mem>>) src(%arg7 : memref<128x128xf32, #tpu.memory_space<vmem>>) dst(%dma_wait3A_127 : memref<10008x128xf32, #tpu.memory_space<vmem_shared>>)
          tpu.yield
        }) : () -> ()
        %add3A_95 = arith.constant 2 : i32
        %add3A_96 = arith.addi %mul3A_85, %add3A_95 : i32
        %lt3A = arith.constant 32 : i32
        %lt3A_97 = arith.cmpi slt, %add3A_96, %lt3A : i32
        %convert_element_type3A_98 = arith.extui %lt3A_97 : i1 to i32
        %cond3A_99 = arith.constant 0 : i32
        %cond3A_100 = arith.cmpi ne, %convert_element_type3A_98, %cond3A_99 : i32
        scf.if %cond3A_100 {
          %add3A_116 = arith.constant 2 : i32
          %add3A_117 = arith.addi %mul3A_85, %add3A_116 : i32
          %dma_start3A_118 = arith.constant 0 : i32
          %dma_start3A_119 = tpu.memref_slice %arg6[%add3A_117, %dma_start3A_118] : memref<64x128xi32, #tpu.memory_space<vmem>> -> memref<1x128xi32, #tpu.memory_space<vmem>>
          %dma_start3A_120 = tpu.memref_squeeze %dma_start3A_119 : memref<1x128xi32, #tpu.memory_space<vmem>> -> memref<128xi32, #tpu.memory_space<vmem>>
          %dma_start3A_121 = arith.constant 0 : i32
          %dma_start3A_122 = arith.constant 0 : i32
          %dma_start3A_123 = tpu.memref_slice %arg2[%dma_start3A_121, %dma_start3A_122] : memref<40000x128xf32, #tpu.memory_space<hbm>> -> memref<40000x128xf32, #tpu.memory_space<hbm>>
          tpu.enqueue_indirect_dma source(%dma_start3A_123 : memref<40000x128xf32, #tpu.memory_space<hbm>>) target(%arg7 : memref<128x128xf32, #tpu.memory_space<vmem>>) offsets(%dma_start3A_120 : memref<128xi32, #tpu.memory_space<vmem>>) semaphore(%arg9 : memref<!tpu.dma_semaphore, #tpu.memory_space<semaphore_mem>>)
        } else {
        }
        %dma_wait3A_101 = arith.constant 0 : i32
        %dma_wait3A_102 = tpu.memref_slice %arg6[%add3A_87, %dma_wait3A_101] : memref<64x128xi32, #tpu.memory_space<vmem>> -> memref<1x128xi32, #tpu.memory_space<vmem>>
        %dma_wait3A_103 = tpu.memref_squeeze %dma_wait3A_102 : memref<1x128xi32, #tpu.memory_space<vmem>> -> memref<128xi32, #tpu.memory_space<vmem>>
        %dma_wait3A_104 = arith.constant 0 : i32
        %dma_wait3A_105 = arith.constant 0 : i32
        %dma_wait3A_106 = tpu.memref_slice %arg2[%dma_wait3A_104, %dma_wait3A_105] : memref<40000x128xf32, #tpu.memory_space<hbm>> -> memref<40000x128xf32, #tpu.memory_space<hbm>>
        tpu.wait_indirect_dma semaphore(%arg10 : memref<!tpu.dma_semaphore, #tpu.memory_space<semaphore_mem>>) src(%dma_wait3A_106 : memref<40000x128xf32, #tpu.memory_space<hbm>>) dst(%arg8 : memref<128x128xf32, #tpu.memory_space<vmem>>)
        %add3A_107 = arith.constant 32 : i32
        %add3A_108 = arith.addi %add3A_107, %add3A_87 : i32
        "tpu.region"() ({
          %run_scoped3A = tpu.sem_alloc : memref<!tpu.dma_semaphore, #tpu.memory_space<semaphore_mem>>
          %dma_start3A_116 = arith.constant 0 : i32
          %dma_start3A_117 = tpu.memref_slice %arg6[%add3A_108, %dma_start3A_116] : memref<64x128xi32, #tpu.memory_space<vmem>> -> memref<1x128xi32, #tpu.memory_space<vmem>>
          %dma_start3A_118 = tpu.memref_squeeze %dma_start3A_117 : memref<1x128xi32, #tpu.memory_space<vmem>> -> memref<128xi32, #tpu.memory_space<vmem>>
          %dma_start3A_119 = arith.constant 0 : i32
          %dma_start3A_120 = arith.constant 0 : i32
          %dma_start3A_121 = tpu.memref_slice %arg5[%dma_start3A_119, %dma_start3A_120] : memref<10008x128xf32, #tpu.memory_space<vmem_shared>> -> memref<10008x128xf32, #tpu.memory_space<vmem_shared>>
          tpu.enqueue_indirect_dma source(%arg8 : memref<128x128xf32, #tpu.memory_space<vmem>>) target(%dma_start3A_121 : memref<10008x128xf32, #tpu.memory_space<vmem_shared>>) offsets(%dma_start3A_118 : memref<128xi32, #tpu.memory_space<vmem>>) semaphore(%run_scoped3A : memref<!tpu.dma_semaphore, #tpu.memory_space<semaphore_mem>>) {add = true}
          %dma_wait3A_122 = arith.constant 0 : i32
          %dma_wait3A_123 = tpu.memref_slice %arg6[%add3A_108, %dma_wait3A_122] : memref<64x128xi32, #tpu.memory_space<vmem>> -> memref<1x128xi32, #tpu.memory_space<vmem>>
          %dma_wait3A_124 = tpu.memref_squeeze %dma_wait3A_123 : memref<1x128xi32, #tpu.memory_space<vmem>> -> memref<128xi32, #tpu.memory_space<vmem>>
          %dma_wait3A_125 = arith.constant 0 : i32
          %dma_wait3A_126 = arith.constant 0 : i32
          %dma_wait3A_127 = tpu.memref_slice %arg5[%dma_wait3A_125, %dma_wait3A_126] : memref<10008x128xf32, #tpu.memory_space<vmem_shared>> -> memref<10008x128xf32, #tpu.memory_space<vmem_shared>>
          tpu.wait_indirect_dma semaphore(%run_scoped3A : memref<!tpu.dma_semaphore, #tpu.memory_space<semaphore_mem>>) src(%arg8 : memref<128x128xf32, #tpu.memory_space<vmem>>) dst(%dma_wait3A_127 : memref<10008x128xf32, #tpu.memory_space<vmem_shared>>)
          tpu.yield
        }) : () -> ()
        %add3A_109 = arith.constant 2 : i32
        %add3A_110 = arith.addi %add3A_87, %add3A_109 : i32
        %lt3A_111 = arith.constant 32 : i32
        %lt3A_112 = arith.cmpi slt, %add3A_110, %lt3A_111 : i32
        %convert_element_type3A_113 = arith.extui %lt3A_112 : i1 to i32
        %cond3A_114 = arith.constant 0 : i32
        %cond3A_115 = arith.cmpi ne, %convert_element_type3A_113, %cond3A_114 : i32
        scf.if %cond3A_115 {
          %add3A_116 = arith.constant 2 : i32
          %add3A_117 = arith.addi %add3A_87, %add3A_116 : i32
          %dma_start3A_118 = arith.constant 0 : i32
          %dma_start3A_119 = tpu.memref_slice %arg6[%add3A_117, %dma_start3A_118] : memref<64x128xi32, #tpu.memory_space<vmem>> -> memref<1x128xi32, #tpu.memory_space<vmem>>
          %dma_start3A_120 = tpu.memref_squeeze %dma_start3A_119 : memref<1x128xi32, #tpu.memory_space<vmem>> -> memref<128xi32, #tpu.memory_space<vmem>>
          %dma_start3A_121 = arith.constant 0 : i32
          %dma_start3A_122 = arith.constant 0 : i32
          %dma_start3A_123 = tpu.memref_slice %arg2[%dma_start3A_121, %dma_start3A_122] : memref<40000x128xf32, #tpu.memory_space<hbm>> -> memref<40000x128xf32, #tpu.memory_space<hbm>>
          tpu.enqueue_indirect_dma source(%dma_start3A_123 : memref<40000x128xf32, #tpu.memory_space<hbm>>) target(%arg8 : memref<128x128xf32, #tpu.memory_space<vmem>>) offsets(%dma_start3A_120 : memref<128xi32, #tpu.memory_space<vmem>>) semaphore(%arg10 : memref<!tpu.dma_semaphore, #tpu.memory_space<semaphore_mem>>)
        } else {
        }
      }
      %scan3A_82 = arith.constant 16 : i32
    }
    %scan3A_15 = arith.constant 5 : i32
    %barrier3A_16 = arith.constant 0 : index
    tpu.barrier barrier_id(%barrier3A_16)
    %mul3A_17 = arith.constant 624 : i32
    %mul3A_18 = arith.muli %arg1, %mul3A_17 : i32
    "tpu.region"() ({
      %run_scoped3A = tpu.sem_alloc : memref<!tpu.dma_semaphore, #tpu.memory_space<semaphore_mem>>
      %dma_start3A = arith.constant 0 : i32
      %dma_start3A_57 = tpu.memref_slice %arg4[%add3A_6, %dma_start3A] : memref<40000x128xf32, #tpu.memory_space<hbm>> -> memref<624x128xf32, #tpu.memory_space<hbm>>
      %dma_start3A_58 = arith.constant 0 : i32
      %dma_start3A_59 = tpu.memref_slice %arg5[%mul3A_18, %dma_start3A_58] : memref<10008x128xf32, #tpu.memory_space<vmem_shared>> -> memref<624x128xf32, #tpu.memory_space<vmem_shared>>
      tpu.enqueue_dma source(%dma_start3A_59 : memref<624x128xf32, #tpu.memory_space<vmem_shared>>) target(%dma_start3A_57 : memref<624x128xf32, #tpu.memory_space<hbm>>) target_semaphore(%run_scoped3A : memref<!tpu.dma_semaphore, #tpu.memory_space<semaphore_mem>>)
      %dma_wait3A = arith.constant 0 : i32
      %dma_wait3A_60 = tpu.memref_slice %arg4[%add3A_6, %dma_wait3A] : memref<40000x128xf32, #tpu.memory_space<hbm>> -> memref<624x128xf32, #tpu.memory_space<hbm>>
      %dma_wait3A_61 = arith.constant 0 : i32
      %dma_wait3A_62 = tpu.memref_slice %arg5[%mul3A_18, %dma_wait3A_61] : memref<10008x128xf32, #tpu.memory_space<vmem_shared>> -> memref<624x128xf32, #tpu.memory_space<vmem_shared>>
      tpu.wait_dma2 semaphore(%run_scoped3A : memref<!tpu.dma_semaphore, #tpu.memory_space<semaphore_mem>>) src(%dma_wait3A_62 : memref<624x128xf32, #tpu.memory_space<vmem_shared>>) dst(%dma_wait3A_60 : memref<624x128xf32, #tpu.memory_space<hbm>>)
      tpu.yield
    }) : () -> ()
    %eq3A_19 = arith.constant 15 : i32
    %eq3A_20 = arith.cmpi eq, %arg1, %eq3A_19 : i32
    %convert_element_type3A_21 = arith.extui %eq3A_20 : i1 to i32
    %cond3A_22 = arith.constant 0 : i32
    %cond3A_23 = arith.cmpi ne, %convert_element_type3A_21, %cond3A_22 : i32
    scf.if %cond3A_23 {
      %mul3A_57 = arith.constant 10000 : i32
      %mul3A_58 = arith.muli %add3A_1, %mul3A_57 : i32
      %add3A_59 = arith.constant 9984 : i32
      %add3A_60 = arith.addi %mul3A_58, %add3A_59 : i32
      "tpu.region"() ({
        %run_scoped3A = tpu.sem_alloc : memref<!tpu.dma_semaphore, #tpu.memory_space<semaphore_mem>>
        %dma_start3A = arith.constant 0 : i32
        %dma_start3A_61 = tpu.memref_slice %arg4[%add3A_60, %dma_start3A] : memref<40000x128xf32, #tpu.memory_space<hbm>> -> memref<16x128xf32, #tpu.memory_space<hbm>>
        %dma_start3A_62 = arith.constant 9984 : i32
        %dma_start3A_63 = arith.constant 0 : i32
        %dma_start3A_64 = tpu.memref_slice %arg5[%dma_start3A_62, %dma_start3A_63] : memref<10008x128xf32, #tpu.memory_space<vmem_shared>> -> memref<16x128xf32, #tpu.memory_space<vmem_shared>>
        tpu.enqueue_dma source(%dma_start3A_64 : memref<16x128xf32, #tpu.memory_space<vmem_shared>>) target(%dma_start3A_61 : memref<16x128xf32, #tpu.memory_space<hbm>>) target_semaphore(%run_scoped3A : memref<!tpu.dma_semaphore, #tpu.memory_space<semaphore_mem>>)
        %dma_wait3A = arith.constant 0 : i32
        %dma_wait3A_65 = tpu.memref_slice %arg4[%add3A_60, %dma_wait3A] : memref<40000x128xf32, #tpu.memory_space<hbm>> -> memref<16x128xf32, #tpu.memory_space<hbm>>
        %dma_wait3A_66 = arith.constant 9984 : i32
        %dma_wait3A_67 = arith.constant 0 : i32
        %dma_wait3A_68 = tpu.memref_slice %arg5[%dma_wait3A_66, %dma_wait3A_67] : memref<10008x128xf32, #tpu.memory_space<vmem_shared>> -> memref<16x128xf32, #tpu.memory_space<vmem_shared>>
        tpu.wait_dma2 semaphore(%run_scoped3A : memref<!tpu.dma_semaphore, #tpu.memory_space<semaphore_mem>>) src(%dma_wait3A_68 : memref<16x128xf32, #tpu.memory_space<vmem_shared>>) dst(%dma_wait3A_65 : memref<16x128xf32, #tpu.memory_space<hbm>>)
        tpu.yield
      }) : () -> ()
    } else {
    }
    %barrier3A_24 = arith.constant 0 : index
    tpu.barrier barrier_id(%barrier3A_24)
    %mul3A_25 = arith.constant 2 : i32
    %mul3A_26 = arith.muli %arg0, %mul3A_25 : i32
    %add3A_27 = arith.constant 1 : i32
    %add3A_28 = arith.addi %mul3A_26, %add3A_27 : i32
    %mul3A_29 = arith.constant 10000 : i32
    %mul3A_30 = arith.muli %add3A_28, %mul3A_29 : i32
    %mul3A_31 = arith.constant 624 : i32
    %mul3A_32 = arith.muli %arg1, %mul3A_31 : i32
    %add3A_33 = arith.addi %mul3A_30, %mul3A_32 : i32
    %mul3A_34 = arith.constant 624 : i32
    %mul3A_35 = arith.muli %arg1, %mul3A_34 : i32
    "tpu.region"() ({
      %run_scoped3A = tpu.sem_alloc : memref<!tpu.dma_semaphore, #tpu.memory_space<semaphore_mem>>
      %dma_start3A = arith.constant 0 : i32
      %dma_start3A_57 = tpu.memref_slice %arg5[%mul3A_35, %dma_start3A] : memref<10008x128xf32, #tpu.memory_space<vmem_shared>> -> memref<624x128xf32, #tpu.memory_space<vmem_shared>>
      %dma_start3A_58 = arith.constant 0 : i32
      %dma_start3A_59 = tpu.memref_slice %arg2[%add3A_33, %dma_start3A_58] : memref<40000x128xf32, #tpu.memory_space<hbm>> -> memref<624x128xf32, #tpu.memory_space<hbm>>
      tpu.enqueue_dma source(%dma_start3A_59 : memref<624x128xf32, #tpu.memory_space<hbm>>) target(%dma_start3A_57 : memref<624x128xf32, #tpu.memory_space<vmem_shared>>) target_semaphore(%run_scoped3A : memref<!tpu.dma_semaphore, #tpu.memory_space<semaphore_mem>>)
      %dma_wait3A = arith.constant 0 : i32
      %dma_wait3A_60 = tpu.memref_slice %arg5[%mul3A_35, %dma_wait3A] : memref<10008x128xf32, #tpu.memory_space<vmem_shared>> -> memref<624x128xf32, #tpu.memory_space<vmem_shared>>
      %dma_wait3A_61 = arith.constant 0 : i32
      %dma_wait3A_62 = tpu.memref_slice %arg2[%add3A_33, %dma_wait3A_61] : memref<40000x128xf32, #tpu.memory_space<hbm>> -> memref<624x128xf32, #tpu.memory_space<hbm>>
      tpu.wait_dma2 semaphore(%run_scoped3A : memref<!tpu.dma_semaphore, #tpu.memory_space<semaphore_mem>>) src(%dma_wait3A_62 : memref<624x128xf32, #tpu.memory_space<hbm>>) dst(%dma_wait3A_60 : memref<624x128xf32, #tpu.memory_space<vmem_shared>>)
      tpu.yield
    }) : () -> ()
    %eq3A_36 = arith.constant 15 : i32
    %eq3A_37 = arith.cmpi eq, %arg1, %eq3A_36 : i32
    %convert_element_type3A_38 = arith.extui %eq3A_37 : i1 to i32
    %cond3A_39 = arith.constant 0 : i32
    %cond3A_40 = arith.cmpi ne, %convert_element_type3A_38, %cond3A_39 : i32
    scf.if %cond3A_40 {
      %mul3A_57 = arith.constant 10000 : i32
      %mul3A_58 = arith.muli %add3A_28, %mul3A_57 : i32
      %add3A_59 = arith.constant 9984 : i32
      %add3A_60 = arith.addi %mul3A_58, %add3A_59 : i32
      "tpu.region"() ({
        %run_scoped3A = tpu.sem_alloc : memref<!tpu.dma_semaphore, #tpu.memory_space<semaphore_mem>>
        %dma_start3A = arith.constant 9984 : i32
        %dma_start3A_61 = arith.constant 0 : i32
        %dma_start3A_62 = tpu.memref_slice %arg5[%dma_start3A, %dma_start3A_61] : memref<10008x128xf32, #tpu.memory_space<vmem_shared>> -> memref<16x128xf32, #tpu.memory_space<vmem_shared>>
        %dma_start3A_63 = arith.constant 0 : i32
        %dma_start3A_64 = tpu.memref_slice %arg2[%add3A_60, %dma_start3A_63] : memref<40000x128xf32, #tpu.memory_space<hbm>> -> memref<16x128xf32, #tpu.memory_space<hbm>>
        tpu.enqueue_dma source(%dma_start3A_64 : memref<16x128xf32, #tpu.memory_space<hbm>>) target(%dma_start3A_62 : memref<16x128xf32, #tpu.memory_space<vmem_shared>>) target_semaphore(%run_scoped3A : memref<!tpu.dma_semaphore, #tpu.memory_space<semaphore_mem>>)
        %dma_wait3A = arith.constant 9984 : i32
        %dma_wait3A_65 = arith.constant 0 : i32
        %dma_wait3A_66 = tpu.memref_slice %arg5[%dma_wait3A, %dma_wait3A_65] : memref<10008x128xf32, #tpu.memory_space<vmem_shared>> -> memref<16x128xf32, #tpu.memory_space<vmem_shared>>
        %dma_wait3A_67 = arith.constant 0 : i32
        %dma_wait3A_68 = tpu.memref_slice %arg2[%add3A_60, %dma_wait3A_67] : memref<40000x128xf32, #tpu.memory_space<hbm>> -> memref<16x128xf32, #tpu.memory_space<hbm>>
        tpu.wait_dma2 semaphore(%run_scoped3A : memref<!tpu.dma_semaphore, #tpu.memory_space<semaphore_mem>>) src(%dma_wait3A_68 : memref<16x128xf32, #tpu.memory_space<hbm>>) dst(%dma_wait3A_66 : memref<16x128xf32, #tpu.memory_space<vmem_shared>>)
        tpu.yield
      }) : () -> ()
    } else {
    }
    %barrier3A_41 = arith.constant 0 : index
    tpu.barrier barrier_id(%barrier3A_41)
    %scan3A_42 = arith.constant 0 : i32
    %scan3A_43 = arith.constant 0 : i32
    %scan3A_44 = arith.constant 5 : i32
    %scan3A_45 = arith.addi %scan3A_43, %scan3A_44 : i32
    %scan3A_46 = arith.constant 1 : i32
    scf.for %scan3A_57 = %scan3A_43 to %scan3A_45 step %scan3A_46  : i32 {
      %mul3A_58 = arith.constant 16 : i32
      %mul3A_59 = arith.muli %add3A_28, %mul3A_58 : i32
      %add3A_60 = arith.addi %mul3A_59, %arg1 : i32
      %mul3A_61 = arith.constant 5 : i32
      %mul3A_62 = arith.muli %add3A_60, %mul3A_61 : i32
      %add3A_63 = arith.addi %mul3A_62, %scan3A_57 : i32
      "tpu.region"() ({
        %run_scoped3A = tpu.sem_alloc : memref<!tpu.dma_semaphore, #tpu.memory_space<semaphore_mem>>
        %dma_start3A_83 = arith.constant 0 : i32
        %dma_start3A_84 = arith.constant 0 : i32
        %dma_start3A_85 = tpu.memref_slice %arg3[%add3A_63, %dma_start3A_83, %dma_start3A_84] : memref<320x64x128xi32, #tpu.memory_space<hbm>> -> memref<1x64x128xi32, #tpu.memory_space<hbm>>
        %dma_start3A_86 = tpu.memref_squeeze %dma_start3A_85 : memref<1x64x128xi32, #tpu.memory_space<hbm>> -> memref<64x128xi32, #tpu.memory_space<hbm>>
        %dma_start3A_87 = arith.constant 0 : i32
        %dma_start3A_88 = arith.constant 0 : i32
        %dma_start3A_89 = tpu.memref_slice %arg3[%add3A_63, %dma_start3A_87, %dma_start3A_88] : memref<320x64x128xi32, #tpu.memory_space<hbm>> -> memref<1x64x128xi32, #tpu.memory_space<hbm>>
        %dma_start3A_90 = tpu.memref_squeeze %dma_start3A_89 : memref<1x64x128xi32, #tpu.memory_space<hbm>> -> memref<64x128xi32, #tpu.memory_space<hbm>>
        tpu.enqueue_dma source(%dma_start3A_90 : memref<64x128xi32, #tpu.memory_space<hbm>>) target(%arg6 : memref<64x128xi32, #tpu.memory_space<vmem>>) target_semaphore(%run_scoped3A : memref<!tpu.dma_semaphore, #tpu.memory_space<semaphore_mem>>)
        %dma_wait3A = arith.constant 0 : i32
        %dma_wait3A_91 = arith.constant 0 : i32
        %dma_wait3A_92 = tpu.memref_slice %arg3[%add3A_63, %dma_wait3A, %dma_wait3A_91] : memref<320x64x128xi32, #tpu.memory_space<hbm>> -> memref<1x64x128xi32, #tpu.memory_space<hbm>>
        %dma_wait3A_93 = tpu.memref_squeeze %dma_wait3A_92 : memref<1x64x128xi32, #tpu.memory_space<hbm>> -> memref<64x128xi32, #tpu.memory_space<hbm>>
        %dma_wait3A_94 = arith.constant 0 : i32
        %dma_wait3A_95 = arith.constant 0 : i32
        %dma_wait3A_96 = tpu.memref_slice %arg3[%add3A_63, %dma_wait3A_94, %dma_wait3A_95] : memref<320x64x128xi32, #tpu.memory_space<hbm>> -> memref<1x64x128xi32, #tpu.memory_space<hbm>>
        %dma_wait3A_97 = tpu.memref_squeeze %dma_wait3A_96 : memref<1x64x128xi32, #tpu.memory_space<hbm>> -> memref<64x128xi32, #tpu.memory_space<hbm>>
        tpu.wait_dma2 semaphore(%run_scoped3A : memref<!tpu.dma_semaphore, #tpu.memory_space<semaphore_mem>>) src(%dma_wait3A_97 : memref<64x128xi32, #tpu.memory_space<hbm>>) dst(%arg6 : memref<64x128xi32, #tpu.memory_space<vmem>>)
        tpu.yield
      }) : () -> ()
      %dma_start3A = arith.constant 0 : i32
      %dma_start3A_64 = arith.constant 0 : i32
      %dma_start3A_65 = tpu.memref_slice %arg6[%dma_start3A, %dma_start3A_64] : memref<64x128xi32, #tpu.memory_space<vmem>> -> memref<1x128xi32, #tpu.memory_space<vmem>>
      %dma_start3A_66 = tpu.memref_squeeze %dma_start3A_65 : memref<1x128xi32, #tpu.memory_space<vmem>> -> memref<128xi32, #tpu.memory_space<vmem>>
      %dma_start3A_67 = arith.constant 0 : i32
      %dma_start3A_68 = arith.constant 0 : i32
      %dma_start3A_69 = tpu.memref_slice %arg2[%dma_start3A_67, %dma_start3A_68] : memref<40000x128xf32, #tpu.memory_space<hbm>> -> memref<40000x128xf32, #tpu.memory_space<hbm>>
      tpu.enqueue_indirect_dma source(%dma_start3A_69 : memref<40000x128xf32, #tpu.memory_space<hbm>>) target(%arg7 : memref<128x128xf32, #tpu.memory_space<vmem>>) offsets(%dma_start3A_66 : memref<128xi32, #tpu.memory_space<vmem>>) semaphore(%arg9 : memref<!tpu.dma_semaphore, #tpu.memory_space<semaphore_mem>>)
      %dma_start3A_70 = arith.constant 1 : i32
      %dma_start3A_71 = arith.constant 0 : i32
      %dma_start3A_72 = tpu.memref_slice %arg6[%dma_start3A_70, %dma_start3A_71] : memref<64x128xi32, #tpu.memory_space<vmem>> -> memref<1x128xi32, #tpu.memory_space<vmem>>
      %dma_start3A_73 = tpu.memref_squeeze %dma_start3A_72 : memref<1x128xi32, #tpu.memory_space<vmem>> -> memref<128xi32, #tpu.memory_space<vmem>>
      %dma_start3A_74 = arith.constant 0 : i32
      %dma_start3A_75 = arith.constant 0 : i32
      %dma_start3A_76 = tpu.memref_slice %arg2[%dma_start3A_74, %dma_start3A_75] : memref<40000x128xf32, #tpu.memory_space<hbm>> -> memref<40000x128xf32, #tpu.memory_space<hbm>>
      tpu.enqueue_indirect_dma source(%dma_start3A_76 : memref<40000x128xf32, #tpu.memory_space<hbm>>) target(%arg8 : memref<128x128xf32, #tpu.memory_space<vmem>>) offsets(%dma_start3A_73 : memref<128xi32, #tpu.memory_space<vmem>>) semaphore(%arg10 : memref<!tpu.dma_semaphore, #tpu.memory_space<semaphore_mem>>)
      %scan3A_77 = arith.constant 0 : i32
      %scan3A_78 = arith.constant 0 : i32
      %scan3A_79 = arith.constant 16 : i32
      %scan3A_80 = arith.addi %scan3A_78, %scan3A_79 : i32
      %scan3A_81 = arith.constant 1 : i32
      scf.for %scan3A_83 = %scan3A_78 to %scan3A_80 step %scan3A_81  : i32 {
        %mul3A_84 = arith.constant 2 : i32
        %mul3A_85 = arith.muli %mul3A_84, %scan3A_83 : i32
        %add3A_86 = arith.constant 1 : i32
        %add3A_87 = arith.addi %mul3A_85, %add3A_86 : i32
        %dma_wait3A = arith.constant 0 : i32
        %dma_wait3A_88 = tpu.memref_slice %arg6[%mul3A_85, %dma_wait3A] : memref<64x128xi32, #tpu.memory_space<vmem>> -> memref<1x128xi32, #tpu.memory_space<vmem>>
        %dma_wait3A_89 = tpu.memref_squeeze %dma_wait3A_88 : memref<1x128xi32, #tpu.memory_space<vmem>> -> memref<128xi32, #tpu.memory_space<vmem>>
        %dma_wait3A_90 = arith.constant 0 : i32
        %dma_wait3A_91 = arith.constant 0 : i32
        %dma_wait3A_92 = tpu.memref_slice %arg2[%dma_wait3A_90, %dma_wait3A_91] : memref<40000x128xf32, #tpu.memory_space<hbm>> -> memref<40000x128xf32, #tpu.memory_space<hbm>>
        tpu.wait_indirect_dma semaphore(%arg9 : memref<!tpu.dma_semaphore, #tpu.memory_space<semaphore_mem>>) src(%dma_wait3A_92 : memref<40000x128xf32, #tpu.memory_space<hbm>>) dst(%arg7 : memref<128x128xf32, #tpu.memory_space<vmem>>)
        %add3A_93 = arith.constant 32 : i32
        %add3A_94 = arith.addi %add3A_93, %mul3A_85 : i32
        "tpu.region"() ({
          %run_scoped3A = tpu.sem_alloc : memref<!tpu.dma_semaphore, #tpu.memory_space<semaphore_mem>>
          %dma_start3A_116 = arith.constant 0 : i32
          %dma_start3A_117 = tpu.memref_slice %arg6[%add3A_94, %dma_start3A_116] : memref<64x128xi32, #tpu.memory_space<vmem>> -> memref<1x128xi32, #tpu.memory_space<vmem>>
          %dma_start3A_118 = tpu.memref_squeeze %dma_start3A_117 : memref<1x128xi32, #tpu.memory_space<vmem>> -> memref<128xi32, #tpu.memory_space<vmem>>
          %dma_start3A_119 = arith.constant 0 : i32
          %dma_start3A_120 = arith.constant 0 : i32
          %dma_start3A_121 = tpu.memref_slice %arg5[%dma_start3A_119, %dma_start3A_120] : memref<10008x128xf32, #tpu.memory_space<vmem_shared>> -> memref<10008x128xf32, #tpu.memory_space<vmem_shared>>
          tpu.enqueue_indirect_dma source(%arg7 : memref<128x128xf32, #tpu.memory_space<vmem>>) target(%dma_start3A_121 : memref<10008x128xf32, #tpu.memory_space<vmem_shared>>) offsets(%dma_start3A_118 : memref<128xi32, #tpu.memory_space<vmem>>) semaphore(%run_scoped3A : memref<!tpu.dma_semaphore, #tpu.memory_space<semaphore_mem>>) {add = true}
          %dma_wait3A_122 = arith.constant 0 : i32
          %dma_wait3A_123 = tpu.memref_slice %arg6[%add3A_94, %dma_wait3A_122] : memref<64x128xi32, #tpu.memory_space<vmem>> -> memref<1x128xi32, #tpu.memory_space<vmem>>
          %dma_wait3A_124 = tpu.memref_squeeze %dma_wait3A_123 : memref<1x128xi32, #tpu.memory_space<vmem>> -> memref<128xi32, #tpu.memory_space<vmem>>
          %dma_wait3A_125 = arith.constant 0 : i32
          %dma_wait3A_126 = arith.constant 0 : i32
          %dma_wait3A_127 = tpu.memref_slice %arg5[%dma_wait3A_125, %dma_wait3A_126] : memref<10008x128xf32, #tpu.memory_space<vmem_shared>> -> memref<10008x128xf32, #tpu.memory_space<vmem_shared>>
          tpu.wait_indirect_dma semaphore(%run_scoped3A : memref<!tpu.dma_semaphore, #tpu.memory_space<semaphore_mem>>) src(%arg7 : memref<128x128xf32, #tpu.memory_space<vmem>>) dst(%dma_wait3A_127 : memref<10008x128xf32, #tpu.memory_space<vmem_shared>>)
          tpu.yield
        }) : () -> ()
        %add3A_95 = arith.constant 2 : i32
        %add3A_96 = arith.addi %mul3A_85, %add3A_95 : i32
        %lt3A = arith.constant 32 : i32
        %lt3A_97 = arith.cmpi slt, %add3A_96, %lt3A : i32
        %convert_element_type3A_98 = arith.extui %lt3A_97 : i1 to i32
        %cond3A_99 = arith.constant 0 : i32
        %cond3A_100 = arith.cmpi ne, %convert_element_type3A_98, %cond3A_99 : i32
        scf.if %cond3A_100 {
          %add3A_116 = arith.constant 2 : i32
          %add3A_117 = arith.addi %mul3A_85, %add3A_116 : i32
          %dma_start3A_118 = arith.constant 0 : i32
          %dma_start3A_119 = tpu.memref_slice %arg6[%add3A_117, %dma_start3A_118] : memref<64x128xi32, #tpu.memory_space<vmem>> -> memref<1x128xi32, #tpu.memory_space<vmem>>
          %dma_start3A_120 = tpu.memref_squeeze %dma_start3A_119 : memref<1x128xi32, #tpu.memory_space<vmem>> -> memref<128xi32, #tpu.memory_space<vmem>>
          %dma_start3A_121 = arith.constant 0 : i32
          %dma_start3A_122 = arith.constant 0 : i32
          %dma_start3A_123 = tpu.memref_slice %arg2[%dma_start3A_121, %dma_start3A_122] : memref<40000x128xf32, #tpu.memory_space<hbm>> -> memref<40000x128xf32, #tpu.memory_space<hbm>>
          tpu.enqueue_indirect_dma source(%dma_start3A_123 : memref<40000x128xf32, #tpu.memory_space<hbm>>) target(%arg7 : memref<128x128xf32, #tpu.memory_space<vmem>>) offsets(%dma_start3A_120 : memref<128xi32, #tpu.memory_space<vmem>>) semaphore(%arg9 : memref<!tpu.dma_semaphore, #tpu.memory_space<semaphore_mem>>)
        } else {
        }
        %dma_wait3A_101 = arith.constant 0 : i32
        %dma_wait3A_102 = tpu.memref_slice %arg6[%add3A_87, %dma_wait3A_101] : memref<64x128xi32, #tpu.memory_space<vmem>> -> memref<1x128xi32, #tpu.memory_space<vmem>>
        %dma_wait3A_103 = tpu.memref_squeeze %dma_wait3A_102 : memref<1x128xi32, #tpu.memory_space<vmem>> -> memref<128xi32, #tpu.memory_space<vmem>>
        %dma_wait3A_104 = arith.constant 0 : i32
        %dma_wait3A_105 = arith.constant 0 : i32
        %dma_wait3A_106 = tpu.memref_slice %arg2[%dma_wait3A_104, %dma_wait3A_105] : memref<40000x128xf32, #tpu.memory_space<hbm>> -> memref<40000x128xf32, #tpu.memory_space<hbm>>
        tpu.wait_indirect_dma semaphore(%arg10 : memref<!tpu.dma_semaphore, #tpu.memory_space<semaphore_mem>>) src(%dma_wait3A_106 : memref<40000x128xf32, #tpu.memory_space<hbm>>) dst(%arg8 : memref<128x128xf32, #tpu.memory_space<vmem>>)
        %add3A_107 = arith.constant 32 : i32
        %add3A_108 = arith.addi %add3A_107, %add3A_87 : i32
        "tpu.region"() ({
          %run_scoped3A = tpu.sem_alloc : memref<!tpu.dma_semaphore, #tpu.memory_space<semaphore_mem>>
          %dma_start3A_116 = arith.constant 0 : i32
          %dma_start3A_117 = tpu.memref_slice %arg6[%add3A_108, %dma_start3A_116] : memref<64x128xi32, #tpu.memory_space<vmem>> -> memref<1x128xi32, #tpu.memory_space<vmem>>
          %dma_start3A_118 = tpu.memref_squeeze %dma_start3A_117 : memref<1x128xi32, #tpu.memory_space<vmem>> -> memref<128xi32, #tpu.memory_space<vmem>>
          %dma_start3A_119 = arith.constant 0 : i32
          %dma_start3A_120 = arith.constant 0 : i32
          %dma_start3A_121 = tpu.memref_slice %arg5[%dma_start3A_119, %dma_start3A_120] : memref<10008x128xf32, #tpu.memory_space<vmem_shared>> -> memref<10008x128xf32, #tpu.memory_space<vmem_shared>>
          tpu.enqueue_indirect_dma source(%arg8 : memref<128x128xf32, #tpu.memory_space<vmem>>) target(%dma_start3A_121 : memref<10008x128xf32, #tpu.memory_space<vmem_shared>>) offsets(%dma_start3A_118 : memref<128xi32, #tpu.memory_space<vmem>>) semaphore(%run_scoped3A : memref<!tpu.dma_semaphore, #tpu.memory_space<semaphore_mem>>) {add = true}
          %dma_wait3A_122 = arith.constant 0 : i32
          %dma_wait3A_123 = tpu.memref_slice %arg6[%add3A_108, %dma_wait3A_122] : memref<64x128xi32, #tpu.memory_space<vmem>> -> memref<1x128xi32, #tpu.memory_space<vmem>>
          %dma_wait3A_124 = tpu.memref_squeeze %dma_wait3A_123 : memref<1x128xi32, #tpu.memory_space<vmem>> -> memref<128xi32, #tpu.memory_space<vmem>>
          %dma_wait3A_125 = arith.constant 0 : i32
          %dma_wait3A_126 = arith.constant 0 : i32
          %dma_wait3A_127 = tpu.memref_slice %arg5[%dma_wait3A_125, %dma_wait3A_126] : memref<10008x128xf32, #tpu.memory_space<vmem_shared>> -> memref<10008x128xf32, #tpu.memory_space<vmem_shared>>
          tpu.wait_indirect_dma semaphore(%run_scoped3A : memref<!tpu.dma_semaphore, #tpu.memory_space<semaphore_mem>>) src(%arg8 : memref<128x128xf32, #tpu.memory_space<vmem>>) dst(%dma_wait3A_127 : memref<10008x128xf32, #tpu.memory_space<vmem_shared>>)
          tpu.yield
        }) : () -> ()
        %add3A_109 = arith.constant 2 : i32
        %add3A_110 = arith.addi %add3A_87, %add3A_109 : i32
        %lt3A_111 = arith.constant 32 : i32
        %lt3A_112 = arith.cmpi slt, %add3A_110, %lt3A_111 : i32
        %convert_element_type3A_113 = arith.extui %lt3A_112 : i1 to i32
        %cond3A_114 = arith.constant 0 : i32
        %cond3A_115 = arith.cmpi ne, %convert_element_type3A_113, %cond3A_114 : i32
        scf.if %cond3A_115 {
          %add3A_116 = arith.constant 2 : i32
          %add3A_117 = arith.addi %add3A_87, %add3A_116 : i32
          %dma_start3A_118 = arith.constant 0 : i32
          %dma_start3A_119 = tpu.memref_slice %arg6[%add3A_117, %dma_start3A_118] : memref<64x128xi32, #tpu.memory_space<vmem>> -> memref<1x128xi32, #tpu.memory_space<vmem>>
          %dma_start3A_120 = tpu.memref_squeeze %dma_start3A_119 : memref<1x128xi32, #tpu.memory_space<vmem>> -> memref<128xi32, #tpu.memory_space<vmem>>
          %dma_start3A_121 = arith.constant 0 : i32
          %dma_start3A_122 = arith.constant 0 : i32
          %dma_start3A_123 = tpu.memref_slice %arg2[%dma_start3A_121, %dma_start3A_122] : memref<40000x128xf32, #tpu.memory_space<hbm>> -> memref<40000x128xf32, #tpu.memory_space<hbm>>
          tpu.enqueue_indirect_dma source(%dma_start3A_123 : memref<40000x128xf32, #tpu.memory_space<hbm>>) target(%arg8 : memref<128x128xf32, #tpu.memory_space<vmem>>) offsets(%dma_start3A_120 : memref<128xi32, #tpu.memory_space<vmem>>) semaphore(%arg10 : memref<!tpu.dma_semaphore, #tpu.memory_space<semaphore_mem>>)
        } else {
        }
      }
      %scan3A_82 = arith.constant 16 : i32
    }
    %scan3A_47 = arith.constant 5 : i32
    %barrier3A_48 = arith.constant 0 : index
    tpu.barrier barrier_id(%barrier3A_48)
    %mul3A_49 = arith.constant 624 : i32
    %mul3A_50 = arith.muli %arg1, %mul3A_49 : i32
    "tpu.region"() ({
      %run_scoped3A = tpu.sem_alloc : memref<!tpu.dma_semaphore, #tpu.memory_space<semaphore_mem>>
      %dma_start3A = arith.constant 0 : i32
      %dma_start3A_57 = tpu.memref_slice %arg4[%add3A_33, %dma_start3A] : memref<40000x128xf32, #tpu.memory_space<hbm>> -> memref<624x128xf32, #tpu.memory_space<hbm>>
      %dma_start3A_58 = arith.constant 0 : i32
      %dma_start3A_59 = tpu.memref_slice %arg5[%mul3A_50, %dma_start3A_58] : memref<10008x128xf32, #tpu.memory_space<vmem_shared>> -> memref<624x128xf32, #tpu.memory_space<vmem_shared>>
      tpu.enqueue_dma source(%dma_start3A_59 : memref<624x128xf32, #tpu.memory_space<vmem_shared>>) target(%dma_start3A_57 : memref<624x128xf32, #tpu.memory_space<hbm>>) target_semaphore(%run_scoped3A : memref<!tpu.dma_semaphore, #tpu.memory_space<semaphore_mem>>)
      %dma_wait3A = arith.constant 0 : i32
      %dma_wait3A_60 = tpu.memref_slice %arg4[%add3A_33, %dma_wait3A] : memref<40000x128xf32, #tpu.memory_space<hbm>> -> memref<624x128xf32, #tpu.memory_space<hbm>>
      %dma_wait3A_61 = arith.constant 0 : i32
      %dma_wait3A_62 = tpu.memref_slice %arg5[%mul3A_50, %dma_wait3A_61] : memref<10008x128xf32, #tpu.memory_space<vmem_shared>> -> memref<624x128xf32, #tpu.memory_space<vmem_shared>>
      tpu.wait_dma2 semaphore(%run_scoped3A : memref<!tpu.dma_semaphore, #tpu.memory_space<semaphore_mem>>) src(%dma_wait3A_62 : memref<624x128xf32, #tpu.memory_space<vmem_shared>>) dst(%dma_wait3A_60 : memref<624x128xf32, #tpu.memory_space<hbm>>)
      tpu.yield
    }) : () -> ()
    %eq3A_51 = arith.constant 15 : i32
    %eq3A_52 = arith.cmpi eq, %arg1, %eq3A_51 : i32
    %convert_element_type3A_53 = arith.extui %eq3A_52 : i1 to i32
    %cond3A_54 = arith.constant 0 : i32
    %cond3A_55 = arith.cmpi ne, %convert_element_type3A_53, %cond3A_54 : i32
    scf.if %cond3A_55 {
      %mul3A_57 = arith.constant 10000 : i32
      %mul3A_58 = arith.muli %add3A_28, %mul3A_57 : i32
      %add3A_59 = arith.constant 9984 : i32
      %add3A_60 = arith.addi %mul3A_58, %add3A_59 : i32
      "tpu.region"() ({
        %run_scoped3A = tpu.sem_alloc : memref<!tpu.dma_semaphore, #tpu.memory_space<semaphore_mem>>
        %dma_start3A = arith.constant 0 : i32
        %dma_start3A_61 = tpu.memref_slice %arg4[%add3A_60, %dma_start3A] : memref<40000x128xf32, #tpu.memory_space<hbm>> -> memref<16x128xf32, #tpu.memory_space<hbm>>
        %dma_start3A_62 = arith.constant 9984 : i32
        %dma_start3A_63 = arith.constant 0 : i32
        %dma_start3A_64 = tpu.memref_slice %arg5[%dma_start3A_62, %dma_start3A_63] : memref<10008x128xf32, #tpu.memory_space<vmem_shared>> -> memref<16x128xf32, #tpu.memory_space<vmem_shared>>
        tpu.enqueue_dma source(%dma_start3A_64 : memref<16x128xf32, #tpu.memory_space<vmem_shared>>) target(%dma_start3A_61 : memref<16x128xf32, #tpu.memory_space<hbm>>) target_semaphore(%run_scoped3A : memref<!tpu.dma_semaphore, #tpu.memory_space<semaphore_mem>>)
        %dma_wait3A = arith.constant 0 : i32
        %dma_wait3A_65 = tpu.memref_slice %arg4[%add3A_60, %dma_wait3A] : memref<40000x128xf32, #tpu.memory_space<hbm>> -> memref<16x128xf32, #tpu.memory_space<hbm>>
        %dma_wait3A_66 = arith.constant 9984 : i32
        %dma_wait3A_67 = arith.constant 0 : i32
        %dma_wait3A_68 = tpu.memref_slice %arg5[%dma_wait3A_66, %dma_wait3A_67] : memref<10008x128xf32, #tpu.memory_space<vmem_shared>> -> memref<16x128xf32, #tpu.memory_space<vmem_shared>>
        tpu.wait_dma2 semaphore(%run_scoped3A : memref<!tpu.dma_semaphore, #tpu.memory_space<semaphore_mem>>) src(%dma_wait3A_68 : memref<16x128xf32, #tpu.memory_space<vmem_shared>>) dst(%dma_wait3A_65 : memref<16x128xf32, #tpu.memory_space<hbm>>)
        tpu.yield
      }) : () -> ()
    } else {
    }
    %barrier3A_56 = arith.constant 0 : index
    tpu.barrier barrier_id(%barrier3A_56)
    return
  }
}

#map = affine_map<(d0, d1) -> (0, 0)>
#map1 = affine_map<(d0, d1) -> (0, 0, 0)>
module attributes {stable_mosaic.version = 14 : i64} {
  func.func @agg(%arg0: i32, %arg1: i32, %arg2: memref<40000x128xf32, #tpu.memory_space<hbm>>, %arg3: memref<320x64x128xi32, #tpu.memory_space<hbm>>, %arg4: memref<40000x128xf32, #tpu.memory_space<hbm>>, %arg5: memref<10008x128xf32, #tpu.memory_space<vmem_shared>>, %arg6: memref<64x128xi32, #tpu.memory_space<vmem>>, %arg7: memref<128x128xf32, #tpu.memory_space<vmem>>, %arg8: memref<128x128xf32, #tpu.memory_space<vmem>>, %arg9: memref<!tpu.dma_semaphore, #tpu.memory_space<semaphore_mem>>, %arg10: memref<!tpu.dma_semaphore, #tpu.memory_space<semaphore_mem>>) attributes {dimension_semantics = [#tpu.dimension_semantics<core_parallel>, #tpu.dimension_semantics<subcore_parallel>], iteration_bounds = array<i64: 2, 16>, scalar_prefetch = 0 : i64, scratch_operands = 6 : i64, tpu.core_type = #tpu.core_type<sc_vector_subcore>, window_params = [{transform_indices = #map}, {transform_indices = #map1}, {transform_indices = #map}]} {
    %mul3A = arith.constant 2 : i32
    %mul3A_0 = arith.muli %arg0, %mul3A : i32
    %add3A = arith.constant 0 : i32
    %add3A_1 = arith.addi %mul3A_0, %add3A : i32
    %mul3A_2 = arith.constant 10000 : i32
    %mul3A_3 = arith.muli %add3A_1, %mul3A_2 : i32
    %mul3A_4 = arith.constant 624 : i32
    %mul3A_5 = arith.muli %arg1, %mul3A_4 : i32
    %add3A_6 = arith.addi %mul3A_3, %mul3A_5 : i32
    %mul3A_7 = arith.constant 624 : i32
    %mul3A_8 = arith.muli %arg1, %mul3A_7 : i32
    "tpu.region"() ({
      %run_scoped3A = tpu.sem_alloc : memref<!tpu.dma_semaphore, #tpu.memory_space<semaphore_mem>>
      %dma_start3A = arith.constant 0 : i32
      %dma_start3A_57 = tpu.memref_slice %arg5[%mul3A_8, %dma_start3A] : memref<10008x128xf32, #tpu.memory_space<vmem_shared>> -> memref<624x128xf32, #tpu.memory_space<vmem_shared>>
      %dma_start3A_58 = arith.constant 0 : i32
      %dma_start3A_59 = tpu.memref_slice %arg2[%add3A_6, %dma_start3A_58] : memref<40000x128xf32, #tpu.memory_space<hbm>> -> memref<624x128xf32, #tpu.memory_space<hbm>>
      tpu.enqueue_dma source(%dma_start3A_59 : memref<624x128xf32, #tpu.memory_space<hbm>>) target(%dma_start3A_57 : memref<624x128xf32, #tpu.memory_space<vmem_shared>>) target_semaphore(%run_scoped3A : memref<!tpu.dma_semaphore, #tpu.memory_space<semaphore_mem>>)
      %dma_wait3A = arith.constant 0 : i32
      %dma_wait3A_60 = tpu.memref_slice %arg5[%mul3A_8, %dma_wait3A] : memref<10008x128xf32, #tpu.memory_space<vmem_shared>> -> memref<624x128xf32, #tpu.memory_space<vmem_shared>>
      %dma_wait3A_61 = arith.constant 0 : i32
      %dma_wait3A_62 = tpu.memref_slice %arg2[%add3A_6, %dma_wait3A_61] : memref<40000x128xf32, #tpu.memory_space<hbm>> -> memref<624x128xf32, #tpu.memory_space<hbm>>
      tpu.wait_dma2 semaphore(%run_scoped3A : memref<!tpu.dma_semaphore, #tpu.memory_space<semaphore_mem>>) src(%dma_wait3A_62 : memref<624x128xf32, #tpu.memory_space<hbm>>) dst(%dma_wait3A_60 : memref<624x128xf32, #tpu.memory_space<vmem_shared>>)
      tpu.yield
    }) : () -> ()
    %eq3A = arith.constant 15 : i32
    %eq3A_9 = arith.cmpi eq, %arg1, %eq3A : i32
    %convert_element_type3A = arith.extui %eq3A_9 : i1 to i32
    %cond3A = arith.constant 0 : i32
    %cond3A_10 = arith.cmpi ne, %convert_element_type3A, %cond3A : i32
    scf.if %cond3A_10 {
      %mul3A_57 = arith.constant 10000 : i32
      %mul3A_58 = arith.muli %add3A_1, %mul3A_57 : i32
      %add3A_59 = arith.constant 9984 : i32
      %add3A_60 = arith.addi %mul3A_58, %add3A_59 : i32
      "tpu.region"() ({
        %run_scoped3A = tpu.sem_alloc : memref<!tpu.dma_semaphore, #tpu.memory_space<semaphore_mem>>
        %dma_start3A = arith.constant 9984 : i32
        %dma_start3A_61 = arith.constant 0 : i32
        %dma_start3A_62 = tpu.memref_slice %arg5[%dma_start3A, %dma_start3A_61] : memref<10008x128xf32, #tpu.memory_space<vmem_shared>> -> memref<16x128xf32, #tpu.memory_space<vmem_shared>>
        %dma_start3A_63 = arith.constant 0 : i32
        %dma_start3A_64 = tpu.memref_slice %arg2[%add3A_60, %dma_start3A_63] : memref<40000x128xf32, #tpu.memory_space<hbm>> -> memref<16x128xf32, #tpu.memory_space<hbm>>
        tpu.enqueue_dma source(%dma_start3A_64 : memref<16x128xf32, #tpu.memory_space<hbm>>) target(%dma_start3A_62 : memref<16x128xf32, #tpu.memory_space<vmem_shared>>) target_semaphore(%run_scoped3A : memref<!tpu.dma_semaphore, #tpu.memory_space<semaphore_mem>>)
        %dma_wait3A = arith.constant 9984 : i32
        %dma_wait3A_65 = arith.constant 0 : i32
        %dma_wait3A_66 = tpu.memref_slice %arg5[%dma_wait3A, %dma_wait3A_65] : memref<10008x128xf32, #tpu.memory_space<vmem_shared>> -> memref<16x128xf32, #tpu.memory_space<vmem_shared>>
        %dma_wait3A_67 = arith.constant 0 : i32
        %dma_wait3A_68 = tpu.memref_slice %arg2[%add3A_60, %dma_wait3A_67] : memref<40000x128xf32, #tpu.memory_space<hbm>> -> memref<16x128xf32, #tpu.memory_space<hbm>>
        tpu.wait_dma2 semaphore(%run_scoped3A : memref<!tpu.dma_semaphore, #tpu.memory_space<semaphore_mem>>) src(%dma_wait3A_68 : memref<16x128xf32, #tpu.memory_space<hbm>>) dst(%dma_wait3A_66 : memref<16x128xf32, #tpu.memory_space<vmem_shared>>)
        tpu.yield
      }) : () -> ()
    } else {
    }
    %barrier3A = arith.constant 0 : index
    tpu.barrier barrier_id(%barrier3A)
    %scan3A = arith.constant 0 : i32
    %scan3A_11 = arith.constant 0 : i32
    %scan3A_12 = arith.constant 5 : i32
    %scan3A_13 = arith.addi %scan3A_11, %scan3A_12 : i32
    %scan3A_14 = arith.constant 1 : i32
    scf.for %scan3A_57 = %scan3A_11 to %scan3A_13 step %scan3A_14  : i32 {
      %mul3A_58 = arith.constant 16 : i32
      %mul3A_59 = arith.muli %add3A_1, %mul3A_58 : i32
      %add3A_60 = arith.addi %mul3A_59, %arg1 : i32
      %mul3A_61 = arith.constant 5 : i32
      %mul3A_62 = arith.muli %add3A_60, %mul3A_61 : i32
      %add3A_63 = arith.addi %mul3A_62, %scan3A_57 : i32
      "tpu.region"() ({
        %run_scoped3A = tpu.sem_alloc : memref<!tpu.dma_semaphore, #tpu.memory_space<semaphore_mem>>
        %dma_start3A_83 = arith.constant 0 : i32
        %dma_start3A_84 = arith.constant 0 : i32
        %dma_start3A_85 = tpu.memref_slice %arg3[%add3A_63, %dma_start3A_83, %dma_start3A_84] : memref<320x64x128xi32, #tpu.memory_space<hbm>> -> memref<1x64x128xi32, #tpu.memory_space<hbm>>
        %dma_start3A_86 = tpu.memref_squeeze %dma_start3A_85 : memref<1x64x128xi32, #tpu.memory_space<hbm>> -> memref<64x128xi32, #tpu.memory_space<hbm>>
        %dma_start3A_87 = arith.constant 0 : i32
        %dma_start3A_88 = arith.constant 0 : i32
        %dma_start3A_89 = tpu.memref_slice %arg3[%add3A_63, %dma_start3A_87, %dma_start3A_88] : memref<320x64x128xi32, #tpu.memory_space<hbm>> -> memref<1x64x128xi32, #tpu.memory_space<hbm>>
        %dma_start3A_90 = tpu.memref_squeeze %dma_start3A_89 : memref<1x64x128xi32, #tpu.memory_space<hbm>> -> memref<64x128xi32, #tpu.memory_space<hbm>>
        tpu.enqueue_dma source(%dma_start3A_90 : memref<64x128xi32, #tpu.memory_space<hbm>>) target(%arg6 : memref<64x128xi32, #tpu.memory_space<vmem>>) target_semaphore(%run_scoped3A : memref<!tpu.dma_semaphore, #tpu.memory_space<semaphore_mem>>)
        %dma_wait3A = arith.constant 0 : i32
        %dma_wait3A_91 = arith.constant 0 : i32
        %dma_wait3A_92 = tpu.memref_slice %arg3[%add3A_63, %dma_wait3A, %dma_wait3A_91] : memref<320x64x128xi32, #tpu.memory_space<hbm>> -> memref<1x64x128xi32, #tpu.memory_space<hbm>>
        %dma_wait3A_93 = tpu.memref_squeeze %dma_wait3A_92 : memref<1x64x128xi32, #tpu.memory_space<hbm>> -> memref<64x128xi32, #tpu.memory_space<hbm>>
        %dma_wait3A_94 = arith.constant 0 : i32
        %dma_wait3A_95 = arith.constant 0 : i32
        %dma_wait3A_96 = tpu.memref_slice %arg3[%add3A_63, %dma_wait3A_94, %dma_wait3A_95] : memref<320x64x128xi32, #tpu.memory_space<hbm>> -> memref<1x64x128xi32, #tpu.memory_space<hbm>>
        %dma_wait3A_97 = tpu.memref_squeeze %dma_wait3A_96 : memref<1x64x128xi32, #tpu.memory_space<hbm>> -> memref<64x128xi32, #tpu.memory_space<hbm>>
        tpu.wait_dma2 semaphore(%run_scoped3A : memref<!tpu.dma_semaphore, #tpu.memory_space<semaphore_mem>>) src(%dma_wait3A_97 : memref<64x128xi32, #tpu.memory_space<hbm>>) dst(%arg6 : memref<64x128xi32, #tpu.memory_space<vmem>>)
        tpu.yield
      }) : () -> ()
      %dma_start3A = arith.constant 0 : i32
      %dma_start3A_64 = arith.constant 0 : i32
      %dma_start3A_65 = tpu.memref_slice %arg6[%dma_start3A, %dma_start3A_64] : memref<64x128xi32, #tpu.memory_space<vmem>> -> memref<1x128xi32, #tpu.memory_space<vmem>>
      %dma_start3A_66 = tpu.memref_squeeze %dma_start3A_65 : memref<1x128xi32, #tpu.memory_space<vmem>> -> memref<128xi32, #tpu.memory_space<vmem>>
      %dma_start3A_67 = arith.constant 0 : i32
      %dma_start3A_68 = arith.constant 0 : i32
      %dma_start3A_69 = tpu.memref_slice %arg2[%dma_start3A_67, %dma_start3A_68] : memref<40000x128xf32, #tpu.memory_space<hbm>> -> memref<40000x128xf32, #tpu.memory_space<hbm>>
      tpu.enqueue_indirect_dma source(%dma_start3A_69 : memref<40000x128xf32, #tpu.memory_space<hbm>>) target(%arg7 : memref<128x128xf32, #tpu.memory_space<vmem>>) offsets(%dma_start3A_66 : memref<128xi32, #tpu.memory_space<vmem>>) semaphore(%arg9 : memref<!tpu.dma_semaphore, #tpu.memory_space<semaphore_mem>>)
      %dma_start3A_70 = arith.constant 1 : i32
      %dma_start3A_71 = arith.constant 0 : i32
      %dma_start3A_72 = tpu.memref_slice %arg6[%dma_start3A_70, %dma_start3A_71] : memref<64x128xi32, #tpu.memory_space<vmem>> -> memref<1x128xi32, #tpu.memory_space<vmem>>
      %dma_start3A_73 = tpu.memref_squeeze %dma_start3A_72 : memref<1x128xi32, #tpu.memory_space<vmem>> -> memref<128xi32, #tpu.memory_space<vmem>>
      %dma_start3A_74 = arith.constant 0 : i32
      %dma_start3A_75 = arith.constant 0 : i32
      %dma_start3A_76 = tpu.memref_slice %arg2[%dma_start3A_74, %dma_start3A_75] : memref<40000x128xf32, #tpu.memory_space<hbm>> -> memref<40000x128xf32, #tpu.memory_space<hbm>>
      tpu.enqueue_indirect_dma source(%dma_start3A_76 : memref<40000x128xf32, #tpu.memory_space<hbm>>) target(%arg8 : memref<128x128xf32, #tpu.memory_space<vmem>>) offsets(%dma_start3A_73 : memref<128xi32, #tpu.memory_space<vmem>>) semaphore(%arg10 : memref<!tpu.dma_semaphore, #tpu.memory_space<semaphore_mem>>)
      %scan3A_77 = arith.constant 0 : i32
      %scan3A_78 = arith.constant 0 : i32
      %scan3A_79 = arith.constant 16 : i32
      %scan3A_80 = arith.addi %scan3A_78, %scan3A_79 : i32
      %scan3A_81 = arith.constant 1 : i32
      scf.for %scan3A_83 = %scan3A_78 to %scan3A_80 step %scan3A_81  : i32 {
        %mul3A_84 = arith.constant 2 : i32
        %mul3A_85 = arith.muli %mul3A_84, %scan3A_83 : i32
        %add3A_86 = arith.constant 1 : i32
        %add3A_87 = arith.addi %mul3A_85, %add3A_86 : i32
        %dma_wait3A = arith.constant 0 : i32
        %dma_wait3A_88 = tpu.memref_slice %arg6[%mul3A_85, %dma_wait3A] : memref<64x128xi32, #tpu.memory_space<vmem>> -> memref<1x128xi32, #tpu.memory_space<vmem>>
        %dma_wait3A_89 = tpu.memref_squeeze %dma_wait3A_88 : memref<1x128xi32, #tpu.memory_space<vmem>> -> memref<128xi32, #tpu.memory_space<vmem>>
        %dma_wait3A_90 = arith.constant 0 : i32
        %dma_wait3A_91 = arith.constant 0 : i32
        %dma_wait3A_92 = tpu.memref_slice %arg2[%dma_wait3A_90, %dma_wait3A_91] : memref<40000x128xf32, #tpu.memory_space<hbm>> -> memref<40000x128xf32, #tpu.memory_space<hbm>>
        tpu.wait_indirect_dma semaphore(%arg9 : memref<!tpu.dma_semaphore, #tpu.memory_space<semaphore_mem>>) src(%dma_wait3A_92 : memref<40000x128xf32, #tpu.memory_space<hbm>>) dst(%arg7 : memref<128x128xf32, #tpu.memory_space<vmem>>)
        %add3A_93 = arith.constant 32 : i32
        %add3A_94 = arith.addi %add3A_93, %mul3A_85 : i32
        "tpu.region"() ({
          %run_scoped3A = tpu.sem_alloc : memref<!tpu.dma_semaphore, #tpu.memory_space<semaphore_mem>>
          %dma_start3A_116 = arith.constant 0 : i32
          %dma_start3A_117 = tpu.memref_slice %arg6[%add3A_94, %dma_start3A_116] : memref<64x128xi32, #tpu.memory_space<vmem>> -> memref<1x128xi32, #tpu.memory_space<vmem>>
          %dma_start3A_118 = tpu.memref_squeeze %dma_start3A_117 : memref<1x128xi32, #tpu.memory_space<vmem>> -> memref<128xi32, #tpu.memory_space<vmem>>
          %dma_start3A_119 = arith.constant 0 : i32
          %dma_start3A_120 = arith.constant 0 : i32
          %dma_start3A_121 = tpu.memref_slice %arg5[%dma_start3A_119, %dma_start3A_120] : memref<10008x128xf32, #tpu.memory_space<vmem_shared>> -> memref<10008x128xf32, #tpu.memory_space<vmem_shared>>
          tpu.enqueue_indirect_dma source(%arg7 : memref<128x128xf32, #tpu.memory_space<vmem>>) target(%dma_start3A_121 : memref<10008x128xf32, #tpu.memory_space<vmem_shared>>) offsets(%dma_start3A_118 : memref<128xi32, #tpu.memory_space<vmem>>) semaphore(%run_scoped3A : memref<!tpu.dma_semaphore, #tpu.memory_space<semaphore_mem>>) {add = true}
          %dma_wait3A_122 = arith.constant 0 : i32
          %dma_wait3A_123 = tpu.memref_slice %arg6[%add3A_94, %dma_wait3A_122] : memref<64x128xi32, #tpu.memory_space<vmem>> -> memref<1x128xi32, #tpu.memory_space<vmem>>
          %dma_wait3A_124 = tpu.memref_squeeze %dma_wait3A_123 : memref<1x128xi32, #tpu.memory_space<vmem>> -> memref<128xi32, #tpu.memory_space<vmem>>
          %dma_wait3A_125 = arith.constant 0 : i32
          %dma_wait3A_126 = arith.constant 0 : i32
          %dma_wait3A_127 = tpu.memref_slice %arg5[%dma_wait3A_125, %dma_wait3A_126] : memref<10008x128xf32, #tpu.memory_space<vmem_shared>> -> memref<10008x128xf32, #tpu.memory_space<vmem_shared>>
          tpu.wait_indirect_dma semaphore(%run_scoped3A : memref<!tpu.dma_semaphore, #tpu.memory_space<semaphore_mem>>) src(%arg7 : memref<128x128xf32, #tpu.memory_space<vmem>>) dst(%dma_wait3A_127 : memref<10008x128xf32, #tpu.memory_space<vmem_shared>>)
          tpu.yield
        }) : () -> ()
        %add3A_95 = arith.constant 2 : i32
        %add3A_96 = arith.addi %mul3A_85, %add3A_95 : i32
        %lt3A = arith.constant 32 : i32
        %lt3A_97 = arith.cmpi slt, %add3A_96, %lt3A : i32
        %convert_element_type3A_98 = arith.extui %lt3A_97 : i1 to i32
        %cond3A_99 = arith.constant 0 : i32
        %cond3A_100 = arith.cmpi ne, %convert_element_type3A_98, %cond3A_99 : i32
        scf.if %cond3A_100 {
          %add3A_116 = arith.constant 2 : i32
          %add3A_117 = arith.addi %mul3A_85, %add3A_116 : i32
          %dma_start3A_118 = arith.constant 0 : i32
          %dma_start3A_119 = tpu.memref_slice %arg6[%add3A_117, %dma_start3A_118] : memref<64x128xi32, #tpu.memory_space<vmem>> -> memref<1x128xi32, #tpu.memory_space<vmem>>
          %dma_start3A_120 = tpu.memref_squeeze %dma_start3A_119 : memref<1x128xi32, #tpu.memory_space<vmem>> -> memref<128xi32, #tpu.memory_space<vmem>>
          %dma_start3A_121 = arith.constant 0 : i32
          %dma_start3A_122 = arith.constant 0 : i32
          %dma_start3A_123 = tpu.memref_slice %arg2[%dma_start3A_121, %dma_start3A_122] : memref<40000x128xf32, #tpu.memory_space<hbm>> -> memref<40000x128xf32, #tpu.memory_space<hbm>>
          tpu.enqueue_indirect_dma source(%dma_start3A_123 : memref<40000x128xf32, #tpu.memory_space<hbm>>) target(%arg7 : memref<128x128xf32, #tpu.memory_space<vmem>>) offsets(%dma_start3A_120 : memref<128xi32, #tpu.memory_space<vmem>>) semaphore(%arg9 : memref<!tpu.dma_semaphore, #tpu.memory_space<semaphore_mem>>)
        } else {
        }
        %dma_wait3A_101 = arith.constant 0 : i32
        %dma_wait3A_102 = tpu.memref_slice %arg6[%add3A_87, %dma_wait3A_101] : memref<64x128xi32, #tpu.memory_space<vmem>> -> memref<1x128xi32, #tpu.memory_space<vmem>>
        %dma_wait3A_103 = tpu.memref_squeeze %dma_wait3A_102 : memref<1x128xi32, #tpu.memory_space<vmem>> -> memref<128xi32, #tpu.memory_space<vmem>>
        %dma_wait3A_104 = arith.constant 0 : i32
        %dma_wait3A_105 = arith.constant 0 : i32
        %dma_wait3A_106 = tpu.memref_slice %arg2[%dma_wait3A_104, %dma_wait3A_105] : memref<40000x128xf32, #tpu.memory_space<hbm>> -> memref<40000x128xf32, #tpu.memory_space<hbm>>
        tpu.wait_indirect_dma semaphore(%arg10 : memref<!tpu.dma_semaphore, #tpu.memory_space<semaphore_mem>>) src(%dma_wait3A_106 : memref<40000x128xf32, #tpu.memory_space<hbm>>) dst(%arg8 : memref<128x128xf32, #tpu.memory_space<vmem>>)
        %add3A_107 = arith.constant 32 : i32
        %add3A_108 = arith.addi %add3A_107, %add3A_87 : i32
        "tpu.region"() ({
          %run_scoped3A = tpu.sem_alloc : memref<!tpu.dma_semaphore, #tpu.memory_space<semaphore_mem>>
          %dma_start3A_116 = arith.constant 0 : i32
          %dma_start3A_117 = tpu.memref_slice %arg6[%add3A_108, %dma_start3A_116] : memref<64x128xi32, #tpu.memory_space<vmem>> -> memref<1x128xi32, #tpu.memory_space<vmem>>
          %dma_start3A_118 = tpu.memref_squeeze %dma_start3A_117 : memref<1x128xi32, #tpu.memory_space<vmem>> -> memref<128xi32, #tpu.memory_space<vmem>>
          %dma_start3A_119 = arith.constant 0 : i32
          %dma_start3A_120 = arith.constant 0 : i32
          %dma_start3A_121 = tpu.memref_slice %arg5[%dma_start3A_119, %dma_start3A_120] : memref<10008x128xf32, #tpu.memory_space<vmem_shared>> -> memref<10008x128xf32, #tpu.memory_space<vmem_shared>>
          tpu.enqueue_indirect_dma source(%arg8 : memref<128x128xf32, #tpu.memory_space<vmem>>) target(%dma_start3A_121 : memref<10008x128xf32, #tpu.memory_space<vmem_shared>>) offsets(%dma_start3A_118 : memref<128xi32, #tpu.memory_space<vmem>>) semaphore(%run_scoped3A : memref<!tpu.dma_semaphore, #tpu.memory_space<semaphore_mem>>) {add = true}
          %dma_wait3A_122 = arith.constant 0 : i32
          %dma_wait3A_123 = tpu.memref_slice %arg6[%add3A_108, %dma_wait3A_122] : memref<64x128xi32, #tpu.memory_space<vmem>> -> memref<1x128xi32, #tpu.memory_space<vmem>>
          %dma_wait3A_124 = tpu.memref_squeeze %dma_wait3A_123 : memref<1x128xi32, #tpu.memory_space<vmem>> -> memref<128xi32, #tpu.memory_space<vmem>>
          %dma_wait3A_125 = arith.constant 0 : i32
          %dma_wait3A_126 = arith.constant 0 : i32
          %dma_wait3A_127 = tpu.memref_slice %arg5[%dma_wait3A_125, %dma_wait3A_126] : memref<10008x128xf32, #tpu.memory_space<vmem_shared>> -> memref<10008x128xf32, #tpu.memory_space<vmem_shared>>
          tpu.wait_indirect_dma semaphore(%run_scoped3A : memref<!tpu.dma_semaphore, #tpu.memory_space<semaphore_mem>>) src(%arg8 : memref<128x128xf32, #tpu.memory_space<vmem>>) dst(%dma_wait3A_127 : memref<10008x128xf32, #tpu.memory_space<vmem_shared>>)
          tpu.yield
        }) : () -> ()
        %add3A_109 = arith.constant 2 : i32
        %add3A_110 = arith.addi %add3A_87, %add3A_109 : i32
        %lt3A_111 = arith.constant 32 : i32
        %lt3A_112 = arith.cmpi slt, %add3A_110, %lt3A_111 : i32
        %convert_element_type3A_113 = arith.extui %lt3A_112 : i1 to i32
        %cond3A_114 = arith.constant 0 : i32
        %cond3A_115 = arith.cmpi ne, %convert_element_type3A_113, %cond3A_114 : i32
        scf.if %cond3A_115 {
          %add3A_116 = arith.constant 2 : i32
          %add3A_117 = arith.addi %add3A_87, %add3A_116 : i32
          %dma_start3A_118 = arith.constant 0 : i32
          %dma_start3A_119 = tpu.memref_slice %arg6[%add3A_117, %dma_start3A_118] : memref<64x128xi32, #tpu.memory_space<vmem>> -> memref<1x128xi32, #tpu.memory_space<vmem>>
          %dma_start3A_120 = tpu.memref_squeeze %dma_start3A_119 : memref<1x128xi32, #tpu.memory_space<vmem>> -> memref<128xi32, #tpu.memory_space<vmem>>
          %dma_start3A_121 = arith.constant 0 : i32
          %dma_start3A_122 = arith.constant 0 : i32
          %dma_start3A_123 = tpu.memref_slice %arg2[%dma_start3A_121, %dma_start3A_122] : memref<40000x128xf32, #tpu.memory_space<hbm>> -> memref<40000x128xf32, #tpu.memory_space<hbm>>
          tpu.enqueue_indirect_dma source(%dma_start3A_123 : memref<40000x128xf32, #tpu.memory_space<hbm>>) target(%arg8 : memref<128x128xf32, #tpu.memory_space<vmem>>) offsets(%dma_start3A_120 : memref<128xi32, #tpu.memory_space<vmem>>) semaphore(%arg10 : memref<!tpu.dma_semaphore, #tpu.memory_space<semaphore_mem>>)
        } else {
        }
      }
      %scan3A_82 = arith.constant 16 : i32
    }
    %scan3A_15 = arith.constant 5 : i32
    %barrier3A_16 = arith.constant 0 : index
    tpu.barrier barrier_id(%barrier3A_16)
    %mul3A_17 = arith.constant 624 : i32
    %mul3A_18 = arith.muli %arg1, %mul3A_17 : i32
    "tpu.region"() ({
      %run_scoped3A = tpu.sem_alloc : memref<!tpu.dma_semaphore, #tpu.memory_space<semaphore_mem>>
      %dma_start3A = arith.constant 0 : i32
      %dma_start3A_57 = tpu.memref_slice %arg4[%add3A_6, %dma_start3A] : memref<40000x128xf32, #tpu.memory_space<hbm>> -> memref<624x128xf32, #tpu.memory_space<hbm>>
      %dma_start3A_58 = arith.constant 0 : i32
      %dma_start3A_59 = tpu.memref_slice %arg5[%mul3A_18, %dma_start3A_58] : memref<10008x128xf32, #tpu.memory_space<vmem_shared>> -> memref<624x128xf32, #tpu.memory_space<vmem_shared>>
      tpu.enqueue_dma source(%dma_start3A_59 : memref<624x128xf32, #tpu.memory_space<vmem_shared>>) target(%dma_start3A_57 : memref<624x128xf32, #tpu.memory_space<hbm>>) target_semaphore(%run_scoped3A : memref<!tpu.dma_semaphore, #tpu.memory_space<semaphore_mem>>)
      %dma_wait3A = arith.constant 0 : i32
      %dma_wait3A_60 = tpu.memref_slice %arg4[%add3A_6, %dma_wait3A] : memref<40000x128xf32, #tpu.memory_space<hbm>> -> memref<624x128xf32, #tpu.memory_space<hbm>>
      %dma_wait3A_61 = arith.constant 0 : i32
      %dma_wait3A_62 = tpu.memref_slice %arg5[%mul3A_18, %dma_wait3A_61] : memref<10008x128xf32, #tpu.memory_space<vmem_shared>> -> memref<624x128xf32, #tpu.memory_space<vmem_shared>>
      tpu.wait_dma2 semaphore(%run_scoped3A : memref<!tpu.dma_semaphore, #tpu.memory_space<semaphore_mem>>) src(%dma_wait3A_62 : memref<624x128xf32, #tpu.memory_space<vmem_shared>>) dst(%dma_wait3A_60 : memref<624x128xf32, #tpu.memory_space<hbm>>)
      tpu.yield
    }) : () -> ()
    %eq3A_19 = arith.constant 15 : i32
    %eq3A_20 = arith.cmpi eq, %arg1, %eq3A_19 : i32
    %convert_element_type3A_21 = arith.extui %eq3A_20 : i1 to i32
    %cond3A_22 = arith.constant 0 : i32
    %cond3A_23 = arith.cmpi ne, %convert_element_type3A_21, %cond3A_22 : i32
    scf.if %cond3A_23 {
      %mul3A_57 = arith.constant 10000 : i32
      %mul3A_58 = arith.muli %add3A_1, %mul3A_57 : i32
      %add3A_59 = arith.constant 9984 : i32
      %add3A_60 = arith.addi %mul3A_58, %add3A_59 : i32
      "tpu.region"() ({
        %run_scoped3A = tpu.sem_alloc : memref<!tpu.dma_semaphore, #tpu.memory_space<semaphore_mem>>
        %dma_start3A = arith.constant 0 : i32
        %dma_start3A_61 = tpu.memref_slice %arg4[%add3A_60, %dma_start3A] : memref<40000x128xf32, #tpu.memory_space<hbm>> -> memref<16x128xf32, #tpu.memory_space<hbm>>
        %dma_start3A_62 = arith.constant 9984 : i32
        %dma_start3A_63 = arith.constant 0 : i32
        %dma_start3A_64 = tpu.memref_slice %arg5[%dma_start3A_62, %dma_start3A_63] : memref<10008x128xf32, #tpu.memory_space<vmem_shared>> -> memref<16x128xf32, #tpu.memory_space<vmem_shared>>
        tpu.enqueue_dma source(%dma_start3A_64 : memref<16x128xf32, #tpu.memory_space<vmem_shared>>) target(%dma_start3A_61 : memref<16x128xf32, #tpu.memory_space<hbm>>) target_semaphore(%run_scoped3A : memref<!tpu.dma_semaphore, #tpu.memory_space<semaphore_mem>>)
        %dma_wait3A = arith.constant 0 : i32
        %dma_wait3A_65 = tpu.memref_slice %arg4[%add3A_60, %dma_wait3A] : memref<40000x128xf32, #tpu.memory_space<hbm>> -> memref<16x128xf32, #tpu.memory_space<hbm>>
        %dma_wait3A_66 = arith.constant 9984 : i32
        %dma_wait3A_67 = arith.constant 0 : i32
        %dma_wait3A_68 = tpu.memref_slice %arg5[%dma_wait3A_66, %dma_wait3A_67] : memref<10008x128xf32, #tpu.memory_space<vmem_shared>> -> memref<16x128xf32, #tpu.memory_space<vmem_shared>>
        tpu.wait_dma2 semaphore(%run_scoped3A : memref<!tpu.dma_semaphore, #tpu.memory_space<semaphore_mem>>) src(%dma_wait3A_68 : memref<16x128xf32, #tpu.memory_space<vmem_shared>>) dst(%dma_wait3A_65 : memref<16x128xf32, #tpu.memory_space<hbm>>)
        tpu.yield
      }) : () -> ()
    } else {
    }
    %barrier3A_24 = arith.constant 0 : index
    tpu.barrier barrier_id(%barrier3A_24)
    %mul3A_25 = arith.constant 2 : i32
    %mul3A_26 = arith.muli %arg0, %mul3A_25 : i32
    %add3A_27 = arith.constant 1 : i32
    %add3A_28 = arith.addi %mul3A_26, %add3A_27 : i32
    %mul3A_29 = arith.constant 10000 : i32
    %mul3A_30 = arith.muli %add3A_28, %mul3A_29 : i32
    %mul3A_31 = arith.constant 624 : i32
    %mul3A_32 = arith.muli %arg1, %mul3A_31 : i32
    %add3A_33 = arith.addi %mul3A_30, %mul3A_32 : i32
    %mul3A_34 = arith.constant 624 : i32
    %mul3A_35 = arith.muli %arg1, %mul3A_34 : i32
    "tpu.region"() ({
      %run_scoped3A = tpu.sem_alloc : memref<!tpu.dma_semaphore, #tpu.memory_space<semaphore_mem>>
      %dma_start3A = arith.constant 0 : i32
      %dma_start3A_57 = tpu.memref_slice %arg5[%mul3A_35, %dma_start3A] : memref<10008x128xf32, #tpu.memory_space<vmem_shared>> -> memref<624x128xf32, #tpu.memory_space<vmem_shared>>
      %dma_start3A_58 = arith.constant 0 : i32
      %dma_start3A_59 = tpu.memref_slice %arg2[%add3A_33, %dma_start3A_58] : memref<40000x128xf32, #tpu.memory_space<hbm>> -> memref<624x128xf32, #tpu.memory_space<hbm>>
      tpu.enqueue_dma source(%dma_start3A_59 : memref<624x128xf32, #tpu.memory_space<hbm>>) target(%dma_start3A_57 : memref<624x128xf32, #tpu.memory_space<vmem_shared>>) target_semaphore(%run_scoped3A : memref<!tpu.dma_semaphore, #tpu.memory_space<semaphore_mem>>)
      %dma_wait3A = arith.constant 0 : i32
      %dma_wait3A_60 = tpu.memref_slice %arg5[%mul3A_35, %dma_wait3A] : memref<10008x128xf32, #tpu.memory_space<vmem_shared>> -> memref<624x128xf32, #tpu.memory_space<vmem_shared>>
      %dma_wait3A_61 = arith.constant 0 : i32
      %dma_wait3A_62 = tpu.memref_slice %arg2[%add3A_33, %dma_wait3A_61] : memref<40000x128xf32, #tpu.memory_space<hbm>> -> memref<624x128xf32, #tpu.memory_space<hbm>>
      tpu.wait_dma2 semaphore(%run_scoped3A : memref<!tpu.dma_semaphore, #tpu.memory_space<semaphore_mem>>) src(%dma_wait3A_62 : memref<624x128xf32, #tpu.memory_space<hbm>>) dst(%dma_wait3A_60 : memref<624x128xf32, #tpu.memory_space<vmem_shared>>)
      tpu.yield
    }) : () -> ()
    %eq3A_36 = arith.constant 15 : i32
    %eq3A_37 = arith.cmpi eq, %arg1, %eq3A_36 : i32
    %convert_element_type3A_38 = arith.extui %eq3A_37 : i1 to i32
    %cond3A_39 = arith.constant 0 : i32
    %cond3A_40 = arith.cmpi ne, %convert_element_type3A_38, %cond3A_39 : i32
    scf.if %cond3A_40 {
      %mul3A_57 = arith.constant 10000 : i32
      %mul3A_58 = arith.muli %add3A_28, %mul3A_57 : i32
      %add3A_59 = arith.constant 9984 : i32
      %add3A_60 = arith.addi %mul3A_58, %add3A_59 : i32
      "tpu.region"() ({
        %run_scoped3A = tpu.sem_alloc : memref<!tpu.dma_semaphore, #tpu.memory_space<semaphore_mem>>
        %dma_start3A = arith.constant 9984 : i32
        %dma_start3A_61 = arith.constant 0 : i32
        %dma_start3A_62 = tpu.memref_slice %arg5[%dma_start3A, %dma_start3A_61] : memref<10008x128xf32, #tpu.memory_space<vmem_shared>> -> memref<16x128xf32, #tpu.memory_space<vmem_shared>>
        %dma_start3A_63 = arith.constant 0 : i32
        %dma_start3A_64 = tpu.memref_slice %arg2[%add3A_60, %dma_start3A_63] : memref<40000x128xf32, #tpu.memory_space<hbm>> -> memref<16x128xf32, #tpu.memory_space<hbm>>
        tpu.enqueue_dma source(%dma_start3A_64 : memref<16x128xf32, #tpu.memory_space<hbm>>) target(%dma_start3A_62 : memref<16x128xf32, #tpu.memory_space<vmem_shared>>) target_semaphore(%run_scoped3A : memref<!tpu.dma_semaphore, #tpu.memory_space<semaphore_mem>>)
        %dma_wait3A = arith.constant 9984 : i32
        %dma_wait3A_65 = arith.constant 0 : i32
        %dma_wait3A_66 = tpu.memref_slice %arg5[%dma_wait3A, %dma_wait3A_65] : memref<10008x128xf32, #tpu.memory_space<vmem_shared>> -> memref<16x128xf32, #tpu.memory_space<vmem_shared>>
        %dma_wait3A_67 = arith.constant 0 : i32
        %dma_wait3A_68 = tpu.memref_slice %arg2[%add3A_60, %dma_wait3A_67] : memref<40000x128xf32, #tpu.memory_space<hbm>> -> memref<16x128xf32, #tpu.memory_space<hbm>>
        tpu.wait_dma2 semaphore(%run_scoped3A : memref<!tpu.dma_semaphore, #tpu.memory_space<semaphore_mem>>) src(%dma_wait3A_68 : memref<16x128xf32, #tpu.memory_space<hbm>>) dst(%dma_wait3A_66 : memref<16x128xf32, #tpu.memory_space<vmem_shared>>)
        tpu.yield
      }) : () -> ()
    } else {
    }
    %barrier3A_41 = arith.constant 0 : index
    tpu.barrier barrier_id(%barrier3A_41)
    %scan3A_42 = arith.constant 0 : i32
    %scan3A_43 = arith.constant 0 : i32
    %scan3A_44 = arith.constant 5 : i32
    %scan3A_45 = arith.addi %scan3A_43, %scan3A_44 : i32
    %scan3A_46 = arith.constant 1 : i32
    scf.for %scan3A_57 = %scan3A_43 to %scan3A_45 step %scan3A_46  : i32 {
      %mul3A_58 = arith.constant 16 : i32
      %mul3A_59 = arith.muli %add3A_28, %mul3A_58 : i32
      %add3A_60 = arith.addi %mul3A_59, %arg1 : i32
      %mul3A_61 = arith.constant 5 : i32
      %mul3A_62 = arith.muli %add3A_60, %mul3A_61 : i32
      %add3A_63 = arith.addi %mul3A_62, %scan3A_57 : i32
      "tpu.region"() ({
        %run_scoped3A = tpu.sem_alloc : memref<!tpu.dma_semaphore, #tpu.memory_space<semaphore_mem>>
        %dma_start3A_83 = arith.constant 0 : i32
        %dma_start3A_84 = arith.constant 0 : i32
        %dma_start3A_85 = tpu.memref_slice %arg3[%add3A_63, %dma_start3A_83, %dma_start3A_84] : memref<320x64x128xi32, #tpu.memory_space<hbm>> -> memref<1x64x128xi32, #tpu.memory_space<hbm>>
        %dma_start3A_86 = tpu.memref_squeeze %dma_start3A_85 : memref<1x64x128xi32, #tpu.memory_space<hbm>> -> memref<64x128xi32, #tpu.memory_space<hbm>>
        %dma_start3A_87 = arith.constant 0 : i32
        %dma_start3A_88 = arith.constant 0 : i32
        %dma_start3A_89 = tpu.memref_slice %arg3[%add3A_63, %dma_start3A_87, %dma_start3A_88] : memref<320x64x128xi32, #tpu.memory_space<hbm>> -> memref<1x64x128xi32, #tpu.memory_space<hbm>>
        %dma_start3A_90 = tpu.memref_squeeze %dma_start3A_89 : memref<1x64x128xi32, #tpu.memory_space<hbm>> -> memref<64x128xi32, #tpu.memory_space<hbm>>
        tpu.enqueue_dma source(%dma_start3A_90 : memref<64x128xi32, #tpu.memory_space<hbm>>) target(%arg6 : memref<64x128xi32, #tpu.memory_space<vmem>>) target_semaphore(%run_scoped3A : memref<!tpu.dma_semaphore, #tpu.memory_space<semaphore_mem>>)
        %dma_wait3A = arith.constant 0 : i32
        %dma_wait3A_91 = arith.constant 0 : i32
        %dma_wait3A_92 = tpu.memref_slice %arg3[%add3A_63, %dma_wait3A, %dma_wait3A_91] : memref<320x64x128xi32, #tpu.memory_space<hbm>> -> memref<1x64x128xi32, #tpu.memory_space<hbm>>
        %dma_wait3A_93 = tpu.memref_squeeze %dma_wait3A_92 : memref<1x64x128xi32, #tpu.memory_space<hbm>> -> memref<64x128xi32, #tpu.memory_space<hbm>>
        %dma_wait3A_94 = arith.constant 0 : i32
        %dma_wait3A_95 = arith.constant 0 : i32
        %dma_wait3A_96 = tpu.memref_slice %arg3[%add3A_63, %dma_wait3A_94, %dma_wait3A_95] : memref<320x64x128xi32, #tpu.memory_space<hbm>> -> memref<1x64x128xi32, #tpu.memory_space<hbm>>
        %dma_wait3A_97 = tpu.memref_squeeze %dma_wait3A_96 : memref<1x64x128xi32, #tpu.memory_space<hbm>> -> memref<64x128xi32, #tpu.memory_space<hbm>>
        tpu.wait_dma2 semaphore(%run_scoped3A : memref<!tpu.dma_semaphore, #tpu.memory_space<semaphore_mem>>) src(%dma_wait3A_97 : memref<64x128xi32, #tpu.memory_space<hbm>>) dst(%arg6 : memref<64x128xi32, #tpu.memory_space<vmem>>)
        tpu.yield
      }) : () -> ()
      %dma_start3A = arith.constant 0 : i32
      %dma_start3A_64 = arith.constant 0 : i32
      %dma_start3A_65 = tpu.memref_slice %arg6[%dma_start3A, %dma_start3A_64] : memref<64x128xi32, #tpu.memory_space<vmem>> -> memref<1x128xi32, #tpu.memory_space<vmem>>
      %dma_start3A_66 = tpu.memref_squeeze %dma_start3A_65 : memref<1x128xi32, #tpu.memory_space<vmem>> -> memref<128xi32, #tpu.memory_space<vmem>>
      %dma_start3A_67 = arith.constant 0 : i32
      %dma_start3A_68 = arith.constant 0 : i32
      %dma_start3A_69 = tpu.memref_slice %arg2[%dma_start3A_67, %dma_start3A_68] : memref<40000x128xf32, #tpu.memory_space<hbm>> -> memref<40000x128xf32, #tpu.memory_space<hbm>>
      tpu.enqueue_indirect_dma source(%dma_start3A_69 : memref<40000x128xf32, #tpu.memory_space<hbm>>) target(%arg7 : memref<128x128xf32, #tpu.memory_space<vmem>>) offsets(%dma_start3A_66 : memref<128xi32, #tpu.memory_space<vmem>>) semaphore(%arg9 : memref<!tpu.dma_semaphore, #tpu.memory_space<semaphore_mem>>)
      %dma_start3A_70 = arith.constant 1 : i32
      %dma_start3A_71 = arith.constant 0 : i32
      %dma_start3A_72 = tpu.memref_slice %arg6[%dma_start3A_70, %dma_start3A_71] : memref<64x128xi32, #tpu.memory_space<vmem>> -> memref<1x128xi32, #tpu.memory_space<vmem>>
      %dma_start3A_73 = tpu.memref_squeeze %dma_start3A_72 : memref<1x128xi32, #tpu.memory_space<vmem>> -> memref<128xi32, #tpu.memory_space<vmem>>
      %dma_start3A_74 = arith.constant 0 : i32
      %dma_start3A_75 = arith.constant 0 : i32
      %dma_start3A_76 = tpu.memref_slice %arg2[%dma_start3A_74, %dma_start3A_75] : memref<40000x128xf32, #tpu.memory_space<hbm>> -> memref<40000x128xf32, #tpu.memory_space<hbm>>
      tpu.enqueue_indirect_dma source(%dma_start3A_76 : memref<40000x128xf32, #tpu.memory_space<hbm>>) target(%arg8 : memref<128x128xf32, #tpu.memory_space<vmem>>) offsets(%dma_start3A_73 : memref<128xi32, #tpu.memory_space<vmem>>) semaphore(%arg10 : memref<!tpu.dma_semaphore, #tpu.memory_space<semaphore_mem>>)
      %scan3A_77 = arith.constant 0 : i32
      %scan3A_78 = arith.constant 0 : i32
      %scan3A_79 = arith.constant 16 : i32
      %scan3A_80 = arith.addi %scan3A_78, %scan3A_79 : i32
      %scan3A_81 = arith.constant 1 : i32
      scf.for %scan3A_83 = %scan3A_78 to %scan3A_80 step %scan3A_81  : i32 {
        %mul3A_84 = arith.constant 2 : i32
        %mul3A_85 = arith.muli %mul3A_84, %scan3A_83 : i32
        %add3A_86 = arith.constant 1 : i32
        %add3A_87 = arith.addi %mul3A_85, %add3A_86 : i32
        %dma_wait3A = arith.constant 0 : i32
        %dma_wait3A_88 = tpu.memref_slice %arg6[%mul3A_85, %dma_wait3A] : memref<64x128xi32, #tpu.memory_space<vmem>> -> memref<1x128xi32, #tpu.memory_space<vmem>>
        %dma_wait3A_89 = tpu.memref_squeeze %dma_wait3A_88 : memref<1x128xi32, #tpu.memory_space<vmem>> -> memref<128xi32, #tpu.memory_space<vmem>>
        %dma_wait3A_90 = arith.constant 0 : i32
        %dma_wait3A_91 = arith.constant 0 : i32
        %dma_wait3A_92 = tpu.memref_slice %arg2[%dma_wait3A_90, %dma_wait3A_91] : memref<40000x128xf32, #tpu.memory_space<hbm>> -> memref<40000x128xf32, #tpu.memory_space<hbm>>
        tpu.wait_indirect_dma semaphore(%arg9 : memref<!tpu.dma_semaphore, #tpu.memory_space<semaphore_mem>>) src(%dma_wait3A_92 : memref<40000x128xf32, #tpu.memory_space<hbm>>) dst(%arg7 : memref<128x128xf32, #tpu.memory_space<vmem>>)
        %add3A_93 = arith.constant 32 : i32
        %add3A_94 = arith.addi %add3A_93, %mul3A_85 : i32
        "tpu.region"() ({
          %run_scoped3A = tpu.sem_alloc : memref<!tpu.dma_semaphore, #tpu.memory_space<semaphore_mem>>
          %dma_start3A_116 = arith.constant 0 : i32
          %dma_start3A_117 = tpu.memref_slice %arg6[%add3A_94, %dma_start3A_116] : memref<64x128xi32, #tpu.memory_space<vmem>> -> memref<1x128xi32, #tpu.memory_space<vmem>>
          %dma_start3A_118 = tpu.memref_squeeze %dma_start3A_117 : memref<1x128xi32, #tpu.memory_space<vmem>> -> memref<128xi32, #tpu.memory_space<vmem>>
          %dma_start3A_119 = arith.constant 0 : i32
          %dma_start3A_120 = arith.constant 0 : i32
          %dma_start3A_121 = tpu.memref_slice %arg5[%dma_start3A_119, %dma_start3A_120] : memref<10008x128xf32, #tpu.memory_space<vmem_shared>> -> memref<10008x128xf32, #tpu.memory_space<vmem_shared>>
          tpu.enqueue_indirect_dma source(%arg7 : memref<128x128xf32, #tpu.memory_space<vmem>>) target(%dma_start3A_121 : memref<10008x128xf32, #tpu.memory_space<vmem_shared>>) offsets(%dma_start3A_118 : memref<128xi32, #tpu.memory_space<vmem>>) semaphore(%run_scoped3A : memref<!tpu.dma_semaphore, #tpu.memory_space<semaphore_mem>>) {add = true}
          %dma_wait3A_122 = arith.constant 0 : i32
          %dma_wait3A_123 = tpu.memref_slice %arg6[%add3A_94, %dma_wait3A_122] : memref<64x128xi32, #tpu.memory_space<vmem>> -> memref<1x128xi32, #tpu.memory_space<vmem>>
          %dma_wait3A_124 = tpu.memref_squeeze %dma_wait3A_123 : memref<1x128xi32, #tpu.memory_space<vmem>> -> memref<128xi32, #tpu.memory_space<vmem>>
          %dma_wait3A_125 = arith.constant 0 : i32
          %dma_wait3A_126 = arith.constant 0 : i32
          %dma_wait3A_127 = tpu.memref_slice %arg5[%dma_wait3A_125, %dma_wait3A_126] : memref<10008x128xf32, #tpu.memory_space<vmem_shared>> -> memref<10008x128xf32, #tpu.memory_space<vmem_shared>>
          tpu.wait_indirect_dma semaphore(%run_scoped3A : memref<!tpu.dma_semaphore, #tpu.memory_space<semaphore_mem>>) src(%arg7 : memref<128x128xf32, #tpu.memory_space<vmem>>) dst(%dma_wait3A_127 : memref<10008x128xf32, #tpu.memory_space<vmem_shared>>)
          tpu.yield
        }) : () -> ()
        %add3A_95 = arith.constant 2 : i32
        %add3A_96 = arith.addi %mul3A_85, %add3A_95 : i32
        %lt3A = arith.constant 32 : i32
        %lt3A_97 = arith.cmpi slt, %add3A_96, %lt3A : i32
        %convert_element_type3A_98 = arith.extui %lt3A_97 : i1 to i32
        %cond3A_99 = arith.constant 0 : i32
        %cond3A_100 = arith.cmpi ne, %convert_element_type3A_98, %cond3A_99 : i32
        scf.if %cond3A_100 {
          %add3A_116 = arith.constant 2 : i32
          %add3A_117 = arith.addi %mul3A_85, %add3A_116 : i32
          %dma_start3A_118 = arith.constant 0 : i32
          %dma_start3A_119 = tpu.memref_slice %arg6[%add3A_117, %dma_start3A_118] : memref<64x128xi32, #tpu.memory_space<vmem>> -> memref<1x128xi32, #tpu.memory_space<vmem>>
          %dma_start3A_120 = tpu.memref_squeeze %dma_start3A_119 : memref<1x128xi32, #tpu.memory_space<vmem>> -> memref<128xi32, #tpu.memory_space<vmem>>
          %dma_start3A_121 = arith.constant 0 : i32
          %dma_start3A_122 = arith.constant 0 : i32
          %dma_start3A_123 = tpu.memref_slice %arg2[%dma_start3A_121, %dma_start3A_122] : memref<40000x128xf32, #tpu.memory_space<hbm>> -> memref<40000x128xf32, #tpu.memory_space<hbm>>
          tpu.enqueue_indirect_dma source(%dma_start3A_123 : memref<40000x128xf32, #tpu.memory_space<hbm>>) target(%arg7 : memref<128x128xf32, #tpu.memory_space<vmem>>) offsets(%dma_start3A_120 : memref<128xi32, #tpu.memory_space<vmem>>) semaphore(%arg9 : memref<!tpu.dma_semaphore, #tpu.memory_space<semaphore_mem>>)
        } else {
        }
        %dma_wait3A_101 = arith.constant 0 : i32
        %dma_wait3A_102 = tpu.memref_slice %arg6[%add3A_87, %dma_wait3A_101] : memref<64x128xi32, #tpu.memory_space<vmem>> -> memref<1x128xi32, #tpu.memory_space<vmem>>
        %dma_wait3A_103 = tpu.memref_squeeze %dma_wait3A_102 : memref<1x128xi32, #tpu.memory_space<vmem>> -> memref<128xi32, #tpu.memory_space<vmem>>
        %dma_wait3A_104 = arith.constant 0 : i32
        %dma_wait3A_105 = arith.constant 0 : i32
        %dma_wait3A_106 = tpu.memref_slice %arg2[%dma_wait3A_104, %dma_wait3A_105] : memref<40000x128xf32, #tpu.memory_space<hbm>> -> memref<40000x128xf32, #tpu.memory_space<hbm>>
        tpu.wait_indirect_dma semaphore(%arg10 : memref<!tpu.dma_semaphore, #tpu.memory_space<semaphore_mem>>) src(%dma_wait3A_106 : memref<40000x128xf32, #tpu.memory_space<hbm>>) dst(%arg8 : memref<128x128xf32, #tpu.memory_space<vmem>>)
        %add3A_107 = arith.constant 32 : i32
        %add3A_108 = arith.addi %add3A_107, %add3A_87 : i32
        "tpu.region"() ({
          %run_scoped3A = tpu.sem_alloc : memref<!tpu.dma_semaphore, #tpu.memory_space<semaphore_mem>>
          %dma_start3A_116 = arith.constant 0 : i32
          %dma_start3A_117 = tpu.memref_slice %arg6[%add3A_108, %dma_start3A_116] : memref<64x128xi32, #tpu.memory_space<vmem>> -> memref<1x128xi32, #tpu.memory_space<vmem>>
          %dma_start3A_118 = tpu.memref_squeeze %dma_start3A_117 : memref<1x128xi32, #tpu.memory_space<vmem>> -> memref<128xi32, #tpu.memory_space<vmem>>
          %dma_start3A_119 = arith.constant 0 : i32
          %dma_start3A_120 = arith.constant 0 : i32
          %dma_start3A_121 = tpu.memref_slice %arg5[%dma_start3A_119, %dma_start3A_120] : memref<10008x128xf32, #tpu.memory_space<vmem_shared>> -> memref<10008x128xf32, #tpu.memory_space<vmem_shared>>
          tpu.enqueue_indirect_dma source(%arg8 : memref<128x128xf32, #tpu.memory_space<vmem>>) target(%dma_start3A_121 : memref<10008x128xf32, #tpu.memory_space<vmem_shared>>) offsets(%dma_start3A_118 : memref<128xi32, #tpu.memory_space<vmem>>) semaphore(%run_scoped3A : memref<!tpu.dma_semaphore, #tpu.memory_space<semaphore_mem>>) {add = true}
          %dma_wait3A_122 = arith.constant 0 : i32
          %dma_wait3A_123 = tpu.memref_slice %arg6[%add3A_108, %dma_wait3A_122] : memref<64x128xi32, #tpu.memory_space<vmem>> -> memref<1x128xi32, #tpu.memory_space<vmem>>
          %dma_wait3A_124 = tpu.memref_squeeze %dma_wait3A_123 : memref<1x128xi32, #tpu.memory_space<vmem>> -> memref<128xi32, #tpu.memory_space<vmem>>
          %dma_wait3A_125 = arith.constant 0 : i32
          %dma_wait3A_126 = arith.constant 0 : i32
          %dma_wait3A_127 = tpu.memref_slice %arg5[%dma_wait3A_125, %dma_wait3A_126] : memref<10008x128xf32, #tpu.memory_space<vmem_shared>> -> memref<10008x128xf32, #tpu.memory_space<vmem_shared>>
          tpu.wait_indirect_dma semaphore(%run_scoped3A : memref<!tpu.dma_semaphore, #tpu.memory_space<semaphore_mem>>) src(%arg8 : memref<128x128xf32, #tpu.memory_space<vmem>>) dst(%dma_wait3A_127 : memref<10008x128xf32, #tpu.memory_space<vmem_shared>>)
          tpu.yield
        }) : () -> ()
        %add3A_109 = arith.constant 2 : i32
        %add3A_110 = arith.addi %add3A_87, %add3A_109 : i32
        %lt3A_111 = arith.constant 32 : i32
        %lt3A_112 = arith.cmpi slt, %add3A_110, %lt3A_111 : i32
        %convert_element_type3A_113 = arith.extui %lt3A_112 : i1 to i32
        %cond3A_114 = arith.constant 0 : i32
        %cond3A_115 = arith.cmpi ne, %convert_element_type3A_113, %cond3A_114 : i32
        scf.if %cond3A_115 {
          %add3A_116 = arith.constant 2 : i32
          %add3A_117 = arith.addi %add3A_87, %add3A_116 : i32
          %dma_start3A_118 = arith.constant 0 : i32
          %dma_start3A_119 = tpu.memref_slice %arg6[%add3A_117, %dma_start3A_118] : memref<64x128xi32, #tpu.memory_space<vmem>> -> memref<1x128xi32, #tpu.memory_space<vmem>>
          %dma_start3A_120 = tpu.memref_squeeze %dma_start3A_119 : memref<1x128xi32, #tpu.memory_space<vmem>> -> memref<128xi32, #tpu.memory_space<vmem>>
          %dma_start3A_121 = arith.constant 0 : i32
          %dma_start3A_122 = arith.constant 0 : i32
          %dma_start3A_123 = tpu.memref_slice %arg2[%dma_start3A_121, %dma_start3A_122] : memref<40000x128xf32, #tpu.memory_space<hbm>> -> memref<40000x128xf32, #tpu.memory_space<hbm>>
          tpu.enqueue_indirect_dma source(%dma_start3A_123 : memref<40000x128xf32, #tpu.memory_space<hbm>>) target(%arg8 : memref<128x128xf32, #tpu.memory_space<vmem>>) offsets(%dma_start3A_120 : memref<128xi32, #tpu.memory_space<vmem>>) semaphore(%arg10 : memref<!tpu.dma_semaphore, #tpu.memory_space<semaphore_mem>>)
        } else {
        }
      }
      %scan3A_82 = arith.constant 16 : i32
    }
    %scan3A_47 = arith.constant 5 : i32
    %barrier3A_48 = arith.constant 0 : index
    tpu.barrier barrier_id(%barrier3A_48)
    %mul3A_49 = arith.constant 624 : i32
    %mul3A_50 = arith.muli %arg1, %mul3A_49 : i32
    "tpu.region"() ({
      %run_scoped3A = tpu.sem_alloc : memref<!tpu.dma_semaphore, #tpu.memory_space<semaphore_mem>>
      %dma_start3A = arith.constant 0 : i32
      %dma_start3A_57 = tpu.memref_slice %arg4[%add3A_33, %dma_start3A] : memref<40000x128xf32, #tpu.memory_space<hbm>> -> memref<624x128xf32, #tpu.memory_space<hbm>>
      %dma_start3A_58 = arith.constant 0 : i32
      %dma_start3A_59 = tpu.memref_slice %arg5[%mul3A_50, %dma_start3A_58] : memref<10008x128xf32, #tpu.memory_space<vmem_shared>> -> memref<624x128xf32, #tpu.memory_space<vmem_shared>>
      tpu.enqueue_dma source(%dma_start3A_59 : memref<624x128xf32, #tpu.memory_space<vmem_shared>>) target(%dma_start3A_57 : memref<624x128xf32, #tpu.memory_space<hbm>>) target_semaphore(%run_scoped3A : memref<!tpu.dma_semaphore, #tpu.memory_space<semaphore_mem>>)
      %dma_wait3A = arith.constant 0 : i32
      %dma_wait3A_60 = tpu.memref_slice %arg4[%add3A_33, %dma_wait3A] : memref<40000x128xf32, #tpu.memory_space<hbm>> -> memref<624x128xf32, #tpu.memory_space<hbm>>
      %dma_wait3A_61 = arith.constant 0 : i32
      %dma_wait3A_62 = tpu.memref_slice %arg5[%mul3A_50, %dma_wait3A_61] : memref<10008x128xf32, #tpu.memory_space<vmem_shared>> -> memref<624x128xf32, #tpu.memory_space<vmem_shared>>
      tpu.wait_dma2 semaphore(%run_scoped3A : memref<!tpu.dma_semaphore, #tpu.memory_space<semaphore_mem>>) src(%dma_wait3A_62 : memref<624x128xf32, #tpu.memory_space<vmem_shared>>) dst(%dma_wait3A_60 : memref<624x128xf32, #tpu.memory_space<hbm>>)
      tpu.yield
    }) : () -> ()
    %eq3A_51 = arith.constant 15 : i32
    %eq3A_52 = arith.cmpi eq, %arg1, %eq3A_51 : i32
    %convert_element_type3A_53 = arith.extui %eq3A_52 : i1 to i32
    %cond3A_54 = arith.constant 0 : i32
    %cond3A_55 = arith.cmpi ne, %convert_element_type3A_53, %cond3A_54 : i32
    scf.if %cond3A_55 {
      %mul3A_57 = arith.constant 10000 : i32
      %mul3A_58 = arith.muli %add3A_28, %mul3A_57 : i32
      %add3A_59 = arith.constant 9984 : i32
      %add3A_60 = arith.addi %mul3A_58, %add3A_59 : i32
      "tpu.region"() ({
        %run_scoped3A = tpu.sem_alloc : memref<!tpu.dma_semaphore, #tpu.memory_space<semaphore_mem>>
        %dma_start3A = arith.constant 0 : i32
        %dma_start3A_61 = tpu.memref_slice %arg4[%add3A_60, %dma_start3A] : memref<40000x128xf32, #tpu.memory_space<hbm>> -> memref<16x128xf32, #tpu.memory_space<hbm>>
        %dma_start3A_62 = arith.constant 9984 : i32
        %dma_start3A_63 = arith.constant 0 : i32
        %dma_start3A_64 = tpu.memref_slice %arg5[%dma_start3A_62, %dma_start3A_63] : memref<10008x128xf32, #tpu.memory_space<vmem_shared>> -> memref<16x128xf32, #tpu.memory_space<vmem_shared>>
        tpu.enqueue_dma source(%dma_start3A_64 : memref<16x128xf32, #tpu.memory_space<vmem_shared>>) target(%dma_start3A_61 : memref<16x128xf32, #tpu.memory_space<hbm>>) target_semaphore(%run_scoped3A : memref<!tpu.dma_semaphore, #tpu.memory_space<semaphore_mem>>)
        %dma_wait3A = arith.constant 0 : i32
        %dma_wait3A_65 = tpu.memref_slice %arg4[%add3A_60, %dma_wait3A] : memref<40000x128xf32, #tpu.memory_space<hbm>> -> memref<16x128xf32, #tpu.memory_space<hbm>>
        %dma_wait3A_66 = arith.constant 9984 : i32
        %dma_wait3A_67 = arith.constant 0 : i32
        %dma_wait3A_68 = tpu.memref_slice %arg5[%dma_wait3A_66, %dma_wait3A_67] : memref<10008x128xf32, #tpu.memory_space<vmem_shared>> -> memref<16x128xf32, #tpu.memory_space<vmem_shared>>
        tpu.wait_dma2 semaphore(%run_scoped3A : memref<!tpu.dma_semaphore, #tpu.memory_space<semaphore_mem>>) src(%dma_wait3A_68 : memref<16x128xf32, #tpu.memory_space<vmem_shared>>) dst(%dma_wait3A_65 : memref<16x128xf32, #tpu.memory_space<hbm>>)
        tpu.yield
      }) : () -> ()
    } else {
    }
    %barrier3A_56 = arith.constant 0 : index
    tpu.barrier barrier_id(%barrier3A_56)
    return
  }
}

module attributes {stable_mosaic.version = 14 : i64} {
  func.func @_drop_body(%arg0: i32, %arg1: memref<1000x128xf32, #tpu.memory_space<vmem>>, %arg2: memref<1000x4xf32, #tpu.memory_space<vmem>>, %arg3: memref<4x1000x128xf32, #tpu.memory_space<vmem>>) attributes {dimension_semantics = [#tpu.dimension_semantics<arbitrary>], iteration_bounds = array<i64: 10>, scalar_prefetch = 0 : i64, scratch_operands = 0 : i64, tpu.core_type = #tpu.core_type<tc>, window_params = [{transform_indices = @transform_0, window_bounds = array<i64: 1000, 128>}, {transform_indices = @transform_1, window_bounds = array<i64: 1000, 4>}, {transform_indices = @transform_2, window_bounds = array<i64: 4, 1000, 128>}]} {
    %get3A = arith.constant 0 : index
    %get3A_0 = arith.constant 0 : index
    %get3A_1 = vector.load %arg1[%get3A, %get3A_0] : memref<1000x128xf32, #tpu.memory_space<vmem>>, vector<1000x128xf32>
    %get3A_2 = arith.constant 0 : index
    %get3A_3 = arith.constant 0 : index
    %get3A_4 = vector.load %arg2[%get3A_2, %get3A_3] : memref<1000x4xf32, #tpu.memory_space<vmem>>, vector<1000x4xf32>
    %slice3A = vector.extract_strided_slice %get3A_4 {offsets = [0, 0], sizes = [1000, 1], strides = [1, 1]} : vector<1000x4xf32> to vector<1000x1xf32>
    %squeeze3A = vector.shape_cast %slice3A : vector<1000x1xf32> to vector<1000xf32>
    %broadcast_in_dim3A = vector.shape_cast %squeeze3A : vector<1000xf32> to vector<1000x1xf32>
    %ge3A = arith.constant 1.000000e-01 : f32
    %ge3A_5 = vector.broadcast %ge3A : f32 to vector<1000x1xf32>
    %ge3A_6 = arith.cmpf oge, %broadcast_in_dim3A, %ge3A_5 : vector<1000x1xf32>
    %jit3A = arith.constant 0.000000e+00 : f32
    %broadcast_in_dim3A_7 = vector.shape_cast %ge3A_6 : vector<1000x1xi1> to vector<1000x1xi1>
    %broadcast_in_dim3A_8 = vector.broadcast %broadcast_in_dim3A_7 : vector<1000x1xi1> to vector<1000x128xi1>
    %broadcast_in_dim3A_9 = vector.broadcast %jit3A : f32 to vector<1000x128xf32>
    %select_n3A = arith.select %broadcast_in_dim3A_8, %get3A_1, %broadcast_in_dim3A_9 : vector<1000x128xi1>, vector<1000x128xf32>
    %swap3A = arith.constant 0 : index
    %swap3A_10 = arith.constant 0 : index
    %swap3A_11 = arith.constant 0 : index
    %swap3A_12 = vector.load %arg3[%swap3A, %swap3A_10, %swap3A_11] : memref<4x1000x128xf32, #tpu.memory_space<vmem>>, vector<1x1000x128xf32>
    %swap3A_13 = vector.shape_cast %swap3A_12 : vector<1x1000x128xf32> to vector<1000x128xf32>
    %swap3A_14 = vector.shape_cast %select_n3A : vector<1000x128xf32> to vector<1x1000x128xf32>
    tpu.vector_store %arg3[%swap3A, %swap3A_10, %swap3A_11], %swap3A_14 {strides = array<i32>} : memref<4x1000x128xf32, #tpu.memory_space<vmem>>, vector<1x1000x128xf32>,
    %slice3A_15 = vector.extract_strided_slice %get3A_4 {offsets = [0, 1], sizes = [1000, 1], strides = [1, 1]} : vector<1000x4xf32> to vector<1000x1xf32>
    %squeeze3A_16 = vector.shape_cast %slice3A_15 : vector<1000x1xf32> to vector<1000xf32>
    %broadcast_in_dim3A_17 = vector.shape_cast %squeeze3A_16 : vector<1000xf32> to vector<1000x1xf32>
    %ge3A_18 = arith.constant 1.000000e-01 : f32
    %ge3A_19 = vector.broadcast %ge3A_18 : f32 to vector<1000x1xf32>
    %ge3A_20 = arith.cmpf oge, %broadcast_in_dim3A_17, %ge3A_19 : vector<1000x1xf32>
    %jit3A_21 = arith.constant 0.000000e+00 : f32
    %broadcast_in_dim3A_22 = vector.shape_cast %ge3A_20 : vector<1000x1xi1> to vector<1000x1xi1>
    %broadcast_in_dim3A_23 = vector.broadcast %broadcast_in_dim3A_22 : vector<1000x1xi1> to vector<1000x128xi1>
    %broadcast_in_dim3A_24 = vector.broadcast %jit3A_21 : f32 to vector<1000x128xf32>
    %select_n3A_25 = arith.select %broadcast_in_dim3A_23, %get3A_1, %broadcast_in_dim3A_24 : vector<1000x128xi1>, vector<1000x128xf32>
    %swap3A_26 = arith.constant 1 : index
    %swap3A_27 = arith.constant 0 : index
    %swap3A_28 = arith.constant 0 : index
    %swap3A_29 = vector.load %arg3[%swap3A_26, %swap3A_27, %swap3A_28] : memref<4x1000x128xf32, #tpu.memory_space<vmem>>, vector<1x1000x128xf32>
    %swap3A_30 = vector.shape_cast %swap3A_29 : vector<1x1000x128xf32> to vector<1000x128xf32>
    %swap3A_31 = vector.shape_cast %select_n3A_25 : vector<1000x128xf32> to vector<1x1000x128xf32>
    tpu.vector_store %arg3[%swap3A_26, %swap3A_27, %swap3A_28], %swap3A_31 {strides = array<i32>} : memref<4x1000x128xf32, #tpu.memory_space<vmem>>, vector<1x1000x128xf32>,
    %slice3A_32 = vector.extract_strided_slice %get3A_4 {offsets = [0, 2], sizes = [1000, 1], strides = [1, 1]} : vector<1000x4xf32> to vector<1000x1xf32>
    %squeeze3A_33 = vector.shape_cast %slice3A_32 : vector<1000x1xf32> to vector<1000xf32>
    %broadcast_in_dim3A_34 = vector.shape_cast %squeeze3A_33 : vector<1000xf32> to vector<1000x1xf32>
    %ge3A_35 = arith.constant 1.000000e-01 : f32
    %ge3A_36 = vector.broadcast %ge3A_35 : f32 to vector<1000x1xf32>
    %ge3A_37 = arith.cmpf oge, %broadcast_in_dim3A_34, %ge3A_36 : vector<1000x1xf32>
    %jit3A_38 = arith.constant 0.000000e+00 : f32
    %broadcast_in_dim3A_39 = vector.shape_cast %ge3A_37 : vector<1000x1xi1> to vector<1000x1xi1>
    %broadcast_in_dim3A_40 = vector.broadcast %broadcast_in_dim3A_39 : vector<1000x1xi1> to vector<1000x128xi1>
    %broadcast_in_dim3A_41 = vector.broadcast %jit3A_38 : f32 to vector<1000x128xf32>
    %select_n3A_42 = arith.select %broadcast_in_dim3A_40, %get3A_1, %broadcast_in_dim3A_41 : vector<1000x128xi1>, vector<1000x128xf32>
    %swap3A_43 = arith.constant 2 : index
    %swap3A_44 = arith.constant 0 : index
    %swap3A_45 = arith.constant 0 : index
    %swap3A_46 = vector.load %arg3[%swap3A_43, %swap3A_44, %swap3A_45] : memref<4x1000x128xf32, #tpu.memory_space<vmem>>, vector<1x1000x128xf32>
    %swap3A_47 = vector.shape_cast %swap3A_46 : vector<1x1000x128xf32> to vector<1000x128xf32>
    %swap3A_48 = vector.shape_cast %select_n3A_42 : vector<1000x128xf32> to vector<1x1000x128xf32>
    tpu.vector_store %arg3[%swap3A_43, %swap3A_44, %swap3A_45], %swap3A_48 {strides = array<i32>} : memref<4x1000x128xf32, #tpu.memory_space<vmem>>, vector<1x1000x128xf32>,
    %slice3A_49 = vector.extract_strided_slice %get3A_4 {offsets = [0, 3], sizes = [1000, 1], strides = [1, 1]} : vector<1000x4xf32> to vector<1000x1xf32>
    %squeeze3A_50 = vector.shape_cast %slice3A_49 : vector<1000x1xf32> to vector<1000xf32>
    %broadcast_in_dim3A_51 = vector.shape_cast %squeeze3A_50 : vector<1000xf32> to vector<1000x1xf32>
    %ge3A_52 = arith.constant 1.000000e-01 : f32
    %ge3A_53 = vector.broadcast %ge3A_52 : f32 to vector<1000x1xf32>
    %ge3A_54 = arith.cmpf oge, %broadcast_in_dim3A_51, %ge3A_53 : vector<1000x1xf32>
    %jit3A_55 = arith.constant 0.000000e+00 : f32
    %broadcast_in_dim3A_56 = vector.shape_cast %ge3A_54 : vector<1000x1xi1> to vector<1000x1xi1>
    %broadcast_in_dim3A_57 = vector.broadcast %broadcast_in_dim3A_56 : vector<1000x1xi1> to vector<1000x128xi1>
    %broadcast_in_dim3A_58 = vector.broadcast %jit3A_55 : f32 to vector<1000x128xf32>
    %select_n3A_59 = arith.select %broadcast_in_dim3A_57, %get3A_1, %broadcast_in_dim3A_58 : vector<1000x128xi1>, vector<1000x128xf32>
    %swap3A_60 = arith.constant 3 : index
    %swap3A_61 = arith.constant 0 : index
    %swap3A_62 = arith.constant 0 : index
    %swap3A_63 = vector.load %arg3[%swap3A_60, %swap3A_61, %swap3A_62] : memref<4x1000x128xf32, #tpu.memory_space<vmem>>, vector<1x1000x128xf32>
    %swap3A_64 = vector.shape_cast %swap3A_63 : vector<1x1000x128xf32> to vector<1000x128xf32>
    %swap3A_65 = vector.shape_cast %select_n3A_59 : vector<1000x128xf32> to vector<1x1000x128xf32>
    tpu.vector_store %arg3[%swap3A_60, %swap3A_61, %swap3A_62], %swap3A_65 {strides = array<i32>} : memref<4x1000x128xf32, #tpu.memory_space<vmem>>, vector<1x1000x128xf32>,
    return
  }
  func.func @transform_0(%arg0: i32) -> (i32, i32) {
    %c0_i32 = arith.constant 0 : i32
    %c0_i32_0 = arith.constant 0 : i32
    return %arg0, %c0_i32 : i32, i32
  }
  func.func @transform_1(%arg0: i32) -> (i32, i32) {
    %c0_i32 = arith.constant 0 : i32
    %c0_i32_0 = arith.constant 0 : i32
    return %arg0, %c0_i32 : i32, i32
  }
  func.func @transform_2(%arg0: i32) -> (i32, i32, i32) {
    %c0_i32 = arith.constant 0 : i32
    %c0_i32_0 = arith.constant 0 : i32
    %c0_i32_1 = arith.constant 0 : i32
    return %c0_i32, %arg0, %c0_i32_0 : i32, i32, i32
  }
}

module attributes {stable_mosaic.version = 14 : i64} {
  func.func @_mlp_body(%arg0: i32, %arg1: memref<2000x128xf32, #tpu.memory_space<vmem>>, %arg2: memref<128x128xf32, #tpu.memory_space<vmem>>, %arg3: memref<1x128xf32, #tpu.memory_space<vmem>>, %arg4: memref<128x128xf32, #tpu.memory_space<vmem>>, %arg5: memref<1x128xf32, #tpu.memory_space<vmem>>, %arg6: memref<2000x128xf32, #tpu.memory_space<vmem>>) attributes {dimension_semantics = [#tpu.dimension_semantics<arbitrary>], iteration_bounds = array<i64: 20>, scalar_prefetch = 0 : i64, scratch_operands = 0 : i64, tpu.core_type = #tpu.core_type<tc>, window_params = [{transform_indices = @transform_0, window_bounds = array<i64: 2000, 128>}, {pipeline_mode = #tpu.pipeline_mode<synchronous>, transform_indices = @transform_1, window_bounds = array<i64: 128, 128>}, {pipeline_mode = #tpu.pipeline_mode<synchronous>, transform_indices = @transform_2, window_bounds = array<i64: 1, 128>}, {pipeline_mode = #tpu.pipeline_mode<synchronous>, transform_indices = @transform_3, window_bounds = array<i64: 128, 128>}, {pipeline_mode = #tpu.pipeline_mode<synchronous>, transform_indices = @transform_4, window_bounds = array<i64: 1, 128>}, {transform_indices = @transform_5, window_bounds = array<i64: 2000, 128>}]} {
    %get3A = arith.constant 0 : index
    %get3A_0 = arith.constant 0 : index
    %get3A_1 = vector.load %arg1[%get3A, %get3A_0] : memref<2000x128xf32, #tpu.memory_space<vmem>>, vector<2000x128xf32>
    %get3A_2 = arith.constant 0 : index
    %get3A_3 = arith.constant 0 : index
    %get3A_4 = vector.load %arg2[%get3A_2, %get3A_3] : memref<128x128xf32, #tpu.memory_space<vmem>>, vector<128x128xf32>
    %dot_general3A = arith.constant dense<0.000000e+00> : vector<2000x128xf32>
    %dot_general3A_5 = tpu.matmul %get3A_1, %get3A_4, %dot_general3A {dimension_numbers = #tpu.dot_dimension_numbers<[1], [0], [0], [1], [0, 0, 1, 1], [], []>, transpose_lhs_hint = false} : vector<2000x128xf32>, vector<128x128xf32>, vector<2000x128xf32> -> vector<2000x128xf32>
    %get3A_6 = arith.constant 0 : index
    %get3A_7 = arith.constant 0 : index
    %get3A_8 = vector.load %arg3[%get3A_6, %get3A_7] : memref<1x128xf32, #tpu.memory_space<vmem>>, vector<1x128xf32>
    %add3A = vector.broadcast %get3A_8 : vector<1x128xf32> to vector<2000x128xf32>
    %add3A_9 = arith.addf %dot_general3A_5, %add3A : vector<2000x128xf32>
    %max3A = arith.constant 0.000000e+00 : f32
    %max3A_10 = vector.broadcast %max3A : f32 to vector<2000x128xf32>
    %max3A_11 = arith.maximumf %add3A_9, %max3A_10 : vector<2000x128xf32>
    %get3A_12 = arith.constant 0 : index
    %get3A_13 = arith.constant 0 : index
    %get3A_14 = vector.load %arg4[%get3A_12, %get3A_13] : memref<128x128xf32, #tpu.memory_space<vmem>>, vector<128x128xf32>
    %dot_general3A_15 = arith.constant dense<0.000000e+00> : vector<2000x128xf32>
    %dot_general3A_16 = tpu.matmul %max3A_11, %get3A_14, %dot_general3A_15 {dimension_numbers = #tpu.dot_dimension_numbers<[1], [0], [0], [1], [0, 0, 1, 1], [], []>, transpose_lhs_hint = false} : vector<2000x128xf32>, vector<128x128xf32>, vector<2000x128xf32> -> vector<2000x128xf32>
    %get3A_17 = arith.constant 0 : index
    %get3A_18 = arith.constant 0 : index
    %get3A_19 = vector.load %arg5[%get3A_17, %get3A_18] : memref<1x128xf32, #tpu.memory_space<vmem>>, vector<1x128xf32>
    %add3A_20 = vector.broadcast %get3A_19 : vector<1x128xf32> to vector<2000x128xf32>
    %add3A_21 = arith.addf %dot_general3A_16, %add3A_20 : vector<2000x128xf32>
    %max3A_22 = arith.constant 0.000000e+00 : f32
    %max3A_23 = vector.broadcast %max3A_22 : f32 to vector<2000x128xf32>
    %max3A_24 = arith.maximumf %add3A_21, %max3A_23 : vector<2000x128xf32>
    %swap3A = arith.constant 0 : index
    %swap3A_25 = arith.constant 0 : index
    %swap3A_26 = vector.load %arg6[%swap3A, %swap3A_25] : memref<2000x128xf32, #tpu.memory_space<vmem>>, vector<2000x128xf32>
    tpu.vector_store %arg6[%swap3A, %swap3A_25], %max3A_24 {strides = array<i32>} : memref<2000x128xf32, #tpu.memory_space<vmem>>, vector<2000x128xf32>,
    return
  }
  func.func @transform_0(%arg0: i32) -> (i32, i32) {
    %c0_i32 = arith.constant 0 : i32
    %c0_i32_0 = arith.constant 0 : i32
    return %arg0, %c0_i32 : i32, i32
  }
  func.func @transform_1(%arg0: i32) -> (i32, i32) {
    %c0_i32 = arith.constant 0 : i32
    %c0_i32_0 = arith.constant 0 : i32
    %c0_i32_1 = arith.constant 0 : i32
    return %c0_i32, %c0_i32_0 : i32, i32
  }
  func.func @transform_2(%arg0: i32) -> (i32, i32) {
    %c0_i32 = arith.constant 0 : i32
    %c0_i32_0 = arith.constant 0 : i32
    %c0_i32_1 = arith.constant 0 : i32
    return %c0_i32, %c0_i32_0 : i32, i32
  }
  func.func @transform_3(%arg0: i32) -> (i32, i32) {
    %c0_i32 = arith.constant 0 : i32
    %c0_i32_0 = arith.constant 0 : i32
    %c0_i32_1 = arith.constant 0 : i32
    return %c0_i32, %c0_i32_0 : i32, i32
  }
  func.func @transform_4(%arg0: i32) -> (i32, i32) {
    %c0_i32 = arith.constant 0 : i32
    %c0_i32_0 = arith.constant 0 : i32
    %c0_i32_1 = arith.constant 0 : i32
    return %c0_i32, %c0_i32_0 : i32, i32
  }
  func.func @transform_5(%arg0: i32) -> (i32, i32) {
    %c0_i32 = arith.constant 0 : i32
    %c0_i32_0 = arith.constant 0 : i32
    return %arg0, %c0_i32 : i32, i32
  }
}

module attributes {stable_mosaic.version = 14 : i64} {
  func.func @_readout_body(%arg0: i32, %arg1: memref<4x1000x128xf32, #tpu.memory_space<vmem>>, %arg2: memref<4x1000x128xf32, #tpu.memory_space<vmem>>, %arg3: memref<4x1000x128xf32, #tpu.memory_space<vmem>>, %arg4: memref<4x1000x128xf32, #tpu.memory_space<vmem>>, %arg5: memref<4x1000x128xf32, #tpu.memory_space<vmem>>, %arg6: memref<5x128x128xf32, #tpu.memory_space<vmem>>, %arg7: memref<1000x256xf32, #tpu.memory_space<vmem>>, %arg8: memref<1x128xf32, #tpu.memory_space<vmem>>, %arg9: memref<256x128xf32, #tpu.memory_space<vmem>>) attributes {dimension_semantics = [#tpu.dimension_semantics<arbitrary>], iteration_bounds = array<i64: 10>, scalar_prefetch = 0 : i64, scratch_operands = 0 : i64, tpu.core_type = #tpu.core_type<tc>, window_params = [{transform_indices = @transform_0, window_bounds = array<i64: 4, 1000, 128>}, {transform_indices = @transform_1, window_bounds = array<i64: 4, 1000, 128>}, {transform_indices = @transform_2, window_bounds = array<i64: 4, 1000, 128>}, {transform_indices = @transform_3, window_bounds = array<i64: 4, 1000, 128>}, {transform_indices = @transform_4, window_bounds = array<i64: 4, 1000, 128>}, {pipeline_mode = #tpu.pipeline_mode<synchronous>, transform_indices = @transform_5, window_bounds = array<i64: 5, 128, 128>}, {transform_indices = @transform_6, window_bounds = array<i64: 1000, 256>}, {pipeline_mode = #tpu.pipeline_mode<synchronous>, transform_indices = @transform_7, window_bounds = array<i64: 1, 128>}, {pipeline_mode = #tpu.pipeline_mode<synchronous>, transform_indices = @transform_8, window_bounds = array<i64: 256, 128>}]} {
    %get3A = arith.constant 0 : index
    %get3A_0 = arith.constant 0 : index
    %get3A_1 = arith.constant 0 : index
    %get3A_2 = vector.load %arg1[%get3A, %get3A_0, %get3A_1] : memref<4x1000x128xf32, #tpu.memory_space<vmem>>, vector<4x1000x128xf32>
    %reduce_sum3A = arith.constant dense<0.000000e+00> : vector<1000x128xf32>
    %reduce_sum3A_3 = vector.multi_reduction <add>, %get3A_2, %reduce_sum3A [0] : vector<4x1000x128xf32> to vector<1000x128xf32>
    %mul3A = arith.constant 2.500000e-01 : f32
    %mul3A_4 = vector.broadcast %mul3A : f32 to vector<1000x128xf32>
    %mul3A_5 = arith.mulf %reduce_sum3A_3, %mul3A_4 : vector<1000x128xf32>
    %get3A_6 = arith.constant 0 : index
    %get3A_7 = arith.constant 0 : index
    %get3A_8 = arith.constant 0 : index
    %get3A_9 = vector.load %arg6[%get3A_6, %get3A_7, %get3A_8] : memref<5x128x128xf32, #tpu.memory_space<vmem>>, vector<1x128x128xf32>
    %get3A_10 = vector.shape_cast %get3A_9 : vector<1x128x128xf32> to vector<128x128xf32>
    %dot_general3A = arith.constant dense<0.000000e+00> : vector<1000x128xf32>
    %dot_general3A_11 = tpu.matmul %mul3A_5, %get3A_10, %dot_general3A {dimension_numbers = #tpu.dot_dimension_numbers<[1], [0], [0], [1], [0, 0, 1, 1], [], []>, transpose_lhs_hint = false} : vector<1000x128xf32>, vector<128x128xf32>, vector<1000x128xf32> -> vector<1000x128xf32>
    %get3A_12 = arith.constant 0 : index
    %get3A_13 = arith.constant 0 : index
    %get3A_14 = arith.constant 0 : index
    %get3A_15 = vector.load %arg2[%get3A_12, %get3A_13, %get3A_14] : memref<4x1000x128xf32, #tpu.memory_space<vmem>>, vector<4x1000x128xf32>
    %reduce_sum3A_16 = arith.constant dense<0.000000e+00> : vector<1000x128xf32>
    %reduce_sum3A_17 = vector.multi_reduction <add>, %get3A_15, %reduce_sum3A_16 [0] : vector<4x1000x128xf32> to vector<1000x128xf32>
    %mul3A_18 = arith.constant 2.500000e-01 : f32
    %mul3A_19 = vector.broadcast %mul3A_18 : f32 to vector<1000x128xf32>
    %mul3A_20 = arith.mulf %reduce_sum3A_17, %mul3A_19 : vector<1000x128xf32>
    %get3A_21 = arith.constant 1 : index
    %get3A_22 = arith.constant 0 : index
    %get3A_23 = arith.constant 0 : index
    %get3A_24 = vector.load %arg6[%get3A_21, %get3A_22, %get3A_23] : memref<5x128x128xf32, #tpu.memory_space<vmem>>, vector<1x128x128xf32>
    %get3A_25 = vector.shape_cast %get3A_24 : vector<1x128x128xf32> to vector<128x128xf32>
    %dot_general3A_26 = arith.constant dense<0.000000e+00> : vector<1000x128xf32>
    %dot_general3A_27 = tpu.matmul %mul3A_20, %get3A_25, %dot_general3A_26 {dimension_numbers = #tpu.dot_dimension_numbers<[1], [0], [0], [1], [0, 0, 1, 1], [], []>, transpose_lhs_hint = false} : vector<1000x128xf32>, vector<128x128xf32>, vector<1000x128xf32> -> vector<1000x128xf32>
    %add3A = arith.addf %dot_general3A_11, %dot_general3A_27 : vector<1000x128xf32>
    %get3A_28 = arith.constant 0 : index
    %get3A_29 = arith.constant 0 : index
    %get3A_30 = arith.constant 0 : index
    %get3A_31 = vector.load %arg3[%get3A_28, %get3A_29, %get3A_30] : memref<4x1000x128xf32, #tpu.memory_space<vmem>>, vector<4x1000x128xf32>
    %reduce_sum3A_32 = arith.constant dense<0.000000e+00> : vector<1000x128xf32>
    %reduce_sum3A_33 = vector.multi_reduction <add>, %get3A_31, %reduce_sum3A_32 [0] : vector<4x1000x128xf32> to vector<1000x128xf32>
    %mul3A_34 = arith.constant 2.500000e-01 : f32
    %mul3A_35 = vector.broadcast %mul3A_34 : f32 to vector<1000x128xf32>
    %mul3A_36 = arith.mulf %reduce_sum3A_33, %mul3A_35 : vector<1000x128xf32>
    %get3A_37 = arith.constant 2 : index
    %get3A_38 = arith.constant 0 : index
    %get3A_39 = arith.constant 0 : index
    %get3A_40 = vector.load %arg6[%get3A_37, %get3A_38, %get3A_39] : memref<5x128x128xf32, #tpu.memory_space<vmem>>, vector<1x128x128xf32>
    %get3A_41 = vector.shape_cast %get3A_40 : vector<1x128x128xf32> to vector<128x128xf32>
    %dot_general3A_42 = arith.constant dense<0.000000e+00> : vector<1000x128xf32>
    %dot_general3A_43 = tpu.matmul %mul3A_36, %get3A_41, %dot_general3A_42 {dimension_numbers = #tpu.dot_dimension_numbers<[1], [0], [0], [1], [0, 0, 1, 1], [], []>, transpose_lhs_hint = false} : vector<1000x128xf32>, vector<128x128xf32>, vector<1000x128xf32> -> vector<1000x128xf32>
    %add3A_44 = arith.addf %add3A, %dot_general3A_43 : vector<1000x128xf32>
    %get3A_45 = arith.constant 0 : index
    %get3A_46 = arith.constant 0 : index
    %get3A_47 = arith.constant 0 : index
    %get3A_48 = vector.load %arg4[%get3A_45, %get3A_46, %get3A_47] : memref<4x1000x128xf32, #tpu.memory_space<vmem>>, vector<4x1000x128xf32>
    %reduce_sum3A_49 = arith.constant dense<0.000000e+00> : vector<1000x128xf32>
    %reduce_sum3A_50 = vector.multi_reduction <add>, %get3A_48, %reduce_sum3A_49 [0] : vector<4x1000x128xf32> to vector<1000x128xf32>
    %mul3A_51 = arith.constant 2.500000e-01 : f32
    %mul3A_52 = vector.broadcast %mul3A_51 : f32 to vector<1000x128xf32>
    %mul3A_53 = arith.mulf %reduce_sum3A_50, %mul3A_52 : vector<1000x128xf32>
    %get3A_54 = arith.constant 3 : index
    %get3A_55 = arith.constant 0 : index
    %get3A_56 = arith.constant 0 : index
    %get3A_57 = vector.load %arg6[%get3A_54, %get3A_55, %get3A_56] : memref<5x128x128xf32, #tpu.memory_space<vmem>>, vector<1x128x128xf32>
    %get3A_58 = vector.shape_cast %get3A_57 : vector<1x128x128xf32> to vector<128x128xf32>
    %dot_general3A_59 = arith.constant dense<0.000000e+00> : vector<1000x128xf32>
    %dot_general3A_60 = tpu.matmul %mul3A_53, %get3A_58, %dot_general3A_59 {dimension_numbers = #tpu.dot_dimension_numbers<[1], [0], [0], [1], [0, 0, 1, 1], [], []>, transpose_lhs_hint = false} : vector<1000x128xf32>, vector<128x128xf32>, vector<1000x128xf32> -> vector<1000x128xf32>
    %add3A_61 = arith.addf %add3A_44, %dot_general3A_60 : vector<1000x128xf32>
    %get3A_62 = arith.constant 0 : index
    %get3A_63 = arith.constant 0 : index
    %get3A_64 = arith.constant 0 : index
    %get3A_65 = vector.load %arg5[%get3A_62, %get3A_63, %get3A_64] : memref<4x1000x128xf32, #tpu.memory_space<vmem>>, vector<4x1000x128xf32>
    %reduce_sum3A_66 = arith.constant dense<0.000000e+00> : vector<1000x128xf32>
    %reduce_sum3A_67 = vector.multi_reduction <add>, %get3A_65, %reduce_sum3A_66 [0] : vector<4x1000x128xf32> to vector<1000x128xf32>
    %mul3A_68 = arith.constant 2.500000e-01 : f32
    %mul3A_69 = vector.broadcast %mul3A_68 : f32 to vector<1000x128xf32>
    %mul3A_70 = arith.mulf %reduce_sum3A_67, %mul3A_69 : vector<1000x128xf32>
    %get3A_71 = arith.constant 4 : index
    %get3A_72 = arith.constant 0 : index
    %get3A_73 = arith.constant 0 : index
    %get3A_74 = vector.load %arg6[%get3A_71, %get3A_72, %get3A_73] : memref<5x128x128xf32, #tpu.memory_space<vmem>>, vector<1x128x128xf32>
    %get3A_75 = vector.shape_cast %get3A_74 : vector<1x128x128xf32> to vector<128x128xf32>
    %dot_general3A_76 = arith.constant dense<0.000000e+00> : vector<1000x128xf32>
    %dot_general3A_77 = tpu.matmul %mul3A_70, %get3A_75, %dot_general3A_76 {dimension_numbers = #tpu.dot_dimension_numbers<[1], [0], [0], [1], [0, 0, 1, 1], [], []>, transpose_lhs_hint = false} : vector<1000x128xf32>, vector<128x128xf32>, vector<1000x128xf32> -> vector<1000x128xf32>
    %add3A_78 = arith.addf %add3A_61, %dot_general3A_77 : vector<1000x128xf32>
    %get3A_79 = arith.constant 0 : index
    %get3A_80 = arith.constant 0 : index
    %get3A_81 = vector.load %arg7[%get3A_79, %get3A_80] : memref<1000x256xf32, #tpu.memory_space<vmem>>, vector<1000x256xf32>
    %dot_general3A_82 = arith.constant dense<0.000000e+00> : vector<256x128xf32>
    %dot_general3A_83 = tpu.matmul %get3A_81, %add3A_78, %dot_general3A_82 {dimension_numbers = #tpu.dot_dimension_numbers<[0], [0], [1], [1], [0, 1, 1, 1], [], []>, transpose_lhs_hint = false} : vector<1000x256xf32>, vector<1000x128xf32>, vector<256x128xf32> -> vector<256x128xf32>
    %eq3A = arith.constant 0 : i32
    %eq3A_84 = arith.cmpi eq, %arg0, %eq3A : i32
    %convert_element_type3A = arith.extui %eq3A_84 : i1 to i32
    %cond3A = arith.constant 0 : i32
    %cond3A_85 = arith.cmpi ne, %convert_element_type3A, %cond3A : i32
    scf.if %cond3A_85 {
      %swap3A = arith.constant 0 : index
      %swap3A_95 = arith.constant 0 : index
      %swap3A_96 = vector.load %arg9[%swap3A, %swap3A_95] : memref<256x128xf32, #tpu.memory_space<vmem>>, vector<256x128xf32>
      tpu.vector_store %arg9[%swap3A, %swap3A_95], %dot_general3A_83 {strides = array<i32>} : memref<256x128xf32, #tpu.memory_space<vmem>>, vector<256x128xf32>,
    } else {
    }
    %gt3A = arith.constant 0 : i32
    %gt3A_86 = arith.cmpi sgt, %arg0, %gt3A : i32
    %convert_element_type3A_87 = arith.extui %gt3A_86 : i1 to i32
    %cond3A_88 = arith.constant 0 : i32
    %cond3A_89 = arith.cmpi ne, %convert_element_type3A_87, %cond3A_88 : i32
    scf.if %cond3A_89 {
      %get3A_95 = arith.constant 0 : index
      %get3A_96 = arith.constant 0 : index
      %get3A_97 = vector.load %arg9[%get3A_95, %get3A_96] : memref<256x128xf32, #tpu.memory_space<vmem>>, vector<256x128xf32>
      %add3A_98 = arith.addf %get3A_97, %dot_general3A_83 : vector<256x128xf32>
      %swap3A = arith.constant 0 : index
      %swap3A_99 = arith.constant 0 : index
      %swap3A_100 = vector.load %arg9[%swap3A, %swap3A_99] : memref<256x128xf32, #tpu.memory_space<vmem>>, vector<256x128xf32>
      tpu.vector_store %arg9[%swap3A, %swap3A_99], %add3A_98 {strides = array<i32>} : memref<256x128xf32, #tpu.memory_space<vmem>>, vector<256x128xf32>,
    } else {
    }
    %eq3A_90 = arith.constant 9 : i32
    %eq3A_91 = arith.cmpi eq, %arg0, %eq3A_90 : i32
    %convert_element_type3A_92 = arith.extui %eq3A_91 : i1 to i32
    %cond3A_93 = arith.constant 0 : i32
    %cond3A_94 = arith.cmpi ne, %convert_element_type3A_92, %cond3A_93 : i32
    scf.if %cond3A_94 {
      %get3A_95 = arith.constant 0 : index
      %get3A_96 = arith.constant 0 : index
      %get3A_97 = vector.load %arg9[%get3A_95, %get3A_96] : memref<256x128xf32, #tpu.memory_space<vmem>>, vector<256x128xf32>
      %get3A_98 = arith.constant 0 : index
      %get3A_99 = arith.constant 0 : index
      %get3A_100 = vector.load %arg8[%get3A_98, %get3A_99] : memref<1x128xf32, #tpu.memory_space<vmem>>, vector<1x128xf32>
      %add3A_101 = vector.broadcast %get3A_100 : vector<1x128xf32> to vector<256x128xf32>
      %add3A_102 = arith.addf %get3A_97, %add3A_101 : vector<256x128xf32>
      %swap3A = arith.constant 0 : index
      %swap3A_103 = arith.constant 0 : index
      %swap3A_104 = vector.load %arg9[%swap3A, %swap3A_103] : memref<256x128xf32, #tpu.memory_space<vmem>>, vector<256x128xf32>
      tpu.vector_store %arg9[%swap3A, %swap3A_103], %add3A_102 {strides = array<i32>} : memref<256x128xf32, #tpu.memory_space<vmem>>, vector<256x128xf32>,
    } else {
    }
    return
  }
  func.func @transform_0(%arg0: i32) -> (i32, i32, i32) {
    %c0_i32 = arith.constant 0 : i32
    %c0_i32_0 = arith.constant 0 : i32
    %c0_i32_1 = arith.constant 0 : i32
    return %c0_i32, %arg0, %c0_i32_0 : i32, i32, i32
  }
  func.func @transform_1(%arg0: i32) -> (i32, i32, i32) {
    %c0_i32 = arith.constant 0 : i32
    %c0_i32_0 = arith.constant 0 : i32
    %c0_i32_1 = arith.constant 0 : i32
    return %c0_i32, %arg0, %c0_i32_0 : i32, i32, i32
  }
  func.func @transform_2(%arg0: i32) -> (i32, i32, i32) {
    %c0_i32 = arith.constant 0 : i32
    %c0_i32_0 = arith.constant 0 : i32
    %c0_i32_1 = arith.constant 0 : i32
    return %c0_i32, %arg0, %c0_i32_0 : i32, i32, i32
  }
  func.func @transform_3(%arg0: i32) -> (i32, i32, i32) {
    %c0_i32 = arith.constant 0 : i32
    %c0_i32_0 = arith.constant 0 : i32
    %c0_i32_1 = arith.constant 0 : i32
    return %c0_i32, %arg0, %c0_i32_0 : i32, i32, i32
  }
  func.func @transform_4(%arg0: i32) -> (i32, i32, i32) {
    %c0_i32 = arith.constant 0 : i32
    %c0_i32_0 = arith.constant 0 : i32
    %c0_i32_1 = arith.constant 0 : i32
    return %c0_i32, %arg0, %c0_i32_0 : i32, i32, i32
  }
  func.func @transform_5(%arg0: i32) -> (i32, i32, i32) {
    %c0_i32 = arith.constant 0 : i32
    %c0_i32_0 = arith.constant 0 : i32
    %c0_i32_1 = arith.constant 0 : i32
    %c0_i32_2 = arith.constant 0 : i32
    return %c0_i32, %c0_i32_0, %c0_i32_1 : i32, i32, i32
  }
  func.func @transform_6(%arg0: i32) -> (i32, i32) {
    %c0_i32 = arith.constant 0 : i32
    %c0_i32_0 = arith.constant 0 : i32
    return %arg0, %c0_i32 : i32, i32
  }
  func.func @transform_7(%arg0: i32) -> (i32, i32) {
    %c0_i32 = arith.constant 0 : i32
    %c0_i32_0 = arith.constant 0 : i32
    %c0_i32_1 = arith.constant 0 : i32
    return %c0_i32, %c0_i32_0 : i32, i32
  }
  func.func @transform_8(%arg0: i32) -> (i32, i32) {
    %c0_i32 = arith.constant 0 : i32
    %c0_i32_0 = arith.constant 0 : i32
    %c0_i32_1 = arith.constant 0 : i32
    return %c0_i32, %c0_i32_0 : i32, i32
  }
}

</mosaic_0001>

<sc_bundles>
// kernel: kernel.12.cloned.1.call-start
scs
__scs_entry_jumppad:
0x0: {  	(pc) =	sbr.rel $0x88, $3  }
0x1: {  	(tag) =	ssettag $0x0;
	lr =	simm.s32 $0x1  }
0x2: {  	[smem:$0x3F73] =	sst lr;
	_ =	strace $0xD0000000  }
0x3: {  	_ = 	snop  }
0x4: {  	_ = 	snop  }
0x5: {  	_ = 	snop  }
0x6: {  	_ = 	snop  }
0x7: {  	_ = 	snop  }
__scs_overlays_trampoline_lowered:
0x8: {  	[smem:$0x3F82] =	sst s0  }
0x9: {  	[smem:$0x3F83] =	sst s1  }
0xa: {  	[smem:$0x3F84] =	sst s2  }
0xb: {  	[smem:$0x3F85] =	sst s3  }
0xc: {  	[smem:$0x3F86] =	sst s4  }
0xd: {  	[smem:$0x3F87] =	sst s5  }
0xe: {  	[smem:$0x3F88] =	sst s6  }
0xf: {  	[smem:$0x3F89] =	sst s7  }
0x10: {  	[smem:$0x3F8A] =	sst s8  }
0x11: {  	[smem:$0x3F8B] =	sst s9;
	s0 =	simm.s32 @!p0 $0x0  }
0x12: {  	s1 =	sld [smem:$0x3F71];
	s0 =	simm.s32 @p0 $0x1  }
0x13: {  	[smem:$0x3F8C] =	sst s0;
	s0 =	simm.s32 @!p1 $0x0  }
0x14: {  	s2 =	sld [smem:$0x3F70];
	s0 =	simm.s32 @p1 $0x1  }
0x15: {  	[smem:$0x3F8D] =	sst s0;
	s0 =	simm.s32 @!p2 $0x0  }
0x16: {  	s3 =	sld [smem:$0x3FDB];
	s0 =	simm.s32 @p2 $0x1  }
0x17: {  	s4 =	simm.s32 $0x1BF5;
	[smem:$0x3F8F] =	sst s0  }
0x18: {  	s0 =	sld [smem:$0x3F72];
	_ =	swait.ge [sflag:s4], $0x0  }
0x19: {  	s7 =	sld [smem:$0x3F73]  }
0x1a: {  	s8 =	sadd.s32 $0xFFFFE003, lr  }
0x1b: {  	s9 =	sadd.s32 $0xFFFFFEF7, lr;
	s5 =	simm.s32 $0xFFFFFFFF;
	p2 =	slt.u32 s8, $0xFFFFF086  }
0x1c: {  	p1 =	slt.u32 s9, $0xF7A;
	s5 =	simm.s32 @!p2 $0x0  }
0x1d: {  	s5 =	simm.s32 @p1 $0x1;
	p0 =	seq.s32 s7, s2  }
0x1e: {  	s7 =	smul.u32 @!p0 $0xF7A, s2;
	p2 =	seq.s32 @!p0 s5, $0x0  }
0x1f: {  	s9 =	smul.u32 $0xF7A, s1;
	s8 =	simm.s32 @!p0 $0x1BF5;
	p2 =	por !p2, p0  }
0x20: {  	[sflag:s8] =	ssyncset.s32 @!p0 $0xFFFFF086;
	s6 =	sadd.s32 @!p0 s3, s7;
	s7 =	simm.s32 @!p0 $0x108  }
0x21: {  	s3 =	sadd.s32 s3, s9;
	s6 =	sadd.s32 @!p0 $0x88, s6;
	s7 =	simm.s32 @p2 $0x1082  }
0x22: {  	[simem:s7], [sflag:s8] =	dma.local @!p0 [hbm:s6], $0xF7A  }
0x23: {  	s9 =	sor.u32 $0xD0000000, s2;
	s6 =	simm.s32 $0x108;
	_ =	swait.ge @!p0 [sflag:s8], $0x0  }
0x24: {  	s3 =	sadd.s32 $0x88, s3;
	s6 =	simm.s32 @!p1 $0x1082;
	[sflag:s4] =	ssyncset.s32 $0xFFFFF086  }
0x25: {  	[simem:s6], [sflag:s4] =	dma.local [hbm:s3], $0xF7A  }
0x26: {  	[smem:$0x3F73] =	sst s1;
	(tag) =	ssettag s2;
	_ =	strace s9  }
0x27: {  	s1 =	sld [smem:$0x3F83]  }
0x28: {  	s2 =	sld [smem:$0x3F84]  }
0x29: {  	s4 =	sld [smem:$0x3F86]  }
0x2a: {  	p0 =	seq.s32 s5, $0x0;
	s5 =	sld [smem:$0x3F87]  }
0x2b: {  	s6 =	sld [smem:$0x3F88]  }
0x2c: {  	s7 =	sld [smem:$0x3F89]  }
0x2d: {  	s3 =	simm.s32 $0x108;
	s8 =	sld [smem:$0x3F8A]  }
0x2e: {  	s3 =	simm.s32 @!p0 $0x1082;
	s9 =	sld [smem:$0x3F8B]  }
0x2f: {  	lr =	sadd.s32 s0, s3;
	s0 =	sld [smem:$0x3F82]  }
0x30: {  	s3 =	sld [smem:$0x3F85]  }
0x31: {  	[smem:$0x3F8E] =	sst s10  }
0x32: {  	s10 =	sld [smem:$0x3F8C];
	_ =	sdelay $0x3  }
0x33: {  	p0 =	seq.s32 s10, $0x1;
	s10 =	sld [smem:$0x3F8E];
	_ =	sdelay $0x3  }
0x34: {  	[smem:$0x3F8E] =	sst s10  }
0x35: {  	s10 =	sld [smem:$0x3F8D];
	_ =	sdelay $0x3  }
0x36: {  	p1 =	seq.s32 s10, $0x1;
	s10 =	sld [smem:$0x3F8E];
	_ =	sdelay $0x3  }
0x37: {  	[smem:$0x3F8E] =	sst s10  }
0x38: {  	s10 =	sld [smem:$0x3F8F]  }
0x39: {  	_ = 	snop;
	(pc) =	sbr.ind lr, $3  }
0x3a: {  	_ = 	snop  }
0x3b: {  	_ = 	snop  }
0x3c: {  	p2 =	seq.s32 s10, $0x1;
	s10 =	sld [smem:$0x3F8E]  }
0x3d: {  	_ =	shalt  }
0x3e: {  	_ =	shalt  }
0x3f: {  	_ =	shalt  }
0x40: {  	_ =	shalt  }
0x41: {  	_ =	shalt  }
0x42: {  	_ =	shalt  }
0x43: {  	_ =	shalt  }
0x44: {  	_ =	shalt  }
0x45: {  	_ =	shalt  }
0x46: {  	_ =	shalt  }
0x47: {  	_ =	shalt  }
0x48: {  	_ =	shalt  }
0x49: {  	_ =	shalt  }
0x4a: {  	_ =	shalt  }
0x4b: {  	_ =	shalt  }
0x4c: {  	_ =	shalt  }
0x4d: {  	_ =	shalt  }
0x4e: {  	_ =	shalt  }
0x4f: {  	_ =	shalt  }
0x50: {  	_ =	shalt  }
0x51: {  	_ =	shalt  }
0x52: {  	_ =	shalt  }
0x53: {  	_ =	shalt  }
0x54: {  	_ =	shalt  }
0x55: {  	_ =	shalt  }
0x56: {  	_ =	shalt  }
0x57: {  	_ =	shalt  }
0x58: {  	_ =	shalt  }
0x59: {  	_ =	shalt  }
0x5a: {  	_ =	shalt  }
0x5b: {  	_ =	shalt  }
0x5c: {  	_ =	shalt  }
0x5d: {  	_ =	shalt  }
0x5e: {  	_ =	shalt  }
0x5f: {  	_ =	shalt  }
0x60: {  	_ =	shalt  }
0x61: {  	_ =	shalt  }
0x62: {  	_ =	shalt  }
0x63: {  	_ =	shalt  }
0x64: {  	_ =	shalt  }
0x65: {  	_ =	shalt  }
0x66: {  	_ =	shalt  }
0x67: {  	_ =	shalt  }
0x68: {  	_ =	shalt  }
0x69: {  	_ =	shalt  }
0x6a: {  	_ =	shalt  }
0x6b: {  	_ =	shalt  }
0x6c: {  	_ =	shalt  }
0x6d: {  	_ =	shalt  }
0x6e: {  	_ =	shalt  }
0x6f: {  	_ =	shalt  }
0x70: {  	_ =	shalt  }
0x71: {  	_ =	shalt  }
0x72: {  	_ =	shalt  }
0x73: {  	_ =	shalt  }
0x74: {  	_ =	shalt  }
0x75: {  	_ =	shalt  }
0x76: {  	_ =	shalt  }
0x77: {  	_ =	shalt  }
0x78: {  	_ =	shalt  }
0x79: {  	_ =	shalt  }
0x7a: {  	_ =	shalt  }
0x7b: {  	_ =	shalt  }
0x7c: {  	_ =	shalt  }
0x7d: {  	_ =	shalt  }
0x7e: {  	_ =	shalt  }
0x7f: {  	_ =	shalt  }
0x80: {  	_ =	shalt  }
0x81: {  	_ =	shalt  }
0x82: {  	_ =	shalt  }
0x83: {  	_ =	shalt  }
0x84: {  	_ =	shalt  }
0x85: {  	_ =	shalt  }
0x86: {  	_ =	shalt  }
0x87: {  	_ =	shalt  }
.Lfunc_end0:
.L_simem_size_0:
called_computation_lowered:
.L_overlay_start_0:
0x88: {  	s2 =	sld [smem:$0x3FD9]  }
0x89: {  	s3 =	sld [smem:$0x3FFE];
	_ =	sdelay $0x1  }
0x8a: {  	s1 =	srdreg.scid  }
0x8b: {  	s0 =	sand.u32 $0x1, s1  }
0x8c: {  	s16 =	sshll.u32 s0, $0xA;
	s2 =	sadd.s32 s3, s2  }
0x8d: {  	s2 =	sadd.s32 s2, s16  }
0x8e: {  	[smem:$0x3F9A] =	sst s2  }
0x8f: {  	_ = 	snop  }
0x90: {  	(tm) =	ssettm $0x1  }
0x91: {  	s17 =	sld [smem:$0x3FFB];
	_ =	sdelay $0x3  }
0x92: {  	_ =	strace s17  }
0x93: {  	s2 =	sld [smem:$0x3FFC];
	_ =	sdelay $0x3  }
0x94: {  	_ =	strace s2  }
0x95: {  	s2 =	sld [smem:$0x3FFD];
	_ =	sdelay $0x3  }
0x96: {  	_ =	strace s2  }
0x97: {  	_ =	strace $0x8FFFFFFF  }
0x98: {  	s18 =	sld [smem:$0x3FDB];
	_ =	sdelay $0x1  }
0x99: {  	s19 =	simm.s32 $_scs_section_size  }
0x9a: {  	s4 =	simm.s32 $_size__tile_overlayer_lowered;
	s5 =	simm.s32 $_tile_overlayer_lowered  }
0x9b: {  	s22 =	simm.s32 $0x1BFF;
	s21 =	sshll.u32 s5, $0x1;
	s2 =	sadd.s32 s19, s18  }
0x9c: {  	s6 =	simm.s32 $0x0;
	s20 =	sshll.u32 s4, $0x1;
	s4 =	sadd.s32 s21, s2  }
0x9d: {  	[timem:s6], [sflag:s22] =	dma.local [hbm:s4], s20  }
0x9e: {  	_ =	swait.ge [sflag:s22], s20  }
0x9f: {  	s3 =	ssub.s32 $0x0, s20;
	[sflag:s22] =	ssyncset.done $0x0  }
0xa0: {  	[sflag:s22] =	ssyncadd.s32 s3;
	_ =	sdelay $0x1  }
0xa1: {  	s23 =	simm.s32 $0x1B8B  }
0xa2: {  	_ =	swait.ge [sflag:s23], $0x1  }
0xa3: {  	[sflag:s23] =	ssyncset.done $0x0  }
0xa4: {  	s25 =	simm.s32 $0x1B8E;
	s24 =	sld [smem:$0x3FFE];
	[sflag:s23] =	ssyncadd.s32 $0xFFFFFFFF  }
0xa5: {  	s26 =	simm.s32 $execute0_lowered;
	[smem:$0x3FD2] =	sst s25  }
0xa6: {  	s4 =	sshll.u32 s26, $0x1;
	_ =	strace $0x80000046;
	[dreg:$0x1] =	wrdreg $0xFFFFFFFF  }
0xa7: {  	s28 =	simm.s32 $_size_execute0_lowered;
	s2 =	sadd.s32 s2, s4;
	[dreg:$0x0] =	wrdreg $0x0  }
0xa8: {  	s4 =	sshll.u32 s28, $0x1;
	[dreg:$0x2] =	wrdreg s2  }
0xa9: {  	[dreg:$0x3] =	wrdreg s4  }
0xaa: {  	[dreg:$0x4] =	wrdreg $0xC0  }
0xab: {  	_ =	task [dreg:s6], $0x5FFFF  }
0xac: {  	[dreg:$0x1] =	wrdreg $0xFFFFFFFF  }
0xad: {  	[dreg:$0x0] =	wrdreg $0x60  }
0xae: {  	[dreg:$0x2] =	wrdreg s24  }
0xaf: {  	[dreg:$0x3] =	wrdreg $0x0  }
0xb0: {  	[dreg:$0x4] =	wrdreg $0x9  }
0xb1: {  	_ =	task.clear_ibuf [dreg:s6], $0x5FFFF;
	_ =	strace $0x90000046  }
0xb2: {  	s29 =	simm.s32 $0x9;
	_ =	strace $0x80000048  }
0xb3: {  	_ =	swait.ge [sflag:s29], $0x1  }
0xb4: {  	[sflag:s29] =	ssyncadd.s32 $0xFFFFFFFF  }
0xb5: {  	_ =	strace $0x90000048  }
0xb6: {  	_ =	sfence  }
0xb7: {  	s30 =	sld [smem:$0x0];
	_ =	sdelay $0x2  }
0xb8: {  	s31 =	sshll.u32 s1, $0xD;
	s1 =	sshrl.u32 s1, $0x2  }
0xb9: {  	s3 =	sand.u32 $0x4000, s31;
	s1 =	sadd.s32 s1, s30  }
0xba: {  	s0 =	sor.u32 s3, s0;
	s1 =	sshll.u32 s1, $0x11  }
0xbb: {  	s0 =	sor.u32 s1, s0  }
0xbc: {  	s0 =	sadd.s32 $0x8F2B, s0  }
0xbd: {  	[sflag:s0] =	ssyncadd.remote.s32 $0x1  }
0xbe: {  	_ =	sfence.sel $0xFFFF  }
0xbf: {  	[dreg:$0x0] =	wrdreg $0xFFFFFFFF;
	(pc) =	sbr.abs _section_cstart, $3  }
0xc0: {  	[dreg:$0x1] =	wrdreg $0xFFFFFFFF  }
0xc1: {  	_ =	task.clear_ibuf [dreg:s6], $0x2FFFF;
	_ =	strace $0x9FFFFFFF  }
0xc2: {  	(tm) =	ssettm $0x7FFFFFFF  }
0xc3: {  	_ =	shalt  }
tec
execute0_lowered:
.L_overlay_start_1:
0x0: {  	(tag) =	ssettag $0x1  }
0x1: {  	s0 =	rddreg [dreg:$0x0]  }
0x2: {  	s2 =	rddreg [dreg:$0x1];
	s3 =	simm.s32 $0x0  }
0x3: {  	s20 =	stileid.u32;
	s1 =	srdreg.scid;
	s28 =	simm.s32 $0x1  }
0x4: {  	s29 =	simm.s32 $0x2;
	s30 =	simm.s32 $0x157C0;
	s31 =	simm.s32 $0x15840  }
0x5: {  	[smem:$0x7FF] =	sst s3;
	s7 =	smul.u32 $0x270, s20;
	s4 =	sadd.s32 $0x58800, s0  }
0x6: {  	s1 =	sand.u32 $0x1, s1;
	s6 =	smul.u32 $0x4E000, s20;
	s5 =	sadd.s32 $0x8800, s0  }
0x7: {  	s0 =	sadd.s32 $0xF4C00, s0;
	s23 =	sshll.u32 s20, $0x6;
	s24 =	sadd.s32 $0x138000, s2  }
0x8: {  	p0 =	sne.s32 s20, $0xF;
	_ =	strace $0x80000047;
	s9 =	smul.u32 $0x4E20, s1  }
0x9: {  	s8 =	ssub.s32 $0x2, s1;
	s21 =	smul.u32 $0x271000, s1;
	s22 =	sshll.u32 s1, $0x5  }
0xa: {  	s1 =	sshllo.u32 s1, $0x1;
	[dreg:$0x4] =	wrdreg s24;
	s24 =	simm.s32 $0x158C0  }
0xb: {  	s10 =	sshrl.u32 s8, $0x1;
	s6 =	sshrl.u32 s6, $0x2;
	s14 =	smul.u32 $0x2710, s1  }
0xc: {  	s15 =	smul.u32 $0x138800, s1;
	s1 =	sshll.u32 s1, $0x4;
	s10 =	ssub.s32 s8, s10  }
0xd: {  	s6 =	sadd.s32 s6, s2;
	s19 =	sadd.s32 s7, s9;
	s9 =	sor.u32 s20, s22  }
0xe: {  	s13 =	sshrl.u32 s21, $0x3;
	s1 =	sor.u32 s20, s1;
	s21 =	simm.s32 $0x3  }
0xf: {  	s22 =	simm.s32 $0x138C0;
	s11 =	sshll.u32 s19, $0x4;
	s8 =	smul.u32 $0x5, s9  }
0x10: {  	s9 =	sor.u32 $0x1C03, s23;
	s13 =	sadd.s32 $0x27000, s13;
	s7 =	sadd.s32 s7, s14  }
0x11: {  	s26 =	sshrl.u32 s15, $0x3;
	s16 =	smul.u32 $0x5, s1;
	s19 =	smax.u32 s10, $0x1  }
0x12: {  	s20 =	sshrl.u32 s6, $0x3;
	s23 =	simm.s32 $0x80;
	s12 =	sadd.s32 s4, s11  }
0x13: {  	s25 =	sadd.s32 s4, s13;
	s11 =	sadd.s32 s0, s11;
	[dreg:$0x3] =	wrdreg s12  }
0x14: {  	s13 =	sadd.s32 s0, s13;
	s7 =	sshll.u32 s7, $0x4;
	[dreg:$0x5] =	wrdreg s25  }
0x15: {  	[dreg:$0x6] =	wrdreg s11;
	s14 =	sadd.s32 s4, s7;
	s11 =	sadd.s32 $0x27000, s26  }
0x16: {  	s17 =	sadd.s32 s0, s7;
	s25 =	simm.s32 $0x13940;
	s26 =	simm.s32 $0x198C0  }
0x17: {  	s15 =	sadd.s32 s4, s11;
	s18 =	sadd.s32 s0, s11;
	s0 =	simm.s32 $0x0  }
.LBB2_1:
0x18: {  	s1 =	rddreg [dreg:$0x3]  }
0x19: {  	[spmem:s20], [sflag:s9] =	dma.local [hbm:s1], $0x2700  }
0x1a: {  	_ =	swait.ge [sflag:s21], $0x2700  }
0x1b: {  	[sflag:s21] =	ssyncset.done $0x0;
	s1 =	rddreg [dreg:$0x4]  }
0x1c: {  	s7 =	rddreg [dreg:$0x5];
	[sflag:s21] =	ssyncadd.s32 $0xFFFFD900;
	s1 =	sshrl.u32 @!p0 s1, $0x3  }
0x1d: {  	[spmem:s1], [sflag:s9] =	dma.local @!p0 [hbm:s7], $0x100  }
0x1e: {  	s7 =	simm.s32 @!p0 $0x3  }
0x1f: {  	_ =	swait.ge @!p0 [sflag:s7], $0x100  }
0x20: {  	[sflag:s7] =	ssyncset.done @!p0 $0x0  }
0x21: {  	[sflag:s7] =	ssyncadd.s32 @!p0 $0xFFFFFF00  }
0x22: {  	s7 =	simm.s32 $0x0;
	[bflag:$0x0] =	sbarrier.arrive $0xFFFF  }
.LBB2_2:
0x23: {  	s10 =	sadd.s32 s8, s7  }
0x24: {  	s10 =	sshll.u32 s10, $0xA  }
0x25: {  	s10 =	sadd.s32 s5, s10  }
0x26: {  	[tilespmem:s22], [sflag:$0x3] =	stream.linear.gather [hbm4b:s10+s3], $0x2000, $0x38;
	[tilespmem:$0x1D8C0] =	vst v63  }
0x27: {  	_ =	swait.ge [sflag:s21], $0x2000  }
0x28: {  	[sflag:s21] =	ssyncset.done $0x0  }
0x29: {  	[sflag:s21] =	ssyncadd.s32 $0xFFFFE000  }
0x2a: {  	[tilespmem:s24], [sflag:$0x1] =	stream.indirect.gather [hbm4b:s4+s23], $0x80, s22, s23, $0xb8;
	[tilespmem:$0x1D8C0] =	vst v63  }
0x2b: {  	_ = 	snop  }
0x2c: {  	[tilespmem:s26], [sflag:$0x2] =	stream.indirect.gather [hbm4b:s4+s23], $0x80, s25, s23, $0xb8;
	[tilespmem:$0x1D8C0] =	vst v63  }
0x2d: {  	_ =	swait.ge [sflag:s28], $0x4000  }
0x2e: {  	[sflag:s28] =	ssyncset.done $0x0  }
0x2f: {  	s12 =	simm.s32 $0x148C0;
	[sflag:s28] =	ssyncadd.s32 $0xFFFFC000  }
0x30: {  	[spmem:s2] =	stream.indirect.scatter.add.f32 [tilespmem:s24], [sflag:$0x3], $0x80, s12, s23, $0xb8;
	[tilespmem:$0x1D8C0] =	vst v63  }
0x31: {  	_ =	swait.ge [sflag:s21], $0x4000  }
0x32: {  	[sflag:s21] =	ssyncset.done $0x0  }
0x33: {  	s11 =	simm.s32 $0x139C0;
	[sflag:s21] =	ssyncadd.s32 $0xFFFFC000  }
0x34: {  	[tilespmem:s24], [sflag:$0x1] =	stream.indirect.gather [hbm4b:s4+s23], $0x80, s11, s23, $0xb8;
	[tilespmem:$0x1D8C0] =	vst v63  }
0x35: {  	_ =	swait.ge [sflag:s29], $0x4000  }
0x36: {  	[sflag:s29] =	ssyncset.done $0x0  }
0x37: {  	s12 =	simm.s32 $0x14940;
	[sflag:s29] =	ssyncadd.s32 $0xFFFFC000  }
0x38: {  	[spmem:s2] =	stream.indirect.scatter.add.f32 [tilespmem:s26], [sflag:$0x3], $0x80, s12, s23, $0xb8;
	[tilespmem:$0x1D8C0] =	vst v63  }
0x39: {  	_ =	swait.ge [sflag:s21], $0x4000  }
0x3a: {  	[sflag:s21] =	ssyncset.done $0x0  }
0x3b: {  	s10 =	simm.s32 $0x800;
	s11 =	simm.s32 $0x13A40;
	[sflag:s21] =	ssyncadd.s32 $0xFFFFC000  }
.LBB2_3:
0x3c: {  	[tilespmem:s26], [sflag:$0x2] =	stream.indirect.gather [hbm4b:s4+s23], $0x80, s11, s23, $0xb8;
	[tilespmem:$0x1D8C0] =	vst v63  }
0x3d: {  	s11 =	smov.u32 s10  }
0x3e: {  	p1 =	sne.s32 s10, $0x3C00;
	s10 =	sadd.s32 $0x400, s10;
	_ =	swait.ge [sflag:s28], $0x4000  }
0x3f: {  	s11 =	sshra.s32 s11, $0x2;
	[sflag:s28] =	ssyncset.done $0x0  }
0x40: {  	s12 =	sadd.s32 $0x147C0, s11;
	[sflag:s28] =	ssyncadd.s32 $0xFFFFC000  }
0x41: {  	[spmem:s2] =	stream.indirect.scatter.add.f32 [tilespmem:s24], [sflag:$0x3], $0x80, s12, s23, $0xb8;
	[tilespmem:$0x1D8C0] =	vst v63  }
0x42: {  	_ =	swait.ge [sflag:s21], $0x4000  }
0x43: {  	[sflag:s21] =	ssyncset.done $0x0  }
0x44: {  	s12 =	sadd.s32 $0x138C0, s11;
	[sflag:s21] =	ssyncadd.s32 $0xFFFFC000  }
0x45: {  	[tilespmem:s24], [sflag:$0x1] =	stream.indirect.gather [hbm4b:s4+s23], $0x80, s12, s23, $0xb8;
	[tilespmem:$0x1D8C0] =	vst v63  }
0x46: {  	_ =	swait.ge [sflag:s29], $0x4000  }
0x47: {  	[sflag:s29] =	ssyncset.done $0x0  }
.Ltmp0:
0x48: {  	s12 =	sadd.s32 $0x14840, s11;
	[sflag:s29] =	ssyncadd.s32 $0xFFFFC000;
	(pc) =	sbr.rel @p1 .LBB2_3-.Ltmp0, $4  }
0x49: {  	[spmem:s2] =	stream.indirect.scatter.add.f32 [tilespmem:s26], [sflag:$0x3], $0x80, s12, s23, $0xb8;
	[tilespmem:$0x1D8C0] =	vst v63  }
0x4a: {  	_ =	swait.ge [sflag:s21], $0x4000  }
0x4b: {  	[sflag:s21] =	ssyncset.done $0x0  }
0x4c: {  	s11 =	sadd.s32 $0x13940, s11;
	[sflag:s21] =	ssyncadd.s32 $0xFFFFC000  }
0x4d: {  	[tilespmem:s26], [sflag:$0x2] =	stream.indirect.gather [hbm4b:s4+s23], $0x80, s11, s23, $0xb8;
	[tilespmem:$0x1D8C0] =	vst v63  }
0x4e: {  	_ =	swait.ge [sflag:s28], $0x4000  }
0x4f: {  	[sflag:s28] =	ssyncset.done $0x0  }
0x50: {  	[sflag:s28] =	ssyncadd.s32 $0xFFFFC000  }
0x51: {  	[spmem:s2] =	stream.indirect.scatter.add.f32 [tilespmem:s24], [sflag:$0x3], $0x80, s30, s23, $0xb8;
	[tilespmem:$0x1D8C0] =	vst v63  }
0x52: {  	_ =	swait.ge [sflag:s21], $0x4000  }
0x53: {  	[sflag:s21] =	ssyncset.done $0x0  }
0x54: {  	[sflag:s21] =	ssyncadd.s32 $0xFFFFC000  }
0x55: {  	s7 =	sadd.s32 $0x1, s7;
	_ =	swait.ge [sflag:s29], $0x4000  }
0x56: {  	p1 =	sne.s32 s7, $0x5;
	[sflag:s29] =	ssyncset.done $0x0  }
.Ltmp1:
0x57: {  	[sflag:s29] =	ssyncadd.s32 $0xFFFFC000;
	(pc) =	sbr.rel @p1 .LBB2_2-.Ltmp1, $4  }
0x58: {  	[spmem:s2] =	stream.indirect.scatter.add.f32 [tilespmem:s26], [sflag:$0x3], $0x80, s31, s23, $0xb8;
	[tilespmem:$0x1D8C0] =	vst v63  }
0x59: {  	_ =	swait.ge [sflag:s21], $0x4000  }
0x5a: {  	[sflag:s21] =	ssyncset.done $0x0  }
0x5b: {  	[sflag:s21] =	ssyncadd.s32 $0xFFFFC000  }
0x5c: {  	[bflag:$0x0] =	sbarrier.arrive $0xFFFF  }
0x5d: {  	s7 =	rddreg [dreg:$0x6]  }
0x5e: {  	[hbm:s7], [sflag:s9] =	dma.local [spmem:s20], $0x2700  }
0x5f: {  	_ =	swait.ge [sflag:s21], $0x2700  }
0x60: {  	[sflag:s21] =	ssyncset.done $0x0  }
0x61: {  	[sflag:s21] =	ssyncadd.s32 $0xFFFFD900  }
0x62: {  	s7 =	sshrl.u32 @p0 s6, $0x3;
	[bflag:$0x0] =	sbarrier.arrive @p0 $0xFFFF  }
0x63: {  	[spmem:s7], [sflag:s9] =	dma.local @p0 [hbm:s14], $0x2700  }
0x64: {  	s7 =	simm.s32 @p0 $0x3  }
0x65: {  	_ =	swait.ge @p0 [sflag:s7], $0x2700  }
0x66: {  	[sflag:s7] =	ssyncset.done @p0 $0x0  }
0x67: {  	[sflag:s7] =	ssyncadd.s32 @p0 $0xFFFFD900;
	s7 =	simm.s32 @!p0 $0x3  }
0x68: {  	[hbm:s13], [sflag:s9] =	dma.local @!p0 [spmem:s1], $0x100  }
0x69: {  	_ =	swait.ge @!p0 [sflag:s7], $0x100  }
0x6a: {  	[sflag:s7] =	ssyncset.done @!p0 $0x0  }
0x6b: {  	[sflag:s7] =	ssyncadd.s32 @!p0 $0xFFFFFF00  }
0x6c: {  	s10 =	sshrl.u32 @!p0 s6, $0x3;
	[bflag:$0x0] =	sbarrier.arrive @!p0 $0xFFFF  }
0x6d: {  	[spmem:s10], [sflag:s9] =	dma.local @!p0 [hbm:s14], $0x2700  }
0x6e: {  	_ =	swait.ge @!p0 [sflag:s7], $0x2700  }
0x6f: {  	[sflag:s7] =	ssyncset.done @!p0 $0x0  }
0x70: {  	[sflag:s7] =	ssyncadd.s32 @!p0 $0xFFFFD900  }
0x71: {  	[spmem:s1], [sflag:s9] =	dma.local @!p0 [hbm:s15], $0x100  }
0x72: {  	_ =	swait.ge @!p0 [sflag:s7], $0x100  }
0x73: {  	[sflag:s7] =	ssyncset.done @!p0 $0x0  }
0x74: {  	[sflag:s7] =	ssyncadd.s32 @!p0 $0xFFFFFF00  }
0x75: {  	s7 =	simm.s32 $0x0;
	[bflag:$0x0] =	sbarrier.arrive $0xFFFF  }
.LBB2_6:
0x76: {  	s10 =	sadd.s32 s16, s7  }
0x77: {  	s10 =	sshll.u32 s10, $0xA  }
0x78: {  	s10 =	sand.u32 $0x1FFFFC00, s10  }
0x79: {  	s10 =	sadd.s32 s5, s10  }
0x7a: {  	[tilespmem:s22], [sflag:$0x3] =	stream.linear.gather [hbm4b:s10+s3], $0x2000, $0x38;
	[tilespmem:$0x1D8C0] =	vst v63  }
0x7b: {  	_ =	swait.ge [sflag:s21], $0x2000  }
0x7c: {  	[sflag:s21] =	ssyncset.done $0x0  }
0x7d: {  	[sflag:s21] =	ssyncadd.s32 $0xFFFFE000  }
0x7e: {  	[tilespmem:s24], [sflag:$0x1] =	stream.indirect.gather [hbm4b:s4+s23], $0x80, s22, s23, $0xb8;
	[tilespmem:$0x1D8C0] =	vst v63  }
0x7f: {  	_ = 	snop  }
0x80: {  	[tilespmem:s26], [sflag:$0x2] =	stream.indirect.gather [hbm4b:s4+s23], $0x80, s25, s23, $0xb8;
	[tilespmem:$0x1D8C0] =	vst v63  }
0x81: {  	_ =	swait.ge [sflag:s28], $0x4000  }
0x82: {  	[sflag:s28] =	ssyncset.done $0x0  }
0x83: {  	s12 =	simm.s32 $0x148C0;
	[sflag:s28] =	ssyncadd.s32 $0xFFFFC000  }
0x84: {  	[spmem:s2] =	stream.indirect.scatter.add.f32 [tilespmem:s24], [sflag:$0x3], $0x80, s12, s23, $0xb8;
	[tilespmem:$0x1D8C0] =	vst v63  }
0x85: {  	_ =	swait.ge [sflag:s21], $0x4000  }
0x86: {  	[sflag:s21] =	ssyncset.done $0x0  }
0x87: {  	s11 =	simm.s32 $0x139C0;
	[sflag:s21] =	ssyncadd.s32 $0xFFFFC000  }
0x88: {  	[tilespmem:s24], [sflag:$0x1] =	stream.indirect.gather [hbm4b:s4+s23], $0x80, s11, s23, $0xb8;
	[tilespmem:$0x1D8C0] =	vst v63  }
0x89: {  	_ =	swait.ge [sflag:s29], $0x4000  }
0x8a: {  	[sflag:s29] =	ssyncset.done $0x0  }
0x8b: {  	s12 =	simm.s32 $0x14940;
	[sflag:s29] =	ssyncadd.s32 $0xFFFFC000  }
0x8c: {  	[spmem:s2] =	stream.indirect.scatter.add.f32 [tilespmem:s26], [sflag:$0x3], $0x80, s12, s23, $0xb8;
	[tilespmem:$0x1D8C0] =	vst v63  }
0x8d: {  	_ =	swait.ge [sflag:s21], $0x4000  }
0x8e: {  	[sflag:s21] =	ssyncset.done $0x0  }
0x8f: {  	s10 =	simm.s32 $0x800;
	s11 =	simm.s32 $0x13A40;
	[sflag:s21] =	ssyncadd.s32 $0xFFFFC000  }
.LBB2_7:
0x90: {  	[tilespmem:s26], [sflag:$0x2] =	stream.indirect.gather [hbm4b:s4+s23], $0x80, s11, s23, $0xb8;
	[tilespmem:$0x1D8C0] =	vst v63  }
0x91: {  	s11 =	smov.u32 s10  }
0x92: {  	p1 =	sne.s32 s10, $0x3C00;
	s10 =	sadd.s32 $0x400, s10;
	_ =	swait.ge [sflag:s28], $0x4000  }
0x93: {  	s11 =	sshra.s32 s11, $0x2;
	[sflag:s28] =	ssyncset.done $0x0  }
0x94: {  	s12 =	sadd.s32 $0x147C0, s11;
	[sflag:s28] =	ssyncadd.s32 $0xFFFFC000  }
0x95: {  	[spmem:s2] =	stream.indirect.scatter.add.f32 [tilespmem:s24], [sflag:$0x3], $0x80, s12, s23, $0xb8;
	[tilespmem:$0x1D8C0] =	vst v63  }
0x96: {  	_ =	swait.ge [sflag:s21], $0x4000  }
0x97: {  	[sflag:s21] =	ssyncset.done $0x0  }
0x98: {  	s12 =	sadd.s32 $0x138C0, s11;
	[sflag:s21] =	ssyncadd.s32 $0xFFFFC000  }
0x99: {  	[tilespmem:s24], [sflag:$0x1] =	stream.indirect.gather [hbm4b:s4+s23], $0x80, s12, s23, $0xb8;
	[tilespmem:$0x1D8C0] =	vst v63  }
0x9a: {  	_ =	swait.ge [sflag:s29], $0x4000  }
0x9b: {  	[sflag:s29] =	ssyncset.done $0x0  }
.Ltmp2:
0x9c: {  	s12 =	sadd.s32 $0x14840, s11;
	[sflag:s29] =	ssyncadd.s32 $0xFFFFC000;
	(pc) =	sbr.rel @p1 .LBB2_7-.Ltmp2, $4  }
0x9d: {  	[spmem:s2] =	stream.indirect.scatter.add.f32 [tilespmem:s26], [sflag:$0x3], $0x80, s12, s23, $0xb8;
	[tilespmem:$0x1D8C0] =	vst v63  }
0x9e: {  	_ =	swait.ge [sflag:s21], $0x4000  }
0x9f: {  	[sflag:s21] =	ssyncset.done $0x0  }
0xa0: {  	s11 =	sadd.s32 $0x13940, s11;
	[sflag:s21] =	ssyncadd.s32 $0xFFFFC000  }
0xa1: {  	[tilespmem:s26], [sflag:$0x2] =	stream.indirect.gather [hbm4b:s4+s23], $0x80, s11, s23, $0xb8;
	[tilespmem:$0x1D8C0] =	vst v63  }
0xa2: {  	_ =	swait.ge [sflag:s28], $0x4000  }
0xa3: {  	[sflag:s28] =	ssyncset.done $0x0  }
0xa4: {  	[sflag:s28] =	ssyncadd.s32 $0xFFFFC000  }
0xa5: {  	[spmem:s2] =	stream.indirect.scatter.add.f32 [tilespmem:s24], [sflag:$0x3], $0x80, s30, s23, $0xb8;
	[tilespmem:$0x1D8C0] =	vst v63  }
0xa6: {  	_ =	swait.ge [sflag:s21], $0x4000  }
0xa7: {  	[sflag:s21] =	ssyncset.done $0x0  }
0xa8: {  	[sflag:s21] =	ssyncadd.s32 $0xFFFFC000  }
0xa9: {  	s7 =	sadd.s32 $0x1, s7;
	_ =	swait.ge [sflag:s29], $0x4000  }
0xaa: {  	p1 =	sne.s32 s7, $0x5;
	[sflag:s29] =	ssyncset.done $0x0  }
.Ltmp3:
0xab: {  	[sflag:s29] =	ssyncadd.s32 $0xFFFFC000;
	(pc) =	sbr.rel @p1 .LBB2_6-.Ltmp3, $4  }
0xac: {  	[spmem:s2] =	stream.indirect.scatter.add.f32 [tilespmem:s26], [sflag:$0x3], $0x80, s31, s23, $0xb8;
	[tilespmem:$0x1D8C0] =	vst v63  }
0xad: {  	_ =	swait.ge [sflag:s21], $0x4000  }
0xae: {  	[sflag:s21] =	ssyncset.done $0x0  }
0xaf: {  	[sflag:s21] =	ssyncadd.s32 $0xFFFFC000  }
0xb0: {  	[bflag:$0x0] =	sbarrier.arrive $0xFFFF  }
0xb1: {  	[hbm:s17], [sflag:s9] =	dma.local [spmem:s20], $0x2700  }
0xb2: {  	_ =	swait.ge [sflag:s21], $0x2700  }
0xb3: {  	[sflag:s21] =	ssyncset.done $0x0  }
0xb4: {  	s0 =	sadd.s32 $0x1, s0;
	[sflag:s21] =	ssyncadd.s32 $0xFFFFD900  }
0xb5: {  	[hbm:s18], [sflag:s9] =	dma.local @!p0 [spmem:s1], $0x100  }
0xb6: {  	p1 =	sne.s32 s0, s19;
	s1 =	simm.s32 @!p0 $0x3  }
.Ltmp4:
0xb7: {  	_ =	swait.ge @!p0 [sflag:s1], $0x100;
	(pc) =	sbr.rel @p1 .LBB2_1-.Ltmp4, $3  }
0xb8: {  	[sflag:s1] =	ssyncset.done @!p0 $0x0  }
0xb9: {  	[sflag:s1] =	ssyncadd.s32 @!p0 $0xFFFFFF00  }
0xba: {  	[bflag:$0x0] =	sbarrier.arrive $0xFFFF;
	_ =	sdelay $0x1  }
0xbb: {  	_ =	sfence.sel $0x180000  }
0xbc: {  	[bflag:$0x0] =	sbarrier.arrive $0xFFFF  }
0xbd: {  	_ =	strace $0x90000047  }
0xbe: {  	s0 =	stileid.u32;
	[bflag:$0x2] =	sbarrier.arrive $0xFFFF  }
0xbf: {  	p0 =	sne.s32 s0, $0x0;
	s0 =	rddreg [dreg:$0x2]  }
0xc0: {  	s0 =	sadd.s32 @!p0 $0x100000, s0  }
0xc1: {  	[sflag:s0] =	ssyncadd.tile.s32 @!p0 $0x1;
	_ =	shalt  }
.Lfunc_end2:
_tile_overlayer_lowered:
.L_overlay_start_2:
0xc2: {  	(tag) =	ssettag $0x2  }
0xc3: {  	s0 =	rddreg [dreg:$0x0];
	s2 =	stileid.u32  }
0xc4: {  	s1 =	rddreg [dreg:$0x1];
	p0 =	sne.s32 s2, $0x0  }
0xc5: {  	s3 =	rddreg [dreg:$0x2];
	[bflag:$0x3] =	sbarrier.arrive $0xFFFF;
	s2 =	simm.s32 @!p0 $0x1C03  }
0xc6: {  	[timem:s3], [sflag:s2] =	dma.local @!p0 [hbm:s0], s1  }
0xc7: {  	s0 =	simm.s32 @!p0 $0x3  }
0xc8: {  	_ =	swait.ge @!p0 [sflag:s0], s1  }
0xc9: {  	s1 =	ssub.s32 @!p0 $0x0, s1;
	[sflag:s0] =	ssyncset.done @!p0 $0x0  }
0xca: {  	[sflag:s0] =	ssyncadd.s32 @!p0 s1  }
0xcb: {  	[bflag:$0x3] =	sbarrier.arrive $0xFFFF  }
0xcc: {  	_ =	shalt  }

// kernel: kernel.15.cloned.1.call-start
scs
__scs_entry_jumppad:
0x0: {  	(pc) =	sbr.rel $0x88, $3  }
0x1: {  	(tag) =	ssettag $0x0;
	lr =	simm.s32 $0x1  }
0x2: {  	[smem:$0x3F73] =	sst lr;
	_ =	strace $0xD0000000  }
0x3: {  	_ = 	snop  }
0x4: {  	_ = 	snop  }
0x5: {  	_ = 	snop  }
0x6: {  	_ = 	snop  }
0x7: {  	_ = 	snop  }
__scs_overlays_trampoline_lowered:
0x8: {  	[smem:$0x3F82] =	sst s0  }
0x9: {  	[smem:$0x3F83] =	sst s1  }
0xa: {  	[smem:$0x3F84] =	sst s2  }
0xb: {  	[smem:$0x3F85] =	sst s3  }
0xc: {  	[smem:$0x3F86] =	sst s4  }
0xd: {  	[smem:$0x3F87] =	sst s5  }
0xe: {  	[smem:$0x3F88] =	sst s6  }
0xf: {  	[smem:$0x3F89] =	sst s7  }
0x10: {  	[smem:$0x3F8A] =	sst s8  }
0x11: {  	[smem:$0x3F8B] =	sst s9;
	s0 =	simm.s32 @!p0 $0x0  }
0x12: {  	s1 =	sld [smem:$0x3F71];
	s0 =	simm.s32 @p0 $0x1  }
0x13: {  	[smem:$0x3F8C] =	sst s0;
	s0 =	simm.s32 @!p1 $0x0  }
0x14: {  	s2 =	sld [smem:$0x3F70];
	s0 =	simm.s32 @p1 $0x1  }
0x15: {  	[smem:$0x3F8D] =	sst s0;
	s0 =	simm.s32 @!p2 $0x0  }
0x16: {  	s3 =	sld [smem:$0x3FDB];
	s0 =	simm.s32 @p2 $0x1  }
0x17: {  	s4 =	simm.s32 $0x1BF5;
	[smem:$0x3F8F] =	sst s0  }
0x18: {  	s0 =	sld [smem:$0x3F72];
	_ =	swait.ge [sflag:s4], $0x0  }
0x19: {  	s7 =	sld [smem:$0x3F73]  }
0x1a: {  	s8 =	sadd.s32 $0xFFFFE003, lr  }
0x1b: {  	s9 =	sadd.s32 $0xFFFFFEF7, lr;
	s5 =	simm.s32 $0xFFFFFFFF;
	p2 =	slt.u32 s8, $0xFFFFF086  }
0x1c: {  	p1 =	slt.u32 s9, $0xF7A;
	s5 =	simm.s32 @!p2 $0x0  }
0x1d: {  	s5 =	simm.s32 @p1 $0x1;
	p0 =	seq.s32 s7, s2  }
0x1e: {  	s7 =	smul.u32 @!p0 $0xF7A, s2;
	p2 =	seq.s32 @!p0 s5, $0x0  }
0x1f: {  	s9 =	smul.u32 $0xF7A, s1;
	s8 =	simm.s32 @!p0 $0x1BF5;
	p2 =	por !p2, p0  }
0x20: {  	[sflag:s8] =	ssyncset.s32 @!p0 $0xFFFFF086;
	s6 =	sadd.s32 @!p0 s3, s7;
	s7 =	simm.s32 @!p0 $0x108  }
0x21: {  	s3 =	sadd.s32 s3, s9;
	s6 =	sadd.s32 @!p0 $0x88, s6;
	s7 =	simm.s32 @p2 $0x1082  }
0x22: {  	[simem:s7], [sflag:s8] =	dma.local @!p0 [hbm:s6], $0xF7A  }
0x23: {  	s9 =	sor.u32 $0xD0000000, s2;
	s6 =	simm.s32 $0x108;
	_ =	swait.ge @!p0 [sflag:s8], $0x0  }
0x24: {  	s3 =	sadd.s32 $0x88, s3;
	s6 =	simm.s32 @!p1 $0x1082;
	[sflag:s4] =	ssyncset.s32 $0xFFFFF086  }
0x25: {  	[simem:s6], [sflag:s4] =	dma.local [hbm:s3], $0xF7A  }
0x26: {  	[smem:$0x3F73] =	sst s1;
	(tag) =	ssettag s2;
	_ =	strace s9  }
0x27: {  	s1 =	sld [smem:$0x3F83]  }
0x28: {  	s2 =	sld [smem:$0x3F84]  }
0x29: {  	s4 =	sld [smem:$0x3F86]  }
0x2a: {  	p0 =	seq.s32 s5, $0x0;
	s5 =	sld [smem:$0x3F87]  }
0x2b: {  	s6 =	sld [smem:$0x3F88]  }
0x2c: {  	s7 =	sld [smem:$0x3F89]  }
0x2d: {  	s3 =	simm.s32 $0x108;
	s8 =	sld [smem:$0x3F8A]  }
0x2e: {  	s3 =	simm.s32 @!p0 $0x1082;
	s9 =	sld [smem:$0x3F8B]  }
0x2f: {  	lr =	sadd.s32 s0, s3;
	s0 =	sld [smem:$0x3F82]  }
0x30: {  	s3 =	sld [smem:$0x3F85]  }
0x31: {  	[smem:$0x3F8E] =	sst s10  }
0x32: {  	s10 =	sld [smem:$0x3F8C];
	_ =	sdelay $0x3  }
0x33: {  	p0 =	seq.s32 s10, $0x1;
	s10 =	sld [smem:$0x3F8E];
	_ =	sdelay $0x3  }
0x34: {  	[smem:$0x3F8E] =	sst s10  }
0x35: {  	s10 =	sld [smem:$0x3F8D];
	_ =	sdelay $0x3  }
0x36: {  	p1 =	seq.s32 s10, $0x1;
	s10 =	sld [smem:$0x3F8E];
	_ =	sdelay $0x3  }
0x37: {  	[smem:$0x3F8E] =	sst s10  }
0x38: {  	s10 =	sld [smem:$0x3F8F]  }
0x39: {  	_ = 	snop;
	(pc) =	sbr.ind lr, $3  }
0x3a: {  	_ = 	snop  }
0x3b: {  	_ = 	snop  }
0x3c: {  	p2 =	seq.s32 s10, $0x1;
	s10 =	sld [smem:$0x3F8E]  }
0x3d: {  	_ =	shalt  }
0x3e: {  	_ =	shalt  }
0x3f: {  	_ =	shalt  }
0x40: {  	_ =	shalt  }
0x41: {  	_ =	shalt  }
0x42: {  	_ =	shalt  }
0x43: {  	_ =	shalt  }
0x44: {  	_ =	shalt  }
0x45: {  	_ =	shalt  }
0x46: {  	_ =	shalt  }
0x47: {  	_ =	shalt  }
0x48: {  	_ =	shalt  }
0x49: {  	_ =	shalt  }
0x4a: {  	_ =	shalt  }
0x4b: {  	_ =	shalt  }
0x4c: {  	_ =	shalt  }
0x4d: {  	_ =	shalt  }
0x4e: {  	_ =	shalt  }
0x4f: {  	_ =	shalt  }
0x50: {  	_ =	shalt  }
0x51: {  	_ =	shalt  }
0x52: {  	_ =	shalt  }
0x53: {  	_ =	shalt  }
0x54: {  	_ =	shalt  }
0x55: {  	_ =	shalt  }
0x56: {  	_ =	shalt  }
0x57: {  	_ =	shalt  }
0x58: {  	_ =	shalt  }
0x59: {  	_ =	shalt  }
0x5a: {  	_ =	shalt  }
0x5b: {  	_ =	shalt  }
0x5c: {  	_ =	shalt  }
0x5d: {  	_ =	shalt  }
0x5e: {  	_ =	shalt  }
0x5f: {  	_ =	shalt  }
0x60: {  	_ =	shalt  }
0x61: {  	_ =	shalt  }
0x62: {  	_ =	shalt  }
0x63: {  	_ =	shalt  }
0x64: {  	_ =	shalt  }
0x65: {  	_ =	shalt  }
0x66: {  	_ =	shalt  }
0x67: {  	_ =	shalt  }
0x68: {  	_ =	shalt  }
0x69: {  	_ =	shalt  }
0x6a: {  	_ =	shalt  }
0x6b: {  	_ =	shalt  }
0x6c: {  	_ =	shalt  }
0x6d: {  	_ =	shalt  }
0x6e: {  	_ =	shalt  }
0x6f: {  	_ =	shalt  }
0x70: {  	_ =	shalt  }
0x71: {  	_ =	shalt  }
0x72: {  	_ =	shalt  }
0x73: {  	_ =	shalt  }
0x74: {  	_ =	shalt  }
0x75: {  	_ =	shalt  }
0x76: {  	_ =	shalt  }
0x77: {  	_ =	shalt  }
0x78: {  	_ =	shalt  }
0x79: {  	_ =	shalt  }
0x7a: {  	_ =	shalt  }
0x7b: {  	_ =	shalt  }
0x7c: {  	_ =	shalt  }
0x7d: {  	_ =	shalt  }
0x7e: {  	_ =	shalt  }
0x7f: {  	_ =	shalt  }
0x80: {  	_ =	shalt  }
0x81: {  	_ =	shalt  }
0x82: {  	_ =	shalt  }
0x83: {  	_ =	shalt  }
0x84: {  	_ =	shalt  }
0x85: {  	_ =	shalt  }
0x86: {  	_ =	shalt  }
0x87: {  	_ =	shalt  }
.Lfunc_end0:
.L_simem_size_0:
called_computation.1_lowered:
.L_overlay_start_0:
0x88: {  	s2 =	sld [smem:$0x3FD9]  }
0x89: {  	s3 =	sld [smem:$0x3FFE];
	_ =	sdelay $0x1  }
0x8a: {  	s1 =	srdreg.scid  }
0x8b: {  	s0 =	sand.u32 $0x1, s1  }
0x8c: {  	s16 =	sshll.u32 s0, $0xA;
	s2 =	sadd.s32 s3, s2  }
0x8d: {  	s2 =	sadd.s32 s2, s16  }
0x8e: {  	[smem:$0x3F9A] =	sst s2  }
0x8f: {  	_ = 	snop  }
0x90: {  	(tm) =	ssettm $0x1  }
0x91: {  	s17 =	sld [smem:$0x3FFB];
	_ =	sdelay $0x3  }
0x92: {  	_ =	strace s17  }
0x93: {  	s2 =	sld [smem:$0x3FFC];
	_ =	sdelay $0x3  }
0x94: {  	_ =	strace s2  }
0x95: {  	s2 =	sld [smem:$0x3FFD];
	_ =	sdelay $0x3  }
0x96: {  	_ =	strace s2  }
0x97: {  	_ =	strace $0x8FFFFFFF  }
0x98: {  	s18 =	sld [smem:$0x3FDB];
	_ =	sdelay $0x1  }
0x99: {  	s19 =	simm.s32 $_scs_section_size  }
0x9a: {  	s4 =	simm.s32 $_size__tile_overlayer_lowered;
	s5 =	simm.s32 $_tile_overlayer_lowered  }
0x9b: {  	s22 =	simm.s32 $0x1BFF;
	s21 =	sshll.u32 s5, $0x1;
	s2 =	sadd.s32 s19, s18  }
0x9c: {  	s6 =	simm.s32 $0x0;
	s20 =	sshll.u32 s4, $0x1;
	s4 =	sadd.s32 s21, s2  }
0x9d: {  	[timem:s6], [sflag:s22] =	dma.local [hbm:s4], s20  }
0x9e: {  	_ =	swait.ge [sflag:s22], s20  }
0x9f: {  	s3 =	ssub.s32 $0x0, s20;
	[sflag:s22] =	ssyncset.done $0x0  }
0xa0: {  	[sflag:s22] =	ssyncadd.s32 s3;
	_ =	sdelay $0x1  }
0xa1: {  	s23 =	simm.s32 $0x1B8B  }
0xa2: {  	_ =	swait.ge [sflag:s23], $0x1  }
0xa3: {  	[sflag:s23] =	ssyncset.done $0x0  }
0xa4: {  	s25 =	simm.s32 $0x1B8E;
	s24 =	sld [smem:$0x3FFE];
	[sflag:s23] =	ssyncadd.s32 $0xFFFFFFFF  }
0xa5: {  	s26 =	simm.s32 $execute0_lowered;
	[smem:$0x3FD2] =	sst s25  }
0xa6: {  	s4 =	sshll.u32 s26, $0x1;
	_ =	strace $0x80000049;
	[dreg:$0x1] =	wrdreg $0xFFFFFFFF  }
0xa7: {  	s28 =	simm.s32 $_size_execute0_lowered;
	s2 =	sadd.s32 s2, s4;
	[dreg:$0x0] =	wrdreg $0x0  }
0xa8: {  	s4 =	sshll.u32 s28, $0x1;
	[dreg:$0x2] =	wrdreg s2  }
0xa9: {  	[dreg:$0x3] =	wrdreg s4  }
0xaa: {  	[dreg:$0x4] =	wrdreg $0xC0  }
0xab: {  	_ =	task [dreg:s6], $0x5FFFF  }
0xac: {  	[dreg:$0x1] =	wrdreg $0xFFFFFFFF  }
0xad: {  	[dreg:$0x0] =	wrdreg $0x60  }
0xae: {  	[dreg:$0x2] =	wrdreg s24  }
0xaf: {  	[dreg:$0x3] =	wrdreg $0x0  }
0xb0: {  	[dreg:$0x4] =	wrdreg $0x9  }
0xb1: {  	_ =	task.clear_ibuf [dreg:s6], $0x5FFFF;
	_ =	strace $0x90000049  }
0xb2: {  	s29 =	simm.s32 $0x9;
	_ =	strace $0x8000004B  }
0xb3: {  	_ =	swait.ge [sflag:s29], $0x1  }
0xb4: {  	[sflag:s29] =	ssyncadd.s32 $0xFFFFFFFF  }
0xb5: {  	_ =	strace $0x9000004B  }
0xb6: {  	_ =	sfence  }
0xb7: {  	s30 =	sld [smem:$0x0];
	_ =	sdelay $0x2  }
0xb8: {  	s31 =	sshll.u32 s1, $0xD;
	s1 =	sshrl.u32 s1, $0x2  }
0xb9: {  	s3 =	sand.u32 $0x4000, s31;
	s1 =	sadd.s32 s1, s30  }
0xba: {  	s0 =	sor.u32 s3, s0;
	s1 =	sshll.u32 s1, $0x11  }
0xbb: {  	s0 =	sor.u32 s1, s0  }
0xbc: {  	s0 =	sadd.s32 $0x8F2B, s0  }
0xbd: {  	[sflag:s0] =	ssyncadd.remote.s32 $0x1  }
0xbe: {  	_ =	sfence.sel $0xFFFF  }
0xbf: {  	[dreg:$0x0] =	wrdreg $0xFFFFFFFF;
	(pc) =	sbr.abs _section_cstart, $3  }
0xc0: {  	[dreg:$0x1] =	wrdreg $0xFFFFFFFF  }
0xc1: {  	_ =	task.clear_ibuf [dreg:s6], $0x2FFFF;
	_ =	strace $0x9FFFFFFF  }
0xc2: {  	(tm) =	ssettm $0x7FFFFFFF  }
0xc3: {  	_ =	shalt  }
tec
execute0_lowered:
.L_overlay_start_1:
0x0: {  	(tag) =	ssettag $0x1  }
0x1: {  	s0 =	rddreg [dreg:$0x0]  }
0x2: {  	s2 =	rddreg [dreg:$0x1];
	s3 =	simm.s32 $0x0  }
0x3: {  	s20 =	stileid.u32;
	s1 =	srdreg.scid;
	s28 =	simm.s32 $0x1  }
0x4: {  	s29 =	simm.s32 $0x2;
	s30 =	simm.s32 $0x157C0;
	s31 =	simm.s32 $0x15840  }
0x5: {  	[smem:$0x7FF] =	sst s3;
	s7 =	smul.u32 $0x270, s20;
	s4 =	sadd.s32 $0xF4C00, s0  }
0x6: {  	s1 =	sand.u32 $0x1, s1;
	s6 =	smul.u32 $0x4E000, s20;
	s5 =	sadd.s32 $0x8800, s0  }
0x7: {  	s0 =	sadd.s32 $0x191000, s0;
	s23 =	sshll.u32 s20, $0x6;
	s24 =	sadd.s32 $0x138000, s2  }
0x8: {  	p0 =	sne.s32 s20, $0xF;
	_ =	strace $0x8000004A;
	s9 =	smul.u32 $0x4E20, s1  }
0x9: {  	s8 =	ssub.s32 $0x2, s1;
	s21 =	smul.u32 $0x271000, s1;
	s22 =	sshll.u32 s1, $0x5  }
0xa: {  	s1 =	sshllo.u32 s1, $0x1;
	[dreg:$0x4] =	wrdreg s24;
	s24 =	simm.s32 $0x158C0  }
0xb: {  	s10 =	sshrl.u32 s8, $0x1;
	s6 =	sshrl.u32 s6, $0x2;
	s14 =	smul.u32 $0x2710, s1  }
0xc: {  	s15 =	smul.u32 $0x138800, s1;
	s1 =	sshll.u32 s1, $0x4;
	s10 =	ssub.s32 s8, s10  }
0xd: {  	s6 =	sadd.s32 s6, s2;
	s19 =	sadd.s32 s7, s9;
	s9 =	sor.u32 s20, s22  }
0xe: {  	s13 =	sshrl.u32 s21, $0x3;
	s1 =	sor.u32 s20, s1;
	s21 =	simm.s32 $0x3  }
0xf: {  	s22 =	simm.s32 $0x138C0;
	s11 =	sshll.u32 s19, $0x4;
	s8 =	smul.u32 $0x5, s9  }
0x10: {  	s9 =	sor.u32 $0x1C03, s23;
	s13 =	sadd.s32 $0x27000, s13;
	s7 =	sadd.s32 s7, s14  }
0x11: {  	s26 =	sshrl.u32 s15, $0x3;
	s16 =	smul.u32 $0x5, s1;
	s19 =	smax.u32 s10, $0x1  }
0x12: {  	s20 =	sshrl.u32 s6, $0x3;
	s23 =	simm.s32 $0x80;
	s12 =	sadd.s32 s4, s11  }
0x13: {  	s25 =	sadd.s32 s4, s13;
	s11 =	sadd.s32 s0, s11;
	[dreg:$0x3] =	wrdreg s12  }
0x14: {  	s13 =	sadd.s32 s0, s13;
	s7 =	sshll.u32 s7, $0x4;
	[dreg:$0x5] =	wrdreg s25  }
0x15: {  	[dreg:$0x6] =	wrdreg s11;
	s14 =	sadd.s32 s4, s7;
	s11 =	sadd.s32 $0x27000, s26  }
0x16: {  	s17 =	sadd.s32 s0, s7;
	s25 =	simm.s32 $0x13940;
	s26 =	simm.s32 $0x198C0  }
0x17: {  	s15 =	sadd.s32 s4, s11;
	s18 =	sadd.s32 s0, s11;
	s0 =	simm.s32 $0x0  }
.LBB2_1:
0x18: {  	s1 =	rddreg [dreg:$0x3]  }
0x19: {  	[spmem:s20], [sflag:s9] =	dma.local [hbm:s1], $0x2700  }
0x1a: {  	_ =	swait.ge [sflag:s21], $0x2700  }
0x1b: {  	[sflag:s21] =	ssyncset.done $0x0;
	s1 =	rddreg [dreg:$0x4]  }
0x1c: {  	s7 =	rddreg [dreg:$0x5];
	[sflag:s21] =	ssyncadd.s32 $0xFFFFD900;
	s1 =	sshrl.u32 @!p0 s1, $0x3  }
0x1d: {  	[spmem:s1], [sflag:s9] =	dma.local @!p0 [hbm:s7], $0x100  }
0x1e: {  	s7 =	simm.s32 @!p0 $0x3  }
0x1f: {  	_ =	swait.ge @!p0 [sflag:s7], $0x100  }
0x20: {  	[sflag:s7] =	ssyncset.done @!p0 $0x0  }
0x21: {  	[sflag:s7] =	ssyncadd.s32 @!p0 $0xFFFFFF00  }
0x22: {  	s7 =	simm.s32 $0x0;
	[bflag:$0x0] =	sbarrier.arrive $0xFFFF  }
.LBB2_2:
0x23: {  	s10 =	sadd.s32 s8, s7  }
0x24: {  	s10 =	sshll.u32 s10, $0xA  }
0x25: {  	s10 =	sadd.s32 s5, s10  }
0x26: {  	[tilespmem:s22], [sflag:$0x3] =	stream.linear.gather [hbm4b:s10+s3], $0x2000, $0x38;
	[tilespmem:$0x1D8C0] =	vst v63  }
0x27: {  	_ =	swait.ge [sflag:s21], $0x2000  }
0x28: {  	[sflag:s21] =	ssyncset.done $0x0  }
0x29: {  	[sflag:s21] =	ssyncadd.s32 $0xFFFFE000  }
0x2a: {  	[tilespmem:s24], [sflag:$0x1] =	stream.indirect.gather [hbm4b:s4+s23], $0x80, s22, s23, $0xb8;
	[tilespmem:$0x1D8C0] =	vst v63  }
0x2b: {  	_ = 	snop  }
0x2c: {  	[tilespmem:s26], [sflag:$0x2] =	stream.indirect.gather [hbm4b:s4+s23], $0x80, s25, s23, $0xb8;
	[tilespmem:$0x1D8C0] =	vst v63  }
0x2d: {  	_ =	swait.ge [sflag:s28], $0x4000  }
0x2e: {  	[sflag:s28] =	ssyncset.done $0x0  }
0x2f: {  	s12 =	simm.s32 $0x148C0;
	[sflag:s28] =	ssyncadd.s32 $0xFFFFC000  }
0x30: {  	[spmem:s2] =	stream.indirect.scatter.add.f32 [tilespmem:s24], [sflag:$0x3], $0x80, s12, s23, $0xb8;
	[tilespmem:$0x1D8C0] =	vst v63  }
0x31: {  	_ =	swait.ge [sflag:s21], $0x4000  }
0x32: {  	[sflag:s21] =	ssyncset.done $0x0  }
0x33: {  	s11 =	simm.s32 $0x139C0;
	[sflag:s21] =	ssyncadd.s32 $0xFFFFC000  }
0x34: {  	[tilespmem:s24], [sflag:$0x1] =	stream.indirect.gather [hbm4b:s4+s23], $0x80, s11, s23, $0xb8;
	[tilespmem:$0x1D8C0] =	vst v63  }
0x35: {  	_ =	swait.ge [sflag:s29], $0x4000  }
0x36: {  	[sflag:s29] =	ssyncset.done $0x0  }
0x37: {  	s12 =	simm.s32 $0x14940;
	[sflag:s29] =	ssyncadd.s32 $0xFFFFC000  }
0x38: {  	[spmem:s2] =	stream.indirect.scatter.add.f32 [tilespmem:s26], [sflag:$0x3], $0x80, s12, s23, $0xb8;
	[tilespmem:$0x1D8C0] =	vst v63  }
0x39: {  	_ =	swait.ge [sflag:s21], $0x4000  }
0x3a: {  	[sflag:s21] =	ssyncset.done $0x0  }
0x3b: {  	s10 =	simm.s32 $0x800;
	s11 =	simm.s32 $0x13A40;
	[sflag:s21] =	ssyncadd.s32 $0xFFFFC000  }
.LBB2_3:
0x3c: {  	[tilespmem:s26], [sflag:$0x2] =	stream.indirect.gather [hbm4b:s4+s23], $0x80, s11, s23, $0xb8;
	[tilespmem:$0x1D8C0] =	vst v63  }
0x3d: {  	s11 =	smov.u32 s10  }
0x3e: {  	p1 =	sne.s32 s10, $0x3C00;
	s10 =	sadd.s32 $0x400, s10;
	_ =	swait.ge [sflag:s28], $0x4000  }
0x3f: {  	s11 =	sshra.s32 s11, $0x2;
	[sflag:s28] =	ssyncset.done $0x0  }
0x40: {  	s12 =	sadd.s32 $0x147C0, s11;
	[sflag:s28] =	ssyncadd.s32 $0xFFFFC000  }
0x41: {  	[spmem:s2] =	stream.indirect.scatter.add.f32 [tilespmem:s24], [sflag:$0x3], $0x80, s12, s23, $0xb8;
	[tilespmem:$0x1D8C0] =	vst v63  }
0x42: {  	_ =	swait.ge [sflag:s21], $0x4000  }
0x43: {  	[sflag:s21] =	ssyncset.done $0x0  }
0x44: {  	s12 =	sadd.s32 $0x138C0, s11;
	[sflag:s21] =	ssyncadd.s32 $0xFFFFC000  }
0x45: {  	[tilespmem:s24], [sflag:$0x1] =	stream.indirect.gather [hbm4b:s4+s23], $0x80, s12, s23, $0xb8;
	[tilespmem:$0x1D8C0] =	vst v63  }
0x46: {  	_ =	swait.ge [sflag:s29], $0x4000  }
0x47: {  	[sflag:s29] =	ssyncset.done $0x0  }
.Ltmp0:
0x48: {  	s12 =	sadd.s32 $0x14840, s11;
	[sflag:s29] =	ssyncadd.s32 $0xFFFFC000;
	(pc) =	sbr.rel @p1 .LBB2_3-.Ltmp0, $4  }
0x49: {  	[spmem:s2] =	stream.indirect.scatter.add.f32 [tilespmem:s26], [sflag:$0x3], $0x80, s12, s23, $0xb8;
	[tilespmem:$0x1D8C0] =	vst v63  }
0x4a: {  	_ =	swait.ge [sflag:s21], $0x4000  }
0x4b: {  	[sflag:s21] =	ssyncset.done $0x0  }
0x4c: {  	s11 =	sadd.s32 $0x13940, s11;
	[sflag:s21] =	ssyncadd.s32 $0xFFFFC000  }
0x4d: {  	[tilespmem:s26], [sflag:$0x2] =	stream.indirect.gather [hbm4b:s4+s23], $0x80, s11, s23, $0xb8;
	[tilespmem:$0x1D8C0] =	vst v63  }
0x4e: {  	_ =	swait.ge [sflag:s28], $0x4000  }
0x4f: {  	[sflag:s28] =	ssyncset.done $0x0  }
0x50: {  	[sflag:s28] =	ssyncadd.s32 $0xFFFFC000  }
0x51: {  	[spmem:s2] =	stream.indirect.scatter.add.f32 [tilespmem:s24], [sflag:$0x3], $0x80, s30, s23, $0xb8;
	[tilespmem:$0x1D8C0] =	vst v63  }
0x52: {  	_ =	swait.ge [sflag:s21], $0x4000  }
0x53: {  	[sflag:s21] =	ssyncset.done $0x0  }
0x54: {  	[sflag:s21] =	ssyncadd.s32 $0xFFFFC000  }
0x55: {  	s7 =	sadd.s32 $0x1, s7;
	_ =	swait.ge [sflag:s29], $0x4000  }
0x56: {  	p1 =	sne.s32 s7, $0x5;
	[sflag:s29] =	ssyncset.done $0x0  }
.Ltmp1:
0x57: {  	[sflag:s29] =	ssyncadd.s32 $0xFFFFC000;
	(pc) =	sbr.rel @p1 .LBB2_2-.Ltmp1, $4  }
0x58: {  	[spmem:s2] =	stream.indirect.scatter.add.f32 [tilespmem:s26], [sflag:$0x3], $0x80, s31, s23, $0xb8;
	[tilespmem:$0x1D8C0] =	vst v63  }
0x59: {  	_ =	swait.ge [sflag:s21], $0x4000  }
0x5a: {  	[sflag:s21] =	ssyncset.done $0x0  }
0x5b: {  	[sflag:s21] =	ssyncadd.s32 $0xFFFFC000  }
0x5c: {  	[bflag:$0x0] =	sbarrier.arrive $0xFFFF  }
0x5d: {  	s7 =	rddreg [dreg:$0x6]  }
0x5e: {  	[hbm:s7], [sflag:s9] =	dma.local [spmem:s20], $0x2700  }
0x5f: {  	_ =	swait.ge [sflag:s21], $0x2700  }
0x60: {  	[sflag:s21] =	ssyncset.done $0x0  }
0x61: {  	[sflag:s21] =	ssyncadd.s32 $0xFFFFD900  }
0x62: {  	s7 =	sshrl.u32 @p0 s6, $0x3;
	[bflag:$0x0] =	sbarrier.arrive @p0 $0xFFFF  }
0x63: {  	[spmem:s7], [sflag:s9] =	dma.local @p0 [hbm:s14], $0x2700  }
0x64: {  	s7 =	simm.s32 @p0 $0x3  }
0x65: {  	_ =	swait.ge @p0 [sflag:s7], $0x2700  }
0x66: {  	[sflag:s7] =	ssyncset.done @p0 $0x0  }
0x67: {  	[sflag:s7] =	ssyncadd.s32 @p0 $0xFFFFD900;
	s7 =	simm.s32 @!p0 $0x3  }
0x68: {  	[hbm:s13], [sflag:s9] =	dma.local @!p0 [spmem:s1], $0x100  }
0x69: {  	_ =	swait.ge @!p0 [sflag:s7], $0x100  }
0x6a: {  	[sflag:s7] =	ssyncset.done @!p0 $0x0  }
0x6b: {  	[sflag:s7] =	ssyncadd.s32 @!p0 $0xFFFFFF00  }
0x6c: {  	s10 =	sshrl.u32 @!p0 s6, $0x3;
	[bflag:$0x0] =	sbarrier.arrive @!p0 $0xFFFF  }
0x6d: {  	[spmem:s10], [sflag:s9] =	dma.local @!p0 [hbm:s14], $0x2700  }
0x6e: {  	_ =	swait.ge @!p0 [sflag:s7], $0x2700  }
0x6f: {  	[sflag:s7] =	ssyncset.done @!p0 $0x0  }
0x70: {  	[sflag:s7] =	ssyncadd.s32 @!p0 $0xFFFFD900  }
0x71: {  	[spmem:s1], [sflag:s9] =	dma.local @!p0 [hbm:s15], $0x100  }
0x72: {  	_ =	swait.ge @!p0 [sflag:s7], $0x100  }
0x73: {  	[sflag:s7] =	ssyncset.done @!p0 $0x0  }
0x74: {  	[sflag:s7] =	ssyncadd.s32 @!p0 $0xFFFFFF00  }
0x75: {  	s7 =	simm.s32 $0x0;
	[bflag:$0x0] =	sbarrier.arrive $0xFFFF  }
.LBB2_6:
0x76: {  	s10 =	sadd.s32 s16, s7  }
0x77: {  	s10 =	sshll.u32 s10, $0xA  }
0x78: {  	s10 =	sand.u32 $0x1FFFFC00, s10  }
0x79: {  	s10 =	sadd.s32 s5, s10  }
0x7a: {  	[tilespmem:s22], [sflag:$0x3] =	stream.linear.gather [hbm4b:s10+s3], $0x2000, $0x38;
	[tilespmem:$0x1D8C0] =	vst v63  }
0x7b: {  	_ =	swait.ge [sflag:s21], $0x2000  }
0x7c: {  	[sflag:s21] =	ssyncset.done $0x0  }
0x7d: {  	[sflag:s21] =	ssyncadd.s32 $0xFFFFE000  }
0x7e: {  	[tilespmem:s24], [sflag:$0x1] =	stream.indirect.gather [hbm4b:s4+s23], $0x80, s22, s23, $0xb8;
	[tilespmem:$0x1D8C0] =	vst v63  }
0x7f: {  	_ = 	snop  }
0x80: {  	[tilespmem:s26], [sflag:$0x2] =	stream.indirect.gather [hbm4b:s4+s23], $0x80, s25, s23, $0xb8;
	[tilespmem:$0x1D8C0] =	vst v63  }
0x81: {  	_ =	swait.ge [sflag:s28], $0x4000  }
0x82: {  	[sflag:s28] =	ssyncset.done $0x0  }
0x83: {  	s12 =	simm.s32 $0x148C0;
	[sflag:s28] =	ssyncadd.s32 $0xFFFFC000  }
0x84: {  	[spmem:s2] =	stream.indirect.scatter.add.f32 [tilespmem:s24], [sflag:$0x3], $0x80, s12, s23, $0xb8;
	[tilespmem:$0x1D8C0] =	vst v63  }
0x85: {  	_ =	swait.ge [sflag:s21], $0x4000  }
0x86: {  	[sflag:s21] =	ssyncset.done $0x0  }
0x87: {  	s11 =	simm.s32 $0x139C0;
	[sflag:s21] =	ssyncadd.s32 $0xFFFFC000  }
0x88: {  	[tilespmem:s24], [sflag:$0x1] =	stream.indirect.gather [hbm4b:s4+s23], $0x80, s11, s23, $0xb8;
	[tilespmem:$0x1D8C0] =	vst v63  }
0x89: {  	_ =	swait.ge [sflag:s29], $0x4000  }
0x8a: {  	[sflag:s29] =	ssyncset.done $0x0  }
0x8b: {  	s12 =	simm.s32 $0x14940;
	[sflag:s29] =	ssyncadd.s32 $0xFFFFC000  }
0x8c: {  	[spmem:s2] =	stream.indirect.scatter.add.f32 [tilespmem:s26], [sflag:$0x3], $0x80, s12, s23, $0xb8;
	[tilespmem:$0x1D8C0] =	vst v63  }
0x8d: {  	_ =	swait.ge [sflag:s21], $0x4000  }
0x8e: {  	[sflag:s21] =	ssyncset.done $0x0  }
0x8f: {  	s10 =	simm.s32 $0x800;
	s11 =	simm.s32 $0x13A40;
	[sflag:s21] =	ssyncadd.s32 $0xFFFFC000  }
.LBB2_7:
0x90: {  	[tilespmem:s26], [sflag:$0x2] =	stream.indirect.gather [hbm4b:s4+s23], $0x80, s11, s23, $0xb8;
	[tilespmem:$0x1D8C0] =	vst v63  }
0x91: {  	s11 =	smov.u32 s10  }
0x92: {  	p1 =	sne.s32 s10, $0x3C00;
	s10 =	sadd.s32 $0x400, s10;
	_ =	swait.ge [sflag:s28], $0x4000  }
0x93: {  	s11 =	sshra.s32 s11, $0x2;
	[sflag:s28] =	ssyncset.done $0x0  }
0x94: {  	s12 =	sadd.s32 $0x147C0, s11;
	[sflag:s28] =	ssyncadd.s32 $0xFFFFC000  }
0x95: {  	[spmem:s2] =	stream.indirect.scatter.add.f32 [tilespmem:s24], [sflag:$0x3], $0x80, s12, s23, $0xb8;
	[tilespmem:$0x1D8C0] =	vst v63  }
0x96: {  	_ =	swait.ge [sflag:s21], $0x4000  }
0x97: {  	[sflag:s21] =	ssyncset.done $0x0  }
0x98: {  	s12 =	sadd.s32 $0x138C0, s11;
	[sflag:s21] =	ssyncadd.s32 $0xFFFFC000  }
0x99: {  	[tilespmem:s24], [sflag:$0x1] =	stream.indirect.gather [hbm4b:s4+s23], $0x80, s12, s23, $0xb8;
	[tilespmem:$0x1D8C0] =	vst v63  }
0x9a: {  	_ =	swait.ge [sflag:s29], $0x4000  }
0x9b: {  	[sflag:s29] =	ssyncset.done $0x0  }
.Ltmp2:
0x9c: {  	s12 =	sadd.s32 $0x14840, s11;
	[sflag:s29] =	ssyncadd.s32 $0xFFFFC000;
	(pc) =	sbr.rel @p1 .LBB2_7-.Ltmp2, $4  }
0x9d: {  	[spmem:s2] =	stream.indirect.scatter.add.f32 [tilespmem:s26], [sflag:$0x3], $0x80, s12, s23, $0xb8;
	[tilespmem:$0x1D8C0] =	vst v63  }
0x9e: {  	_ =	swait.ge [sflag:s21], $0x4000  }
0x9f: {  	[sflag:s21] =	ssyncset.done $0x0  }
0xa0: {  	s11 =	sadd.s32 $0x13940, s11;
	[sflag:s21] =	ssyncadd.s32 $0xFFFFC000  }
0xa1: {  	[tilespmem:s26], [sflag:$0x2] =	stream.indirect.gather [hbm4b:s4+s23], $0x80, s11, s23, $0xb8;
	[tilespmem:$0x1D8C0] =	vst v63  }
0xa2: {  	_ =	swait.ge [sflag:s28], $0x4000  }
0xa3: {  	[sflag:s28] =	ssyncset.done $0x0  }
0xa4: {  	[sflag:s28] =	ssyncadd.s32 $0xFFFFC000  }
0xa5: {  	[spmem:s2] =	stream.indirect.scatter.add.f32 [tilespmem:s24], [sflag:$0x3], $0x80, s30, s23, $0xb8;
	[tilespmem:$0x1D8C0] =	vst v63  }
0xa6: {  	_ =	swait.ge [sflag:s21], $0x4000  }
0xa7: {  	[sflag:s21] =	ssyncset.done $0x0  }
0xa8: {  	[sflag:s21] =	ssyncadd.s32 $0xFFFFC000  }
0xa9: {  	s7 =	sadd.s32 $0x1, s7;
	_ =	swait.ge [sflag:s29], $0x4000  }
0xaa: {  	p1 =	sne.s32 s7, $0x5;
	[sflag:s29] =	ssyncset.done $0x0  }
.Ltmp3:
0xab: {  	[sflag:s29] =	ssyncadd.s32 $0xFFFFC000;
	(pc) =	sbr.rel @p1 .LBB2_6-.Ltmp3, $4  }
0xac: {  	[spmem:s2] =	stream.indirect.scatter.add.f32 [tilespmem:s26], [sflag:$0x3], $0x80, s31, s23, $0xb8;
	[tilespmem:$0x1D8C0] =	vst v63  }
0xad: {  	_ =	swait.ge [sflag:s21], $0x4000  }
0xae: {  	[sflag:s21] =	ssyncset.done $0x0  }
0xaf: {  	[sflag:s21] =	ssyncadd.s32 $0xFFFFC000  }
0xb0: {  	[bflag:$0x0] =	sbarrier.arrive $0xFFFF  }
0xb1: {  	[hbm:s17], [sflag:s9] =	dma.local [spmem:s20], $0x2700  }
0xb2: {  	_ =	swait.ge [sflag:s21], $0x2700  }
0xb3: {  	[sflag:s21] =	ssyncset.done $0x0  }
0xb4: {  	s0 =	sadd.s32 $0x1, s0;
	[sflag:s21] =	ssyncadd.s32 $0xFFFFD900  }
0xb5: {  	[hbm:s18], [sflag:s9] =	dma.local @!p0 [spmem:s1], $0x100  }
0xb6: {  	p1 =	sne.s32 s0, s19;
	s1 =	simm.s32 @!p0 $0x3  }
.Ltmp4:
0xb7: {  	_ =	swait.ge @!p0 [sflag:s1], $0x100;
	(pc) =	sbr.rel @p1 .LBB2_1-.Ltmp4, $3  }
0xb8: {  	[sflag:s1] =	ssyncset.done @!p0 $0x0  }
0xb9: {  	[sflag:s1] =	ssyncadd.s32 @!p0 $0xFFFFFF00  }
0xba: {  	[bflag:$0x0] =	sbarrier.arrive $0xFFFF;
	_ =	sdelay $0x1  }
0xbb: {  	_ =	sfence.sel $0x180000  }
0xbc: {  	[bflag:$0x0] =	sbarrier.arrive $0xFFFF  }
0xbd: {  	_ =	strace $0x9000004A  }
0xbe: {  	s0 =	stileid.u32;
	[bflag:$0x2] =	sbarrier.arrive $0xFFFF  }
0xbf: {  	p0 =	sne.s32 s0, $0x0;
	s0 =	rddreg [dreg:$0x2]  }
0xc0: {  	s0 =	sadd.s32 @!p0 $0x100000, s0  }
0xc1: {  	[sflag:s0] =	ssyncadd.tile.s32 @!p0 $0x1;
	_ =	shalt  }
.Lfunc_end2:
_tile_overlayer_lowered:
.L_overlay_start_2:
0xc2: {  	(tag) =	ssettag $0x2  }
0xc3: {  	s0 =	rddreg [dreg:$0x0];
	s2 =	stileid.u32  }
0xc4: {  	s1 =	rddreg [dreg:$0x1];
	p0 =	sne.s32 s2, $0x0  }
0xc5: {  	s3 =	rddreg [dreg:$0x2];
	[bflag:$0x3] =	sbarrier.arrive $0xFFFF;
	s2 =	simm.s32 @!p0 $0x1C03  }
0xc6: {  	[timem:s3], [sflag:s2] =	dma.local @!p0 [hbm:s0], s1  }
0xc7: {  	s0 =	simm.s32 @!p0 $0x3  }
0xc8: {  	_ =	swait.ge @!p0 [sflag:s0], s1  }
0xc9: {  	s1 =	ssub.s32 @!p0 $0x0, s1;
	[sflag:s0] =	ssyncset.done @!p0 $0x0  }
0xca: {  	[sflag:s0] =	ssyncadd.s32 @!p0 s1  }
0xcb: {  	[bflag:$0x3] =	sbarrier.arrive $0xFFFF  }
0xcc: {  	_ =	shalt  }

// kernel: kernel.18.cloned.1.call-start
scs
__scs_entry_jumppad:
0x0: {  	(pc) =	sbr.rel $0x88, $3  }
0x1: {  	(tag) =	ssettag $0x0;
	lr =	simm.s32 $0x1  }
0x2: {  	[smem:$0x3F73] =	sst lr;
	_ =	strace $0xD0000000  }
0x3: {  	_ = 	snop  }
0x4: {  	_ = 	snop  }
0x5: {  	_ = 	snop  }
0x6: {  	_ = 	snop  }
0x7: {  	_ = 	snop  }
__scs_overlays_trampoline_lowered:
0x8: {  	[smem:$0x3F82] =	sst s0  }
0x9: {  	[smem:$0x3F83] =	sst s1  }
0xa: {  	[smem:$0x3F84] =	sst s2  }
0xb: {  	[smem:$0x3F85] =	sst s3  }
0xc: {  	[smem:$0x3F86] =	sst s4  }
0xd: {  	[smem:$0x3F87] =	sst s5  }
0xe: {  	[smem:$0x3F88] =	sst s6  }
0xf: {  	[smem:$0x3F89] =	sst s7  }
0x10: {  	[smem:$0x3F8A] =	sst s8  }
0x11: {  	[smem:$0x3F8B] =	sst s9;
	s0 =	simm.s32 @!p0 $0x0  }
0x12: {  	s1 =	sld [smem:$0x3F71];
	s0 =	simm.s32 @p0 $0x1  }
0x13: {  	[smem:$0x3F8C] =	sst s0;
	s0 =	simm.s32 @!p1 $0x0  }
0x14: {  	s2 =	sld [smem:$0x3F70];
	s0 =	simm.s32 @p1 $0x1  }
0x15: {  	[smem:$0x3F8D] =	sst s0;
	s0 =	simm.s32 @!p2 $0x0  }
0x16: {  	s3 =	sld [smem:$0x3FDB];
	s0 =	simm.s32 @p2 $0x1  }
0x17: {  	s4 =	simm.s32 $0x1BF5;
	[smem:$0x3F8F] =	sst s0  }
0x18: {  	s0 =	sld [smem:$0x3F72];
	_ =	swait.ge [sflag:s4], $0x0  }
0x19: {  	s7 =	sld [smem:$0x3F73]  }
0x1a: {  	s8 =	sadd.s32 $0xFFFFE003, lr  }
0x1b: {  	s9 =	sadd.s32 $0xFFFFFEF7, lr;
	s5 =	simm.s32 $0xFFFFFFFF;
	p2 =	slt.u32 s8, $0xFFFFF086  }
0x1c: {  	p1 =	slt.u32 s9, $0xF7A;
	s5 =	simm.s32 @!p2 $0x0  }
0x1d: {  	s5 =	simm.s32 @p1 $0x1;
	p0 =	seq.s32 s7, s2  }
0x1e: {  	s7 =	smul.u32 @!p0 $0xF7A, s2;
	p2 =	seq.s32 @!p0 s5, $0x0  }
0x1f: {  	s9 =	smul.u32 $0xF7A, s1;
	s8 =	simm.s32 @!p0 $0x1BF5;
	p2 =	por !p2, p0  }
0x20: {  	[sflag:s8] =	ssyncset.s32 @!p0 $0xFFFFF086;
	s6 =	sadd.s32 @!p0 s3, s7;
	s7 =	simm.s32 @!p0 $0x108  }
0x21: {  	s3 =	sadd.s32 s3, s9;
	s6 =	sadd.s32 @!p0 $0x88, s6;
	s7 =	simm.s32 @p2 $0x1082  }
0x22: {  	[simem:s7], [sflag:s8] =	dma.local @!p0 [hbm:s6], $0xF7A  }
0x23: {  	s9 =	sor.u32 $0xD0000000, s2;
	s6 =	simm.s32 $0x108;
	_ =	swait.ge @!p0 [sflag:s8], $0x0  }
0x24: {  	s3 =	sadd.s32 $0x88, s3;
	s6 =	simm.s32 @!p1 $0x1082;
	[sflag:s4] =	ssyncset.s32 $0xFFFFF086  }
0x25: {  	[simem:s6], [sflag:s4] =	dma.local [hbm:s3], $0xF7A  }
0x26: {  	[smem:$0x3F73] =	sst s1;
	(tag) =	ssettag s2;
	_ =	strace s9  }
0x27: {  	s1 =	sld [smem:$0x3F83]  }
0x28: {  	s2 =	sld [smem:$0x3F84]  }
0x29: {  	s4 =	sld [smem:$0x3F86]  }
0x2a: {  	p0 =	seq.s32 s5, $0x0;
	s5 =	sld [smem:$0x3F87]  }
0x2b: {  	s6 =	sld [smem:$0x3F88]  }
0x2c: {  	s7 =	sld [smem:$0x3F89]  }
0x2d: {  	s3 =	simm.s32 $0x108;
	s8 =	sld [smem:$0x3F8A]  }
0x2e: {  	s3 =	simm.s32 @!p0 $0x1082;
	s9 =	sld [smem:$0x3F8B]  }
0x2f: {  	lr =	sadd.s32 s0, s3;
	s0 =	sld [smem:$0x3F82]  }
0x30: {  	s3 =	sld [smem:$0x3F85]  }
0x31: {  	[smem:$0x3F8E] =	sst s10  }
0x32: {  	s10 =	sld [smem:$0x3F8C];
	_ =	sdelay $0x3  }
0x33: {  	p0 =	seq.s32 s10, $0x1;
	s10 =	sld [smem:$0x3F8E];
	_ =	sdelay $0x3  }
0x34: {  	[smem:$0x3F8E] =	sst s10  }
0x35: {  	s10 =	sld [smem:$0x3F8D];
	_ =	sdelay $0x3  }
0x36: {  	p1 =	seq.s32 s10, $0x1;
	s10 =	sld [smem:$0x3F8E];
	_ =	sdelay $0x3  }
0x37: {  	[smem:$0x3F8E] =	sst s10  }
0x38: {  	s10 =	sld [smem:$0x3F8F]  }
0x39: {  	_ = 	snop;
	(pc) =	sbr.ind lr, $3  }
0x3a: {  	_ = 	snop  }
0x3b: {  	_ = 	snop  }
0x3c: {  	p2 =	seq.s32 s10, $0x1;
	s10 =	sld [smem:$0x3F8E]  }
0x3d: {  	_ =	shalt  }
0x3e: {  	_ =	shalt  }
0x3f: {  	_ =	shalt  }
0x40: {  	_ =	shalt  }
0x41: {  	_ =	shalt  }
0x42: {  	_ =	shalt  }
0x43: {  	_ =	shalt  }
0x44: {  	_ =	shalt  }
0x45: {  	_ =	shalt  }
0x46: {  	_ =	shalt  }
0x47: {  	_ =	shalt  }
0x48: {  	_ =	shalt  }
0x49: {  	_ =	shalt  }
0x4a: {  	_ =	shalt  }
0x4b: {  	_ =	shalt  }
0x4c: {  	_ =	shalt  }
0x4d: {  	_ =	shalt  }
0x4e: {  	_ =	shalt  }
0x4f: {  	_ =	shalt  }
0x50: {  	_ =	shalt  }
0x51: {  	_ =	shalt  }
0x52: {  	_ =	shalt  }
0x53: {  	_ =	shalt  }
0x54: {  	_ =	shalt  }
0x55: {  	_ =	shalt  }
0x56: {  	_ =	shalt  }
0x57: {  	_ =	shalt  }
0x58: {  	_ =	shalt  }
0x59: {  	_ =	shalt  }
0x5a: {  	_ =	shalt  }
0x5b: {  	_ =	shalt  }
0x5c: {  	_ =	shalt  }
0x5d: {  	_ =	shalt  }
0x5e: {  	_ =	shalt  }
0x5f: {  	_ =	shalt  }
0x60: {  	_ =	shalt  }
0x61: {  	_ =	shalt  }
0x62: {  	_ =	shalt  }
0x63: {  	_ =	shalt  }
0x64: {  	_ =	shalt  }
0x65: {  	_ =	shalt  }
0x66: {  	_ =	shalt  }
0x67: {  	_ =	shalt  }
0x68: {  	_ =	shalt  }
0x69: {  	_ =	shalt  }
0x6a: {  	_ =	shalt  }
0x6b: {  	_ =	shalt  }
0x6c: {  	_ =	shalt  }
0x6d: {  	_ =	shalt  }
0x6e: {  	_ =	shalt  }
0x6f: {  	_ =	shalt  }
0x70: {  	_ =	shalt  }
0x71: {  	_ =	shalt  }
0x72: {  	_ =	shalt  }
0x73: {  	_ =	shalt  }
0x74: {  	_ =	shalt  }
0x75: {  	_ =	shalt  }
0x76: {  	_ =	shalt  }
0x77: {  	_ =	shalt  }
0x78: {  	_ =	shalt  }
0x79: {  	_ =	shalt  }
0x7a: {  	_ =	shalt  }
0x7b: {  	_ =	shalt  }
0x7c: {  	_ =	shalt  }
0x7d: {  	_ =	shalt  }
0x7e: {  	_ =	shalt  }
0x7f: {  	_ =	shalt  }
0x80: {  	_ =	shalt  }
0x81: {  	_ =	shalt  }
0x82: {  	_ =	shalt  }
0x83: {  	_ =	shalt  }
0x84: {  	_ =	shalt  }
0x85: {  	_ =	shalt  }
0x86: {  	_ =	shalt  }
0x87: {  	_ =	shalt  }
.Lfunc_end0:
.L_simem_size_0:
called_computation.2_lowered:
.L_overlay_start_0:
0x88: {  	s2 =	sld [smem:$0x3FD9]  }
0x89: {  	s3 =	sld [smem:$0x3FFE];
	_ =	sdelay $0x1  }
0x8a: {  	s1 =	srdreg.scid  }
0x8b: {  	s0 =	sand.u32 $0x1, s1  }
0x8c: {  	s16 =	sshll.u32 s0, $0xA;
	s2 =	sadd.s32 s3, s2  }
0x8d: {  	s2 =	sadd.s32 s2, s16  }
0x8e: {  	[smem:$0x3F9A] =	sst s2  }
0x8f: {  	_ = 	snop  }
0x90: {  	(tm) =	ssettm $0x1  }
0x91: {  	s17 =	sld [smem:$0x3FFB];
	_ =	sdelay $0x3  }
0x92: {  	_ =	strace s17  }
0x93: {  	s2 =	sld [smem:$0x3FFC];
	_ =	sdelay $0x3  }
0x94: {  	_ =	strace s2  }
0x95: {  	s2 =	sld [smem:$0x3FFD];
	_ =	sdelay $0x3  }
0x96: {  	_ =	strace s2  }
0x97: {  	_ =	strace $0x8FFFFFFF  }
0x98: {  	s18 =	sld [smem:$0x3FDB];
	_ =	sdelay $0x1  }
0x99: {  	s19 =	simm.s32 $_scs_section_size  }
0x9a: {  	s4 =	simm.s32 $_size__tile_overlayer_lowered;
	s5 =	simm.s32 $_tile_overlayer_lowered  }
0x9b: {  	s22 =	simm.s32 $0x1BFF;
	s21 =	sshll.u32 s5, $0x1;
	s2 =	sadd.s32 s19, s18  }
0x9c: {  	s6 =	simm.s32 $0x0;
	s20 =	sshll.u32 s4, $0x1;
	s4 =	sadd.s32 s21, s2  }
0x9d: {  	[timem:s6], [sflag:s22] =	dma.local [hbm:s4], s20  }
0x9e: {  	_ =	swait.ge [sflag:s22], s20  }
0x9f: {  	s3 =	ssub.s32 $0x0, s20;
	[sflag:s22] =	ssyncset.done $0x0  }
0xa0: {  	[sflag:s22] =	ssyncadd.s32 s3;
	_ =	sdelay $0x1  }
0xa1: {  	s23 =	simm.s32 $0x1B8B  }
0xa2: {  	_ =	swait.ge [sflag:s23], $0x1  }
0xa3: {  	[sflag:s23] =	ssyncset.done $0x0  }
0xa4: {  	s25 =	simm.s32 $0x1B8E;
	s24 =	sld [smem:$0x3FFE];
	[sflag:s23] =	ssyncadd.s32 $0xFFFFFFFF  }
0xa5: {  	s26 =	simm.s32 $execute0_lowered;
	[smem:$0x3FD2] =	sst s25  }
0xa6: {  	s4 =	sshll.u32 s26, $0x1;
	_ =	strace $0x8000004C;
	[dreg:$0x1] =	wrdreg $0xFFFFFFFF  }
0xa7: {  	s28 =	simm.s32 $_size_execute0_lowered;
	s2 =	sadd.s32 s2, s4;
	[dreg:$0x0] =	wrdreg $0x0  }
0xa8: {  	s4 =	sshll.u32 s28, $0x1;
	[dreg:$0x2] =	wrdreg s2  }
0xa9: {  	[dreg:$0x3] =	wrdreg s4  }
0xaa: {  	[dreg:$0x4] =	wrdreg $0xC0  }
0xab: {  	_ =	task [dreg:s6], $0x5FFFF  }
0xac: {  	[dreg:$0x1] =	wrdreg $0xFFFFFFFF  }
0xad: {  	[dreg:$0x0] =	wrdreg $0x60  }
0xae: {  	[dreg:$0x2] =	wrdreg s24  }
0xaf: {  	[dreg:$0x3] =	wrdreg $0x0  }
0xb0: {  	[dreg:$0x4] =	wrdreg $0x9  }
0xb1: {  	_ =	task.clear_ibuf [dreg:s6], $0x5FFFF;
	_ =	strace $0x9000004C  }
0xb2: {  	s29 =	simm.s32 $0x9;
	_ =	strace $0x8000004E  }
0xb3: {  	_ =	swait.ge [sflag:s29], $0x1  }
0xb4: {  	[sflag:s29] =	ssyncadd.s32 $0xFFFFFFFF  }
0xb5: {  	_ =	strace $0x9000004E  }
0xb6: {  	_ =	sfence  }
0xb7: {  	s30 =	sld [smem:$0x0];
	_ =	sdelay $0x2  }
0xb8: {  	s31 =	sshll.u32 s1, $0xD;
	s1 =	sshrl.u32 s1, $0x2  }
0xb9: {  	s3 =	sand.u32 $0x4000, s31;
	s1 =	sadd.s32 s1, s30  }
0xba: {  	s0 =	sor.u32 s3, s0;
	s1 =	sshll.u32 s1, $0x11  }
0xbb: {  	s0 =	sor.u32 s1, s0  }
0xbc: {  	s0 =	sadd.s32 $0x8F2B, s0  }
0xbd: {  	[sflag:s0] =	ssyncadd.remote.s32 $0x1  }
0xbe: {  	_ =	sfence.sel $0xFFFF  }
0xbf: {  	[dreg:$0x0] =	wrdreg $0xFFFFFFFF;
	(pc) =	sbr.abs _section_cstart, $3  }
0xc0: {  	[dreg:$0x1] =	wrdreg $0xFFFFFFFF  }
0xc1: {  	_ =	task.clear_ibuf [dreg:s6], $0x2FFFF;
	_ =	strace $0x9FFFFFFF  }
0xc2: {  	(tm) =	ssettm $0x7FFFFFFF  }
0xc3: {  	_ =	shalt  }
tec
execute0_lowered:
.L_overlay_start_1:
0x0: {  	(tag) =	ssettag $0x1  }
0x1: {  	s0 =	rddreg [dreg:$0x0]  }
0x2: {  	s2 =	rddreg [dreg:$0x1];
	s3 =	simm.s32 $0x0  }
0x3: {  	s20 =	stileid.u32;
	s1 =	srdreg.scid;
	s28 =	simm.s32 $0x1  }
0x4: {  	s29 =	simm.s32 $0x2;
	s30 =	simm.s32 $0x157C0;
	s31 =	simm.s32 $0x15840  }
0x5: {  	[smem:$0x7FF] =	sst s3;
	s7 =	smul.u32 $0x270, s20;
	s4 =	sadd.s32 $0x191000, s0  }
0x6: {  	s1 =	sand.u32 $0x1, s1;
	s6 =	smul.u32 $0x4E000, s20;
	s5 =	sadd.s32 $0x8800, s0  }
0x7: {  	s0 =	sadd.s32 $0x22D400, s0;
	s23 =	sshll.u32 s20, $0x6;
	s24 =	sadd.s32 $0x138000, s2  }
0x8: {  	p0 =	sne.s32 s20, $0xF;
	_ =	strace $0x8000004D;
	s9 =	smul.u32 $0x4E20, s1  }
0x9: {  	s8 =	ssub.s32 $0x2, s1;
	s21 =	smul.u32 $0x271000, s1;
	s22 =	sshll.u32 s1, $0x5  }
0xa: {  	s1 =	sshllo.u32 s1, $0x1;
	[dreg:$0x4] =	wrdreg s24;
	s24 =	simm.s32 $0x158C0  }
0xb: {  	s10 =	sshrl.u32 s8, $0x1;
	s6 =	sshrl.u32 s6, $0x2;
	s14 =	smul.u32 $0x2710, s1  }
0xc: {  	s15 =	smul.u32 $0x138800, s1;
	s1 =	sshll.u32 s1, $0x4;
	s10 =	ssub.s32 s8, s10  }
0xd: {  	s6 =	sadd.s32 s6, s2;
	s19 =	sadd.s32 s7, s9;
	s9 =	sor.u32 s20, s22  }
0xe: {  	s13 =	sshrl.u32 s21, $0x3;
	s1 =	sor.u32 s20, s1;
	s21 =	simm.s32 $0x3  }
0xf: {  	s22 =	simm.s32 $0x138C0;
	s11 =	sshll.u32 s19, $0x4;
	s8 =	smul.u32 $0x5, s9  }
0x10: {  	s9 =	sor.u32 $0x1C03, s23;
	s13 =	sadd.s32 $0x27000, s13;
	s7 =	sadd.s32 s7, s14  }
0x11: {  	s26 =	sshrl.u32 s15, $0x3;
	s16 =	smul.u32 $0x5, s1;
	s19 =	smax.u32 s10, $0x1  }
0x12: {  	s20 =	sshrl.u32 s6, $0x3;
	s23 =	simm.s32 $0x80;
	s12 =	sadd.s32 s4, s11  }
0x13: {  	s25 =	sadd.s32 s4, s13;
	s11 =	sadd.s32 s0, s11;
	[dreg:$0x3] =	wrdreg s12  }
0x14: {  	s13 =	sadd.s32 s0, s13;
	s7 =	sshll.u32 s7, $0x4;
	[dreg:$0x5] =	wrdreg s25  }
0x15: {  	[dreg:$0x6] =	wrdreg s11;
	s14 =	sadd.s32 s4, s7;
	s11 =	sadd.s32 $0x27000, s26  }
0x16: {  	s17 =	sadd.s32 s0, s7;
	s25 =	simm.s32 $0x13940;
	s26 =	simm.s32 $0x198C0  }
0x17: {  	s15 =	sadd.s32 s4, s11;
	s18 =	sadd.s32 s0, s11;
	s0 =	simm.s32 $0x0  }
.LBB2_1:
0x18: {  	s1 =	rddreg [dreg:$0x3]  }
0x19: {  	[spmem:s20], [sflag:s9] =	dma.local [hbm:s1], $0x2700  }
0x1a: {  	_ =	swait.ge [sflag:s21], $0x2700  }
0x1b: {  	[sflag:s21] =	ssyncset.done $0x0;
	s1 =	rddreg [dreg:$0x4]  }
0x1c: {  	s7 =	rddreg [dreg:$0x5];
	[sflag:s21] =	ssyncadd.s32 $0xFFFFD900;
	s1 =	sshrl.u32 @!p0 s1, $0x3  }
0x1d: {  	[spmem:s1], [sflag:s9] =	dma.local @!p0 [hbm:s7], $0x100  }
0x1e: {  	s7 =	simm.s32 @!p0 $0x3  }
0x1f: {  	_ =	swait.ge @!p0 [sflag:s7], $0x100  }
0x20: {  	[sflag:s7] =	ssyncset.done @!p0 $0x0  }
0x21: {  	[sflag:s7] =	ssyncadd.s32 @!p0 $0xFFFFFF00  }
0x22: {  	s7 =	simm.s32 $0x0;
	[bflag:$0x0] =	sbarrier.arrive $0xFFFF  }
.LBB2_2:
0x23: {  	s10 =	sadd.s32 s8, s7  }
0x24: {  	s10 =	sshll.u32 s10, $0xA  }
0x25: {  	s10 =	sadd.s32 s5, s10  }
0x26: {  	[tilespmem:s22], [sflag:$0x3] =	stream.linear.gather [hbm4b:s10+s3], $0x2000, $0x38;
	[tilespmem:$0x1D8C0] =	vst v63  }
0x27: {  	_ =	swait.ge [sflag:s21], $0x2000  }
0x28: {  	[sflag:s21] =	ssyncset.done $0x0  }
0x29: {  	[sflag:s21] =	ssyncadd.s32 $0xFFFFE000  }
0x2a: {  	[tilespmem:s24], [sflag:$0x1] =	stream.indirect.gather [hbm4b:s4+s23], $0x80, s22, s23, $0xb8;
	[tilespmem:$0x1D8C0] =	vst v63  }
0x2b: {  	_ = 	snop  }
0x2c: {  	[tilespmem:s26], [sflag:$0x2] =	stream.indirect.gather [hbm4b:s4+s23], $0x80, s25, s23, $0xb8;
	[tilespmem:$0x1D8C0] =	vst v63  }
0x2d: {  	_ =	swait.ge [sflag:s28], $0x4000  }
0x2e: {  	[sflag:s28] =	ssyncset.done $0x0  }
0x2f: {  	s12 =	simm.s32 $0x148C0;
	[sflag:s28] =	ssyncadd.s32 $0xFFFFC000  }
0x30: {  	[spmem:s2] =	stream.indirect.scatter.add.f32 [tilespmem:s24], [sflag:$0x3], $0x80, s12, s23, $0xb8;
	[tilespmem:$0x1D8C0] =	vst v63  }
0x31: {  	_ =	swait.ge [sflag:s21], $0x4000  }
0x32: {  	[sflag:s21] =	ssyncset.done $0x0  }
0x33: {  	s11 =	simm.s32 $0x139C0;
	[sflag:s21] =	ssyncadd.s32 $0xFFFFC000  }
0x34: {  	[tilespmem:s24], [sflag:$0x1] =	stream.indirect.gather [hbm4b:s4+s23], $0x80, s11, s23, $0xb8;
	[tilespmem:$0x1D8C0] =	vst v63  }
0x35: {  	_ =	swait.ge [sflag:s29], $0x4000  }
0x36: {  	[sflag:s29] =	ssyncset.done $0x0  }
0x37: {  	s12 =	simm.s32 $0x14940;
	[sflag:s29] =	ssyncadd.s32 $0xFFFFC000  }
0x38: {  	[spmem:s2] =	stream.indirect.scatter.add.f32 [tilespmem:s26], [sflag:$0x3], $0x80, s12, s23, $0xb8;
	[tilespmem:$0x1D8C0] =	vst v63  }
0x39: {  	_ =	swait.ge [sflag:s21], $0x4000  }
0x3a: {  	[sflag:s21] =	ssyncset.done $0x0  }
0x3b: {  	s10 =	simm.s32 $0x800;
	s11 =	simm.s32 $0x13A40;
	[sflag:s21] =	ssyncadd.s32 $0xFFFFC000  }
.LBB2_3:
0x3c: {  	[tilespmem:s26], [sflag:$0x2] =	stream.indirect.gather [hbm4b:s4+s23], $0x80, s11, s23, $0xb8;
	[tilespmem:$0x1D8C0] =	vst v63  }
0x3d: {  	s11 =	smov.u32 s10  }
0x3e: {  	p1 =	sne.s32 s10, $0x3C00;
	s10 =	sadd.s32 $0x400, s10;
	_ =	swait.ge [sflag:s28], $0x4000  }
0x3f: {  	s11 =	sshra.s32 s11, $0x2;
	[sflag:s28] =	ssyncset.done $0x0  }
0x40: {  	s12 =	sadd.s32 $0x147C0, s11;
	[sflag:s28] =	ssyncadd.s32 $0xFFFFC000  }
0x41: {  	[spmem:s2] =	stream.indirect.scatter.add.f32 [tilespmem:s24], [sflag:$0x3], $0x80, s12, s23, $0xb8;
	[tilespmem:$0x1D8C0] =	vst v63  }
0x42: {  	_ =	swait.ge [sflag:s21], $0x4000  }
0x43: {  	[sflag:s21] =	ssyncset.done $0x0  }
0x44: {  	s12 =	sadd.s32 $0x138C0, s11;
	[sflag:s21] =	ssyncadd.s32 $0xFFFFC000  }
0x45: {  	[tilespmem:s24], [sflag:$0x1] =	stream.indirect.gather [hbm4b:s4+s23], $0x80, s12, s23, $0xb8;
	[tilespmem:$0x1D8C0] =	vst v63  }
0x46: {  	_ =	swait.ge [sflag:s29], $0x4000  }
0x47: {  	[sflag:s29] =	ssyncset.done $0x0  }
.Ltmp0:
0x48: {  	s12 =	sadd.s32 $0x14840, s11;
	[sflag:s29] =	ssyncadd.s32 $0xFFFFC000;
	(pc) =	sbr.rel @p1 .LBB2_3-.Ltmp0, $4  }
0x49: {  	[spmem:s2] =	stream.indirect.scatter.add.f32 [tilespmem:s26], [sflag:$0x3], $0x80, s12, s23, $0xb8;
	[tilespmem:$0x1D8C0] =	vst v63  }
0x4a: {  	_ =	swait.ge [sflag:s21], $0x4000  }
0x4b: {  	[sflag:s21] =	ssyncset.done $0x0  }
0x4c: {  	s11 =	sadd.s32 $0x13940, s11;
	[sflag:s21] =	ssyncadd.s32 $0xFFFFC000  }
0x4d: {  	[tilespmem:s26], [sflag:$0x2] =	stream.indirect.gather [hbm4b:s4+s23], $0x80, s11, s23, $0xb8;
	[tilespmem:$0x1D8C0] =	vst v63  }
0x4e: {  	_ =	swait.ge [sflag:s28], $0x4000  }
0x4f: {  	[sflag:s28] =	ssyncset.done $0x0  }
0x50: {  	[sflag:s28] =	ssyncadd.s32 $0xFFFFC000  }
0x51: {  	[spmem:s2] =	stream.indirect.scatter.add.f32 [tilespmem:s24], [sflag:$0x3], $0x80, s30, s23, $0xb8;
	[tilespmem:$0x1D8C0] =	vst v63  }
0x52: {  	_ =	swait.ge [sflag:s21], $0x4000  }
0x53: {  	[sflag:s21] =	ssyncset.done $0x0  }
0x54: {  	[sflag:s21] =	ssyncadd.s32 $0xFFFFC000  }
0x55: {  	s7 =	sadd.s32 $0x1, s7;
	_ =	swait.ge [sflag:s29], $0x4000  }
0x56: {  	p1 =	sne.s32 s7, $0x5;
	[sflag:s29] =	ssyncset.done $0x0  }
.Ltmp1:
0x57: {  	[sflag:s29] =	ssyncadd.s32 $0xFFFFC000;
	(pc) =	sbr.rel @p1 .LBB2_2-.Ltmp1, $4  }
0x58: {  	[spmem:s2] =	stream.indirect.scatter.add.f32 [tilespmem:s26], [sflag:$0x3], $0x80, s31, s23, $0xb8;
	[tilespmem:$0x1D8C0] =	vst v63  }
0x59: {  	_ =	swait.ge [sflag:s21], $0x4000  }
0x5a: {  	[sflag:s21] =	ssyncset.done $0x0  }
0x5b: {  	[sflag:s21] =	ssyncadd.s32 $0xFFFFC000  }
0x5c: {  	[bflag:$0x0] =	sbarrier.arrive $0xFFFF  }
0x5d: {  	s7 =	rddreg [dreg:$0x6]  }
0x5e: {  	[hbm:s7], [sflag:s9] =	dma.local [spmem:s20], $0x2700  }
0x5f: {  	_ =	swait.ge [sflag:s21], $0x2700  }
0x60: {  	[sflag:s21] =	ssyncset.done $0x0  }
0x61: {  	[sflag:s21] =	ssyncadd.s32 $0xFFFFD900  }
0x62: {  	s7 =	sshrl.u32 @p0 s6, $0x3;
	[bflag:$0x0] =	sbarrier.arrive @p0 $0xFFFF  }
0x63: {  	[spmem:s7], [sflag:s9] =	dma.local @p0 [hbm:s14], $0x2700  }
0x64: {  	s7 =	simm.s32 @p0 $0x3  }
0x65: {  	_ =	swait.ge @p0 [sflag:s7], $0x2700  }
0x66: {  	[sflag:s7] =	ssyncset.done @p0 $0x0  }
0x67: {  	[sflag:s7] =	ssyncadd.s32 @p0 $0xFFFFD900;
	s7 =	simm.s32 @!p0 $0x3  }
0x68: {  	[hbm:s13], [sflag:s9] =	dma.local @!p0 [spmem:s1], $0x100  }
0x69: {  	_ =	swait.ge @!p0 [sflag:s7], $0x100  }
0x6a: {  	[sflag:s7] =	ssyncset.done @!p0 $0x0  }
0x6b: {  	[sflag:s7] =	ssyncadd.s32 @!p0 $0xFFFFFF00  }
0x6c: {  	s10 =	sshrl.u32 @!p0 s6, $0x3;
	[bflag:$0x0] =	sbarrier.arrive @!p0 $0xFFFF  }
0x6d: {  	[spmem:s10], [sflag:s9] =	dma.local @!p0 [hbm:s14], $0x2700  }
0x6e: {  	_ =	swait.ge @!p0 [sflag:s7], $0x2700  }
0x6f: {  	[sflag:s7] =	ssyncset.done @!p0 $0x0  }
0x70: {  	[sflag:s7] =	ssyncadd.s32 @!p0 $0xFFFFD900  }
0x71: {  	[spmem:s1], [sflag:s9] =	dma.local @!p0 [hbm:s15], $0x100  }
0x72: {  	_ =	swait.ge @!p0 [sflag:s7], $0x100  }
0x73: {  	[sflag:s7] =	ssyncset.done @!p0 $0x0  }
0x74: {  	[sflag:s7] =	ssyncadd.s32 @!p0 $0xFFFFFF00  }
0x75: {  	s7 =	simm.s32 $0x0;
	[bflag:$0x0] =	sbarrier.arrive $0xFFFF  }
.LBB2_6:
0x76: {  	s10 =	sadd.s32 s16, s7  }
0x77: {  	s10 =	sshll.u32 s10, $0xA  }
0x78: {  	s10 =	sand.u32 $0x1FFFFC00, s10  }
0x79: {  	s10 =	sadd.s32 s5, s10  }
0x7a: {  	[tilespmem:s22], [sflag:$0x3] =	stream.linear.gather [hbm4b:s10+s3], $0x2000, $0x38;
	[tilespmem:$0x1D8C0] =	vst v63  }
0x7b: {  	_ =	swait.ge [sflag:s21], $0x2000  }
0x7c: {  	[sflag:s21] =	ssyncset.done $0x0  }
0x7d: {  	[sflag:s21] =	ssyncadd.s32 $0xFFFFE000  }
0x7e: {  	[tilespmem:s24], [sflag:$0x1] =	stream.indirect.gather [hbm4b:s4+s23], $0x80, s22, s23, $0xb8;
	[tilespmem:$0x1D8C0] =	vst v63  }
0x7f: {  	_ = 	snop  }
0x80: {  	[tilespmem:s26], [sflag:$0x2] =	stream.indirect.gather [hbm4b:s4+s23], $0x80, s25, s23, $0xb8;
	[tilespmem:$0x1D8C0] =	vst v63  }
0x81: {  	_ =	swait.ge [sflag:s28], $0x4000  }
0x82: {  	[sflag:s28] =	ssyncset.done $0x0  }
0x83: {  	s12 =	simm.s32 $0x148C0;
	[sflag:s28] =	ssyncadd.s32 $0xFFFFC000  }
0x84: {  	[spmem:s2] =	stream.indirect.scatter.add.f32 [tilespmem:s24], [sflag:$0x3], $0x80, s12, s23, $0xb8;
	[tilespmem:$0x1D8C0] =	vst v63  }
0x85: {  	_ =	swait.ge [sflag:s21], $0x4000  }
0x86: {  	[sflag:s21] =	ssyncset.done $0x0  }
0x87: {  	s11 =	simm.s32 $0x139C0;
	[sflag:s21] =	ssyncadd.s32 $0xFFFFC000  }
0x88: {  	[tilespmem:s24], [sflag:$0x1] =	stream.indirect.gather [hbm4b:s4+s23], $0x80, s11, s23, $0xb8;
	[tilespmem:$0x1D8C0] =	vst v63  }
0x89: {  	_ =	swait.ge [sflag:s29], $0x4000  }
0x8a: {  	[sflag:s29] =	ssyncset.done $0x0  }
0x8b: {  	s12 =	simm.s32 $0x14940;
	[sflag:s29] =	ssyncadd.s32 $0xFFFFC000  }
0x8c: {  	[spmem:s2] =	stream.indirect.scatter.add.f32 [tilespmem:s26], [sflag:$0x3], $0x80, s12, s23, $0xb8;
	[tilespmem:$0x1D8C0] =	vst v63  }
0x8d: {  	_ =	swait.ge [sflag:s21], $0x4000  }
0x8e: {  	[sflag:s21] =	ssyncset.done $0x0  }
0x8f: {  	s10 =	simm.s32 $0x800;
	s11 =	simm.s32 $0x13A40;
	[sflag:s21] =	ssyncadd.s32 $0xFFFFC000  }
.LBB2_7:
0x90: {  	[tilespmem:s26], [sflag:$0x2] =	stream.indirect.gather [hbm4b:s4+s23], $0x80, s11, s23, $0xb8;
	[tilespmem:$0x1D8C0] =	vst v63  }
0x91: {  	s11 =	smov.u32 s10  }
0x92: {  	p1 =	sne.s32 s10, $0x3C00;
	s10 =	sadd.s32 $0x400, s10;
	_ =	swait.ge [sflag:s28], $0x4000  }
0x93: {  	s11 =	sshra.s32 s11, $0x2;
	[sflag:s28] =	ssyncset.done $0x0  }
0x94: {  	s12 =	sadd.s32 $0x147C0, s11;
	[sflag:s28] =	ssyncadd.s32 $0xFFFFC000  }
0x95: {  	[spmem:s2] =	stream.indirect.scatter.add.f32 [tilespmem:s24], [sflag:$0x3], $0x80, s12, s23, $0xb8;
	[tilespmem:$0x1D8C0] =	vst v63  }
0x96: {  	_ =	swait.ge [sflag:s21], $0x4000  }
0x97: {  	[sflag:s21] =	ssyncset.done $0x0  }
0x98: {  	s12 =	sadd.s32 $0x138C0, s11;
	[sflag:s21] =	ssyncadd.s32 $0xFFFFC000  }
0x99: {  	[tilespmem:s24], [sflag:$0x1] =	stream.indirect.gather [hbm4b:s4+s23], $0x80, s12, s23, $0xb8;
	[tilespmem:$0x1D8C0] =	vst v63  }
0x9a: {  	_ =	swait.ge [sflag:s29], $0x4000  }
0x9b: {  	[sflag:s29] =	ssyncset.done $0x0  }
.Ltmp2:
0x9c: {  	s12 =	sadd.s32 $0x14840, s11;
	[sflag:s29] =	ssyncadd.s32 $0xFFFFC000;
	(pc) =	sbr.rel @p1 .LBB2_7-.Ltmp2, $4  }
0x9d: {  	[spmem:s2] =	stream.indirect.scatter.add.f32 [tilespmem:s26], [sflag:$0x3], $0x80, s12, s23, $0xb8;
	[tilespmem:$0x1D8C0] =	vst v63  }
0x9e: {  	_ =	swait.ge [sflag:s21], $0x4000  }
0x9f: {  	[sflag:s21] =	ssyncset.done $0x0  }
0xa0: {  	s11 =	sadd.s32 $0x13940, s11;
	[sflag:s21] =	ssyncadd.s32 $0xFFFFC000  }
0xa1: {  	[tilespmem:s26], [sflag:$0x2] =	stream.indirect.gather [hbm4b:s4+s23], $0x80, s11, s23, $0xb8;
	[tilespmem:$0x1D8C0] =	vst v63  }
0xa2: {  	_ =	swait.ge [sflag:s28], $0x4000  }
0xa3: {  	[sflag:s28] =	ssyncset.done $0x0  }
0xa4: {  	[sflag:s28] =	ssyncadd.s32 $0xFFFFC000  }
0xa5: {  	[spmem:s2] =	stream.indirect.scatter.add.f32 [tilespmem:s24], [sflag:$0x3], $0x80, s30, s23, $0xb8;
	[tilespmem:$0x1D8C0] =	vst v63  }
0xa6: {  	_ =	swait.ge [sflag:s21], $0x4000  }
0xa7: {  	[sflag:s21] =	ssyncset.done $0x0  }
0xa8: {  	[sflag:s21] =	ssyncadd.s32 $0xFFFFC000  }
0xa9: {  	s7 =	sadd.s32 $0x1, s7;
	_ =	swait.ge [sflag:s29], $0x4000  }
0xaa: {  	p1 =	sne.s32 s7, $0x5;
	[sflag:s29] =	ssyncset.done $0x0  }
.Ltmp3:
0xab: {  	[sflag:s29] =	ssyncadd.s32 $0xFFFFC000;
	(pc) =	sbr.rel @p1 .LBB2_6-.Ltmp3, $4  }
0xac: {  	[spmem:s2] =	stream.indirect.scatter.add.f32 [tilespmem:s26], [sflag:$0x3], $0x80, s31, s23, $0xb8;
	[tilespmem:$0x1D8C0] =	vst v63  }
0xad: {  	_ =	swait.ge [sflag:s21], $0x4000  }
0xae: {  	[sflag:s21] =	ssyncset.done $0x0  }
0xaf: {  	[sflag:s21] =	ssyncadd.s32 $0xFFFFC000  }
0xb0: {  	[bflag:$0x0] =	sbarrier.arrive $0xFFFF  }
0xb1: {  	[hbm:s17], [sflag:s9] =	dma.local [spmem:s20], $0x2700  }
0xb2: {  	_ =	swait.ge [sflag:s21], $0x2700  }
0xb3: {  	[sflag:s21] =	ssyncset.done $0x0  }
0xb4: {  	s0 =	sadd.s32 $0x1, s0;
	[sflag:s21] =	ssyncadd.s32 $0xFFFFD900  }
0xb5: {  	[hbm:s18], [sflag:s9] =	dma.local @!p0 [spmem:s1], $0x100  }
0xb6: {  	p1 =	sne.s32 s0, s19;
	s1 =	simm.s32 @!p0 $0x3  }
.Ltmp4:
0xb7: {  	_ =	swait.ge @!p0 [sflag:s1], $0x100;
	(pc) =	sbr.rel @p1 .LBB2_1-.Ltmp4, $3  }
0xb8: {  	[sflag:s1] =	ssyncset.done @!p0 $0x0  }
0xb9: {  	[sflag:s1] =	ssyncadd.s32 @!p0 $0xFFFFFF00  }
0xba: {  	[bflag:$0x0] =	sbarrier.arrive $0xFFFF;
	_ =	sdelay $0x1  }
0xbb: {  	_ =	sfence.sel $0x180000  }
0xbc: {  	[bflag:$0x0] =	sbarrier.arrive $0xFFFF  }
0xbd: {  	_ =	strace $0x9000004D  }
0xbe: {  	s0 =	stileid.u32;
	[bflag:$0x2] =	sbarrier.arrive $0xFFFF  }
0xbf: {  	p0 =	sne.s32 s0, $0x0;
	s0 =	rddreg [dreg:$0x2]  }
0xc0: {  	s0 =	sadd.s32 @!p0 $0x100000, s0  }
0xc1: {  	[sflag:s0] =	ssyncadd.tile.s32 @!p0 $0x1;
	_ =	shalt  }
.Lfunc_end2:
_tile_overlayer_lowered:
.L_overlay_start_2:
0xc2: {  	(tag) =	ssettag $0x2  }
0xc3: {  	s0 =	rddreg [dreg:$0x0];
	s2 =	stileid.u32  }
0xc4: {  	s1 =	rddreg [dreg:$0x1];
	p0 =	sne.s32 s2, $0x0  }
0xc5: {  	s3 =	rddreg [dreg:$0x2];
	[bflag:$0x3] =	sbarrier.arrive $0xFFFF;
	s2 =	simm.s32 @!p0 $0x1C03  }
0xc6: {  	[timem:s3], [sflag:s2] =	dma.local @!p0 [hbm:s0], s1  }
0xc7: {  	s0 =	simm.s32 @!p0 $0x3  }
0xc8: {  	_ =	swait.ge @!p0 [sflag:s0], s1  }
0xc9: {  	s1 =	ssub.s32 @!p0 $0x0, s1;
	[sflag:s0] =	ssyncset.done @!p0 $0x0  }
0xca: {  	[sflag:s0] =	ssyncadd.s32 @!p0 s1  }
0xcb: {  	[bflag:$0x3] =	sbarrier.arrive $0xFFFF  }
0xcc: {  	_ =	shalt  }

// kernel: kernel.21.cloned.1.call-start
scs
__scs_entry_jumppad:
0x0: {  	(pc) =	sbr.rel $0x88, $3  }
0x1: {  	(tag) =	ssettag $0x0;
	lr =	simm.s32 $0x1  }
0x2: {  	[smem:$0x3F73] =	sst lr;
	_ =	strace $0xD0000000  }
0x3: {  	_ = 	snop  }
0x4: {  	_ = 	snop  }
0x5: {  	_ = 	snop  }
0x6: {  	_ = 	snop  }
0x7: {  	_ = 	snop  }
__scs_overlays_trampoline_lowered:
0x8: {  	[smem:$0x3F82] =	sst s0  }
0x9: {  	[smem:$0x3F83] =	sst s1  }
0xa: {  	[smem:$0x3F84] =	sst s2  }
0xb: {  	[smem:$0x3F85] =	sst s3  }
0xc: {  	[smem:$0x3F86] =	sst s4  }
0xd: {  	[smem:$0x3F87] =	sst s5  }
0xe: {  	[smem:$0x3F88] =	sst s6  }
0xf: {  	[smem:$0x3F89] =	sst s7  }
0x10: {  	[smem:$0x3F8A] =	sst s8  }
0x11: {  	[smem:$0x3F8B] =	sst s9;
	s0 =	simm.s32 @!p0 $0x0  }
0x12: {  	s1 =	sld [smem:$0x3F71];
	s0 =	simm.s32 @p0 $0x1  }
0x13: {  	[smem:$0x3F8C] =	sst s0;
	s0 =	simm.s32 @!p1 $0x0  }
0x14: {  	s2 =	sld [smem:$0x3F70];
	s0 =	simm.s32 @p1 $0x1  }
0x15: {  	[smem:$0x3F8D] =	sst s0;
	s0 =	simm.s32 @!p2 $0x0  }
0x16: {  	s3 =	sld [smem:$0x3FDB];
	s0 =	simm.s32 @p2 $0x1  }
0x17: {  	s4 =	simm.s32 $0x1BF5;
	[smem:$0x3F8F] =	sst s0  }
0x18: {  	s0 =	sld [smem:$0x3F72];
	_ =	swait.ge [sflag:s4], $0x0  }
0x19: {  	s7 =	sld [smem:$0x3F73]  }
0x1a: {  	s8 =	sadd.s32 $0xFFFFE003, lr  }
0x1b: {  	s9 =	sadd.s32 $0xFFFFFEF7, lr;
	s5 =	simm.s32 $0xFFFFFFFF;
	p2 =	slt.u32 s8, $0xFFFFF086  }
0x1c: {  	p1 =	slt.u32 s9, $0xF7A;
	s5 =	simm.s32 @!p2 $0x0  }
0x1d: {  	s5 =	simm.s32 @p1 $0x1;
	p0 =	seq.s32 s7, s2  }
0x1e: {  	s7 =	smul.u32 @!p0 $0xF7A, s2;
	p2 =	seq.s32 @!p0 s5, $0x0  }
0x1f: {  	s9 =	smul.u32 $0xF7A, s1;
	s8 =	simm.s32 @!p0 $0x1BF5;
	p2 =	por !p2, p0  }
0x20: {  	[sflag:s8] =	ssyncset.s32 @!p0 $0xFFFFF086;
	s6 =	sadd.s32 @!p0 s3, s7;
	s7 =	simm.s32 @!p0 $0x108  }
0x21: {  	s3 =	sadd.s32 s3, s9;
	s6 =	sadd.s32 @!p0 $0x88, s6;
	s7 =	simm.s32 @p2 $0x1082  }
0x22: {  	[simem:s7], [sflag:s8] =	dma.local @!p0 [hbm:s6], $0xF7A  }
0x23: {  	s9 =	sor.u32 $0xD0000000, s2;
	s6 =	simm.s32 $0x108;
	_ =	swait.ge @!p0 [sflag:s8], $0x0  }
0x24: {  	s3 =	sadd.s32 $0x88, s3;
	s6 =	simm.s32 @!p1 $0x1082;
	[sflag:s4] =	ssyncset.s32 $0xFFFFF086  }
0x25: {  	[simem:s6], [sflag:s4] =	dma.local [hbm:s3], $0xF7A  }
0x26: {  	[smem:$0x3F73] =	sst s1;
	(tag) =	ssettag s2;
	_ =	strace s9  }
0x27: {  	s1 =	sld [smem:$0x3F83]  }
0x28: {  	s2 =	sld [smem:$0x3F84]  }
0x29: {  	s4 =	sld [smem:$0x3F86]  }
0x2a: {  	p0 =	seq.s32 s5, $0x0;
	s5 =	sld [smem:$0x3F87]  }
0x2b: {  	s6 =	sld [smem:$0x3F88]  }
0x2c: {  	s7 =	sld [smem:$0x3F89]  }
0x2d: {  	s3 =	simm.s32 $0x108;
	s8 =	sld [smem:$0x3F8A]  }
0x2e: {  	s3 =	simm.s32 @!p0 $0x1082;
	s9 =	sld [smem:$0x3F8B]  }
0x2f: {  	lr =	sadd.s32 s0, s3;
	s0 =	sld [smem:$0x3F82]  }
0x30: {  	s3 =	sld [smem:$0x3F85]  }
0x31: {  	[smem:$0x3F8E] =	sst s10  }
0x32: {  	s10 =	sld [smem:$0x3F8C];
	_ =	sdelay $0x3  }
0x33: {  	p0 =	seq.s32 s10, $0x1;
	s10 =	sld [smem:$0x3F8E];
	_ =	sdelay $0x3  }
0x34: {  	[smem:$0x3F8E] =	sst s10  }
0x35: {  	s10 =	sld [smem:$0x3F8D];
	_ =	sdelay $0x3  }
0x36: {  	p1 =	seq.s32 s10, $0x1;
	s10 =	sld [smem:$0x3F8E];
	_ =	sdelay $0x3  }
0x37: {  	[smem:$0x3F8E] =	sst s10  }
0x38: {  	s10 =	sld [smem:$0x3F8F]  }
0x39: {  	_ = 	snop;
	(pc) =	sbr.ind lr, $3  }
0x3a: {  	_ = 	snop  }
0x3b: {  	_ = 	snop  }
0x3c: {  	p2 =	seq.s32 s10, $0x1;
	s10 =	sld [smem:$0x3F8E]  }
0x3d: {  	_ =	shalt  }
0x3e: {  	_ =	shalt  }
0x3f: {  	_ =	shalt  }
0x40: {  	_ =	shalt  }
0x41: {  	_ =	shalt  }
0x42: {  	_ =	shalt  }
0x43: {  	_ =	shalt  }
0x44: {  	_ =	shalt  }
0x45: {  	_ =	shalt  }
0x46: {  	_ =	shalt  }
0x47: {  	_ =	shalt  }
0x48: {  	_ =	shalt  }
0x49: {  	_ =	shalt  }
0x4a: {  	_ =	shalt  }
0x4b: {  	_ =	shalt  }
0x4c: {  	_ =	shalt  }
0x4d: {  	_ =	shalt  }
0x4e: {  	_ =	shalt  }
0x4f: {  	_ =	shalt  }
0x50: {  	_ =	shalt  }
0x51: {  	_ =	shalt  }
0x52: {  	_ =	shalt  }
0x53: {  	_ =	shalt  }
0x54: {  	_ =	shalt  }
0x55: {  	_ =	shalt  }
0x56: {  	_ =	shalt  }
0x57: {  	_ =	shalt  }
0x58: {  	_ =	shalt  }
0x59: {  	_ =	shalt  }
0x5a: {  	_ =	shalt  }
0x5b: {  	_ =	shalt  }
0x5c: {  	_ =	shalt  }
0x5d: {  	_ =	shalt  }
0x5e: {  	_ =	shalt  }
0x5f: {  	_ =	shalt  }
0x60: {  	_ =	shalt  }
0x61: {  	_ =	shalt  }
0x62: {  	_ =	shalt  }
0x63: {  	_ =	shalt  }
0x64: {  	_ =	shalt  }
0x65: {  	_ =	shalt  }
0x66: {  	_ =	shalt  }
0x67: {  	_ =	shalt  }
0x68: {  	_ =	shalt  }
0x69: {  	_ =	shalt  }
0x6a: {  	_ =	shalt  }
0x6b: {  	_ =	shalt  }
0x6c: {  	_ =	shalt  }
0x6d: {  	_ =	shalt  }
0x6e: {  	_ =	shalt  }
0x6f: {  	_ =	shalt  }
0x70: {  	_ =	shalt  }
0x71: {  	_ =	shalt  }
0x72: {  	_ =	shalt  }
0x73: {  	_ =	shalt  }
0x74: {  	_ =	shalt  }
0x75: {  	_ =	shalt  }
0x76: {  	_ =	shalt  }
0x77: {  	_ =	shalt  }
0x78: {  	_ =	shalt  }
0x79: {  	_ =	shalt  }
0x7a: {  	_ =	shalt  }
0x7b: {  	_ =	shalt  }
0x7c: {  	_ =	shalt  }
0x7d: {  	_ =	shalt  }
0x7e: {  	_ =	shalt  }
0x7f: {  	_ =	shalt  }
0x80: {  	_ =	shalt  }
0x81: {  	_ =	shalt  }
0x82: {  	_ =	shalt  }
0x83: {  	_ =	shalt  }
0x84: {  	_ =	shalt  }
0x85: {  	_ =	shalt  }
0x86: {  	_ =	shalt  }
0x87: {  	_ =	shalt  }
.Lfunc_end0:
.L_simem_size_0:
called_computation.3_lowered:
.L_overlay_start_0:
0x88: {  	s2 =	sld [smem:$0x3FD9]  }
0x89: {  	s3 =	sld [smem:$0x3FFE];
	_ =	sdelay $0x1  }
0x8a: {  	s1 =	srdreg.scid  }
0x8b: {  	s0 =	sand.u32 $0x1, s1  }
0x8c: {  	s16 =	sshll.u32 s0, $0xA;
	s2 =	sadd.s32 s3, s2  }
0x8d: {  	s2 =	sadd.s32 s2, s16  }
0x8e: {  	[smem:$0x3F9A] =	sst s2  }
0x8f: {  	_ = 	snop  }
0x90: {  	(tm) =	ssettm $0x1  }
0x91: {  	s17 =	sld [smem:$0x3FFB];
	_ =	sdelay $0x3  }
0x92: {  	_ =	strace s17  }
0x93: {  	s2 =	sld [smem:$0x3FFC];
	_ =	sdelay $0x3  }
0x94: {  	_ =	strace s2  }
0x95: {  	s2 =	sld [smem:$0x3FFD];
	_ =	sdelay $0x3  }
0x96: {  	_ =	strace s2  }
0x97: {  	_ =	strace $0x8FFFFFFF  }
0x98: {  	s18 =	sld [smem:$0x3FDB];
	_ =	sdelay $0x1  }
0x99: {  	s19 =	simm.s32 $_scs_section_size  }
0x9a: {  	s4 =	simm.s32 $_size__tile_overlayer_lowered;
	s5 =	simm.s32 $_tile_overlayer_lowered  }
0x9b: {  	s22 =	simm.s32 $0x1BFF;
	s21 =	sshll.u32 s5, $0x1;
	s2 =	sadd.s32 s19, s18  }
0x9c: {  	s6 =	simm.s32 $0x0;
	s20 =	sshll.u32 s4, $0x1;
	s4 =	sadd.s32 s21, s2  }
0x9d: {  	[timem:s6], [sflag:s22] =	dma.local [hbm:s4], s20  }
0x9e: {  	_ =	swait.ge [sflag:s22], s20  }
0x9f: {  	s3 =	ssub.s32 $0x0, s20;
	[sflag:s22] =	ssyncset.done $0x0  }
0xa0: {  	[sflag:s22] =	ssyncadd.s32 s3;
	_ =	sdelay $0x1  }
0xa1: {  	s23 =	simm.s32 $0x1B8B  }
0xa2: {  	_ =	swait.ge [sflag:s23], $0x1  }
0xa3: {  	[sflag:s23] =	ssyncset.done $0x0  }
0xa4: {  	s25 =	simm.s32 $0x1B8E;
	s24 =	sld [smem:$0x3FFE];
	[sflag:s23] =	ssyncadd.s32 $0xFFFFFFFF  }
0xa5: {  	s26 =	simm.s32 $execute0_lowered;
	[smem:$0x3FD2] =	sst s25  }
0xa6: {  	s4 =	sshll.u32 s26, $0x1;
	_ =	strace $0x8000004F;
	[dreg:$0x1] =	wrdreg $0xFFFFFFFF  }
0xa7: {  	s28 =	simm.s32 $_size_execute0_lowered;
	s2 =	sadd.s32 s2, s4;
	[dreg:$0x0] =	wrdreg $0x0  }
0xa8: {  	s4 =	sshll.u32 s28, $0x1;
	[dreg:$0x2] =	wrdreg s2  }
0xa9: {  	[dreg:$0x3] =	wrdreg s4  }
0xaa: {  	[dreg:$0x4] =	wrdreg $0xC0  }
0xab: {  	_ =	task [dreg:s6], $0x5FFFF  }
0xac: {  	[dreg:$0x1] =	wrdreg $0xFFFFFFFF  }
0xad: {  	[dreg:$0x0] =	wrdreg $0x60  }
0xae: {  	[dreg:$0x2] =	wrdreg s24  }
0xaf: {  	[dreg:$0x3] =	wrdreg $0x0  }
0xb0: {  	[dreg:$0x4] =	wrdreg $0x9  }
0xb1: {  	_ =	task.clear_ibuf [dreg:s6], $0x5FFFF;
	_ =	strace $0x9000004F  }
0xb2: {  	s29 =	simm.s32 $0x9;
	_ =	strace $0x80000051  }
0xb3: {  	_ =	swait.ge [sflag:s29], $0x1  }
0xb4: {  	[sflag:s29] =	ssyncadd.s32 $0xFFFFFFFF  }
0xb5: {  	_ =	strace $0x90000051  }
0xb6: {  	_ =	sfence  }
0xb7: {  	s30 =	sld [smem:$0x0];
	_ =	sdelay $0x2  }
0xb8: {  	s31 =	sshll.u32 s1, $0xD;
	s1 =	sshrl.u32 s1, $0x2  }
0xb9: {  	s3 =	sand.u32 $0x4000, s31;
	s1 =	sadd.s32 s1, s30  }
0xba: {  	s0 =	sor.u32 s3, s0;
	s1 =	sshll.u32 s1, $0x11  }
0xbb: {  	s0 =	sor.u32 s1, s0  }
0xbc: {  	s0 =	sadd.s32 $0x8F2B, s0  }
0xbd: {  	[sflag:s0] =	ssyncadd.remote.s32 $0x1  }
0xbe: {  	_ =	sfence.sel $0xFFFF  }
0xbf: {  	[dreg:$0x0] =	wrdreg $0xFFFFFFFF;
	(pc) =	sbr.abs _section_cstart, $3  }
0xc0: {  	[dreg:$0x1] =	wrdreg $0xFFFFFFFF  }
0xc1: {  	_ =	task.clear_ibuf [dreg:s6], $0x2FFFF;
	_ =	strace $0x9FFFFFFF  }
0xc2: {  	(tm) =	ssettm $0x7FFFFFFF  }
0xc3: {  	_ =	shalt  }
tec
execute0_lowered:
.L_overlay_start_1:
0x0: {  	(tag) =	ssettag $0x1  }
0x1: {  	s0 =	rddreg [dreg:$0x0]  }
0x2: {  	s2 =	rddreg [dreg:$0x1];
	s3 =	simm.s32 $0x0  }
0x3: {  	s20 =	stileid.u32;
	s1 =	srdreg.scid;
	s28 =	simm.s32 $0x1  }
0x4: {  	s29 =	simm.s32 $0x2;
	s30 =	simm.s32 $0x157C0;
	s31 =	simm.s32 $0x15840  }
0x5: {  	[smem:$0x7FF] =	sst s3;
	s7 =	smul.u32 $0x270, s20;
	s4 =	sadd.s32 $0x22D400, s0  }
0x6: {  	s1 =	sand.u32 $0x1, s1;
	s6 =	smul.u32 $0x4E000, s20;
	s5 =	sadd.s32 $0x8800, s0  }
0x7: {  	s0 =	sadd.s32 $0x2C9800, s0;
	s23 =	sshll.u32 s20, $0x6;
	s24 =	sadd.s32 $0x138000, s2  }
0x8: {  	p0 =	sne.s32 s20, $0xF;
	_ =	strace $0x80000050;
	s9 =	smul.u32 $0x4E20, s1  }
0x9: {  	s8 =	ssub.s32 $0x2, s1;
	s21 =	smul.u32 $0x271000, s1;
	s22 =	sshll.u32 s1, $0x5  }
0xa: {  	s1 =	sshllo.u32 s1, $0x1;
	[dreg:$0x4] =	wrdreg s24;
	s24 =	simm.s32 $0x158C0  }
0xb: {  	s10 =	sshrl.u32 s8, $0x1;
	s6 =	sshrl.u32 s6, $0x2;
	s14 =	smul.u32 $0x2710, s1  }
0xc: {  	s15 =	smul.u32 $0x138800, s1;
	s1 =	sshll.u32 s1, $0x4;
	s10 =	ssub.s32 s8, s10  }
0xd: {  	s6 =	sadd.s32 s6, s2;
	s19 =	sadd.s32 s7, s9;
	s9 =	sor.u32 s20, s22  }
0xe: {  	s13 =	sshrl.u32 s21, $0x3;
	s1 =	sor.u32 s20, s1;
	s21 =	simm.s32 $0x3  }
0xf: {  	s22 =	simm.s32 $0x138C0;
	s11 =	sshll.u32 s19, $0x4;
	s8 =	smul.u32 $0x5, s9  }
0x10: {  	s9 =	sor.u32 $0x1C03, s23;
	s13 =	sadd.s32 $0x27000, s13;
	s7 =	sadd.s32 s7, s14  }
0x11: {  	s26 =	sshrl.u32 s15, $0x3;
	s16 =	smul.u32 $0x5, s1;
	s19 =	smax.u32 s10, $0x1  }
0x12: {  	s20 =	sshrl.u32 s6, $0x3;
	s23 =	simm.s32 $0x80;
	s12 =	sadd.s32 s4, s11  }
0x13: {  	s25 =	sadd.s32 s4, s13;
	s11 =	sadd.s32 s0, s11;
	[dreg:$0x3] =	wrdreg s12  }
0x14: {  	s13 =	sadd.s32 s0, s13;
	s7 =	sshll.u32 s7, $0x4;
	[dreg:$0x5] =	wrdreg s25  }
0x15: {  	[dreg:$0x6] =	wrdreg s11;
	s14 =	sadd.s32 s4, s7;
	s11 =	sadd.s32 $0x27000, s26  }
0x16: {  	s17 =	sadd.s32 s0, s7;
	s25 =	simm.s32 $0x13940;
	s26 =	simm.s32 $0x198C0  }
0x17: {  	s15 =	sadd.s32 s4, s11;
	s18 =	sadd.s32 s0, s11;
	s0 =	simm.s32 $0x0  }
.LBB2_1:
0x18: {  	s1 =	rddreg [dreg:$0x3]  }
0x19: {  	[spmem:s20], [sflag:s9] =	dma.local [hbm:s1], $0x2700  }
0x1a: {  	_ =	swait.ge [sflag:s21], $0x2700  }
0x1b: {  	[sflag:s21] =	ssyncset.done $0x0;
	s1 =	rddreg [dreg:$0x4]  }
0x1c: {  	s7 =	rddreg [dreg:$0x5];
	[sflag:s21] =	ssyncadd.s32 $0xFFFFD900;
	s1 =	sshrl.u32 @!p0 s1, $0x3  }
0x1d: {  	[spmem:s1], [sflag:s9] =	dma.local @!p0 [hbm:s7], $0x100  }
0x1e: {  	s7 =	simm.s32 @!p0 $0x3  }
0x1f: {  	_ =	swait.ge @!p0 [sflag:s7], $0x100  }
0x20: {  	[sflag:s7] =	ssyncset.done @!p0 $0x0  }
0x21: {  	[sflag:s7] =	ssyncadd.s32 @!p0 $0xFFFFFF00  }
0x22: {  	s7 =	simm.s32 $0x0;
	[bflag:$0x0] =	sbarrier.arrive $0xFFFF  }
.LBB2_2:
0x23: {  	s10 =	sadd.s32 s8, s7  }
0x24: {  	s10 =	sshll.u32 s10, $0xA  }
0x25: {  	s10 =	sadd.s32 s5, s10  }
0x26: {  	[tilespmem:s22], [sflag:$0x3] =	stream.linear.gather [hbm4b:s10+s3], $0x2000, $0x38;
	[tilespmem:$0x1D8C0] =	vst v63  }
0x27: {  	_ =	swait.ge [sflag:s21], $0x2000  }
0x28: {  	[sflag:s21] =	ssyncset.done $0x0  }
0x29: {  	[sflag:s21] =	ssyncadd.s32 $0xFFFFE000  }
0x2a: {  	[tilespmem:s24], [sflag:$0x1] =	stream.indirect.gather [hbm4b:s4+s23], $0x80, s22, s23, $0xb8;
	[tilespmem:$0x1D8C0] =	vst v63  }
0x2b: {  	_ = 	snop  }
0x2c: {  	[tilespmem:s26], [sflag:$0x2] =	stream.indirect.gather [hbm4b:s4+s23], $0x80, s25, s23, $0xb8;
	[tilespmem:$0x1D8C0] =	vst v63  }
0x2d: {  	_ =	swait.ge [sflag:s28], $0x4000  }
0x2e: {  	[sflag:s28] =	ssyncset.done $0x0  }
0x2f: {  	s12 =	simm.s32 $0x148C0;
	[sflag:s28] =	ssyncadd.s32 $0xFFFFC000  }
0x30: {  	[spmem:s2] =	stream.indirect.scatter.add.f32 [tilespmem:s24], [sflag:$0x3], $0x80, s12, s23, $0xb8;
	[tilespmem:$0x1D8C0] =	vst v63  }
0x31: {  	_ =	swait.ge [sflag:s21], $0x4000  }
0x32: {  	[sflag:s21] =	ssyncset.done $0x0  }
0x33: {  	s11 =	simm.s32 $0x139C0;
	[sflag:s21] =	ssyncadd.s32 $0xFFFFC000  }
0x34: {  	[tilespmem:s24], [sflag:$0x1] =	stream.indirect.gather [hbm4b:s4+s23], $0x80, s11, s23, $0xb8;
	[tilespmem:$0x1D8C0] =	vst v63  }
0x35: {  	_ =	swait.ge [sflag:s29], $0x4000  }
0x36: {  	[sflag:s29] =	ssyncset.done $0x0  }
0x37: {  	s12 =	simm.s32 $0x14940;
	[sflag:s29] =	ssyncadd.s32 $0xFFFFC000  }
0x38: {  	[spmem:s2] =	stream.indirect.scatter.add.f32 [tilespmem:s26], [sflag:$0x3], $0x80, s12, s23, $0xb8;
	[tilespmem:$0x1D8C0] =	vst v63  }
0x39: {  	_ =	swait.ge [sflag:s21], $0x4000  }
0x3a: {  	[sflag:s21] =	ssyncset.done $0x0  }
0x3b: {  	s10 =	simm.s32 $0x800;
	s11 =	simm.s32 $0x13A40;
	[sflag:s21] =	ssyncadd.s32 $0xFFFFC000  }
.LBB2_3:
0x3c: {  	[tilespmem:s26], [sflag:$0x2] =	stream.indirect.gather [hbm4b:s4+s23], $0x80, s11, s23, $0xb8;
	[tilespmem:$0x1D8C0] =	vst v63  }
0x3d: {  	s11 =	smov.u32 s10  }
0x3e: {  	p1 =	sne.s32 s10, $0x3C00;
	s10 =	sadd.s32 $0x400, s10;
	_ =	swait.ge [sflag:s28], $0x4000  }
0x3f: {  	s11 =	sshra.s32 s11, $0x2;
	[sflag:s28] =	ssyncset.done $0x0  }
0x40: {  	s12 =	sadd.s32 $0x147C0, s11;
	[sflag:s28] =	ssyncadd.s32 $0xFFFFC000  }
0x41: {  	[spmem:s2] =	stream.indirect.scatter.add.f32 [tilespmem:s24], [sflag:$0x3], $0x80, s12, s23, $0xb8;
	[tilespmem:$0x1D8C0] =	vst v63  }
0x42: {  	_ =	swait.ge [sflag:s21], $0x4000  }
0x43: {  	[sflag:s21] =	ssyncset.done $0x0  }
0x44: {  	s12 =	sadd.s32 $0x138C0, s11;
	[sflag:s21] =	ssyncadd.s32 $0xFFFFC000  }
0x45: {  	[tilespmem:s24], [sflag:$0x1] =	stream.indirect.gather [hbm4b:s4+s23], $0x80, s12, s23, $0xb8;
	[tilespmem:$0x1D8C0] =	vst v63  }
0x46: {  	_ =	swait.ge [sflag:s29], $0x4000  }
0x47: {  	[sflag:s29] =	ssyncset.done $0x0  }
.Ltmp0:
0x48: {  	s12 =	sadd.s32 $0x14840, s11;
	[sflag:s29] =	ssyncadd.s32 $0xFFFFC000;
	(pc) =	sbr.rel @p1 .LBB2_3-.Ltmp0, $4  }
0x49: {  	[spmem:s2] =	stream.indirect.scatter.add.f32 [tilespmem:s26], [sflag:$0x3], $0x80, s12, s23, $0xb8;
	[tilespmem:$0x1D8C0] =	vst v63  }
0x4a: {  	_ =	swait.ge [sflag:s21], $0x4000  }
0x4b: {  	[sflag:s21] =	ssyncset.done $0x0  }
0x4c: {  	s11 =	sadd.s32 $0x13940, s11;
	[sflag:s21] =	ssyncadd.s32 $0xFFFFC000  }
0x4d: {  	[tilespmem:s26], [sflag:$0x2] =	stream.indirect.gather [hbm4b:s4+s23], $0x80, s11, s23, $0xb8;
	[tilespmem:$0x1D8C0] =	vst v63  }
0x4e: {  	_ =	swait.ge [sflag:s28], $0x4000  }
0x4f: {  	[sflag:s28] =	ssyncset.done $0x0  }
0x50: {  	[sflag:s28] =	ssyncadd.s32 $0xFFFFC000  }
0x51: {  	[spmem:s2] =	stream.indirect.scatter.add.f32 [tilespmem:s24], [sflag:$0x3], $0x80, s30, s23, $0xb8;
	[tilespmem:$0x1D8C0] =	vst v63  }
0x52: {  	_ =	swait.ge [sflag:s21], $0x4000  }
0x53: {  	[sflag:s21] =	ssyncset.done $0x0  }
0x54: {  	[sflag:s21] =	ssyncadd.s32 $0xFFFFC000  }
0x55: {  	s7 =	sadd.s32 $0x1, s7;
	_ =	swait.ge [sflag:s29], $0x4000  }
0x56: {  	p1 =	sne.s32 s7, $0x5;
	[sflag:s29] =	ssyncset.done $0x0  }
.Ltmp1:
0x57: {  	[sflag:s29] =	ssyncadd.s32 $0xFFFFC000;
	(pc) =	sbr.rel @p1 .LBB2_2-.Ltmp1, $4  }
0x58: {  	[spmem:s2] =	stream.indirect.scatter.add.f32 [tilespmem:s26], [sflag:$0x3], $0x80, s31, s23, $0xb8;
	[tilespmem:$0x1D8C0] =	vst v63  }
0x59: {  	_ =	swait.ge [sflag:s21], $0x4000  }
0x5a: {  	[sflag:s21] =	ssyncset.done $0x0  }
0x5b: {  	[sflag:s21] =	ssyncadd.s32 $0xFFFFC000  }
0x5c: {  	[bflag:$0x0] =	sbarrier.arrive $0xFFFF  }
0x5d: {  	s7 =	rddreg [dreg:$0x6]  }
0x5e: {  	[hbm:s7], [sflag:s9] =	dma.local [spmem:s20], $0x2700  }
0x5f: {  	_ =	swait.ge [sflag:s21], $0x2700  }
0x60: {  	[sflag:s21] =	ssyncset.done $0x0  }
0x61: {  	[sflag:s21] =	ssyncadd.s32 $0xFFFFD900  }
0x62: {  	s7 =	sshrl.u32 @p0 s6, $0x3;
	[bflag:$0x0] =	sbarrier.arrive @p0 $0xFFFF  }
0x63: {  	[spmem:s7], [sflag:s9] =	dma.local @p0 [hbm:s14], $0x2700  }
0x64: {  	s7 =	simm.s32 @p0 $0x3  }
0x65: {  	_ =	swait.ge @p0 [sflag:s7], $0x2700  }
0x66: {  	[sflag:s7] =	ssyncset.done @p0 $0x0  }
0x67: {  	[sflag:s7] =	ssyncadd.s32 @p0 $0xFFFFD900;
	s7 =	simm.s32 @!p0 $0x3  }
0x68: {  	[hbm:s13], [sflag:s9] =	dma.local @!p0 [spmem:s1], $0x100  }
0x69: {  	_ =	swait.ge @!p0 [sflag:s7], $0x100  }
0x6a: {  	[sflag:s7] =	ssyncset.done @!p0 $0x0  }
0x6b: {  	[sflag:s7] =	ssyncadd.s32 @!p0 $0xFFFFFF00  }
0x6c: {  	s10 =	sshrl.u32 @!p0 s6, $0x3;
	[bflag:$0x0] =	sbarrier.arrive @!p0 $0xFFFF  }
0x6d: {  	[spmem:s10], [sflag:s9] =	dma.local @!p0 [hbm:s14], $0x2700  }
0x6e: {  	_ =	swait.ge @!p0 [sflag:s7], $0x2700  }
0x6f: {  	[sflag:s7] =	ssyncset.done @!p0 $0x0  }
0x70: {  	[sflag:s7] =	ssyncadd.s32 @!p0 $0xFFFFD900  }
0x71: {  	[spmem:s1], [sflag:s9] =	dma.local @!p0 [hbm:s15], $0x100  }
0x72: {  	_ =	swait.ge @!p0 [sflag:s7], $0x100  }
0x73: {  	[sflag:s7] =	ssyncset.done @!p0 $0x0  }
0x74: {  	[sflag:s7] =	ssyncadd.s32 @!p0 $0xFFFFFF00  }
0x75: {  	s7 =	simm.s32 $0x0;
	[bflag:$0x0] =	sbarrier.arrive $0xFFFF  }
.LBB2_6:
0x76: {  	s10 =	sadd.s32 s16, s7  }
0x77: {  	s10 =	sshll.u32 s10, $0xA  }
0x78: {  	s10 =	sand.u32 $0x1FFFFC00, s10  }
0x79: {  	s10 =	sadd.s32 s5, s10  }
0x7a: {  	[tilespmem:s22], [sflag:$0x3] =	stream.linear.gather [hbm4b:s10+s3], $0x2000, $0x38;
	[tilespmem:$0x1D8C0] =	vst v63  }
0x7b: {  	_ =	swait.ge [sflag:s21], $0x2000  }
0x7c: {  	[sflag:s21] =	ssyncset.done $0x0  }
0x7d: {  	[sflag:s21] =	ssyncadd.s32 $0xFFFFE000  }
0x7e: {  	[tilespmem:s24], [sflag:$0x1] =	stream.indirect.gather [hbm4b:s4+s23], $0x80, s22, s23, $0xb8;
	[tilespmem:$0x1D8C0] =	vst v63  }
0x7f: {  	_ = 	snop  }
0x80: {  	[tilespmem:s26], [sflag:$0x2] =	stream.indirect.gather [hbm4b:s4+s23], $0x80, s25, s23, $0xb8;
	[tilespmem:$0x1D8C0] =	vst v63  }
0x81: {  	_ =	swait.ge [sflag:s28], $0x4000  }
0x82: {  	[sflag:s28] =	ssyncset.done $0x0  }
0x83: {  	s12 =	simm.s32 $0x148C0;
	[sflag:s28] =	ssyncadd.s32 $0xFFFFC000  }
0x84: {  	[spmem:s2] =	stream.indirect.scatter.add.f32 [tilespmem:s24], [sflag:$0x3], $0x80, s12, s23, $0xb8;
	[tilespmem:$0x1D8C0] =	vst v63  }
0x85: {  	_ =	swait.ge [sflag:s21], $0x4000  }
0x86: {  	[sflag:s21] =	ssyncset.done $0x0  }
0x87: {  	s11 =	simm.s32 $0x139C0;
	[sflag:s21] =	ssyncadd.s32 $0xFFFFC000  }
0x88: {  	[tilespmem:s24], [sflag:$0x1] =	stream.indirect.gather [hbm4b:s4+s23], $0x80, s11, s23, $0xb8;
	[tilespmem:$0x1D8C0] =	vst v63  }
0x89: {  	_ =	swait.ge [sflag:s29], $0x4000  }
0x8a: {  	[sflag:s29] =	ssyncset.done $0x0  }
0x8b: {  	s12 =	simm.s32 $0x14940;
	[sflag:s29] =	ssyncadd.s32 $0xFFFFC000  }
0x8c: {  	[spmem:s2] =	stream.indirect.scatter.add.f32 [tilespmem:s26], [sflag:$0x3], $0x80, s12, s23, $0xb8;
	[tilespmem:$0x1D8C0] =	vst v63  }
0x8d: {  	_ =	swait.ge [sflag:s21], $0x4000  }
0x8e: {  	[sflag:s21] =	ssyncset.done $0x0  }
0x8f: {  	s10 =	simm.s32 $0x800;
	s11 =	simm.s32 $0x13A40;
	[sflag:s21] =	ssyncadd.s32 $0xFFFFC000  }
.LBB2_7:
0x90: {  	[tilespmem:s26], [sflag:$0x2] =	stream.indirect.gather [hbm4b:s4+s23], $0x80, s11, s23, $0xb8;
	[tilespmem:$0x1D8C0] =	vst v63  }
0x91: {  	s11 =	smov.u32 s10  }
0x92: {  	p1 =	sne.s32 s10, $0x3C00;
	s10 =	sadd.s32 $0x400, s10;
	_ =	swait.ge [sflag:s28], $0x4000  }
0x93: {  	s11 =	sshra.s32 s11, $0x2;
	[sflag:s28] =	ssyncset.done $0x0  }
0x94: {  	s12 =	sadd.s32 $0x147C0, s11;
	[sflag:s28] =	ssyncadd.s32 $0xFFFFC000  }
0x95: {  	[spmem:s2] =	stream.indirect.scatter.add.f32 [tilespmem:s24], [sflag:$0x3], $0x80, s12, s23, $0xb8;
	[tilespmem:$0x1D8C0] =	vst v63  }
0x96: {  	_ =	swait.ge [sflag:s21], $0x4000  }
0x97: {  	[sflag:s21] =	ssyncset.done $0x0  }
0x98: {  	s12 =	sadd.s32 $0x138C0, s11;
	[sflag:s21] =	ssyncadd.s32 $0xFFFFC000  }
0x99: {  	[tilespmem:s24], [sflag:$0x1] =	stream.indirect.gather [hbm4b:s4+s23], $0x80, s12, s23, $0xb8;
	[tilespmem:$0x1D8C0] =	vst v63  }
0x9a: {  	_ =	swait.ge [sflag:s29], $0x4000  }
0x9b: {  	[sflag:s29] =	ssyncset.done $0x0  }
.Ltmp2:
0x9c: {  	s12 =	sadd.s32 $0x14840, s11;
	[sflag:s29] =	ssyncadd.s32 $0xFFFFC000;
	(pc) =	sbr.rel @p1 .LBB2_7-.Ltmp2, $4  }
0x9d: {  	[spmem:s2] =	stream.indirect.scatter.add.f32 [tilespmem:s26], [sflag:$0x3], $0x80, s12, s23, $0xb8;
	[tilespmem:$0x1D8C0] =	vst v63  }
0x9e: {  	_ =	swait.ge [sflag:s21], $0x4000  }
0x9f: {  	[sflag:s21] =	ssyncset.done $0x0  }
0xa0: {  	s11 =	sadd.s32 $0x13940, s11;
	[sflag:s21] =	ssyncadd.s32 $0xFFFFC000  }
0xa1: {  	[tilespmem:s26], [sflag:$0x2] =	stream.indirect.gather [hbm4b:s4+s23], $0x80, s11, s23, $0xb8;
	[tilespmem:$0x1D8C0] =	vst v63  }
0xa2: {  	_ =	swait.ge [sflag:s28], $0x4000  }
0xa3: {  	[sflag:s28] =	ssyncset.done $0x0  }
0xa4: {  	[sflag:s28] =	ssyncadd.s32 $0xFFFFC000  }
0xa5: {  	[spmem:s2] =	stream.indirect.scatter.add.f32 [tilespmem:s24], [sflag:$0x3], $0x80, s30, s23, $0xb8;
	[tilespmem:$0x1D8C0] =	vst v63  }
0xa6: {  	_ =	swait.ge [sflag:s21], $0x4000  }
0xa7: {  	[sflag:s21] =	ssyncset.done $0x0  }
0xa8: {  	[sflag:s21] =	ssyncadd.s32 $0xFFFFC000  }
0xa9: {  	s7 =	sadd.s32 $0x1, s7;
	_ =	swait.ge [sflag:s29], $0x4000  }
0xaa: {  	p1 =	sne.s32 s7, $0x5;
	[sflag:s29] =	ssyncset.done $0x0  }
.Ltmp3:
0xab: {  	[sflag:s29] =	ssyncadd.s32 $0xFFFFC000;
	(pc) =	sbr.rel @p1 .LBB2_6-.Ltmp3, $4  }
0xac: {  	[spmem:s2] =	stream.indirect.scatter.add.f32 [tilespmem:s26], [sflag:$0x3], $0x80, s31, s23, $0xb8;
	[tilespmem:$0x1D8C0] =	vst v63  }
0xad: {  	_ =	swait.ge [sflag:s21], $0x4000  }
0xae: {  	[sflag:s21] =	ssyncset.done $0x0  }
0xaf: {  	[sflag:s21] =	ssyncadd.s32 $0xFFFFC000  }
0xb0: {  	[bflag:$0x0] =	sbarrier.arrive $0xFFFF  }
0xb1: {  	[hbm:s17], [sflag:s9] =	dma.local [spmem:s20], $0x2700  }
0xb2: {  	_ =	swait.ge [sflag:s21], $0x2700  }
0xb3: {  	[sflag:s21] =	ssyncset.done $0x0  }
0xb4: {  	s0 =	sadd.s32 $0x1, s0;
	[sflag:s21] =	ssyncadd.s32 $0xFFFFD900  }
0xb5: {  	[hbm:s18], [sflag:s9] =	dma.local @!p0 [spmem:s1], $0x100  }
0xb6: {  	p1 =	sne.s32 s0, s19;
	s1 =	simm.s32 @!p0 $0x3  }
.Ltmp4:
0xb7: {  	_ =	swait.ge @!p0 [sflag:s1], $0x100;
	(pc) =	sbr.rel @p1 .LBB2_1-.Ltmp4, $3  }
0xb8: {  	[sflag:s1] =	ssyncset.done @!p0 $0x0  }
0xb9: {  	[sflag:s1] =	ssyncadd.s32 @!p0 $0xFFFFFF00  }
0xba: {  	[bflag:$0x0] =	sbarrier.arrive $0xFFFF;
	_ =	sdelay $0x1  }
0xbb: {  	_ =	sfence.sel $0x180000  }
0xbc: {  	[bflag:$0x0] =	sbarrier.arrive $0xFFFF  }
0xbd: {  	_ =	strace $0x90000050  }
0xbe: {  	s0 =	stileid.u32;
	[bflag:$0x2] =	sbarrier.arrive $0xFFFF  }
0xbf: {  	p0 =	sne.s32 s0, $0x0;
	s0 =	rddreg [dreg:$0x2]  }
0xc0: {  	s0 =	sadd.s32 @!p0 $0x100000, s0  }
0xc1: {  	[sflag:s0] =	ssyncadd.tile.s32 @!p0 $0x1;
	_ =	shalt  }
.Lfunc_end2:
_tile_overlayer_lowered:
.L_overlay_start_2:
0xc2: {  	(tag) =	ssettag $0x2  }
0xc3: {  	s0 =	rddreg [dreg:$0x0];
	s2 =	stileid.u32  }
0xc4: {  	s1 =	rddreg [dreg:$0x1];
	p0 =	sne.s32 s2, $0x0  }
0xc5: {  	s3 =	rddreg [dreg:$0x2];
	[bflag:$0x3] =	sbarrier.arrive $0xFFFF;
	s2 =	simm.s32 @!p0 $0x1C03  }
0xc6: {  	[timem:s3], [sflag:s2] =	dma.local @!p0 [hbm:s0], s1  }
0xc7: {  	s0 =	simm.s32 @!p0 $0x3  }
0xc8: {  	_ =	swait.ge @!p0 [sflag:s0], s1  }
0xc9: {  	s1 =	ssub.s32 @!p0 $0x0, s1;
	[sflag:s0] =	ssyncset.done @!p0 $0x0  }
0xca: {  	[sflag:s0] =	ssyncadd.s32 @!p0 s1  }
0xcb: {  	[bflag:$0x3] =	sbarrier.arrive $0xFFFF  }
0xcc: {  	_ =	shalt  }

</sc_bundles>
